<compile_context>
chip_gen: v7x
topology: tpu7x:2x2x1
jax: 0.10.2.dev20260603
libtpu: 0.0.44.dev20260713+nightly
codegen_flags: <defaults>
</compile_context>

<pallas_src>
import functools

import jax
import jax.numpy as jnp
from jax import lax
from jax.experimental import pallas as pl
from jax.experimental.pallas import tpu as pltpu
from jax.experimental.pallas import tpu_sc as plsc

N = 10000
E = 160000
ER = E // 128
NC, NS = 2, 16
BM = 1000
F32 = jnp.float32


def _sc_mesh():
    return plsc.VectorSubcoreMesh(core_axis_name="c", subcore_axis_name="s")


@functools.partial(
    pl.kernel,
    out_type=[jax.ShapeDtypeStruct((N,), F32),
              jax.ShapeDtypeStruct((N,), F32)],
    mesh=_sc_mesh(),
    scratch_types=[
        pltpu.VMEM_SHARED((N + 8,), F32),
        pltpu.VMEM((1024,), F32),
        pltpu.VMEM((128,), F32),
        pltpu.VMEM((40, 128), jnp.int32),
        pltpu.VMEM((640,), F32),
    ],
)
def _deg(e2d_hbm, deg0_hbm, deg1_hbm, deg_sp, zbuf, ones, idxb, dbuf):
    c = lax.axis_index("c")
    s = lax.axis_index("s")
    zv = jnp.zeros((16,), F32)
    for off in range(0, 1024, 16):
        zbuf[pl.ds(off, 16)] = zv
    ov = jnp.ones((16,), F32)
    for off in range(0, 128, 16):
        ones[pl.ds(off, 16)] = ov

    @pl.when(s < 10)
    def _():
        pltpu.sync_copy(zbuf.at[pl.ds(0, 1000)],
                        deg_sp.at[pl.ds(s * 1000, 1000)])

    plsc.subcore_barrier()

    t = 16 * c + s
    pltpu.sync_copy(e2d_hbm.at[1, pl.ds(40 * t, 40)], idxb)

    def eb(j, carry):
        pltpu.sync_copy(ones, deg_sp.at[idxb.at[j]], add=True)
        return carry

    lax.fori_loop(0, jnp.where(t == 31, 10, 40), eb, 0)

    plsc.subcore_barrier()

    def writeout(dst):
        @pl.when(s < 15)
        def _():
            pltpu.sync_copy(deg_sp.at[pl.ds(s * 640, 640)], dbuf)
            pltpu.sync_copy(dbuf, dst.at[pl.ds(s * 640, 640)])

        @pl.when(s == 15)
        def _():
            pltpu.sync_copy(deg_sp.at[pl.ds(9600, 400)],
                            dbuf.at[pl.ds(0, 400)])
            pltpu.sync_copy(dbuf.at[pl.ds(0, 400)],
                            dst.at[pl.ds(9600, 400)])

    @pl.when(c == 0)
    def _():
        writeout(deg0_hbm)

    @pl.when(c == 1)
    def _():
        writeout(deg1_hbm)


def _make_agg(C):
    C2 = C // NC

    def body(e2d_hbm, g_hbm, s_hbm, acc, ridx, cidx, bufa, bufb, obuf,
             zbuf, sema, semb):
        c = lax.axis_index("c")
        s = lax.axis_index("s")

        zv = jnp.zeros((16,), F32)

        def zrow(r, carry):
            for off in range(0, 128, 16):
                zbuf[r, pl.ds(off, 16)] = zv
            return carry

        lax.fori_loop(0, 16, zrow, 0)

        nslabs = jnp.where(s == 0, 40, 39)
        nbase = 16 * (39 * s + jnp.minimum(s, 1))


        def chunk_pass(qi, carry):
            q = c * C2 + qi
            g = g_hbm.at[q]
            so = s_hbm.at[q]

            def zi(i, cy):
                pltpu.sync_copy(zbuf, acc.at[pl.ds(nbase + 16 * i, 16)])
                return cy

            lax.fori_loop(0, nslabs, zi, 0)

            plsc.subcore_barrier()

            def half(h, cy):
                base = s * 80 + 40 * h
                pltpu.sync_copy(e2d_hbm.at[0, pl.ds(base, 40)], ridx)
                pltpu.sync_copy(e2d_hbm.at[1, pl.ds(base, 40)], cidx)
                nh = jnp.where(s == 15, jnp.where(h == 0, 40, 10), 40)

                def eb2(p, cy2):
                    j = 2 * p
                    ha = pltpu.async_copy(g.at[ridx.at[j]], bufa, sema)
                    hb = pltpu.async_copy(g.at[ridx.at[j + 1]], bufb, semb)
                    ha.wait()
                    pltpu.sync_copy(bufa, acc.at[cidx.at[j]], add=True)
                    hb.wait()
                    pltpu.sync_copy(bufb, acc.at[cidx.at[j + 1]], add=True)
                    return cy2

                lax.fori_loop(0, nh // 2, eb2, 0)
                return cy

            lax.fori_loop(0, 2, half, 0)

            plsc.subcore_barrier()

            def wi(i, cy):
                base = nbase + 16 * i
                pltpu.sync_copy(acc.at[pl.ds(base, 16)], obuf)
                pltpu.sync_copy(obuf, so.at[pl.ds(base, 16)])
                return cy

            lax.fori_loop(0, nslabs, wi, 0)

            plsc.subcore_barrier()
            return carry

        lax.fori_loop(0, C2, chunk_pass, 0)

    return pl.kernel(
        body,
        out_type=jax.ShapeDtypeStruct((C, N, 128), F32),
        mesh=_sc_mesh(),
        scratch_types=[
            pltpu.VMEM_SHARED((N + 8, 128), F32),
            pltpu.VMEM((40, 128), jnp.int32),
            pltpu.VMEM((40, 128), jnp.int32),
            pltpu.VMEM((128, 128), F32),
            pltpu.VMEM((128, 128), F32),
            pltpu.VMEM((16, 128), F32),
            pltpu.VMEM((16, 128), F32),
            pltpu.SemaphoreType.DMA,
            pltpu.SemaphoreType.DMA,
        ],
    )


_agg4 = _make_agg(4)
_agg2 = _make_agg(2)


def _tc_prep(degT, x, W1):
    def body(deg_ref, x_ref, w_ref, dinv_ref, g_ref):
        d = deg_ref[...]
        dinv = lax.rsqrt(d[:, 0:1] + d[:, 1:2] + 1.0)
        g = jnp.dot(x_ref[...], w_ref[...], preferred_element_type=F32) * dinv
        dinv_ref[...] = dinv
        for q in range(4):
            g_ref[q] = g[:, q * 128:(q + 1) * 128]

    outs = pl.pallas_call(
        body,
        grid=(N // BM,),
        in_specs=[
            pl.BlockSpec((BM, 2), lambda m: (m, 0)),
            pl.BlockSpec((BM, 256), lambda m: (m, 0)),
            pl.BlockSpec((256, 512), lambda m: (0, 0)),
        ],
        out_specs=[
            pl.BlockSpec((BM, 1), lambda m: (m, 0)),
            pl.BlockSpec((4, BM, 128), lambda m: (0, m, 0)),
        ],
        out_shape=[
            jax.ShapeDtypeStruct((N, 1), F32),
            jax.ShapeDtypeStruct((4, N, 128), F32),
        ],
    )(degT, x, W1)
    return outs[0], outs[1]


def _tc_mid(s_in, g_in, dinv, b2d, W, c_out):
    c_in = s_in.shape[0]

    def body(s_ref, gin_ref, dinv_ref, b_ref, w_ref, g_ref):
        dinv = dinv_ref[...]
        hs = [jax.nn.relu((s_ref[q] + gin_ref[q]) * dinv + b_ref[q])
              for q in range(c_in)]
        h = jnp.concatenate(hs, axis=1)
        g = jnp.dot(h, w_ref[...], preferred_element_type=F32) * dinv
        for q in range(c_out):
            g_ref[q] = g[:, q * 128:(q + 1) * 128]

    return pl.pallas_call(
        body,
        grid=(N // BM,),
        in_specs=[
            pl.BlockSpec((c_in, BM, 128), lambda m: (0, m, 0)),
            pl.BlockSpec((c_in, BM, 128), lambda m: (0, m, 0)),
            pl.BlockSpec((BM, 1), lambda m: (m, 0)),
            pl.BlockSpec((c_in, 128), lambda m: (0, 0)),
            pl.BlockSpec((128 * c_in, 128 * c_out), lambda m: (0, 0)),
        ],
        out_specs=pl.BlockSpec((c_out, BM, 128), lambda m: (0, m, 0)),
        out_shape=jax.ShapeDtypeStruct((c_out, N, 128), F32),
    )(s_in, g_in, dinv, b2d, W)


def _tc_final(s_in, g_in, dinv, b2d):
    def body(s_ref, gin_ref, dinv_ref, b_ref, out_ref):
        dinv = dinv_ref[...]
        out_ref[...] = jnp.concatenate(
            [(s_ref[q] + gin_ref[q]) * dinv + b_ref[q] for q in range(2)],
            axis=1)

    return pl.pallas_call(
        body,
        grid=(N // BM,),
        in_specs=[
            pl.BlockSpec((2, BM, 128), lambda m: (0, m, 0)),
            pl.BlockSpec((2, BM, 128), lambda m: (0, m, 0)),
            pl.BlockSpec((BM, 1), lambda m: (m, 0)),
            pl.BlockSpec((2, 128), lambda m: (0, 0)),
        ],
        out_specs=pl.BlockSpec((BM, 256), lambda m: (m, 0)),
        out_shape=jax.ShapeDtypeStruct((N, 256), F32),
    )(s_in, g_in, dinv, b2d)


def kernel(x, edge_index, W1, b1, W2, b2, W3, b3, W4, b4):
    ei = edge_index.astype(jnp.int32).reshape(2, ER, 128)
    pad = jnp.stack([jnp.zeros((30, 128), jnp.int32),
                     jnp.full((30, 128), N, jnp.int32)])
    e2d = jnp.concatenate([ei, pad], axis=1)
    deg0, deg1 = _deg(e2d)
    degT = jnp.stack([deg0, deg1], axis=1)
    dinv, g1 = _tc_prep(degT, x, W1)
    s1 = _agg4(e2d, g1)
    g2 = _tc_mid(s1, g1, dinv, b1.reshape(4, 128), W2, 4)
    s2 = _agg4(e2d, g2)
    g3 = _tc_mid(s2, g2, dinv, b2.reshape(4, 128), W3, 4)
    s3 = _agg4(e2d, g3)
    g4 = _tc_mid(s3, g3, dinv, b3.reshape(4, 128), W4, 2)
    s4 = _agg2(e2d, g4)
    return _tc_final(s4, g4, dinv, b4.reshape(2, 128))

# --- scband reference (transcript-rebuilt; emitter-appended) ---
"""Pipeline reference for scband-gcn-429496730136 (READ-ONLY COPY).

The authoritative reference and input builder live on the scoring server;
editing this copy changes nothing except your own understanding.
"""

import jax, jax.numpy as jnp
import numpy as np

N = 10000
E = 160000
D_IN = 256
D_H = 512
D_OUT = 256


def gcn_conv(x, edge_index, W, b):
    num_nodes = x.shape[0]
    x = x @ W
    loop = jnp.arange(num_nodes, dtype=edge_index.dtype)
    row = jnp.concatenate([edge_index[0], loop])
    col = jnp.concatenate([edge_index[1], loop])
    # symmetric normalization with self-loops (PyG GCNConv default)
    deg = jnp.zeros((num_nodes,), dtype=x.dtype).at[col].add(1.0)
    deg_inv_sqrt = deg ** -0.5
    deg_inv_sqrt = jnp.where(jnp.isinf(deg_inv_sqrt), 0.0, deg_inv_sqrt)
    norm = deg_inv_sqrt[row] * deg_inv_sqrt[col]
    msg = x[row] * norm[:, None]
    out = jnp.zeros_like(x).at[col].add(msg)
    return out + b


def setup_inputs(seed: int = 0) -> dict:
    key = jax.random.key(seed)
    ks = jax.random.split(key, 12)
    x = jax.random.normal(ks[0], (N, D_IN), dtype=jnp.float32)
    edge_index = jax.random.randint(ks[1], (2, E), 0, N)
    s = 0.05
    W1 = jax.random.normal(ks[2], (D_IN, D_H), dtype=jnp.float32) * s
    b1 = jnp.zeros((D_H,), dtype=jnp.float32)
    W2 = jax.random.normal(ks[3], (D_H, D_H), dtype=jnp.float32) * s
    b2 = jnp.zeros((D_H,), dtype=jnp.float32)
    W3 = jax.random.normal(ks[4], (D_H, D_H), dtype=jnp.float32) * s
    b3 = jnp.zeros((D_H,), dtype=jnp.float32)
    W4 = jax.random.normal(ks[5], (D_H, D_OUT), dtype=jnp.float32) * s
    b4 = jnp.zeros((D_OUT,), dtype=jnp.float32)
    return {"x": x, "edge_index": edge_index, "W1": W1, "b1": b1, "W2": W2, "b2": b2, "W3": W3, "b3": b3, "W4": W4, "b4": b4}


def reference(x, edge_index, W1, b1, W2, b2, W3, b3, W4, b4):
    h = gcn_conv(x, edge_index, W1, b1)
    h = jax.nn.relu(h)
    h = gcn_conv(h, edge_index, W2, b2)
    h = jax.nn.relu(h)
    h = gcn_conv(h, edge_index, W3, b3)
    h = jax.nn.relu(h)
    h = gcn_conv(h, edge_index, W4, b4)
    return h

if __name__ == "__main__":
    import jax
    _d = setup_inputs()
    print(jax.jit(kernel)(*tuple(_d.values())))

</pallas_src>

<mosaic_0001>
#map = affine_map<(d0, d1) -> (0, 0, 0)>
#map1 = affine_map<(d0, d1) -> (0)>
module attributes {stable_mosaic.version = 14 : i64} {
  func.func @_deg(%arg0: i32, %arg1: i32, %arg2: memref<2x1280x128xi32, #tpu.memory_space<hbm>>, %arg3: memref<10000xf32, #tpu.memory_space<hbm>>, %arg4: memref<10000xf32, #tpu.memory_space<hbm>>, %arg5: memref<10008xf32, #tpu.memory_space<vmem_shared>>, %arg6: memref<1024xf32, #tpu.memory_space<vmem>>, %arg7: memref<128xf32, #tpu.memory_space<vmem>>, %arg8: memref<40x128xi32, #tpu.memory_space<vmem>>, %arg9: memref<640xf32, #tpu.memory_space<vmem>>) attributes {dimension_semantics = [#tpu.dimension_semantics<core_parallel>, #tpu.dimension_semantics<subcore_parallel>], iteration_bounds = array<i64: 2, 16>, scalar_prefetch = 0 : i64, scratch_operands = 5 : i64, tpu.core_type = #tpu.core_type<sc_vector_subcore>, window_params = [{transform_indices = #map}, {transform_indices = #map1}, {transform_indices = #map1}]} {
    %broadcast_in_dim3A = arith.constant 0.000000e+00 : f32
    %broadcast_in_dim3A_0 = vector.broadcast %broadcast_in_dim3A : f32 to vector<16xf32>
    %swap3A = arith.constant 0 : index
    %swap3A_1 = tpu.vector_load %arg6[%swap3A] {strides = array<i32>} : memref<1024xf32, #tpu.memory_space<vmem>>, vector<16xf32>,
    %swap3A_2 = vector.shape_cast %swap3A_1 : vector<16xf32> to vector<16xf32>
    %swap3A_3 = vector.shape_cast %broadcast_in_dim3A_0 : vector<16xf32> to vector<16xf32>
    tpu.vector_store %arg6[%swap3A], %swap3A_3 {strides = array<i32>} : memref<1024xf32, #tpu.memory_space<vmem>>, vector<16xf32>,
    %swap3A_4 = arith.constant 16 : index
    %swap3A_5 = tpu.vector_load %arg6[%swap3A_4] {strides = array<i32>} : memref<1024xf32, #tpu.memory_space<vmem>>, vector<16xf32>,
    %swap3A_6 = vector.shape_cast %swap3A_5 : vector<16xf32> to vector<16xf32>
    %swap3A_7 = vector.shape_cast %broadcast_in_dim3A_0 : vector<16xf32> to vector<16xf32>
    tpu.vector_store %arg6[%swap3A_4], %swap3A_7 {strides = array<i32>} : memref<1024xf32, #tpu.memory_space<vmem>>, vector<16xf32>,
    %swap3A_8 = arith.constant 32 : index
    %swap3A_9 = tpu.vector_load %arg6[%swap3A_8] {strides = array<i32>} : memref<1024xf32, #tpu.memory_space<vmem>>, vector<16xf32>,
    %swap3A_10 = vector.shape_cast %swap3A_9 : vector<16xf32> to vector<16xf32>
    %swap3A_11 = vector.shape_cast %broadcast_in_dim3A_0 : vector<16xf32> to vector<16xf32>
    tpu.vector_store %arg6[%swap3A_8], %swap3A_11 {strides = array<i32>} : memref<1024xf32, #tpu.memory_space<vmem>>, vector<16xf32>,
    %swap3A_12 = arith.constant 48 : index
    %swap3A_13 = tpu.vector_load %arg6[%swap3A_12] {strides = array<i32>} : memref<1024xf32, #tpu.memory_space<vmem>>, vector<16xf32>,
    %swap3A_14 = vector.shape_cast %swap3A_13 : vector<16xf32> to vector<16xf32>
    %swap3A_15 = vector.shape_cast %broadcast_in_dim3A_0 : vector<16xf32> to vector<16xf32>
    tpu.vector_store %arg6[%swap3A_12], %swap3A_15 {strides = array<i32>} : memref<1024xf32, #tpu.memory_space<vmem>>, vector<16xf32>,
    %swap3A_16 = arith.constant 64 : index
    %swap3A_17 = tpu.vector_load %arg6[%swap3A_16] {strides = array<i32>} : memref<1024xf32, #tpu.memory_space<vmem>>, vector<16xf32>,
    %swap3A_18 = vector.shape_cast %swap3A_17 : vector<16xf32> to vector<16xf32>
    %swap3A_19 = vector.shape_cast %broadcast_in_dim3A_0 : vector<16xf32> to vector<16xf32>
    tpu.vector_store %arg6[%swap3A_16], %swap3A_19 {strides = array<i32>} : memref<1024xf32, #tpu.memory_space<vmem>>, vector<16xf32>,
    %swap3A_20 = arith.constant 80 : index
    %swap3A_21 = tpu.vector_load %arg6[%swap3A_20] {strides = array<i32>} : memref<1024xf32, #tpu.memory_space<vmem>>, vector<16xf32>,
    %swap3A_22 = vector.shape_cast %swap3A_21 : vector<16xf32> to vector<16xf32>
    %swap3A_23 = vector.shape_cast %broadcast_in_dim3A_0 : vector<16xf32> to vector<16xf32>
    tpu.vector_store %arg6[%swap3A_20], %swap3A_23 {strides = array<i32>} : memref<1024xf32, #tpu.memory_space<vmem>>, vector<16xf32>,
    %swap3A_24 = arith.constant 96 : index
    %swap3A_25 = tpu.vector_load %arg6[%swap3A_24] {strides = array<i32>} : memref<1024xf32, #tpu.memory_space<vmem>>, vector<16xf32>,
    %swap3A_26 = vector.shape_cast %swap3A_25 : vector<16xf32> to vector<16xf32>
    %swap3A_27 = vector.shape_cast %broadcast_in_dim3A_0 : vector<16xf32> to vector<16xf32>
    tpu.vector_store %arg6[%swap3A_24], %swap3A_27 {strides = array<i32>} : memref<1024xf32, #tpu.memory_space<vmem>>, vector<16xf32>,
    %swap3A_28 = arith.constant 112 : index
    %swap3A_29 = tpu.vector_load %arg6[%swap3A_28] {strides = array<i32>} : memref<1024xf32, #tpu.memory_space<vmem>>, vector<16xf32>,
    %swap3A_30 = vector.shape_cast %swap3A_29 : vector<16xf32> to vector<16xf32>
    %swap3A_31 = vector.shape_cast %broadcast_in_dim3A_0 : vector<16xf32> to vector<16xf32>
    tpu.vector_store %arg6[%swap3A_28], %swap3A_31 {strides = array<i32>} : memref<1024xf32, #tpu.memory_space<vmem>>, vector<16xf32>,
    %swap3A_32 = arith.constant 128 : index
    %swap3A_33 = tpu.vector_load %arg6[%swap3A_32] {strides = array<i32>} : memref<1024xf32, #tpu.memory_space<vmem>>, vector<16xf32>,
    %swap3A_34 = vector.shape_cast %swap3A_33 : vector<16xf32> to vector<16xf32>
    %swap3A_35 = vector.shape_cast %broadcast_in_dim3A_0 : vector<16xf32> to vector<16xf32>
    tpu.vector_store %arg6[%swap3A_32], %swap3A_35 {strides = array<i32>} : memref<1024xf32, #tpu.memory_space<vmem>>, vector<16xf32>,
    %swap3A_36 = arith.constant 144 : index
    %swap3A_37 = tpu.vector_load %arg6[%swap3A_36] {strides = array<i32>} : memref<1024xf32, #tpu.memory_space<vmem>>, vector<16xf32>,
    %swap3A_38 = vector.shape_cast %swap3A_37 : vector<16xf32> to vector<16xf32>
    %swap3A_39 = vector.shape_cast %broadcast_in_dim3A_0 : vector<16xf32> to vector<16xf32>
    tpu.vector_store %arg6[%swap3A_36], %swap3A_39 {strides = array<i32>} : memref<1024xf32, #tpu.memory_space<vmem>>, vector<16xf32>,
    %swap3A_40 = arith.constant 160 : index
    %swap3A_41 = tpu.vector_load %arg6[%swap3A_40] {strides = array<i32>} : memref<1024xf32, #tpu.memory_space<vmem>>, vector<16xf32>,
    %swap3A_42 = vector.shape_cast %swap3A_41 : vector<16xf32> to vector<16xf32>
    %swap3A_43 = vector.shape_cast %broadcast_in_dim3A_0 : vector<16xf32> to vector<16xf32>
    tpu.vector_store %arg6[%swap3A_40], %swap3A_43 {strides = array<i32>} : memref<1024xf32, #tpu.memory_space<vmem>>, vector<16xf32>,
    %swap3A_44 = arith.constant 176 : index
    %swap3A_45 = tpu.vector_load %arg6[%swap3A_44] {strides = array<i32>} : memref<1024xf32, #tpu.memory_space<vmem>>, vector<16xf32>,
    %swap3A_46 = vector.shape_cast %swap3A_45 : vector<16xf32> to vector<16xf32>
    %swap3A_47 = vector.shape_cast %broadcast_in_dim3A_0 : vector<16xf32> to vector<16xf32>
    tpu.vector_store %arg6[%swap3A_44], %swap3A_47 {strides = array<i32>} : memref<1024xf32, #tpu.memory_space<vmem>>, vector<16xf32>,
    %swap3A_48 = arith.constant 192 : index
    %swap3A_49 = tpu.vector_load %arg6[%swap3A_48] {strides = array<i32>} : memref<1024xf32, #tpu.memory_space<vmem>>, vector<16xf32>,
    %swap3A_50 = vector.shape_cast %swap3A_49 : vector<16xf32> to vector<16xf32>
    %swap3A_51 = vector.shape_cast %broadcast_in_dim3A_0 : vector<16xf32> to vector<16xf32>
    tpu.vector_store %arg6[%swap3A_48], %swap3A_51 {strides = array<i32>} : memref<1024xf32, #tpu.memory_space<vmem>>, vector<16xf32>,
    %swap3A_52 = arith.constant 208 : index
    %swap3A_53 = tpu.vector_load %arg6[%swap3A_52] {strides = array<i32>} : memref<1024xf32, #tpu.memory_space<vmem>>, vector<16xf32>,
    %swap3A_54 = vector.shape_cast %swap3A_53 : vector<16xf32> to vector<16xf32>
    %swap3A_55 = vector.shape_cast %broadcast_in_dim3A_0 : vector<16xf32> to vector<16xf32>
    tpu.vector_store %arg6[%swap3A_52], %swap3A_55 {strides = array<i32>} : memref<1024xf32, #tpu.memory_space<vmem>>, vector<16xf32>,
    %swap3A_56 = arith.constant 224 : index
    %swap3A_57 = tpu.vector_load %arg6[%swap3A_56] {strides = array<i32>} : memref<1024xf32, #tpu.memory_space<vmem>>, vector<16xf32>,
    %swap3A_58 = vector.shape_cast %swap3A_57 : vector<16xf32> to vector<16xf32>
    %swap3A_59 = vector.shape_cast %broadcast_in_dim3A_0 : vector<16xf32> to vector<16xf32>
    tpu.vector_store %arg6[%swap3A_56], %swap3A_59 {strides = array<i32>} : memref<1024xf32, #tpu.memory_space<vmem>>, vector<16xf32>,
    %swap3A_60 = arith.constant 240 : index
    %swap3A_61 = tpu.vector_load %arg6[%swap3A_60] {strides = array<i32>} : memref<1024xf32, #tpu.memory_space<vmem>>, vector<16xf32>,
    %swap3A_62 = vector.shape_cast %swap3A_61 : vector<16xf32> to vector<16xf32>
    %swap3A_63 = vector.shape_cast %broadcast_in_dim3A_0 : vector<16xf32> to vector<16xf32>
    tpu.vector_store %arg6[%swap3A_60], %swap3A_63 {strides = array<i32>} : memref<1024xf32, #tpu.memory_space<vmem>>, vector<16xf32>,
    %swap3A_64 = arith.constant 256 : index
    %swap3A_65 = tpu.vector_load %arg6[%swap3A_64] {strides = array<i32>} : memref<1024xf32, #tpu.memory_space<vmem>>, vector<16xf32>,
    %swap3A_66 = vector.shape_cast %swap3A_65 : vector<16xf32> to vector<16xf32>
    %swap3A_67 = vector.shape_cast %broadcast_in_dim3A_0 : vector<16xf32> to vector<16xf32>
    tpu.vector_store %arg6[%swap3A_64], %swap3A_67 {strides = array<i32>} : memref<1024xf32, #tpu.memory_space<vmem>>, vector<16xf32>,
    %swap3A_68 = arith.constant 272 : index
    %swap3A_69 = tpu.vector_load %arg6[%swap3A_68] {strides = array<i32>} : memref<1024xf32, #tpu.memory_space<vmem>>, vector<16xf32>,
    %swap3A_70 = vector.shape_cast %swap3A_69 : vector<16xf32> to vector<16xf32>
    %swap3A_71 = vector.shape_cast %broadcast_in_dim3A_0 : vector<16xf32> to vector<16xf32>
    tpu.vector_store %arg6[%swap3A_68], %swap3A_71 {strides = array<i32>} : memref<1024xf32, #tpu.memory_space<vmem>>, vector<16xf32>,
    %swap3A_72 = arith.constant 288 : index
    %swap3A_73 = tpu.vector_load %arg6[%swap3A_72] {strides = array<i32>} : memref<1024xf32, #tpu.memory_space<vmem>>, vector<16xf32>,
    %swap3A_74 = vector.shape_cast %swap3A_73 : vector<16xf32> to vector<16xf32>
    %swap3A_75 = vector.shape_cast %broadcast_in_dim3A_0 : vector<16xf32> to vector<16xf32>
    tpu.vector_store %arg6[%swap3A_72], %swap3A_75 {strides = array<i32>} : memref<1024xf32, #tpu.memory_space<vmem>>, vector<16xf32>,
    %swap3A_76 = arith.constant 304 : index
    %swap3A_77 = tpu.vector_load %arg6[%swap3A_76] {strides = array<i32>} : memref<1024xf32, #tpu.memory_space<vmem>>, vector<16xf32>,
    %swap3A_78 = vector.shape_cast %swap3A_77 : vector<16xf32> to vector<16xf32>
    %swap3A_79 = vector.shape_cast %broadcast_in_dim3A_0 : vector<16xf32> to vector<16xf32>
    tpu.vector_store %arg6[%swap3A_76], %swap3A_79 {strides = array<i32>} : memref<1024xf32, #tpu.memory_space<vmem>>, vector<16xf32>,
    %swap3A_80 = arith.constant 320 : index
    %swap3A_81 = tpu.vector_load %arg6[%swap3A_80] {strides = array<i32>} : memref<1024xf32, #tpu.memory_space<vmem>>, vector<16xf32>,
    %swap3A_82 = vector.shape_cast %swap3A_81 : vector<16xf32> to vector<16xf32>
    %swap3A_83 = vector.shape_cast %broadcast_in_dim3A_0 : vector<16xf32> to vector<16xf32>
    tpu.vector_store %arg6[%swap3A_80], %swap3A_83 {strides = array<i32>} : memref<1024xf32, #tpu.memory_space<vmem>>, vector<16xf32>,
    %swap3A_84 = arith.constant 336 : index
    %swap3A_85 = tpu.vector_load %arg6[%swap3A_84] {strides = array<i32>} : memref<1024xf32, #tpu.memory_space<vmem>>, vector<16xf32>,
    %swap3A_86 = vector.shape_cast %swap3A_85 : vector<16xf32> to vector<16xf32>
    %swap3A_87 = vector.shape_cast %broadcast_in_dim3A_0 : vector<16xf32> to vector<16xf32>
    tpu.vector_store %arg6[%swap3A_84], %swap3A_87 {strides = array<i32>} : memref<1024xf32, #tpu.memory_space<vmem>>, vector<16xf32>,
    %swap3A_88 = arith.constant 352 : index
    %swap3A_89 = tpu.vector_load %arg6[%swap3A_88] {strides = array<i32>} : memref<1024xf32, #tpu.memory_space<vmem>>, vector<16xf32>,
    %swap3A_90 = vector.shape_cast %swap3A_89 : vector<16xf32> to vector<16xf32>
    %swap3A_91 = vector.shape_cast %broadcast_in_dim3A_0 : vector<16xf32> to vector<16xf32>
    tpu.vector_store %arg6[%swap3A_88], %swap3A_91 {strides = array<i32>} : memref<1024xf32, #tpu.memory_space<vmem>>, vector<16xf32>,
    %swap3A_92 = arith.constant 368 : index
    %swap3A_93 = tpu.vector_load %arg6[%swap3A_92] {strides = array<i32>} : memref<1024xf32, #tpu.memory_space<vmem>>, vector<16xf32>,
    %swap3A_94 = vector.shape_cast %swap3A_93 : vector<16xf32> to vector<16xf32>
    %swap3A_95 = vector.shape_cast %broadcast_in_dim3A_0 : vector<16xf32> to vector<16xf32>
    tpu.vector_store %arg6[%swap3A_92], %swap3A_95 {strides = array<i32>} : memref<1024xf32, #tpu.memory_space<vmem>>, vector<16xf32>,
    %swap3A_96 = arith.constant 384 : index
    %swap3A_97 = tpu.vector_load %arg6[%swap3A_96] {strides = array<i32>} : memref<1024xf32, #tpu.memory_space<vmem>>, vector<16xf32>,
    %swap3A_98 = vector.shape_cast %swap3A_97 : vector<16xf32> to vector<16xf32>
    %swap3A_99 = vector.shape_cast %broadcast_in_dim3A_0 : vector<16xf32> to vector<16xf32>
    tpu.vector_store %arg6[%swap3A_96], %swap3A_99 {strides = array<i32>} : memref<1024xf32, #tpu.memory_space<vmem>>, vector<16xf32>,
    %swap3A_100 = arith.constant 400 : index
    %swap3A_101 = tpu.vector_load %arg6[%swap3A_100] {strides = array<i32>} : memref<1024xf32, #tpu.memory_space<vmem>>, vector<16xf32>,
    %swap3A_102 = vector.shape_cast %swap3A_101 : vector<16xf32> to vector<16xf32>
    %swap3A_103 = vector.shape_cast %broadcast_in_dim3A_0 : vector<16xf32> to vector<16xf32>
    tpu.vector_store %arg6[%swap3A_100], %swap3A_103 {strides = array<i32>} : memref<1024xf32, #tpu.memory_space<vmem>>, vector<16xf32>,
    %swap3A_104 = arith.constant 416 : index
    %swap3A_105 = tpu.vector_load %arg6[%swap3A_104] {strides = array<i32>} : memref<1024xf32, #tpu.memory_space<vmem>>, vector<16xf32>,
    %swap3A_106 = vector.shape_cast %swap3A_105 : vector<16xf32> to vector<16xf32>
    %swap3A_107 = vector.shape_cast %broadcast_in_dim3A_0 : vector<16xf32> to vector<16xf32>
    tpu.vector_store %arg6[%swap3A_104], %swap3A_107 {strides = array<i32>} : memref<1024xf32, #tpu.memory_space<vmem>>, vector<16xf32>,
    %swap3A_108 = arith.constant 432 : index
    %swap3A_109 = tpu.vector_load %arg6[%swap3A_108] {strides = array<i32>} : memref<1024xf32, #tpu.memory_space<vmem>>, vector<16xf32>,
    %swap3A_110 = vector.shape_cast %swap3A_109 : vector<16xf32> to vector<16xf32>
    %swap3A_111 = vector.shape_cast %broadcast_in_dim3A_0 : vector<16xf32> to vector<16xf32>
    tpu.vector_store %arg6[%swap3A_108], %swap3A_111 {strides = array<i32>} : memref<1024xf32, #tpu.memory_space<vmem>>, vector<16xf32>,
    %swap3A_112 = arith.constant 448 : index
    %swap3A_113 = tpu.vector_load %arg6[%swap3A_112] {strides = array<i32>} : memref<1024xf32, #tpu.memory_space<vmem>>, vector<16xf32>,
    %swap3A_114 = vector.shape_cast %swap3A_113 : vector<16xf32> to vector<16xf32>
    %swap3A_115 = vector.shape_cast %broadcast_in_dim3A_0 : vector<16xf32> to vector<16xf32>
    tpu.vector_store %arg6[%swap3A_112], %swap3A_115 {strides = array<i32>} : memref<1024xf32, #tpu.memory_space<vmem>>, vector<16xf32>,
    %swap3A_116 = arith.constant 464 : index
    %swap3A_117 = tpu.vector_load %arg6[%swap3A_116] {strides = array<i32>} : memref<1024xf32, #tpu.memory_space<vmem>>, vector<16xf32>,
    %swap3A_118 = vector.shape_cast %swap3A_117 : vector<16xf32> to vector<16xf32>
    %swap3A_119 = vector.shape_cast %broadcast_in_dim3A_0 : vector<16xf32> to vector<16xf32>
    tpu.vector_store %arg6[%swap3A_116], %swap3A_119 {strides = array<i32>} : memref<1024xf32, #tpu.memory_space<vmem>>, vector<16xf32>,
    %swap3A_120 = arith.constant 480 : index
    %swap3A_121 = tpu.vector_load %arg6[%swap3A_120] {strides = array<i32>} : memref<1024xf32, #tpu.memory_space<vmem>>, vector<16xf32>,
    %swap3A_122 = vector.shape_cast %swap3A_121 : vector<16xf32> to vector<16xf32>
    %swap3A_123 = vector.shape_cast %broadcast_in_dim3A_0 : vector<16xf32> to vector<16xf32>
    tpu.vector_store %arg6[%swap3A_120], %swap3A_123 {strides = array<i32>} : memref<1024xf32, #tpu.memory_space<vmem>>, vector<16xf32>,
    %swap3A_124 = arith.constant 496 : index
    %swap3A_125 = tpu.vector_load %arg6[%swap3A_124] {strides = array<i32>} : memref<1024xf32, #tpu.memory_space<vmem>>, vector<16xf32>,
    %swap3A_126 = vector.shape_cast %swap3A_125 : vector<16xf32> to vector<16xf32>
    %swap3A_127 = vector.shape_cast %broadcast_in_dim3A_0 : vector<16xf32> to vector<16xf32>
    tpu.vector_store %arg6[%swap3A_124], %swap3A_127 {strides = array<i32>} : memref<1024xf32, #tpu.memory_space<vmem>>, vector<16xf32>,
    %swap3A_128 = arith.constant 512 : index
    %swap3A_129 = tpu.vector_load %arg6[%swap3A_128] {strides = array<i32>} : memref<1024xf32, #tpu.memory_space<vmem>>, vector<16xf32>,
    %swap3A_130 = vector.shape_cast %swap3A_129 : vector<16xf32> to vector<16xf32>
    %swap3A_131 = vector.shape_cast %broadcast_in_dim3A_0 : vector<16xf32> to vector<16xf32>
    tpu.vector_store %arg6[%swap3A_128], %swap3A_131 {strides = array<i32>} : memref<1024xf32, #tpu.memory_space<vmem>>, vector<16xf32>,
    %swap3A_132 = arith.constant 528 : index
    %swap3A_133 = tpu.vector_load %arg6[%swap3A_132] {strides = array<i32>} : memref<1024xf32, #tpu.memory_space<vmem>>, vector<16xf32>,
    %swap3A_134 = vector.shape_cast %swap3A_133 : vector<16xf32> to vector<16xf32>
    %swap3A_135 = vector.shape_cast %broadcast_in_dim3A_0 : vector<16xf32> to vector<16xf32>
    tpu.vector_store %arg6[%swap3A_132], %swap3A_135 {strides = array<i32>} : memref<1024xf32, #tpu.memory_space<vmem>>, vector<16xf32>,
    %swap3A_136 = arith.constant 544 : index
    %swap3A_137 = tpu.vector_load %arg6[%swap3A_136] {strides = array<i32>} : memref<1024xf32, #tpu.memory_space<vmem>>, vector<16xf32>,
    %swap3A_138 = vector.shape_cast %swap3A_137 : vector<16xf32> to vector<16xf32>
    %swap3A_139 = vector.shape_cast %broadcast_in_dim3A_0 : vector<16xf32> to vector<16xf32>
    tpu.vector_store %arg6[%swap3A_136], %swap3A_139 {strides = array<i32>} : memref<1024xf32, #tpu.memory_space<vmem>>, vector<16xf32>,
    %swap3A_140 = arith.constant 560 : index
    %swap3A_141 = tpu.vector_load %arg6[%swap3A_140] {strides = array<i32>} : memref<1024xf32, #tpu.memory_space<vmem>>, vector<16xf32>,
    %swap3A_142 = vector.shape_cast %swap3A_141 : vector<16xf32> to vector<16xf32>
    %swap3A_143 = vector.shape_cast %broadcast_in_dim3A_0 : vector<16xf32> to vector<16xf32>
    tpu.vector_store %arg6[%swap3A_140], %swap3A_143 {strides = array<i32>} : memref<1024xf32, #tpu.memory_space<vmem>>, vector<16xf32>,
    %swap3A_144 = arith.constant 576 : index
    %swap3A_145 = tpu.vector_load %arg6[%swap3A_144] {strides = array<i32>} : memref<1024xf32, #tpu.memory_space<vmem>>, vector<16xf32>,
    %swap3A_146 = vector.shape_cast %swap3A_145 : vector<16xf32> to vector<16xf32>
    %swap3A_147 = vector.shape_cast %broadcast_in_dim3A_0 : vector<16xf32> to vector<16xf32>
    tpu.vector_store %arg6[%swap3A_144], %swap3A_147 {strides = array<i32>} : memref<1024xf32, #tpu.memory_space<vmem>>, vector<16xf32>,
    %swap3A_148 = arith.constant 592 : index
    %swap3A_149 = tpu.vector_load %arg6[%swap3A_148] {strides = array<i32>} : memref<1024xf32, #tpu.memory_space<vmem>>, vector<16xf32>,
    %swap3A_150 = vector.shape_cast %swap3A_149 : vector<16xf32> to vector<16xf32>
    %swap3A_151 = vector.shape_cast %broadcast_in_dim3A_0 : vector<16xf32> to vector<16xf32>
    tpu.vector_store %arg6[%swap3A_148], %swap3A_151 {strides = array<i32>} : memref<1024xf32, #tpu.memory_space<vmem>>, vector<16xf32>,
    %swap3A_152 = arith.constant 608 : index
    %swap3A_153 = tpu.vector_load %arg6[%swap3A_152] {strides = array<i32>} : memref<1024xf32, #tpu.memory_space<vmem>>, vector<16xf32>,
    %swap3A_154 = vector.shape_cast %swap3A_153 : vector<16xf32> to vector<16xf32>
    %swap3A_155 = vector.shape_cast %broadcast_in_dim3A_0 : vector<16xf32> to vector<16xf32>
    tpu.vector_store %arg6[%swap3A_152], %swap3A_155 {strides = array<i32>} : memref<1024xf32, #tpu.memory_space<vmem>>, vector<16xf32>,
    %swap3A_156 = arith.constant 624 : index
    %swap3A_157 = tpu.vector_load %arg6[%swap3A_156] {strides = array<i32>} : memref<1024xf32, #tpu.memory_space<vmem>>, vector<16xf32>,
    %swap3A_158 = vector.shape_cast %swap3A_157 : vector<16xf32> to vector<16xf32>
    %swap3A_159 = vector.shape_cast %broadcast_in_dim3A_0 : vector<16xf32> to vector<16xf32>
    tpu.vector_store %arg6[%swap3A_156], %swap3A_159 {strides = array<i32>} : memref<1024xf32, #tpu.memory_space<vmem>>, vector<16xf32>,
    %swap3A_160 = arith.constant 640 : index
    %swap3A_161 = tpu.vector_load %arg6[%swap3A_160] {strides = array<i32>} : memref<1024xf32, #tpu.memory_space<vmem>>, vector<16xf32>,
    %swap3A_162 = vector.shape_cast %swap3A_161 : vector<16xf32> to vector<16xf32>
    %swap3A_163 = vector.shape_cast %broadcast_in_dim3A_0 : vector<16xf32> to vector<16xf32>
    tpu.vector_store %arg6[%swap3A_160], %swap3A_163 {strides = array<i32>} : memref<1024xf32, #tpu.memory_space<vmem>>, vector<16xf32>,
    %swap3A_164 = arith.constant 656 : index
    %swap3A_165 = tpu.vector_load %arg6[%swap3A_164] {strides = array<i32>} : memref<1024xf32, #tpu.memory_space<vmem>>, vector<16xf32>,
    %swap3A_166 = vector.shape_cast %swap3A_165 : vector<16xf32> to vector<16xf32>
    %swap3A_167 = vector.shape_cast %broadcast_in_dim3A_0 : vector<16xf32> to vector<16xf32>
    tpu.vector_store %arg6[%swap3A_164], %swap3A_167 {strides = array<i32>} : memref<1024xf32, #tpu.memory_space<vmem>>, vector<16xf32>,
    %swap3A_168 = arith.constant 672 : index
    %swap3A_169 = tpu.vector_load %arg6[%swap3A_168] {strides = array<i32>} : memref<1024xf32, #tpu.memory_space<vmem>>, vector<16xf32>,
    %swap3A_170 = vector.shape_cast %swap3A_169 : vector<16xf32> to vector<16xf32>
    %swap3A_171 = vector.shape_cast %broadcast_in_dim3A_0 : vector<16xf32> to vector<16xf32>
    tpu.vector_store %arg6[%swap3A_168], %swap3A_171 {strides = array<i32>} : memref<1024xf32, #tpu.memory_space<vmem>>, vector<16xf32>,
    %swap3A_172 = arith.constant 688 : index
    %swap3A_173 = tpu.vector_load %arg6[%swap3A_172] {strides = array<i32>} : memref<1024xf32, #tpu.memory_space<vmem>>, vector<16xf32>,
    %swap3A_174 = vector.shape_cast %swap3A_173 : vector<16xf32> to vector<16xf32>
    %swap3A_175 = vector.shape_cast %broadcast_in_dim3A_0 : vector<16xf32> to vector<16xf32>
    tpu.vector_store %arg6[%swap3A_172], %swap3A_175 {strides = array<i32>} : memref<1024xf32, #tpu.memory_space<vmem>>, vector<16xf32>,
    %swap3A_176 = arith.constant 704 : index
    %swap3A_177 = tpu.vector_load %arg6[%swap3A_176] {strides = array<i32>} : memref<1024xf32, #tpu.memory_space<vmem>>, vector<16xf32>,
    %swap3A_178 = vector.shape_cast %swap3A_177 : vector<16xf32> to vector<16xf32>
    %swap3A_179 = vector.shape_cast %broadcast_in_dim3A_0 : vector<16xf32> to vector<16xf32>
    tpu.vector_store %arg6[%swap3A_176], %swap3A_179 {strides = array<i32>} : memref<1024xf32, #tpu.memory_space<vmem>>, vector<16xf32>,
    %swap3A_180 = arith.constant 720 : index
    %swap3A_181 = tpu.vector_load %arg6[%swap3A_180] {strides = array<i32>} : memref<1024xf32, #tpu.memory_space<vmem>>, vector<16xf32>,
    %swap3A_182 = vector.shape_cast %swap3A_181 : vector<16xf32> to vector<16xf32>
    %swap3A_183 = vector.shape_cast %broadcast_in_dim3A_0 : vector<16xf32> to vector<16xf32>
    tpu.vector_store %arg6[%swap3A_180], %swap3A_183 {strides = array<i32>} : memref<1024xf32, #tpu.memory_space<vmem>>, vector<16xf32>,
    %swap3A_184 = arith.constant 736 : index
    %swap3A_185 = tpu.vector_load %arg6[%swap3A_184] {strides = array<i32>} : memref<1024xf32, #tpu.memory_space<vmem>>, vector<16xf32>,
    %swap3A_186 = vector.shape_cast %swap3A_185 : vector<16xf32> to vector<16xf32>
    %swap3A_187 = vector.shape_cast %broadcast_in_dim3A_0 : vector<16xf32> to vector<16xf32>
    tpu.vector_store %arg6[%swap3A_184], %swap3A_187 {strides = array<i32>} : memref<1024xf32, #tpu.memory_space<vmem>>, vector<16xf32>,
    %swap3A_188 = arith.constant 752 : index
    %swap3A_189 = tpu.vector_load %arg6[%swap3A_188] {strides = array<i32>} : memref<1024xf32, #tpu.memory_space<vmem>>, vector<16xf32>,
    %swap3A_190 = vector.shape_cast %swap3A_189 : vector<16xf32> to vector<16xf32>
    %swap3A_191 = vector.shape_cast %broadcast_in_dim3A_0 : vector<16xf32> to vector<16xf32>
    tpu.vector_store %arg6[%swap3A_188], %swap3A_191 {strides = array<i32>} : memref<1024xf32, #tpu.memory_space<vmem>>, vector<16xf32>,
    %swap3A_192 = arith.constant 768 : index
    %swap3A_193 = tpu.vector_load %arg6[%swap3A_192] {strides = array<i32>} : memref<1024xf32, #tpu.memory_space<vmem>>, vector<16xf32>,
    %swap3A_194 = vector.shape_cast %swap3A_193 : vector<16xf32> to vector<16xf32>
    %swap3A_195 = vector.shape_cast %broadcast_in_dim3A_0 : vector<16xf32> to vector<16xf32>
    tpu.vector_store %arg6[%swap3A_192], %swap3A_195 {strides = array<i32>} : memref<1024xf32, #tpu.memory_space<vmem>>, vector<16xf32>,
    %swap3A_196 = arith.constant 784 : index
    %swap3A_197 = tpu.vector_load %arg6[%swap3A_196] {strides = array<i32>} : memref<1024xf32, #tpu.memory_space<vmem>>, vector<16xf32>,
    %swap3A_198 = vector.shape_cast %swap3A_197 : vector<16xf32> to vector<16xf32>
    %swap3A_199 = vector.shape_cast %broadcast_in_dim3A_0 : vector<16xf32> to vector<16xf32>
    tpu.vector_store %arg6[%swap3A_196], %swap3A_199 {strides = array<i32>} : memref<1024xf32, #tpu.memory_space<vmem>>, vector<16xf32>,
    %swap3A_200 = arith.constant 800 : index
    %swap3A_201 = tpu.vector_load %arg6[%swap3A_200] {strides = array<i32>} : memref<1024xf32, #tpu.memory_space<vmem>>, vector<16xf32>,
    %swap3A_202 = vector.shape_cast %swap3A_201 : vector<16xf32> to vector<16xf32>
    %swap3A_203 = vector.shape_cast %broadcast_in_dim3A_0 : vector<16xf32> to vector<16xf32>
    tpu.vector_store %arg6[%swap3A_200], %swap3A_203 {strides = array<i32>} : memref<1024xf32, #tpu.memory_space<vmem>>, vector<16xf32>,
    %swap3A_204 = arith.constant 816 : index
    %swap3A_205 = tpu.vector_load %arg6[%swap3A_204] {strides = array<i32>} : memref<1024xf32, #tpu.memory_space<vmem>>, vector<16xf32>,
    %swap3A_206 = vector.shape_cast %swap3A_205 : vector<16xf32> to vector<16xf32>
    %swap3A_207 = vector.shape_cast %broadcast_in_dim3A_0 : vector<16xf32> to vector<16xf32>
    tpu.vector_store %arg6[%swap3A_204], %swap3A_207 {strides = array<i32>} : memref<1024xf32, #tpu.memory_space<vmem>>, vector<16xf32>,
    %swap3A_208 = arith.constant 832 : index
    %swap3A_209 = tpu.vector_load %arg6[%swap3A_208] {strides = array<i32>} : memref<1024xf32, #tpu.memory_space<vmem>>, vector<16xf32>,
    %swap3A_210 = vector.shape_cast %swap3A_209 : vector<16xf32> to vector<16xf32>
    %swap3A_211 = vector.shape_cast %broadcast_in_dim3A_0 : vector<16xf32> to vector<16xf32>
    tpu.vector_store %arg6[%swap3A_208], %swap3A_211 {strides = array<i32>} : memref<1024xf32, #tpu.memory_space<vmem>>, vector<16xf32>,
    %swap3A_212 = arith.constant 848 : index
    %swap3A_213 = tpu.vector_load %arg6[%swap3A_212] {strides = array<i32>} : memref<1024xf32, #tpu.memory_space<vmem>>, vector<16xf32>,
    %swap3A_214 = vector.shape_cast %swap3A_213 : vector<16xf32> to vector<16xf32>
    %swap3A_215 = vector.shape_cast %broadcast_in_dim3A_0 : vector<16xf32> to vector<16xf32>
    tpu.vector_store %arg6[%swap3A_212], %swap3A_215 {strides = array<i32>} : memref<1024xf32, #tpu.memory_space<vmem>>, vector<16xf32>,
    %swap3A_216 = arith.constant 864 : index
    %swap3A_217 = tpu.vector_load %arg6[%swap3A_216] {strides = array<i32>} : memref<1024xf32, #tpu.memory_space<vmem>>, vector<16xf32>,
    %swap3A_218 = vector.shape_cast %swap3A_217 : vector<16xf32> to vector<16xf32>
    %swap3A_219 = vector.shape_cast %broadcast_in_dim3A_0 : vector<16xf32> to vector<16xf32>
    tpu.vector_store %arg6[%swap3A_216], %swap3A_219 {strides = array<i32>} : memref<1024xf32, #tpu.memory_space<vmem>>, vector<16xf32>,
    %swap3A_220 = arith.constant 880 : index
    %swap3A_221 = tpu.vector_load %arg6[%swap3A_220] {strides = array<i32>} : memref<1024xf32, #tpu.memory_space<vmem>>, vector<16xf32>,
    %swap3A_222 = vector.shape_cast %swap3A_221 : vector<16xf32> to vector<16xf32>
    %swap3A_223 = vector.shape_cast %broadcast_in_dim3A_0 : vector<16xf32> to vector<16xf32>
    tpu.vector_store %arg6[%swap3A_220], %swap3A_223 {strides = array<i32>} : memref<1024xf32, #tpu.memory_space<vmem>>, vector<16xf32>,
    %swap3A_224 = arith.constant 896 : index
    %swap3A_225 = tpu.vector_load %arg6[%swap3A_224] {strides = array<i32>} : memref<1024xf32, #tpu.memory_space<vmem>>, vector<16xf32>,
    %swap3A_226 = vector.shape_cast %swap3A_225 : vector<16xf32> to vector<16xf32>
    %swap3A_227 = vector.shape_cast %broadcast_in_dim3A_0 : vector<16xf32> to vector<16xf32>
    tpu.vector_store %arg6[%swap3A_224], %swap3A_227 {strides = array<i32>} : memref<1024xf32, #tpu.memory_space<vmem>>, vector<16xf32>,
    %swap3A_228 = arith.constant 912 : index
    %swap3A_229 = tpu.vector_load %arg6[%swap3A_228] {strides = array<i32>} : memref<1024xf32, #tpu.memory_space<vmem>>, vector<16xf32>,
    %swap3A_230 = vector.shape_cast %swap3A_229 : vector<16xf32> to vector<16xf32>
    %swap3A_231 = vector.shape_cast %broadcast_in_dim3A_0 : vector<16xf32> to vector<16xf32>
    tpu.vector_store %arg6[%swap3A_228], %swap3A_231 {strides = array<i32>} : memref<1024xf32, #tpu.memory_space<vmem>>, vector<16xf32>,
    %swap3A_232 = arith.constant 928 : index
    %swap3A_233 = tpu.vector_load %arg6[%swap3A_232] {strides = array<i32>} : memref<1024xf32, #tpu.memory_space<vmem>>, vector<16xf32>,
    %swap3A_234 = vector.shape_cast %swap3A_233 : vector<16xf32> to vector<16xf32>
    %swap3A_235 = vector.shape_cast %broadcast_in_dim3A_0 : vector<16xf32> to vector<16xf32>
    tpu.vector_store %arg6[%swap3A_232], %swap3A_235 {strides = array<i32>} : memref<1024xf32, #tpu.memory_space<vmem>>, vector<16xf32>,
    %swap3A_236 = arith.constant 944 : index
    %swap3A_237 = tpu.vector_load %arg6[%swap3A_236] {strides = array<i32>} : memref<1024xf32, #tpu.memory_space<vmem>>, vector<16xf32>,
    %swap3A_238 = vector.shape_cast %swap3A_237 : vector<16xf32> to vector<16xf32>
    %swap3A_239 = vector.shape_cast %broadcast_in_dim3A_0 : vector<16xf32> to vector<16xf32>
    tpu.vector_store %arg6[%swap3A_236], %swap3A_239 {strides = array<i32>} : memref<1024xf32, #tpu.memory_space<vmem>>, vector<16xf32>,
    %swap3A_240 = arith.constant 960 : index
    %swap3A_241 = tpu.vector_load %arg6[%swap3A_240] {strides = array<i32>} : memref<1024xf32, #tpu.memory_space<vmem>>, vector<16xf32>,
    %swap3A_242 = vector.shape_cast %swap3A_241 : vector<16xf32> to vector<16xf32>
    %swap3A_243 = vector.shape_cast %broadcast_in_dim3A_0 : vector<16xf32> to vector<16xf32>
    tpu.vector_store %arg6[%swap3A_240], %swap3A_243 {strides = array<i32>} : memref<1024xf32, #tpu.memory_space<vmem>>, vector<16xf32>,
    %swap3A_244 = arith.constant 976 : index
    %swap3A_245 = tpu.vector_load %arg6[%swap3A_244] {strides = array<i32>} : memref<1024xf32, #tpu.memory_space<vmem>>, vector<16xf32>,
    %swap3A_246 = vector.shape_cast %swap3A_245 : vector<16xf32> to vector<16xf32>
    %swap3A_247 = vector.shape_cast %broadcast_in_dim3A_0 : vector<16xf32> to vector<16xf32>
    tpu.vector_store %arg6[%swap3A_244], %swap3A_247 {strides = array<i32>} : memref<1024xf32, #tpu.memory_space<vmem>>, vector<16xf32>,
    %swap3A_248 = arith.constant 992 : index
    %swap3A_249 = tpu.vector_load %arg6[%swap3A_248] {strides = array<i32>} : memref<1024xf32, #tpu.memory_space<vmem>>, vector<16xf32>,
    %swap3A_250 = vector.shape_cast %swap3A_249 : vector<16xf32> to vector<16xf32>
    %swap3A_251 = vector.shape_cast %broadcast_in_dim3A_0 : vector<16xf32> to vector<16xf32>
    tpu.vector_store %arg6[%swap3A_248], %swap3A_251 {strides = array<i32>} : memref<1024xf32, #tpu.memory_space<vmem>>, vector<16xf32>,
    %swap3A_252 = arith.constant 1008 : index
    %swap3A_253 = tpu.vector_load %arg6[%swap3A_252] {strides = array<i32>} : memref<1024xf32, #tpu.memory_space<vmem>>, vector<16xf32>,
    %swap3A_254 = vector.shape_cast %swap3A_253 : vector<16xf32> to vector<16xf32>
    %swap3A_255 = vector.shape_cast %broadcast_in_dim3A_0 : vector<16xf32> to vector<16xf32>
    tpu.vector_store %arg6[%swap3A_252], %swap3A_255 {strides = array<i32>} : memref<1024xf32, #tpu.memory_space<vmem>>, vector<16xf32>,
    %broadcast_in_dim3A_256 = arith.constant 1.000000e+00 : f32
    %broadcast_in_dim3A_257 = vector.broadcast %broadcast_in_dim3A_256 : f32 to vector<16xf32>
    %swap3A_258 = arith.constant 0 : index
    %swap3A_259 = tpu.vector_load %arg7[%swap3A_258] {strides = array<i32>} : memref<128xf32, #tpu.memory_space<vmem>>, vector<16xf32>,
    %swap3A_260 = vector.shape_cast %swap3A_259 : vector<16xf32> to vector<16xf32>
    %swap3A_261 = vector.shape_cast %broadcast_in_dim3A_257 : vector<16xf32> to vector<16xf32>
    tpu.vector_store %arg7[%swap3A_258], %swap3A_261 {strides = array<i32>} : memref<128xf32, #tpu.memory_space<vmem>>, vector<16xf32>,
    %swap3A_262 = arith.constant 16 : index
    %swap3A_263 = tpu.vector_load %arg7[%swap3A_262] {strides = array<i32>} : memref<128xf32, #tpu.memory_space<vmem>>, vector<16xf32>,
    %swap3A_264 = vector.shape_cast %swap3A_263 : vector<16xf32> to vector<16xf32>
    %swap3A_265 = vector.shape_cast %broadcast_in_dim3A_257 : vector<16xf32> to vector<16xf32>
    tpu.vector_store %arg7[%swap3A_262], %swap3A_265 {strides = array<i32>} : memref<128xf32, #tpu.memory_space<vmem>>, vector<16xf32>,
    %swap3A_266 = arith.constant 32 : index
    %swap3A_267 = tpu.vector_load %arg7[%swap3A_266] {strides = array<i32>} : memref<128xf32, #tpu.memory_space<vmem>>, vector<16xf32>,
    %swap3A_268 = vector.shape_cast %swap3A_267 : vector<16xf32> to vector<16xf32>
    %swap3A_269 = vector.shape_cast %broadcast_in_dim3A_257 : vector<16xf32> to vector<16xf32>
    tpu.vector_store %arg7[%swap3A_266], %swap3A_269 {strides = array<i32>} : memref<128xf32, #tpu.memory_space<vmem>>, vector<16xf32>,
    %swap3A_270 = arith.constant 48 : index
    %swap3A_271 = tpu.vector_load %arg7[%swap3A_270] {strides = array<i32>} : memref<128xf32, #tpu.memory_space<vmem>>, vector<16xf32>,
    %swap3A_272 = vector.shape_cast %swap3A_271 : vector<16xf32> to vector<16xf32>
    %swap3A_273 = vector.shape_cast %broadcast_in_dim3A_257 : vector<16xf32> to vector<16xf32>
    tpu.vector_store %arg7[%swap3A_270], %swap3A_273 {strides = array<i32>} : memref<128xf32, #tpu.memory_space<vmem>>, vector<16xf32>,
    %swap3A_274 = arith.constant 64 : index
    %swap3A_275 = tpu.vector_load %arg7[%swap3A_274] {strides = array<i32>} : memref<128xf32, #tpu.memory_space<vmem>>, vector<16xf32>,
    %swap3A_276 = vector.shape_cast %swap3A_275 : vector<16xf32> to vector<16xf32>
    %swap3A_277 = vector.shape_cast %broadcast_in_dim3A_257 : vector<16xf32> to vector<16xf32>
    tpu.vector_store %arg7[%swap3A_274], %swap3A_277 {strides = array<i32>} : memref<128xf32, #tpu.memory_space<vmem>>, vector<16xf32>,
    %swap3A_278 = arith.constant 80 : index
    %swap3A_279 = tpu.vector_load %arg7[%swap3A_278] {strides = array<i32>} : memref<128xf32, #tpu.memory_space<vmem>>, vector<16xf32>,
    %swap3A_280 = vector.shape_cast %swap3A_279 : vector<16xf32> to vector<16xf32>
    %swap3A_281 = vector.shape_cast %broadcast_in_dim3A_257 : vector<16xf32> to vector<16xf32>
    tpu.vector_store %arg7[%swap3A_278], %swap3A_281 {strides = array<i32>} : memref<128xf32, #tpu.memory_space<vmem>>, vector<16xf32>,
    %swap3A_282 = arith.constant 96 : index
    %swap3A_283 = tpu.vector_load %arg7[%swap3A_282] {strides = array<i32>} : memref<128xf32, #tpu.memory_space<vmem>>, vector<16xf32>,
    %swap3A_284 = vector.shape_cast %swap3A_283 : vector<16xf32> to vector<16xf32>
    %swap3A_285 = vector.shape_cast %broadcast_in_dim3A_257 : vector<16xf32> to vector<16xf32>
    tpu.vector_store %arg7[%swap3A_282], %swap3A_285 {strides = array<i32>} : memref<128xf32, #tpu.memory_space<vmem>>, vector<16xf32>,
    %swap3A_286 = arith.constant 112 : index
    %swap3A_287 = tpu.vector_load %arg7[%swap3A_286] {strides = array<i32>} : memref<128xf32, #tpu.memory_space<vmem>>, vector<16xf32>,
    %swap3A_288 = vector.shape_cast %swap3A_287 : vector<16xf32> to vector<16xf32>
    %swap3A_289 = vector.shape_cast %broadcast_in_dim3A_257 : vector<16xf32> to vector<16xf32>
    tpu.vector_store %arg7[%swap3A_286], %swap3A_289 {strides = array<i32>} : memref<128xf32, #tpu.memory_space<vmem>>, vector<16xf32>,
    %lt3A = arith.constant 10 : i32
    %lt3A_290 = arith.cmpi slt, %arg1, %lt3A : i32
    %convert_element_type3A = arith.extui %lt3A_290 : i1 to i32
    %cond3A = arith.constant 0 : i32
    %cond3A_291 = arith.cmpi ne, %convert_element_type3A, %cond3A : i32
    scf.if %cond3A_291 {
      %mul3A_317 = arith.constant 1000 : i32
      %mul3A_318 = arith.muli %arg1, %mul3A_317 : i32
      "tpu.region"() ({
        %run_scoped3A_319 = tpu.sem_alloc : memref<!tpu.dma_semaphore, #tpu.memory_space<semaphore_mem>>
        %dma_start3A = arith.constant 0 : i32
        %dma_start3A_320 = tpu.memref_slice %arg6[%dma_start3A] : memref<1024xf32, #tpu.memory_space<vmem>> -> memref<1000xf32, #tpu.memory_space<vmem>>
        %dma_start3A_321 = tpu.memref_slice %arg5[%mul3A_318] : memref<10008xf32, #tpu.memory_space<vmem_shared>> -> memref<1000xf32, #tpu.memory_space<vmem_shared>>
        %dma_start3A_322 = tpu.memref_slice %arg5[%mul3A_318] : memref<10008xf32, #tpu.memory_space<vmem_shared>> -> memref<1000xf32, #tpu.memory_space<vmem_shared>>
        %dma_start3A_323 = arith.constant 0 : i32
        %dma_start3A_324 = tpu.memref_slice %arg6[%dma_start3A_323] : memref<1024xf32, #tpu.memory_space<vmem>> -> memref<1000xf32, #tpu.memory_space<vmem>>
        tpu.enqueue_dma source(%dma_start3A_324 : memref<1000xf32, #tpu.memory_space<vmem>>) target(%dma_start3A_322 : memref<1000xf32, #tpu.memory_space<vmem_shared>>) target_semaphore(%run_scoped3A_319 : memref<!tpu.dma_semaphore, #tpu.memory_space<semaphore_mem>>)
        %dma_wait3A = arith.constant 0 : i32
        %dma_wait3A_325 = tpu.memref_slice %arg6[%dma_wait3A] : memref<1024xf32, #tpu.memory_space<vmem>> -> memref<1000xf32, #tpu.memory_space<vmem>>
        %dma_wait3A_326 = tpu.memref_slice %arg5[%mul3A_318] : memref<10008xf32, #tpu.memory_space<vmem_shared>> -> memref<1000xf32, #tpu.memory_space<vmem_shared>>
        %dma_wait3A_327 = tpu.memref_slice %arg5[%mul3A_318] : memref<10008xf32, #tpu.memory_space<vmem_shared>> -> memref<1000xf32, #tpu.memory_space<vmem_shared>>
        %dma_wait3A_328 = arith.constant 0 : i32
        %dma_wait3A_329 = tpu.memref_slice %arg6[%dma_wait3A_328] : memref<1024xf32, #tpu.memory_space<vmem>> -> memref<1000xf32, #tpu.memory_space<vmem>>
        tpu.wait_dma2 semaphore(%run_scoped3A_319 : memref<!tpu.dma_semaphore, #tpu.memory_space<semaphore_mem>>) src(%dma_wait3A_329 : memref<1000xf32, #tpu.memory_space<vmem>>) dst(%dma_wait3A_327 : memref<1000xf32, #tpu.memory_space<vmem_shared>>)
        tpu.yield
      }) : () -> ()
    } else {
    }
    %barrier3A = arith.constant 0 : index
    tpu.barrier barrier_id(%barrier3A)
    %mul3A = arith.constant 16 : i32
    %mul3A_292 = arith.muli %mul3A, %arg0 : i32
    %add3A = arith.addi %mul3A_292, %arg1 : i32
    %mul3A_293 = arith.constant 40 : i32
    %mul3A_294 = arith.muli %mul3A_293, %add3A : i32
    %run_scoped3A = arith.constant 1 : i32
    "tpu.region"() ({
      %run_scoped3A_317 = tpu.sem_alloc : memref<!tpu.dma_semaphore, #tpu.memory_space<semaphore_mem>>
      %dma_start3A = arith.constant 0 : i32
      %dma_start3A_318 = tpu.memref_slice %arg2[%run_scoped3A, %mul3A_294, %dma_start3A] : memref<2x1280x128xi32, #tpu.memory_space<hbm>> -> memref<1x40x128xi32, #tpu.memory_space<hbm>>
      %dma_start3A_319 = tpu.memref_squeeze %dma_start3A_318 : memref<1x40x128xi32, #tpu.memory_space<hbm>> -> memref<40x128xi32, #tpu.memory_space<hbm>>
      %dma_start3A_320 = arith.constant 0 : i32
      %dma_start3A_321 = tpu.memref_slice %arg2[%run_scoped3A, %mul3A_294, %dma_start3A_320] : memref<2x1280x128xi32, #tpu.memory_space<hbm>> -> memref<1x40x128xi32, #tpu.memory_space<hbm>>
      %dma_start3A_322 = tpu.memref_squeeze %dma_start3A_321 : memref<1x40x128xi32, #tpu.memory_space<hbm>> -> memref<40x128xi32, #tpu.memory_space<hbm>>
      tpu.enqueue_dma source(%dma_start3A_322 : memref<40x128xi32, #tpu.memory_space<hbm>>) target(%arg8 : memref<40x128xi32, #tpu.memory_space<vmem>>) target_semaphore(%run_scoped3A_317 : memref<!tpu.dma_semaphore, #tpu.memory_space<semaphore_mem>>)
      %dma_wait3A = arith.constant 0 : i32
      %dma_wait3A_323 = tpu.memref_slice %arg2[%run_scoped3A, %mul3A_294, %dma_wait3A] : memref<2x1280x128xi32, #tpu.memory_space<hbm>> -> memref<1x40x128xi32, #tpu.memory_space<hbm>>
      %dma_wait3A_324 = tpu.memref_squeeze %dma_wait3A_323 : memref<1x40x128xi32, #tpu.memory_space<hbm>> -> memref<40x128xi32, #tpu.memory_space<hbm>>
      %dma_wait3A_325 = arith.constant 0 : i32
      %dma_wait3A_326 = tpu.memref_slice %arg2[%run_scoped3A, %mul3A_294, %dma_wait3A_325] : memref<2x1280x128xi32, #tpu.memory_space<hbm>> -> memref<1x40x128xi32, #tpu.memory_space<hbm>>
      %dma_wait3A_327 = tpu.memref_squeeze %dma_wait3A_326 : memref<1x40x128xi32, #tpu.memory_space<hbm>> -> memref<40x128xi32, #tpu.memory_space<hbm>>
      tpu.wait_dma2 semaphore(%run_scoped3A_317 : memref<!tpu.dma_semaphore, #tpu.memory_space<semaphore_mem>>) src(%dma_wait3A_327 : memref<40x128xi32, #tpu.memory_space<hbm>>) dst(%arg8 : memref<40x128xi32, #tpu.memory_space<vmem>>)
      tpu.yield
    }) : () -> ()
    %eq3A = arith.constant 31 : i32
    %eq3A_295 = arith.cmpi eq, %add3A, %eq3A : i32
    %jit3A = arith.constant 10 : i32
    %jit3A_296 = arith.constant 40 : i32
    %select_n3A = arith.select %eq3A_295, %jit3A, %jit3A_296 : i32
    %while3A = arith.constant 0 : i32
    %while3A_297 = arith.constant 0 : i32
    %while3A_298 = arith.subi %select_n3A, %while3A_297 : i32
    %while3A_299 = arith.addi %while3A_297, %while3A_298 : i32
    %while3A_300 = arith.constant 1 : i32
    %while3A_301 = arith.divsi %while3A_298, %while3A_300 : i32
    %while3A_302 = arith.muli %while3A_301, %while3A_300 : i32
    %while3A_303 = arith.addi %while3A_297, %while3A_302 : i32
    %while3A_304 = arith.constant 1 : i32
    scf.for %while3A_317 = %while3A_297 to %while3A_303 step %while3A_304  : i32 {
      "tpu.region"() ({
        %run_scoped3A_318 = tpu.sem_alloc : memref<!tpu.dma_semaphore, #tpu.memory_space<semaphore_mem>>
        %dma_start3A = arith.constant 0 : i32
        %dma_start3A_319 = tpu.memref_slice %arg8[%while3A_317, %dma_start3A] : memref<40x128xi32, #tpu.memory_space<vmem>> -> memref<1x128xi32, #tpu.memory_space<vmem>>
        %dma_start3A_320 = tpu.memref_squeeze %dma_start3A_319 : memref<1x128xi32, #tpu.memory_space<vmem>> -> memref<128xi32, #tpu.memory_space<vmem>>
        %dma_start3A_321 = arith.constant 0 : i32
        %dma_start3A_322 = tpu.memref_slice %arg5[%dma_start3A_321] : memref<10008xf32, #tpu.memory_space<vmem_shared>> -> memref<10008xf32, #tpu.memory_space<vmem_shared>>
        tpu.enqueue_indirect_dma source(%arg7 : memref<128xf32, #tpu.memory_space<vmem>>) target(%dma_start3A_322 : memref<10008xf32, #tpu.memory_space<vmem_shared>>) offsets(%dma_start3A_320 : memref<128xi32, #tpu.memory_space<vmem>>) semaphore(%run_scoped3A_318 : memref<!tpu.dma_semaphore, #tpu.memory_space<semaphore_mem>>) {add = true}
        %dma_wait3A = arith.constant 0 : i32
        %dma_wait3A_323 = tpu.memref_slice %arg8[%while3A_317, %dma_wait3A] : memref<40x128xi32, #tpu.memory_space<vmem>> -> memref<1x128xi32, #tpu.memory_space<vmem>>
        %dma_wait3A_324 = tpu.memref_squeeze %dma_wait3A_323 : memref<1x128xi32, #tpu.memory_space<vmem>> -> memref<128xi32, #tpu.memory_space<vmem>>
        %dma_wait3A_325 = arith.constant 0 : i32
        %dma_wait3A_326 = tpu.memref_slice %arg5[%dma_wait3A_325] : memref<10008xf32, #tpu.memory_space<vmem_shared>> -> memref<10008xf32, #tpu.memory_space<vmem_shared>>
        tpu.wait_indirect_dma semaphore(%run_scoped3A_318 : memref<!tpu.dma_semaphore, #tpu.memory_space<semaphore_mem>>) src(%arg7 : memref<128xf32, #tpu.memory_space<vmem>>) dst(%dma_wait3A_326 : memref<10008xf32, #tpu.memory_space<vmem_shared>>)
        tpu.yield
      }) : () -> ()
    }
    %while3A_305 = arith.constant 1 : i32
    scf.for %while3A_317 = %while3A_303 to %while3A_299 step %while3A_305  : i32 {
      "tpu.region"() ({
        %run_scoped3A_318 = tpu.sem_alloc : memref<!tpu.dma_semaphore, #tpu.memory_space<semaphore_mem>>
        %dma_start3A = arith.constant 0 : i32
        %dma_start3A_319 = tpu.memref_slice %arg8[%while3A_317, %dma_start3A] : memref<40x128xi32, #tpu.memory_space<vmem>> -> memref<1x128xi32, #tpu.memory_space<vmem>>
        %dma_start3A_320 = tpu.memref_squeeze %dma_start3A_319 : memref<1x128xi32, #tpu.memory_space<vmem>> -> memref<128xi32, #tpu.memory_space<vmem>>
        %dma_start3A_321 = arith.constant 0 : i32
        %dma_start3A_322 = tpu.memref_slice %arg5[%dma_start3A_321] : memref<10008xf32, #tpu.memory_space<vmem_shared>> -> memref<10008xf32, #tpu.memory_space<vmem_shared>>
        tpu.enqueue_indirect_dma source(%arg7 : memref<128xf32, #tpu.memory_space<vmem>>) target(%dma_start3A_322 : memref<10008xf32, #tpu.memory_space<vmem_shared>>) offsets(%dma_start3A_320 : memref<128xi32, #tpu.memory_space<vmem>>) semaphore(%run_scoped3A_318 : memref<!tpu.dma_semaphore, #tpu.memory_space<semaphore_mem>>) {add = true}
        %dma_wait3A = arith.constant 0 : i32
        %dma_wait3A_323 = tpu.memref_slice %arg8[%while3A_317, %dma_wait3A] : memref<40x128xi32, #tpu.memory_space<vmem>> -> memref<1x128xi32, #tpu.memory_space<vmem>>
        %dma_wait3A_324 = tpu.memref_squeeze %dma_wait3A_323 : memref<1x128xi32, #tpu.memory_space<vmem>> -> memref<128xi32, #tpu.memory_space<vmem>>
        %dma_wait3A_325 = arith.constant 0 : i32
        %dma_wait3A_326 = tpu.memref_slice %arg5[%dma_wait3A_325] : memref<10008xf32, #tpu.memory_space<vmem_shared>> -> memref<10008xf32, #tpu.memory_space<vmem_shared>>
        tpu.wait_indirect_dma semaphore(%run_scoped3A_318 : memref<!tpu.dma_semaphore, #tpu.memory_space<semaphore_mem>>) src(%arg7 : memref<128xf32, #tpu.memory_space<vmem>>) dst(%dma_wait3A_326 : memref<10008xf32, #tpu.memory_space<vmem_shared>>)
        tpu.yield
      }) : () -> ()
    }
    %barrier3A_306 = arith.constant 0 : index
    tpu.barrier barrier_id(%barrier3A_306)
    %eq3A_307 = arith.constant 0 : i32
    %eq3A_308 = arith.cmpi eq, %arg0, %eq3A_307 : i32
    %convert_element_type3A_309 = arith.extui %eq3A_308 : i1 to i32
    %cond3A_310 = arith.constant 0 : i32
    %cond3A_311 = arith.cmpi ne, %convert_element_type3A_309, %cond3A_310 : i32
    scf.if %cond3A_311 {
      %lt3A_317 = arith.constant 15 : i32
      %lt3A_318 = arith.cmpi slt, %arg1, %lt3A_317 : i32
      %convert_element_type3A_319 = arith.extui %lt3A_318 : i1 to i32
      %cond3A_320 = arith.constant 0 : i32
      %cond3A_321 = arith.cmpi ne, %convert_element_type3A_319, %cond3A_320 : i32
      scf.if %cond3A_321 {
        %mul3A_327 = arith.constant 640 : i32
        %mul3A_328 = arith.muli %arg1, %mul3A_327 : i32
        "tpu.region"() ({
          %run_scoped3A_331 = tpu.sem_alloc : memref<!tpu.dma_semaphore, #tpu.memory_space<semaphore_mem>>
          %dma_start3A = tpu.memref_slice %arg5[%mul3A_328] : memref<10008xf32, #tpu.memory_space<vmem_shared>> -> memref<640xf32, #tpu.memory_space<vmem_shared>>
          %dma_start3A_332 = tpu.memref_slice %arg5[%mul3A_328] : memref<10008xf32, #tpu.memory_space<vmem_shared>> -> memref<640xf32, #tpu.memory_space<vmem_shared>>
          tpu.enqueue_dma source(%dma_start3A_332 : memref<640xf32, #tpu.memory_space<vmem_shared>>) target(%arg9 : memref<640xf32, #tpu.memory_space<vmem>>) target_semaphore(%run_scoped3A_331 : memref<!tpu.dma_semaphore, #tpu.memory_space<semaphore_mem>>)
          %dma_wait3A = tpu.memref_slice %arg5[%mul3A_328] : memref<10008xf32, #tpu.memory_space<vmem_shared>> -> memref<640xf32, #tpu.memory_space<vmem_shared>>
          %dma_wait3A_333 = tpu.memref_slice %arg5[%mul3A_328] : memref<10008xf32, #tpu.memory_space<vmem_shared>> -> memref<640xf32, #tpu.memory_space<vmem_shared>>
          tpu.wait_dma2 semaphore(%run_scoped3A_331 : memref<!tpu.dma_semaphore, #tpu.memory_space<semaphore_mem>>) src(%dma_wait3A_333 : memref<640xf32, #tpu.memory_space<vmem_shared>>) dst(%arg9 : memref<640xf32, #tpu.memory_space<vmem>>)
          tpu.yield
        }) : () -> ()
        %mul3A_329 = arith.constant 640 : i32
        %mul3A_330 = arith.muli %arg1, %mul3A_329 : i32
        "tpu.region"() ({
          %run_scoped3A_331 = tpu.sem_alloc : memref<!tpu.dma_semaphore, #tpu.memory_space<semaphore_mem>>
          %dma_start3A = tpu.memref_slice %arg3[%mul3A_330] : memref<10000xf32, #tpu.memory_space<hbm>> -> memref<640xf32, #tpu.memory_space<hbm>>
          %dma_start3A_332 = tpu.memref_slice %arg3[%mul3A_330] : memref<10000xf32, #tpu.memory_space<hbm>> -> memref<640xf32, #tpu.memory_space<hbm>>
          tpu.enqueue_dma source(%arg9 : memref<640xf32, #tpu.memory_space<vmem>>) target(%dma_start3A_332 : memref<640xf32, #tpu.memory_space<hbm>>) target_semaphore(%run_scoped3A_331 : memref<!tpu.dma_semaphore, #tpu.memory_space<semaphore_mem>>)
          %dma_wait3A = tpu.memref_slice %arg3[%mul3A_330] : memref<10000xf32, #tpu.memory_space<hbm>> -> memref<640xf32, #tpu.memory_space<hbm>>
          %dma_wait3A_333 = tpu.memref_slice %arg3[%mul3A_330] : memref<10000xf32, #tpu.memory_space<hbm>> -> memref<640xf32, #tpu.memory_space<hbm>>
          tpu.wait_dma2 semaphore(%run_scoped3A_331 : memref<!tpu.dma_semaphore, #tpu.memory_space<semaphore_mem>>) src(%arg9 : memref<640xf32, #tpu.memory_space<vmem>>) dst(%dma_wait3A_333 : memref<640xf32, #tpu.memory_space<hbm>>)
          tpu.yield
        }) : () -> ()
      } else {
      }
      %eq3A_322 = arith.constant 15 : i32
      %eq3A_323 = arith.cmpi eq, %arg1, %eq3A_322 : i32
      %convert_element_type3A_324 = arith.extui %eq3A_323 : i1 to i32
      %cond3A_325 = arith.constant 0 : i32
      %cond3A_326 = arith.cmpi ne, %convert_element_type3A_324, %cond3A_325 : i32
      scf.if %cond3A_326 {
        "tpu.region"() ({
          %run_scoped3A_327 = tpu.sem_alloc : memref<!tpu.dma_semaphore, #tpu.memory_space<semaphore_mem>>
          %dma_start3A = arith.constant 0 : i32
          %dma_start3A_328 = tpu.memref_slice %arg9[%dma_start3A] : memref<640xf32, #tpu.memory_space<vmem>> -> memref<400xf32, #tpu.memory_space<vmem>>
          %dma_start3A_329 = arith.constant 9600 : i32
          %dma_start3A_330 = tpu.memref_slice %arg5[%dma_start3A_329] : memref<10008xf32, #tpu.memory_space<vmem_shared>> -> memref<400xf32, #tpu.memory_space<vmem_shared>>
          %dma_start3A_331 = arith.constant 0 : i32
          %dma_start3A_332 = tpu.memref_slice %arg9[%dma_start3A_331] : memref<640xf32, #tpu.memory_space<vmem>> -> memref<400xf32, #tpu.memory_space<vmem>>
          %dma_start3A_333 = arith.constant 9600 : i32
          %dma_start3A_334 = tpu.memref_slice %arg5[%dma_start3A_333] : memref<10008xf32, #tpu.memory_space<vmem_shared>> -> memref<400xf32, #tpu.memory_space<vmem_shared>>
          tpu.enqueue_dma source(%dma_start3A_334 : memref<400xf32, #tpu.memory_space<vmem_shared>>) target(%dma_start3A_332 : memref<400xf32, #tpu.memory_space<vmem>>) target_semaphore(%run_scoped3A_327 : memref<!tpu.dma_semaphore, #tpu.memory_space<semaphore_mem>>)
          %dma_wait3A = arith.constant 0 : i32
          %dma_wait3A_335 = tpu.memref_slice %arg9[%dma_wait3A] : memref<640xf32, #tpu.memory_space<vmem>> -> memref<400xf32, #tpu.memory_space<vmem>>
          %dma_wait3A_336 = arith.constant 9600 : i32
          %dma_wait3A_337 = tpu.memref_slice %arg5[%dma_wait3A_336] : memref<10008xf32, #tpu.memory_space<vmem_shared>> -> memref<400xf32, #tpu.memory_space<vmem_shared>>
          %dma_wait3A_338 = arith.constant 0 : i32
          %dma_wait3A_339 = tpu.memref_slice %arg9[%dma_wait3A_338] : memref<640xf32, #tpu.memory_space<vmem>> -> memref<400xf32, #tpu.memory_space<vmem>>
          %dma_wait3A_340 = arith.constant 9600 : i32
          %dma_wait3A_341 = tpu.memref_slice %arg5[%dma_wait3A_340] : memref<10008xf32, #tpu.memory_space<vmem_shared>> -> memref<400xf32, #tpu.memory_space<vmem_shared>>
          tpu.wait_dma2 semaphore(%run_scoped3A_327 : memref<!tpu.dma_semaphore, #tpu.memory_space<semaphore_mem>>) src(%dma_wait3A_341 : memref<400xf32, #tpu.memory_space<vmem_shared>>) dst(%dma_wait3A_339 : memref<400xf32, #tpu.memory_space<vmem>>)
          tpu.yield
        }) : () -> ()
        "tpu.region"() ({
          %run_scoped3A_327 = tpu.sem_alloc : memref<!tpu.dma_semaphore, #tpu.memory_space<semaphore_mem>>
          %dma_start3A = arith.constant 0 : i32
          %dma_start3A_328 = tpu.memref_slice %arg9[%dma_start3A] : memref<640xf32, #tpu.memory_space<vmem>> -> memref<400xf32, #tpu.memory_space<vmem>>
          %dma_start3A_329 = arith.constant 9600 : i32
          %dma_start3A_330 = tpu.memref_slice %arg3[%dma_start3A_329] : memref<10000xf32, #tpu.memory_space<hbm>> -> memref<400xf32, #tpu.memory_space<hbm>>
          %dma_start3A_331 = arith.constant 9600 : i32
          %dma_start3A_332 = tpu.memref_slice %arg3[%dma_start3A_331] : memref<10000xf32, #tpu.memory_space<hbm>> -> memref<400xf32, #tpu.memory_space<hbm>>
          %dma_start3A_333 = arith.constant 0 : i32
          %dma_start3A_334 = tpu.memref_slice %arg9[%dma_start3A_333] : memref<640xf32, #tpu.memory_space<vmem>> -> memref<400xf32, #tpu.memory_space<vmem>>
          tpu.enqueue_dma source(%dma_start3A_334 : memref<400xf32, #tpu.memory_space<vmem>>) target(%dma_start3A_332 : memref<400xf32, #tpu.memory_space<hbm>>) target_semaphore(%run_scoped3A_327 : memref<!tpu.dma_semaphore, #tpu.memory_space<semaphore_mem>>)
          %dma_wait3A = arith.constant 0 : i32
          %dma_wait3A_335 = tpu.memref_slice %arg9[%dma_wait3A] : memref<640xf32, #tpu.memory_space<vmem>> -> memref<400xf32, #tpu.memory_space<vmem>>
          %dma_wait3A_336 = arith.constant 9600 : i32
          %dma_wait3A_337 = tpu.memref_slice %arg3[%dma_wait3A_336] : memref<10000xf32, #tpu.memory_space<hbm>> -> memref<400xf32, #tpu.memory_space<hbm>>
          %dma_wait3A_338 = arith.constant 9600 : i32
          %dma_wait3A_339 = tpu.memref_slice %arg3[%dma_wait3A_338] : memref<10000xf32, #tpu.memory_space<hbm>> -> memref<400xf32, #tpu.memory_space<hbm>>
          %dma_wait3A_340 = arith.constant 0 : i32
          %dma_wait3A_341 = tpu.memref_slice %arg9[%dma_wait3A_340] : memref<640xf32, #tpu.memory_space<vmem>> -> memref<400xf32, #tpu.memory_space<vmem>>
          tpu.wait_dma2 semaphore(%run_scoped3A_327 : memref<!tpu.dma_semaphore, #tpu.memory_space<semaphore_mem>>) src(%dma_wait3A_341 : memref<400xf32, #tpu.memory_space<vmem>>) dst(%dma_wait3A_339 : memref<400xf32, #tpu.memory_space<hbm>>)
          tpu.yield
        }) : () -> ()
      } else {
      }
    } else {
    }
    %eq3A_312 = arith.constant 1 : i32
    %eq3A_313 = arith.cmpi eq, %arg0, %eq3A_312 : i32
    %convert_element_type3A_314 = arith.extui %eq3A_313 : i1 to i32
    %cond3A_315 = arith.constant 0 : i32
    %cond3A_316 = arith.cmpi ne, %convert_element_type3A_314, %cond3A_315 : i32
    scf.if %cond3A_316 {
      %lt3A_317 = arith.constant 15 : i32
      %lt3A_318 = arith.cmpi slt, %arg1, %lt3A_317 : i32
      %convert_element_type3A_319 = arith.extui %lt3A_318 : i1 to i32
      %cond3A_320 = arith.constant 0 : i32
      %cond3A_321 = arith.cmpi ne, %convert_element_type3A_319, %cond3A_320 : i32
      scf.if %cond3A_321 {
        %mul3A_327 = arith.constant 640 : i32
        %mul3A_328 = arith.muli %arg1, %mul3A_327 : i32
        "tpu.region"() ({
          %run_scoped3A_331 = tpu.sem_alloc : memref<!tpu.dma_semaphore, #tpu.memory_space<semaphore_mem>>
          %dma_start3A = tpu.memref_slice %arg5[%mul3A_328] : memref<10008xf32, #tpu.memory_space<vmem_shared>> -> memref<640xf32, #tpu.memory_space<vmem_shared>>
          %dma_start3A_332 = tpu.memref_slice %arg5[%mul3A_328] : memref<10008xf32, #tpu.memory_space<vmem_shared>> -> memref<640xf32, #tpu.memory_space<vmem_shared>>
          tpu.enqueue_dma source(%dma_start3A_332 : memref<640xf32, #tpu.memory_space<vmem_shared>>) target(%arg9 : memref<640xf32, #tpu.memory_space<vmem>>) target_semaphore(%run_scoped3A_331 : memref<!tpu.dma_semaphore, #tpu.memory_space<semaphore_mem>>)
          %dma_wait3A = tpu.memref_slice %arg5[%mul3A_328] : memref<10008xf32, #tpu.memory_space<vmem_shared>> -> memref<640xf32, #tpu.memory_space<vmem_shared>>
          %dma_wait3A_333 = tpu.memref_slice %arg5[%mul3A_328] : memref<10008xf32, #tpu.memory_space<vmem_shared>> -> memref<640xf32, #tpu.memory_space<vmem_shared>>
          tpu.wait_dma2 semaphore(%run_scoped3A_331 : memref<!tpu.dma_semaphore, #tpu.memory_space<semaphore_mem>>) src(%dma_wait3A_333 : memref<640xf32, #tpu.memory_space<vmem_shared>>) dst(%arg9 : memref<640xf32, #tpu.memory_space<vmem>>)
          tpu.yield
        }) : () -> ()
        %mul3A_329 = arith.constant 640 : i32
        %mul3A_330 = arith.muli %arg1, %mul3A_329 : i32
        "tpu.region"() ({
          %run_scoped3A_331 = tpu.sem_alloc : memref<!tpu.dma_semaphore, #tpu.memory_space<semaphore_mem>>
          %dma_start3A = tpu.memref_slice %arg4[%mul3A_330] : memref<10000xf32, #tpu.memory_space<hbm>> -> memref<640xf32, #tpu.memory_space<hbm>>
          %dma_start3A_332 = tpu.memref_slice %arg4[%mul3A_330] : memref<10000xf32, #tpu.memory_space<hbm>> -> memref<640xf32, #tpu.memory_space<hbm>>
          tpu.enqueue_dma source(%arg9 : memref<640xf32, #tpu.memory_space<vmem>>) target(%dma_start3A_332 : memref<640xf32, #tpu.memory_space<hbm>>) target_semaphore(%run_scoped3A_331 : memref<!tpu.dma_semaphore, #tpu.memory_space<semaphore_mem>>)
          %dma_wait3A = tpu.memref_slice %arg4[%mul3A_330] : memref<10000xf32, #tpu.memory_space<hbm>> -> memref<640xf32, #tpu.memory_space<hbm>>
          %dma_wait3A_333 = tpu.memref_slice %arg4[%mul3A_330] : memref<10000xf32, #tpu.memory_space<hbm>> -> memref<640xf32, #tpu.memory_space<hbm>>
          tpu.wait_dma2 semaphore(%run_scoped3A_331 : memref<!tpu.dma_semaphore, #tpu.memory_space<semaphore_mem>>) src(%arg9 : memref<640xf32, #tpu.memory_space<vmem>>) dst(%dma_wait3A_333 : memref<640xf32, #tpu.memory_space<hbm>>)
          tpu.yield
        }) : () -> ()
      } else {
      }
      %eq3A_322 = arith.constant 15 : i32
      %eq3A_323 = arith.cmpi eq, %arg1, %eq3A_322 : i32
      %convert_element_type3A_324 = arith.extui %eq3A_323 : i1 to i32
      %cond3A_325 = arith.constant 0 : i32
      %cond3A_326 = arith.cmpi ne, %convert_element_type3A_324, %cond3A_325 : i32
      scf.if %cond3A_326 {
        "tpu.region"() ({
          %run_scoped3A_327 = tpu.sem_alloc : memref<!tpu.dma_semaphore, #tpu.memory_space<semaphore_mem>>
          %dma_start3A = arith.constant 0 : i32
          %dma_start3A_328 = tpu.memref_slice %arg9[%dma_start3A] : memref<640xf32, #tpu.memory_space<vmem>> -> memref<400xf32, #tpu.memory_space<vmem>>
          %dma_start3A_329 = arith.constant 9600 : i32
          %dma_start3A_330 = tpu.memref_slice %arg5[%dma_start3A_329] : memref<10008xf32, #tpu.memory_space<vmem_shared>> -> memref<400xf32, #tpu.memory_space<vmem_shared>>
          %dma_start3A_331 = arith.constant 0 : i32
          %dma_start3A_332 = tpu.memref_slice %arg9[%dma_start3A_331] : memref<640xf32, #tpu.memory_space<vmem>> -> memref<400xf32, #tpu.memory_space<vmem>>
          %dma_start3A_333 = arith.constant 9600 : i32
          %dma_start3A_334 = tpu.memref_slice %arg5[%dma_start3A_333] : memref<10008xf32, #tpu.memory_space<vmem_shared>> -> memref<400xf32, #tpu.memory_space<vmem_shared>>
          tpu.enqueue_dma source(%dma_start3A_334 : memref<400xf32, #tpu.memory_space<vmem_shared>>) target(%dma_start3A_332 : memref<400xf32, #tpu.memory_space<vmem>>) target_semaphore(%run_scoped3A_327 : memref<!tpu.dma_semaphore, #tpu.memory_space<semaphore_mem>>)
          %dma_wait3A = arith.constant 0 : i32
          %dma_wait3A_335 = tpu.memref_slice %arg9[%dma_wait3A] : memref<640xf32, #tpu.memory_space<vmem>> -> memref<400xf32, #tpu.memory_space<vmem>>
          %dma_wait3A_336 = arith.constant 9600 : i32
          %dma_wait3A_337 = tpu.memref_slice %arg5[%dma_wait3A_336] : memref<10008xf32, #tpu.memory_space<vmem_shared>> -> memref<400xf32, #tpu.memory_space<vmem_shared>>
          %dma_wait3A_338 = arith.constant 0 : i32
          %dma_wait3A_339 = tpu.memref_slice %arg9[%dma_wait3A_338] : memref<640xf32, #tpu.memory_space<vmem>> -> memref<400xf32, #tpu.memory_space<vmem>>
          %dma_wait3A_340 = arith.constant 9600 : i32
          %dma_wait3A_341 = tpu.memref_slice %arg5[%dma_wait3A_340] : memref<10008xf32, #tpu.memory_space<vmem_shared>> -> memref<400xf32, #tpu.memory_space<vmem_shared>>
          tpu.wait_dma2 semaphore(%run_scoped3A_327 : memref<!tpu.dma_semaphore, #tpu.memory_space<semaphore_mem>>) src(%dma_wait3A_341 : memref<400xf32, #tpu.memory_space<vmem_shared>>) dst(%dma_wait3A_339 : memref<400xf32, #tpu.memory_space<vmem>>)
          tpu.yield
        }) : () -> ()
        "tpu.region"() ({
          %run_scoped3A_327 = tpu.sem_alloc : memref<!tpu.dma_semaphore, #tpu.memory_space<semaphore_mem>>
          %dma_start3A = arith.constant 0 : i32
          %dma_start3A_328 = tpu.memref_slice %arg9[%dma_start3A] : memref<640xf32, #tpu.memory_space<vmem>> -> memref<400xf32, #tpu.memory_space<vmem>>
          %dma_start3A_329 = arith.constant 9600 : i32
          %dma_start3A_330 = tpu.memref_slice %arg4[%dma_start3A_329] : memref<10000xf32, #tpu.memory_space<hbm>> -> memref<400xf32, #tpu.memory_space<hbm>>
          %dma_start3A_331 = arith.constant 9600 : i32
          %dma_start3A_332 = tpu.memref_slice %arg4[%dma_start3A_331] : memref<10000xf32, #tpu.memory_space<hbm>> -> memref<400xf32, #tpu.memory_space<hbm>>
          %dma_start3A_333 = arith.constant 0 : i32
          %dma_start3A_334 = tpu.memref_slice %arg9[%dma_start3A_333] : memref<640xf32, #tpu.memory_space<vmem>> -> memref<400xf32, #tpu.memory_space<vmem>>
          tpu.enqueue_dma source(%dma_start3A_334 : memref<400xf32, #tpu.memory_space<vmem>>) target(%dma_start3A_332 : memref<400xf32, #tpu.memory_space<hbm>>) target_semaphore(%run_scoped3A_327 : memref<!tpu.dma_semaphore, #tpu.memory_space<semaphore_mem>>)
          %dma_wait3A = arith.constant 0 : i32
          %dma_wait3A_335 = tpu.memref_slice %arg9[%dma_wait3A] : memref<640xf32, #tpu.memory_space<vmem>> -> memref<400xf32, #tpu.memory_space<vmem>>
          %dma_wait3A_336 = arith.constant 9600 : i32
          %dma_wait3A_337 = tpu.memref_slice %arg4[%dma_wait3A_336] : memref<10000xf32, #tpu.memory_space<hbm>> -> memref<400xf32, #tpu.memory_space<hbm>>
          %dma_wait3A_338 = arith.constant 9600 : i32
          %dma_wait3A_339 = tpu.memref_slice %arg4[%dma_wait3A_338] : memref<10000xf32, #tpu.memory_space<hbm>> -> memref<400xf32, #tpu.memory_space<hbm>>
          %dma_wait3A_340 = arith.constant 0 : i32
          %dma_wait3A_341 = tpu.memref_slice %arg9[%dma_wait3A_340] : memref<640xf32, #tpu.memory_space<vmem>> -> memref<400xf32, #tpu.memory_space<vmem>>
          tpu.wait_dma2 semaphore(%run_scoped3A_327 : memref<!tpu.dma_semaphore, #tpu.memory_space<semaphore_mem>>) src(%dma_wait3A_341 : memref<400xf32, #tpu.memory_space<vmem>>) dst(%dma_wait3A_339 : memref<400xf32, #tpu.memory_space<hbm>>)
          tpu.yield
        }) : () -> ()
      } else {
      }
    } else {
    }
    return
  }
}

#map = affine_map<(d0, d1) -> (0, 0, 0)>
module attributes {stable_mosaic.version = 14 : i64} {
  func.func @body(%arg0: i32, %arg1: i32, %arg2: memref<2x1280x128xi32, #tpu.memory_space<hbm>>, %arg3: memref<4x10000x128xf32, #tpu.memory_space<hbm>>, %arg4: memref<4x10000x128xf32, #tpu.memory_space<hbm>>, %arg5: memref<10008x128xf32, #tpu.memory_space<vmem_shared>>, %arg6: memref<40x128xi32, #tpu.memory_space<vmem>>, %arg7: memref<40x128xi32, #tpu.memory_space<vmem>>, %arg8: memref<128x128xf32, #tpu.memory_space<vmem>>, %arg9: memref<128x128xf32, #tpu.memory_space<vmem>>, %arg10: memref<16x128xf32, #tpu.memory_space<vmem>>, %arg11: memref<16x128xf32, #tpu.memory_space<vmem>>, %arg12: memref<!tpu.dma_semaphore, #tpu.memory_space<semaphore_mem>>, %arg13: memref<!tpu.dma_semaphore, #tpu.memory_space<semaphore_mem>>) attributes {dimension_semantics = [#tpu.dimension_semantics<core_parallel>, #tpu.dimension_semantics<subcore_parallel>], iteration_bounds = array<i64: 2, 16>, scalar_prefetch = 0 : i64, scratch_operands = 9 : i64, tpu.core_type = #tpu.core_type<sc_vector_subcore>, window_params = [{transform_indices = #map}, {transform_indices = #map}, {transform_indices = #map}]} {
    %broadcast_in_dim3A = arith.constant 0.000000e+00 : f32
    %broadcast_in_dim3A_0 = vector.broadcast %broadcast_in_dim3A : f32 to vector<16xf32>
    %scan3A = arith.constant 0 : i32
    %scan3A_1 = arith.constant 0 : i32
    %scan3A_2 = arith.constant 16 : i32
    %scan3A_3 = arith.addi %scan3A_1, %scan3A_2 : i32
    %scan3A_4 = arith.constant 1 : i32
    scf.for %scan3A_18 = %scan3A_1 to %scan3A_3 step %scan3A_4  : i32 {
      %swap3A = arith.index_cast %scan3A_18 : i32 to index
      %swap3A_19 = arith.constant 0 : index
      %swap3A_20 = tpu.vector_load %arg11[%swap3A, %swap3A_19] {strides = array<i32>} : memref<16x128xf32, #tpu.memory_space<vmem>>, vector<1x16xf32>,
      %swap3A_21 = vector.shape_cast %swap3A_20 : vector<1x16xf32> to vector<16xf32>
      %swap3A_22 = vector.shape_cast %broadcast_in_dim3A_0 : vector<16xf32> to vector<1x16xf32>
      tpu.vector_store %arg11[%swap3A, %swap3A_19], %swap3A_22 {strides = array<i32>} : memref<16x128xf32, #tpu.memory_space<vmem>>, vector<1x16xf32>,
      %swap3A_23 = arith.index_cast %scan3A_18 : i32 to index
      %swap3A_24 = arith.constant 16 : index
      %swap3A_25 = tpu.vector_load %arg11[%swap3A_23, %swap3A_24] {strides = array<i32>} : memref<16x128xf32, #tpu.memory_space<vmem>>, vector<1x16xf32>,
      %swap3A_26 = vector.shape_cast %swap3A_25 : vector<1x16xf32> to vector<16xf32>
      %swap3A_27 = vector.shape_cast %broadcast_in_dim3A_0 : vector<16xf32> to vector<1x16xf32>
      tpu.vector_store %arg11[%swap3A_23, %swap3A_24], %swap3A_27 {strides = array<i32>} : memref<16x128xf32, #tpu.memory_space<vmem>>, vector<1x16xf32>,
      %swap3A_28 = arith.index_cast %scan3A_18 : i32 to index
      %swap3A_29 = arith.constant 32 : index
      %swap3A_30 = tpu.vector_load %arg11[%swap3A_28, %swap3A_29] {strides = array<i32>} : memref<16x128xf32, #tpu.memory_space<vmem>>, vector<1x16xf32>,
      %swap3A_31 = vector.shape_cast %swap3A_30 : vector<1x16xf32> to vector<16xf32>
      %swap3A_32 = vector.shape_cast %broadcast_in_dim3A_0 : vector<16xf32> to vector<1x16xf32>
      tpu.vector_store %arg11[%swap3A_28, %swap3A_29], %swap3A_32 {strides = array<i32>} : memref<16x128xf32, #tpu.memory_space<vmem>>, vector<1x16xf32>,
      %swap3A_33 = arith.index_cast %scan3A_18 : i32 to index
      %swap3A_34 = arith.constant 48 : index
      %swap3A_35 = tpu.vector_load %arg11[%swap3A_33, %swap3A_34] {strides = array<i32>} : memref<16x128xf32, #tpu.memory_space<vmem>>, vector<1x16xf32>,
      %swap3A_36 = vector.shape_cast %swap3A_35 : vector<1x16xf32> to vector<16xf32>
      %swap3A_37 = vector.shape_cast %broadcast_in_dim3A_0 : vector<16xf32> to vector<1x16xf32>
      tpu.vector_store %arg11[%swap3A_33, %swap3A_34], %swap3A_37 {strides = array<i32>} : memref<16x128xf32, #tpu.memory_space<vmem>>, vector<1x16xf32>,
      %swap3A_38 = arith.index_cast %scan3A_18 : i32 to index
      %swap3A_39 = arith.constant 64 : index
      %swap3A_40 = tpu.vector_load %arg11[%swap3A_38, %swap3A_39] {strides = array<i32>} : memref<16x128xf32, #tpu.memory_space<vmem>>, vector<1x16xf32>,
      %swap3A_41 = vector.shape_cast %swap3A_40 : vector<1x16xf32> to vector<16xf32>
      %swap3A_42 = vector.shape_cast %broadcast_in_dim3A_0 : vector<16xf32> to vector<1x16xf32>
      tpu.vector_store %arg11[%swap3A_38, %swap3A_39], %swap3A_42 {strides = array<i32>} : memref<16x128xf32, #tpu.memory_space<vmem>>, vector<1x16xf32>,
      %swap3A_43 = arith.index_cast %scan3A_18 : i32 to index
      %swap3A_44 = arith.constant 80 : index
      %swap3A_45 = tpu.vector_load %arg11[%swap3A_43, %swap3A_44] {strides = array<i32>} : memref<16x128xf32, #tpu.memory_space<vmem>>, vector<1x16xf32>,
      %swap3A_46 = vector.shape_cast %swap3A_45 : vector<1x16xf32> to vector<16xf32>
      %swap3A_47 = vector.shape_cast %broadcast_in_dim3A_0 : vector<16xf32> to vector<1x16xf32>
      tpu.vector_store %arg11[%swap3A_43, %swap3A_44], %swap3A_47 {strides = array<i32>} : memref<16x128xf32, #tpu.memory_space<vmem>>, vector<1x16xf32>,
      %swap3A_48 = arith.index_cast %scan3A_18 : i32 to index
      %swap3A_49 = arith.constant 96 : index
      %swap3A_50 = tpu.vector_load %arg11[%swap3A_48, %swap3A_49] {strides = array<i32>} : memref<16x128xf32, #tpu.memory_space<vmem>>, vector<1x16xf32>,
      %swap3A_51 = vector.shape_cast %swap3A_50 : vector<1x16xf32> to vector<16xf32>
      %swap3A_52 = vector.shape_cast %broadcast_in_dim3A_0 : vector<16xf32> to vector<1x16xf32>
      tpu.vector_store %arg11[%swap3A_48, %swap3A_49], %swap3A_52 {strides = array<i32>} : memref<16x128xf32, #tpu.memory_space<vmem>>, vector<1x16xf32>,
      %swap3A_53 = arith.index_cast %scan3A_18 : i32 to index
      %swap3A_54 = arith.constant 112 : index
      %swap3A_55 = tpu.vector_load %arg11[%swap3A_53, %swap3A_54] {strides = array<i32>} : memref<16x128xf32, #tpu.memory_space<vmem>>, vector<1x16xf32>,
      %swap3A_56 = vector.shape_cast %swap3A_55 : vector<1x16xf32> to vector<16xf32>
      %swap3A_57 = vector.shape_cast %broadcast_in_dim3A_0 : vector<16xf32> to vector<1x16xf32>
      tpu.vector_store %arg11[%swap3A_53, %swap3A_54], %swap3A_57 {strides = array<i32>} : memref<16x128xf32, #tpu.memory_space<vmem>>, vector<1x16xf32>,
    }
    %scan3A_5 = arith.constant 16 : i32
    %eq3A = arith.constant 0 : i32
    %eq3A_6 = arith.cmpi eq, %arg1, %eq3A : i32
    %jit3A = arith.constant 40 : i32
    %jit3A_7 = arith.constant 39 : i32
    %select_n3A = arith.select %eq3A_6, %jit3A, %jit3A_7 : i32
    %mul3A = arith.constant 39 : i32
    %mul3A_8 = arith.muli %mul3A, %arg1 : i32
    %min3A = arith.constant 1 : i32
    %min3A_9 = arith.minsi %arg1, %min3A : i32
    %add3A = arith.addi %mul3A_8, %min3A_9 : i32
    %mul3A_10 = arith.constant 16 : i32
    %mul3A_11 = arith.muli %mul3A_10, %add3A : i32
    %scan3A_12 = arith.constant 0 : i32
    %scan3A_13 = arith.constant 0 : i32
    %scan3A_14 = arith.constant 2 : i32
    %scan3A_15 = arith.addi %scan3A_13, %scan3A_14 : i32
    %scan3A_16 = arith.constant 1 : i32
    scf.for %scan3A_18 = %scan3A_13 to %scan3A_15 step %scan3A_16  : i32 {
      %mul3A_19 = arith.constant 2 : i32
      %mul3A_20 = arith.muli %arg0, %mul3A_19 : i32
      %add3A_21 = arith.addi %mul3A_20, %scan3A_18 : i32
      %while3A = arith.constant 0 : i32
      %while3A_22 = arith.constant 0 : i32
      %while3A_23 = arith.subi %select_n3A, %while3A_22 : i32
      %while3A_24 = arith.addi %while3A_22, %while3A_23 : i32
      %while3A_25 = arith.constant 1 : i32
      %while3A_26 = arith.divsi %while3A_23, %while3A_25 : i32
      %while3A_27 = arith.muli %while3A_26, %while3A_25 : i32
      %while3A_28 = arith.addi %while3A_22, %while3A_27 : i32
      %while3A_29 = arith.constant 1 : i32
      scf.for %while3A_49 = %while3A_22 to %while3A_28 step %while3A_29  : i32 {
        %mul3A_50 = arith.constant 16 : i32
        %mul3A_51 = arith.muli %mul3A_50, %while3A_49 : i32
        %add3A_52 = arith.addi %mul3A_11, %mul3A_51 : i32
        "tpu.region"() ({
          %run_scoped3A = tpu.sem_alloc : memref<!tpu.dma_semaphore, #tpu.memory_space<semaphore_mem>>
          %dma_start3A = arith.constant 0 : i32
          %dma_start3A_53 = tpu.memref_slice %arg5[%add3A_52, %dma_start3A] : memref<10008x128xf32, #tpu.memory_space<vmem_shared>> -> memref<16x128xf32, #tpu.memory_space<vmem_shared>>
          %dma_start3A_54 = arith.constant 0 : i32
          %dma_start3A_55 = tpu.memref_slice %arg5[%add3A_52, %dma_start3A_54] : memref<10008x128xf32, #tpu.memory_space<vmem_shared>> -> memref<16x128xf32, #tpu.memory_space<vmem_shared>>
          tpu.enqueue_dma source(%arg11 : memref<16x128xf32, #tpu.memory_space<vmem>>) target(%dma_start3A_55 : memref<16x128xf32, #tpu.memory_space<vmem_shared>>) target_semaphore(%run_scoped3A : memref<!tpu.dma_semaphore, #tpu.memory_space<semaphore_mem>>)
          %dma_wait3A = arith.constant 0 : i32
          %dma_wait3A_56 = tpu.memref_slice %arg5[%add3A_52, %dma_wait3A] : memref<10008x128xf32, #tpu.memory_space<vmem_shared>> -> memref<16x128xf32, #tpu.memory_space<vmem_shared>>
          %dma_wait3A_57 = arith.constant 0 : i32
          %dma_wait3A_58 = tpu.memref_slice %arg5[%add3A_52, %dma_wait3A_57] : memref<10008x128xf32, #tpu.memory_space<vmem_shared>> -> memref<16x128xf32, #tpu.memory_space<vmem_shared>>
          tpu.wait_dma2 semaphore(%run_scoped3A : memref<!tpu.dma_semaphore, #tpu.memory_space<semaphore_mem>>) src(%arg11 : memref<16x128xf32, #tpu.memory_space<vmem>>) dst(%dma_wait3A_58 : memref<16x128xf32, #tpu.memory_space<vmem_shared>>)
          tpu.yield
        }) : () -> ()
      }
      %while3A_30 = arith.constant 1 : i32
      scf.for %while3A_49 = %while3A_28 to %while3A_24 step %while3A_30  : i32 {
        %mul3A_50 = arith.constant 16 : i32
        %mul3A_51 = arith.muli %mul3A_50, %while3A_49 : i32
        %add3A_52 = arith.addi %mul3A_11, %mul3A_51 : i32
        "tpu.region"() ({
          %run_scoped3A = tpu.sem_alloc : memref<!tpu.dma_semaphore, #tpu.memory_space<semaphore_mem>>
          %dma_start3A = arith.constant 0 : i32
          %dma_start3A_53 = tpu.memref_slice %arg5[%add3A_52, %dma_start3A] : memref<10008x128xf32, #tpu.memory_space<vmem_shared>> -> memref<16x128xf32, #tpu.memory_space<vmem_shared>>
          %dma_start3A_54 = arith.constant 0 : i32
          %dma_start3A_55 = tpu.memref_slice %arg5[%add3A_52, %dma_start3A_54] : memref<10008x128xf32, #tpu.memory_space<vmem_shared>> -> memref<16x128xf32, #tpu.memory_space<vmem_shared>>
          tpu.enqueue_dma source(%arg11 : memref<16x128xf32, #tpu.memory_space<vmem>>) target(%dma_start3A_55 : memref<16x128xf32, #tpu.memory_space<vmem_shared>>) target_semaphore(%run_scoped3A : memref<!tpu.dma_semaphore, #tpu.memory_space<semaphore_mem>>)
          %dma_wait3A = arith.constant 0 : i32
          %dma_wait3A_56 = tpu.memref_slice %arg5[%add3A_52, %dma_wait3A] : memref<10008x128xf32, #tpu.memory_space<vmem_shared>> -> memref<16x128xf32, #tpu.memory_space<vmem_shared>>
          %dma_wait3A_57 = arith.constant 0 : i32
          %dma_wait3A_58 = tpu.memref_slice %arg5[%add3A_52, %dma_wait3A_57] : memref<10008x128xf32, #tpu.memory_space<vmem_shared>> -> memref<16x128xf32, #tpu.memory_space<vmem_shared>>
          tpu.wait_dma2 semaphore(%run_scoped3A : memref<!tpu.dma_semaphore, #tpu.memory_space<semaphore_mem>>) src(%arg11 : memref<16x128xf32, #tpu.memory_space<vmem>>) dst(%dma_wait3A_58 : memref<16x128xf32, #tpu.memory_space<vmem_shared>>)
          tpu.yield
        }) : () -> ()
      }
      %barrier3A = arith.constant 0 : index
      tpu.barrier barrier_id(%barrier3A)
      %scan3A_31 = arith.constant 0 : i32
      %scan3A_32 = arith.constant 0 : i32
      %scan3A_33 = arith.constant 2 : i32
      %scan3A_34 = arith.addi %scan3A_32, %scan3A_33 : i32
      %scan3A_35 = arith.constant 1 : i32
      scf.for %scan3A_49 = %scan3A_32 to %scan3A_34 step %scan3A_35  : i32 {
        %mul3A_50 = arith.constant 80 : i32
        %mul3A_51 = arith.muli %arg1, %mul3A_50 : i32
        %mul3A_52 = arith.constant 40 : i32
        %mul3A_53 = arith.muli %mul3A_52, %scan3A_49 : i32
        %add3A_54 = arith.addi %mul3A_51, %mul3A_53 : i32
        %run_scoped3A = arith.constant 0 : i32
        "tpu.region"() ({
          %run_scoped3A_93 = tpu.sem_alloc : memref<!tpu.dma_semaphore, #tpu.memory_space<semaphore_mem>>
          %dma_start3A = arith.constant 0 : i32
          %dma_start3A_94 = tpu.memref_slice %arg2[%run_scoped3A, %add3A_54, %dma_start3A] : memref<2x1280x128xi32, #tpu.memory_space<hbm>> -> memref<1x40x128xi32, #tpu.memory_space<hbm>>
          %dma_start3A_95 = tpu.memref_squeeze %dma_start3A_94 : memref<1x40x128xi32, #tpu.memory_space<hbm>> -> memref<40x128xi32, #tpu.memory_space<hbm>>
          %dma_start3A_96 = arith.constant 0 : i32
          %dma_start3A_97 = tpu.memref_slice %arg2[%run_scoped3A, %add3A_54, %dma_start3A_96] : memref<2x1280x128xi32, #tpu.memory_space<hbm>> -> memref<1x40x128xi32, #tpu.memory_space<hbm>>
          %dma_start3A_98 = tpu.memref_squeeze %dma_start3A_97 : memref<1x40x128xi32, #tpu.memory_space<hbm>> -> memref<40x128xi32, #tpu.memory_space<hbm>>
          tpu.enqueue_dma source(%dma_start3A_98 : memref<40x128xi32, #tpu.memory_space<hbm>>) target(%arg6 : memref<40x128xi32, #tpu.memory_space<vmem>>) target_semaphore(%run_scoped3A_93 : memref<!tpu.dma_semaphore, #tpu.memory_space<semaphore_mem>>)
          %dma_wait3A = arith.constant 0 : i32
          %dma_wait3A_99 = tpu.memref_slice %arg2[%run_scoped3A, %add3A_54, %dma_wait3A] : memref<2x1280x128xi32, #tpu.memory_space<hbm>> -> memref<1x40x128xi32, #tpu.memory_space<hbm>>
          %dma_wait3A_100 = tpu.memref_squeeze %dma_wait3A_99 : memref<1x40x128xi32, #tpu.memory_space<hbm>> -> memref<40x128xi32, #tpu.memory_space<hbm>>
          %dma_wait3A_101 = arith.constant 0 : i32
          %dma_wait3A_102 = tpu.memref_slice %arg2[%run_scoped3A, %add3A_54, %dma_wait3A_101] : memref<2x1280x128xi32, #tpu.memory_space<hbm>> -> memref<1x40x128xi32, #tpu.memory_space<hbm>>
          %dma_wait3A_103 = tpu.memref_squeeze %dma_wait3A_102 : memref<1x40x128xi32, #tpu.memory_space<hbm>> -> memref<40x128xi32, #tpu.memory_space<hbm>>
          tpu.wait_dma2 semaphore(%run_scoped3A_93 : memref<!tpu.dma_semaphore, #tpu.memory_space<semaphore_mem>>) src(%dma_wait3A_103 : memref<40x128xi32, #tpu.memory_space<hbm>>) dst(%arg6 : memref<40x128xi32, #tpu.memory_space<vmem>>)
          tpu.yield
        }) : () -> ()
        %run_scoped3A_55 = arith.constant 1 : i32
        "tpu.region"() ({
          %run_scoped3A_93 = tpu.sem_alloc : memref<!tpu.dma_semaphore, #tpu.memory_space<semaphore_mem>>
          %dma_start3A = arith.constant 0 : i32
          %dma_start3A_94 = tpu.memref_slice %arg2[%run_scoped3A_55, %add3A_54, %dma_start3A] : memref<2x1280x128xi32, #tpu.memory_space<hbm>> -> memref<1x40x128xi32, #tpu.memory_space<hbm>>
          %dma_start3A_95 = tpu.memref_squeeze %dma_start3A_94 : memref<1x40x128xi32, #tpu.memory_space<hbm>> -> memref<40x128xi32, #tpu.memory_space<hbm>>
          %dma_start3A_96 = arith.constant 0 : i32
          %dma_start3A_97 = tpu.memref_slice %arg2[%run_scoped3A_55, %add3A_54, %dma_start3A_96] : memref<2x1280x128xi32, #tpu.memory_space<hbm>> -> memref<1x40x128xi32, #tpu.memory_space<hbm>>
          %dma_start3A_98 = tpu.memref_squeeze %dma_start3A_97 : memref<1x40x128xi32, #tpu.memory_space<hbm>> -> memref<40x128xi32, #tpu.memory_space<hbm>>
          tpu.enqueue_dma source(%dma_start3A_98 : memref<40x128xi32, #tpu.memory_space<hbm>>) target(%arg7 : memref<40x128xi32, #tpu.memory_space<vmem>>) target_semaphore(%run_scoped3A_93 : memref<!tpu.dma_semaphore, #tpu.memory_space<semaphore_mem>>)
          %dma_wait3A = arith.constant 0 : i32
          %dma_wait3A_99 = tpu.memref_slice %arg2[%run_scoped3A_55, %add3A_54, %dma_wait3A] : memref<2x1280x128xi32, #tpu.memory_space<hbm>> -> memref<1x40x128xi32, #tpu.memory_space<hbm>>
          %dma_wait3A_100 = tpu.memref_squeeze %dma_wait3A_99 : memref<1x40x128xi32, #tpu.memory_space<hbm>> -> memref<40x128xi32, #tpu.memory_space<hbm>>
          %dma_wait3A_101 = arith.constant 0 : i32
          %dma_wait3A_102 = tpu.memref_slice %arg2[%run_scoped3A_55, %add3A_54, %dma_wait3A_101] : memref<2x1280x128xi32, #tpu.memory_space<hbm>> -> memref<1x40x128xi32, #tpu.memory_space<hbm>>
          %dma_wait3A_103 = tpu.memref_squeeze %dma_wait3A_102 : memref<1x40x128xi32, #tpu.memory_space<hbm>> -> memref<40x128xi32, #tpu.memory_space<hbm>>
          tpu.wait_dma2 semaphore(%run_scoped3A_93 : memref<!tpu.dma_semaphore, #tpu.memory_space<semaphore_mem>>) src(%dma_wait3A_103 : memref<40x128xi32, #tpu.memory_space<hbm>>) dst(%arg7 : memref<40x128xi32, #tpu.memory_space<vmem>>)
          tpu.yield
        }) : () -> ()
        %eq3A_56 = arith.constant 15 : i32
        %eq3A_57 = arith.cmpi eq, %arg1, %eq3A_56 : i32
        %eq3A_58 = arith.constant 0 : i32
        %eq3A_59 = arith.cmpi eq, %scan3A_49, %eq3A_58 : i32
        %jit3A_60 = arith.constant 40 : i32
        %jit3A_61 = arith.constant 10 : i32
        %select_n3A_62 = arith.select %eq3A_59, %jit3A_60, %jit3A_61 : i32
        %jit3A_63 = arith.constant 40 : i32
        %select_n3A_64 = arith.select %eq3A_57, %select_n3A_62, %jit3A_63 : i32
        %jit3A_65 = arith.constant 2 : i32
        %div3A = arith.divsi %select_n3A_64, %jit3A_65 : i32
        %sign3A = arith.constant 0 : i32
        %sign3A_66 = arith.cmpi sgt, %select_n3A_64, %sign3A : i32
        %sign3A_67 = arith.extui %sign3A_66 : i1 to i32
        %sign3A_68 = arith.constant 0 : i32
        %sign3A_69 = arith.cmpi slt, %select_n3A_64, %sign3A_68 : i32
        %sign3A_70 = arith.extui %sign3A_69 : i1 to i32
        %sign3A_71 = arith.subi %sign3A_67, %sign3A_70 : i32
        %sign3A_72 = arith.constant 0 : i32
        %sign3A_73 = arith.cmpi sgt, %jit3A_65, %sign3A_72 : i32
        %sign3A_74 = arith.extui %sign3A_73 : i1 to i32
        %sign3A_75 = arith.constant 0 : i32
        %sign3A_76 = arith.cmpi slt, %jit3A_65, %sign3A_75 : i32
        %sign3A_77 = arith.extui %sign3A_76 : i1 to i32
        %sign3A_78 = arith.subi %sign3A_74, %sign3A_77 : i32
        %ne3A = arith.cmpi ne, %sign3A_71, %sign3A_78 : i32
        %rem3A = arith.remsi %select_n3A_64, %jit3A_65 : i32
        %ne3A_79 = arith.constant 0 : i32
        %ne3A_80 = arith.cmpi ne, %rem3A, %ne3A_79 : i32
        %and3A = arith.andi %ne3A, %ne3A_80 : i1
        %sub3A = arith.constant 1 : i32
        %sub3A_81 = arith.subi %div3A, %sub3A : i32
        %select_n3A_82 = arith.select %and3A, %sub3A_81, %div3A : i32
        %while3A_83 = arith.constant 0 : i32
        %while3A_84 = arith.constant 0 : i32
        %while3A_85 = arith.subi %select_n3A_82, %while3A_84 : i32
        %while3A_86 = arith.addi %while3A_84, %while3A_85 : i32
        %while3A_87 = arith.constant 1 : i32
        %while3A_88 = arith.divsi %while3A_85, %while3A_87 : i32
        %while3A_89 = arith.muli %while3A_88, %while3A_87 : i32
        %while3A_90 = arith.addi %while3A_84, %while3A_89 : i32
        %while3A_91 = arith.constant 1 : i32
        scf.for %while3A_93 = %while3A_84 to %while3A_90 step %while3A_91  : i32 {
          %mul3A_94 = arith.constant 2 : i32
          %mul3A_95 = arith.muli %mul3A_94, %while3A_93 : i32
          %dma_start3A = arith.constant 0 : i32
          %dma_start3A_96 = tpu.memref_slice %arg6[%mul3A_95, %dma_start3A] : memref<40x128xi32, #tpu.memory_space<vmem>> -> memref<1x128xi32, #tpu.memory_space<vmem>>
          %dma_start3A_97 = tpu.memref_squeeze %dma_start3A_96 : memref<1x128xi32, #tpu.memory_space<vmem>> -> memref<128xi32, #tpu.memory_space<vmem>>
          %dma_start3A_98 = arith.constant 0 : i32
          %dma_start3A_99 = arith.constant 0 : i32
          %dma_start3A_100 = tpu.memref_slice %arg3[%add3A_21, %dma_start3A_98, %dma_start3A_99] : memref<4x10000x128xf32, #tpu.memory_space<hbm>> -> memref<1x10000x128xf32, #tpu.memory_space<hbm>>
          %dma_start3A_101 = tpu.memref_squeeze %dma_start3A_100 : memref<1x10000x128xf32, #tpu.memory_space<hbm>> -> memref<10000x128xf32, #tpu.memory_space<hbm>>
          %dma_start3A_102 = arith.constant 0 : i32
          %dma_start3A_103 = arith.constant 0 : i32
          %dma_start3A_104 = tpu.memref_slice %dma_start3A_101[%dma_start3A_102, %dma_start3A_103] : memref<10000x128xf32, #tpu.memory_space<hbm>> -> memref<10000x128xf32, #tpu.memory_space<hbm>>
          tpu.enqueue_indirect_dma source(%dma_start3A_104 : memref<10000x128xf32, #tpu.memory_space<hbm>>) target(%arg8 : memref<128x128xf32, #tpu.memory_space<vmem>>) offsets(%dma_start3A_97 : memref<128xi32, #tpu.memory_space<vmem>>) semaphore(%arg12 : memref<!tpu.dma_semaphore, #tpu.memory_space<semaphore_mem>>)
          %add3A_105 = arith.constant 1 : i32
          %add3A_106 = arith.addi %mul3A_95, %add3A_105 : i32
          %dma_start3A_107 = arith.constant 0 : i32
          %dma_start3A_108 = tpu.memref_slice %arg6[%add3A_106, %dma_start3A_107] : memref<40x128xi32, #tpu.memory_space<vmem>> -> memref<1x128xi32, #tpu.memory_space<vmem>>
          %dma_start3A_109 = tpu.memref_squeeze %dma_start3A_108 : memref<1x128xi32, #tpu.memory_space<vmem>> -> memref<128xi32, #tpu.memory_space<vmem>>
          %dma_start3A_110 = arith.constant 0 : i32
          %dma_start3A_111 = arith.constant 0 : i32
          %dma_start3A_112 = tpu.memref_slice %arg3[%add3A_21, %dma_start3A_110, %dma_start3A_111] : memref<4x10000x128xf32, #tpu.memory_space<hbm>> -> memref<1x10000x128xf32, #tpu.memory_space<hbm>>
          %dma_start3A_113 = tpu.memref_squeeze %dma_start3A_112 : memref<1x10000x128xf32, #tpu.memory_space<hbm>> -> memref<10000x128xf32, #tpu.memory_space<hbm>>
          %dma_start3A_114 = arith.constant 0 : i32
          %dma_start3A_115 = arith.constant 0 : i32
          %dma_start3A_116 = tpu.memref_slice %dma_start3A_113[%dma_start3A_114, %dma_start3A_115] : memref<10000x128xf32, #tpu.memory_space<hbm>> -> memref<10000x128xf32, #tpu.memory_space<hbm>>
          tpu.enqueue_indirect_dma source(%dma_start3A_116 : memref<10000x128xf32, #tpu.memory_space<hbm>>) target(%arg9 : memref<128x128xf32, #tpu.memory_space<vmem>>) offsets(%dma_start3A_109 : memref<128xi32, #tpu.memory_space<vmem>>) semaphore(%arg13 : memref<!tpu.dma_semaphore, #tpu.memory_space<semaphore_mem>>)
          %dma_wait3A = arith.constant 0 : i32
          %dma_wait3A_117 = tpu.memref_slice %arg6[%mul3A_95, %dma_wait3A] : memref<40x128xi32, #tpu.memory_space<vmem>> -> memref<1x128xi32, #tpu.memory_space<vmem>>
          %dma_wait3A_118 = tpu.memref_squeeze %dma_wait3A_117 : memref<1x128xi32, #tpu.memory_space<vmem>> -> memref<128xi32, #tpu.memory_space<vmem>>
          %dma_wait3A_119 = arith.constant 0 : i32
          %dma_wait3A_120 = arith.constant 0 : i32
          %dma_wait3A_121 = tpu.memref_slice %arg3[%add3A_21, %dma_wait3A_119, %dma_wait3A_120] : memref<4x10000x128xf32, #tpu.memory_space<hbm>> -> memref<1x10000x128xf32, #tpu.memory_space<hbm>>
          %dma_wait3A_122 = tpu.memref_squeeze %dma_wait3A_121 : memref<1x10000x128xf32, #tpu.memory_space<hbm>> -> memref<10000x128xf32, #tpu.memory_space<hbm>>
          %dma_wait3A_123 = arith.constant 0 : i32
          %dma_wait3A_124 = arith.constant 0 : i32
          %dma_wait3A_125 = tpu.memref_slice %dma_wait3A_122[%dma_wait3A_123, %dma_wait3A_124] : memref<10000x128xf32, #tpu.memory_space<hbm>> -> memref<10000x128xf32, #tpu.memory_space<hbm>>
          tpu.wait_indirect_dma semaphore(%arg12 : memref<!tpu.dma_semaphore, #tpu.memory_space<semaphore_mem>>) src(%dma_wait3A_125 : memref<10000x128xf32, #tpu.memory_space<hbm>>) dst(%arg8 : memref<128x128xf32, #tpu.memory_space<vmem>>)
          "tpu.region"() ({
            %run_scoped3A_138 = tpu.sem_alloc : memref<!tpu.dma_semaphore, #tpu.memory_space<semaphore_mem>>
            %dma_start3A_139 = arith.constant 0 : i32
            %dma_start3A_140 = tpu.memref_slice %arg7[%mul3A_95, %dma_start3A_139] : memref<40x128xi32, #tpu.memory_space<vmem>> -> memref<1x128xi32, #tpu.memory_space<vmem>>
            %dma_start3A_141 = tpu.memref_squeeze %dma_start3A_140 : memref<1x128xi32, #tpu.memory_space<vmem>> -> memref<128xi32, #tpu.memory_space<vmem>>
            %dma_start3A_142 = arith.constant 0 : i32
            %dma_start3A_143 = arith.constant 0 : i32
            %dma_start3A_144 = tpu.memref_slice %arg5[%dma_start3A_142, %dma_start3A_143] : memref<10008x128xf32, #tpu.memory_space<vmem_shared>> -> memref<10008x128xf32, #tpu.memory_space<vmem_shared>>
            tpu.enqueue_indirect_dma source(%arg8 : memref<128x128xf32, #tpu.memory_space<vmem>>) target(%dma_start3A_144 : memref<10008x128xf32, #tpu.memory_space<vmem_shared>>) offsets(%dma_start3A_141 : memref<128xi32, #tpu.memory_space<vmem>>) semaphore(%run_scoped3A_138 : memref<!tpu.dma_semaphore, #tpu.memory_space<semaphore_mem>>) {add = true}
            %dma_wait3A_145 = arith.constant 0 : i32
            %dma_wait3A_146 = tpu.memref_slice %arg7[%mul3A_95, %dma_wait3A_145] : memref<40x128xi32, #tpu.memory_space<vmem>> -> memref<1x128xi32, #tpu.memory_space<vmem>>
            %dma_wait3A_147 = tpu.memref_squeeze %dma_wait3A_146 : memref<1x128xi32, #tpu.memory_space<vmem>> -> memref<128xi32, #tpu.memory_space<vmem>>
            %dma_wait3A_148 = arith.constant 0 : i32
            %dma_wait3A_149 = arith.constant 0 : i32
            %dma_wait3A_150 = tpu.memref_slice %arg5[%dma_wait3A_148, %dma_wait3A_149] : memref<10008x128xf32, #tpu.memory_space<vmem_shared>> -> memref<10008x128xf32, #tpu.memory_space<vmem_shared>>
            tpu.wait_indirect_dma semaphore(%run_scoped3A_138 : memref<!tpu.dma_semaphore, #tpu.memory_space<semaphore_mem>>) src(%arg8 : memref<128x128xf32, #tpu.memory_space<vmem>>) dst(%dma_wait3A_150 : memref<10008x128xf32, #tpu.memory_space<vmem_shared>>)
            tpu.yield
          }) : () -> ()
          %dma_wait3A_126 = arith.constant 0 : i32
          %dma_wait3A_127 = tpu.memref_slice %arg6[%add3A_106, %dma_wait3A_126] : memref<40x128xi32, #tpu.memory_space<vmem>> -> memref<1x128xi32, #tpu.memory_space<vmem>>
          %dma_wait3A_128 = tpu.memref_squeeze %dma_wait3A_127 : memref<1x128xi32, #tpu.memory_space<vmem>> -> memref<128xi32, #tpu.memory_space<vmem>>
          %dma_wait3A_129 = arith.constant 0 : i32
          %dma_wait3A_130 = arith.constant 0 : i32
          %dma_wait3A_131 = tpu.memref_slice %arg3[%add3A_21, %dma_wait3A_129, %dma_wait3A_130] : memref<4x10000x128xf32, #tpu.memory_space<hbm>> -> memref<1x10000x128xf32, #tpu.memory_space<hbm>>
          %dma_wait3A_132 = tpu.memref_squeeze %dma_wait3A_131 : memref<1x10000x128xf32, #tpu.memory_space<hbm>> -> memref<10000x128xf32, #tpu.memory_space<hbm>>
          %dma_wait3A_133 = arith.constant 0 : i32
          %dma_wait3A_134 = arith.constant 0 : i32
          %dma_wait3A_135 = tpu.memref_slice %dma_wait3A_132[%dma_wait3A_133, %dma_wait3A_134] : memref<10000x128xf32, #tpu.memory_space<hbm>> -> memref<10000x128xf32, #tpu.memory_space<hbm>>
          tpu.wait_indirect_dma semaphore(%arg13 : memref<!tpu.dma_semaphore, #tpu.memory_space<semaphore_mem>>) src(%dma_wait3A_135 : memref<10000x128xf32, #tpu.memory_space<hbm>>) dst(%arg9 : memref<128x128xf32, #tpu.memory_space<vmem>>)
          %add3A_136 = arith.constant 1 : i32
          %add3A_137 = arith.addi %mul3A_95, %add3A_136 : i32
          "tpu.region"() ({
            %run_scoped3A_138 = tpu.sem_alloc : memref<!tpu.dma_semaphore, #tpu.memory_space<semaphore_mem>>
            %dma_start3A_139 = arith.constant 0 : i32
            %dma_start3A_140 = tpu.memref_slice %arg7[%add3A_137, %dma_start3A_139] : memref<40x128xi32, #tpu.memory_space<vmem>> -> memref<1x128xi32, #tpu.memory_space<vmem>>
            %dma_start3A_141 = tpu.memref_squeeze %dma_start3A_140 : memref<1x128xi32, #tpu.memory_space<vmem>> -> memref<128xi32, #tpu.memory_space<vmem>>
            %dma_start3A_142 = arith.constant 0 : i32
            %dma_start3A_143 = arith.constant 0 : i32
            %dma_start3A_144 = tpu.memref_slice %arg5[%dma_start3A_142, %dma_start3A_143] : memref<10008x128xf32, #tpu.memory_space<vmem_shared>> -> memref<10008x128xf32, #tpu.memory_space<vmem_shared>>
            tpu.enqueue_indirect_dma source(%arg9 : memref<128x128xf32, #tpu.memory_space<vmem>>) target(%dma_start3A_144 : memref<10008x128xf32, #tpu.memory_space<vmem_shared>>) offsets(%dma_start3A_141 : memref<128xi32, #tpu.memory_space<vmem>>) semaphore(%run_scoped3A_138 : memref<!tpu.dma_semaphore, #tpu.memory_space<semaphore_mem>>) {add = true}
            %dma_wait3A_145 = arith.constant 0 : i32
            %dma_wait3A_146 = tpu.memref_slice %arg7[%add3A_137, %dma_wait3A_145] : memref<40x128xi32, #tpu.memory_space<vmem>> -> memref<1x128xi32, #tpu.memory_space<vmem>>
            %dma_wait3A_147 = tpu.memref_squeeze %dma_wait3A_146 : memref<1x128xi32, #tpu.memory_space<vmem>> -> memref<128xi32, #tpu.memory_space<vmem>>
            %dma_wait3A_148 = arith.constant 0 : i32
            %dma_wait3A_149 = arith.constant 0 : i32
            %dma_wait3A_150 = tpu.memref_slice %arg5[%dma_wait3A_148, %dma_wait3A_149] : memref<10008x128xf32, #tpu.memory_space<vmem_shared>> -> memref<10008x128xf32, #tpu.memory_space<vmem_shared>>
            tpu.wait_indirect_dma semaphore(%run_scoped3A_138 : memref<!tpu.dma_semaphore, #tpu.memory_space<semaphore_mem>>) src(%arg9 : memref<128x128xf32, #tpu.memory_space<vmem>>) dst(%dma_wait3A_150 : memref<10008x128xf32, #tpu.memory_space<vmem_shared>>)
            tpu.yield
          }) : () -> ()
        }
        %while3A_92 = arith.constant 1 : i32
        scf.for %while3A_93 = %while3A_90 to %while3A_86 step %while3A_92  : i32 {
          %mul3A_94 = arith.constant 2 : i32
          %mul3A_95 = arith.muli %mul3A_94, %while3A_93 : i32
          %dma_start3A = arith.constant 0 : i32
          %dma_start3A_96 = tpu.memref_slice %arg6[%mul3A_95, %dma_start3A] : memref<40x128xi32, #tpu.memory_space<vmem>> -> memref<1x128xi32, #tpu.memory_space<vmem>>
          %dma_start3A_97 = tpu.memref_squeeze %dma_start3A_96 : memref<1x128xi32, #tpu.memory_space<vmem>> -> memref<128xi32, #tpu.memory_space<vmem>>
          %dma_start3A_98 = arith.constant 0 : i32
          %dma_start3A_99 = arith.constant 0 : i32
          %dma_start3A_100 = tpu.memref_slice %arg3[%add3A_21, %dma_start3A_98, %dma_start3A_99] : memref<4x10000x128xf32, #tpu.memory_space<hbm>> -> memref<1x10000x128xf32, #tpu.memory_space<hbm>>
          %dma_start3A_101 = tpu.memref_squeeze %dma_start3A_100 : memref<1x10000x128xf32, #tpu.memory_space<hbm>> -> memref<10000x128xf32, #tpu.memory_space<hbm>>
          %dma_start3A_102 = arith.constant 0 : i32
          %dma_start3A_103 = arith.constant 0 : i32
          %dma_start3A_104 = tpu.memref_slice %dma_start3A_101[%dma_start3A_102, %dma_start3A_103] : memref<10000x128xf32, #tpu.memory_space<hbm>> -> memref<10000x128xf32, #tpu.memory_space<hbm>>
          tpu.enqueue_indirect_dma source(%dma_start3A_104 : memref<10000x128xf32, #tpu.memory_space<hbm>>) target(%arg8 : memref<128x128xf32, #tpu.memory_space<vmem>>) offsets(%dma_start3A_97 : memref<128xi32, #tpu.memory_space<vmem>>) semaphore(%arg12 : memref<!tpu.dma_semaphore, #tpu.memory_space<semaphore_mem>>)
          %add3A_105 = arith.constant 1 : i32
          %add3A_106 = arith.addi %mul3A_95, %add3A_105 : i32
          %dma_start3A_107 = arith.constant 0 : i32
          %dma_start3A_108 = tpu.memref_slice %arg6[%add3A_106, %dma_start3A_107] : memref<40x128xi32, #tpu.memory_space<vmem>> -> memref<1x128xi32, #tpu.memory_space<vmem>>
          %dma_start3A_109 = tpu.memref_squeeze %dma_start3A_108 : memref<1x128xi32, #tpu.memory_space<vmem>> -> memref<128xi32, #tpu.memory_space<vmem>>
          %dma_start3A_110 = arith.constant 0 : i32
          %dma_start3A_111 = arith.constant 0 : i32
          %dma_start3A_112 = tpu.memref_slice %arg3[%add3A_21, %dma_start3A_110, %dma_start3A_111] : memref<4x10000x128xf32, #tpu.memory_space<hbm>> -> memref<1x10000x128xf32, #tpu.memory_space<hbm>>
          %dma_start3A_113 = tpu.memref_squeeze %dma_start3A_112 : memref<1x10000x128xf32, #tpu.memory_space<hbm>> -> memref<10000x128xf32, #tpu.memory_space<hbm>>
          %dma_start3A_114 = arith.constant 0 : i32
          %dma_start3A_115 = arith.constant 0 : i32
          %dma_start3A_116 = tpu.memref_slice %dma_start3A_113[%dma_start3A_114, %dma_start3A_115] : memref<10000x128xf32, #tpu.memory_space<hbm>> -> memref<10000x128xf32, #tpu.memory_space<hbm>>
          tpu.enqueue_indirect_dma source(%dma_start3A_116 : memref<10000x128xf32, #tpu.memory_space<hbm>>) target(%arg9 : memref<128x128xf32, #tpu.memory_space<vmem>>) offsets(%dma_start3A_109 : memref<128xi32, #tpu.memory_space<vmem>>) semaphore(%arg13 : memref<!tpu.dma_semaphore, #tpu.memory_space<semaphore_mem>>)
          %dma_wait3A = arith.constant 0 : i32
          %dma_wait3A_117 = tpu.memref_slice %arg6[%mul3A_95, %dma_wait3A] : memref<40x128xi32, #tpu.memory_space<vmem>> -> memref<1x128xi32, #tpu.memory_space<vmem>>
          %dma_wait3A_118 = tpu.memref_squeeze %dma_wait3A_117 : memref<1x128xi32, #tpu.memory_space<vmem>> -> memref<128xi32, #tpu.memory_space<vmem>>
          %dma_wait3A_119 = arith.constant 0 : i32
          %dma_wait3A_120 = arith.constant 0 : i32
          %dma_wait3A_121 = tpu.memref_slice %arg3[%add3A_21, %dma_wait3A_119, %dma_wait3A_120] : memref<4x10000x128xf32, #tpu.memory_space<hbm>> -> memref<1x10000x128xf32, #tpu.memory_space<hbm>>
          %dma_wait3A_122 = tpu.memref_squeeze %dma_wait3A_121 : memref<1x10000x128xf32, #tpu.memory_space<hbm>> -> memref<10000x128xf32, #tpu.memory_space<hbm>>
          %dma_wait3A_123 = arith.constant 0 : i32
          %dma_wait3A_124 = arith.constant 0 : i32
          %dma_wait3A_125 = tpu.memref_slice %dma_wait3A_122[%dma_wait3A_123, %dma_wait3A_124] : memref<10000x128xf32, #tpu.memory_space<hbm>> -> memref<10000x128xf32, #tpu.memory_space<hbm>>
          tpu.wait_indirect_dma semaphore(%arg12 : memref<!tpu.dma_semaphore, #tpu.memory_space<semaphore_mem>>) src(%dma_wait3A_125 : memref<10000x128xf32, #tpu.memory_space<hbm>>) dst(%arg8 : memref<128x128xf32, #tpu.memory_space<vmem>>)
          "tpu.region"() ({
            %run_scoped3A_138 = tpu.sem_alloc : memref<!tpu.dma_semaphore, #tpu.memory_space<semaphore_mem>>
            %dma_start3A_139 = arith.constant 0 : i32
            %dma_start3A_140 = tpu.memref_slice %arg7[%mul3A_95, %dma_start3A_139] : memref<40x128xi32, #tpu.memory_space<vmem>> -> memref<1x128xi32, #tpu.memory_space<vmem>>
            %dma_start3A_141 = tpu.memref_squeeze %dma_start3A_140 : memref<1x128xi32, #tpu.memory_space<vmem>> -> memref<128xi32, #tpu.memory_space<vmem>>
            %dma_start3A_142 = arith.constant 0 : i32
            %dma_start3A_143 = arith.constant 0 : i32
            %dma_start3A_144 = tpu.memref_slice %arg5[%dma_start3A_142, %dma_start3A_143] : memref<10008x128xf32, #tpu.memory_space<vmem_shared>> -> memref<10008x128xf32, #tpu.memory_space<vmem_shared>>
            tpu.enqueue_indirect_dma source(%arg8 : memref<128x128xf32, #tpu.memory_space<vmem>>) target(%dma_start3A_144 : memref<10008x128xf32, #tpu.memory_space<vmem_shared>>) offsets(%dma_start3A_141 : memref<128xi32, #tpu.memory_space<vmem>>) semaphore(%run_scoped3A_138 : memref<!tpu.dma_semaphore, #tpu.memory_space<semaphore_mem>>) {add = true}
            %dma_wait3A_145 = arith.constant 0 : i32
            %dma_wait3A_146 = tpu.memref_slice %arg7[%mul3A_95, %dma_wait3A_145] : memref<40x128xi32, #tpu.memory_space<vmem>> -> memref<1x128xi32, #tpu.memory_space<vmem>>
            %dma_wait3A_147 = tpu.memref_squeeze %dma_wait3A_146 : memref<1x128xi32, #tpu.memory_space<vmem>> -> memref<128xi32, #tpu.memory_space<vmem>>
            %dma_wait3A_148 = arith.constant 0 : i32
            %dma_wait3A_149 = arith.constant 0 : i32
            %dma_wait3A_150 = tpu.memref_slice %arg5[%dma_wait3A_148, %dma_wait3A_149] : memref<10008x128xf32, #tpu.memory_space<vmem_shared>> -> memref<10008x128xf32, #tpu.memory_space<vmem_shared>>
            tpu.wait_indirect_dma semaphore(%run_scoped3A_138 : memref<!tpu.dma_semaphore, #tpu.memory_space<semaphore_mem>>) src(%arg8 : memref<128x128xf32, #tpu.memory_space<vmem>>) dst(%dma_wait3A_150 : memref<10008x128xf32, #tpu.memory_space<vmem_shared>>)
            tpu.yield
          }) : () -> ()
          %dma_wait3A_126 = arith.constant 0 : i32
          %dma_wait3A_127 = tpu.memref_slice %arg6[%add3A_106, %dma_wait3A_126] : memref<40x128xi32, #tpu.memory_space<vmem>> -> memref<1x128xi32, #tpu.memory_space<vmem>>
          %dma_wait3A_128 = tpu.memref_squeeze %dma_wait3A_127 : memref<1x128xi32, #tpu.memory_space<vmem>> -> memref<128xi32, #tpu.memory_space<vmem>>
          %dma_wait3A_129 = arith.constant 0 : i32
          %dma_wait3A_130 = arith.constant 0 : i32
          %dma_wait3A_131 = tpu.memref_slice %arg3[%add3A_21, %dma_wait3A_129, %dma_wait3A_130] : memref<4x10000x128xf32, #tpu.memory_space<hbm>> -> memref<1x10000x128xf32, #tpu.memory_space<hbm>>
          %dma_wait3A_132 = tpu.memref_squeeze %dma_wait3A_131 : memref<1x10000x128xf32, #tpu.memory_space<hbm>> -> memref<10000x128xf32, #tpu.memory_space<hbm>>
          %dma_wait3A_133 = arith.constant 0 : i32
          %dma_wait3A_134 = arith.constant 0 : i32
          %dma_wait3A_135 = tpu.memref_slice %dma_wait3A_132[%dma_wait3A_133, %dma_wait3A_134] : memref<10000x128xf32, #tpu.memory_space<hbm>> -> memref<10000x128xf32, #tpu.memory_space<hbm>>
          tpu.wait_indirect_dma semaphore(%arg13 : memref<!tpu.dma_semaphore, #tpu.memory_space<semaphore_mem>>) src(%dma_wait3A_135 : memref<10000x128xf32, #tpu.memory_space<hbm>>) dst(%arg9 : memref<128x128xf32, #tpu.memory_space<vmem>>)
          %add3A_136 = arith.constant 1 : i32
          %add3A_137 = arith.addi %mul3A_95, %add3A_136 : i32
          "tpu.region"() ({
            %run_scoped3A_138 = tpu.sem_alloc : memref<!tpu.dma_semaphore, #tpu.memory_space<semaphore_mem>>
            %dma_start3A_139 = arith.constant 0 : i32
            %dma_start3A_140 = tpu.memref_slice %arg7[%add3A_137, %dma_start3A_139] : memref<40x128xi32, #tpu.memory_space<vmem>> -> memref<1x128xi32, #tpu.memory_space<vmem>>
            %dma_start3A_141 = tpu.memref_squeeze %dma_start3A_140 : memref<1x128xi32, #tpu.memory_space<vmem>> -> memref<128xi32, #tpu.memory_space<vmem>>
            %dma_start3A_142 = arith.constant 0 : i32
            %dma_start3A_143 = arith.constant 0 : i32
            %dma_start3A_144 = tpu.memref_slice %arg5[%dma_start3A_142, %dma_start3A_143] : memref<10008x128xf32, #tpu.memory_space<vmem_shared>> -> memref<10008x128xf32, #tpu.memory_space<vmem_shared>>
            tpu.enqueue_indirect_dma source(%arg9 : memref<128x128xf32, #tpu.memory_space<vmem>>) target(%dma_start3A_144 : memref<10008x128xf32, #tpu.memory_space<vmem_shared>>) offsets(%dma_start3A_141 : memref<128xi32, #tpu.memory_space<vmem>>) semaphore(%run_scoped3A_138 : memref<!tpu.dma_semaphore, #tpu.memory_space<semaphore_mem>>) {add = true}
            %dma_wait3A_145 = arith.constant 0 : i32
            %dma_wait3A_146 = tpu.memref_slice %arg7[%add3A_137, %dma_wait3A_145] : memref<40x128xi32, #tpu.memory_space<vmem>> -> memref<1x128xi32, #tpu.memory_space<vmem>>
            %dma_wait3A_147 = tpu.memref_squeeze %dma_wait3A_146 : memref<1x128xi32, #tpu.memory_space<vmem>> -> memref<128xi32, #tpu.memory_space<vmem>>
            %dma_wait3A_148 = arith.constant 0 : i32
            %dma_wait3A_149 = arith.constant 0 : i32
            %dma_wait3A_150 = tpu.memref_slice %arg5[%dma_wait3A_148, %dma_wait3A_149] : memref<10008x128xf32, #tpu.memory_space<vmem_shared>> -> memref<10008x128xf32, #tpu.memory_space<vmem_shared>>
            tpu.wait_indirect_dma semaphore(%run_scoped3A_138 : memref<!tpu.dma_semaphore, #tpu.memory_space<semaphore_mem>>) src(%arg9 : memref<128x128xf32, #tpu.memory_space<vmem>>) dst(%dma_wait3A_150 : memref<10008x128xf32, #tpu.memory_space<vmem_shared>>)
            tpu.yield
          }) : () -> ()
        }
      }
      %scan3A_36 = arith.constant 2 : i32
      %barrier3A_37 = arith.constant 0 : index
      tpu.barrier barrier_id(%barrier3A_37)
      %while3A_38 = arith.constant 0 : i32
      %while3A_39 = arith.constant 0 : i32
      %while3A_40 = arith.subi %select_n3A, %while3A_39 : i32
      %while3A_41 = arith.addi %while3A_39, %while3A_40 : i32
      %while3A_42 = arith.constant 1 : i32
      %while3A_43 = arith.divsi %while3A_40, %while3A_42 : i32
      %while3A_44 = arith.muli %while3A_43, %while3A_42 : i32
      %while3A_45 = arith.addi %while3A_39, %while3A_44 : i32
      %while3A_46 = arith.constant 1 : i32
      scf.for %while3A_49 = %while3A_39 to %while3A_45 step %while3A_46  : i32 {
        %mul3A_50 = arith.constant 16 : i32
        %mul3A_51 = arith.muli %mul3A_50, %while3A_49 : i32
        %add3A_52 = arith.addi %mul3A_11, %mul3A_51 : i32
        "tpu.region"() ({
          %run_scoped3A = tpu.sem_alloc : memref<!tpu.dma_semaphore, #tpu.memory_space<semaphore_mem>>
          %dma_start3A = arith.constant 0 : i32
          %dma_start3A_53 = tpu.memref_slice %arg5[%add3A_52, %dma_start3A] : memref<10008x128xf32, #tpu.memory_space<vmem_shared>> -> memref<16x128xf32, #tpu.memory_space<vmem_shared>>
          %dma_start3A_54 = arith.constant 0 : i32
          %dma_start3A_55 = tpu.memref_slice %arg5[%add3A_52, %dma_start3A_54] : memref<10008x128xf32, #tpu.memory_space<vmem_shared>> -> memref<16x128xf32, #tpu.memory_space<vmem_shared>>
          tpu.enqueue_dma source(%dma_start3A_55 : memref<16x128xf32, #tpu.memory_space<vmem_shared>>) target(%arg10 : memref<16x128xf32, #tpu.memory_space<vmem>>) target_semaphore(%run_scoped3A : memref<!tpu.dma_semaphore, #tpu.memory_space<semaphore_mem>>)
          %dma_wait3A = arith.constant 0 : i32
          %dma_wait3A_56 = tpu.memref_slice %arg5[%add3A_52, %dma_wait3A] : memref<10008x128xf32, #tpu.memory_space<vmem_shared>> -> memref<16x128xf32, #tpu.memory_space<vmem_shared>>
          %dma_wait3A_57 = arith.constant 0 : i32
          %dma_wait3A_58 = tpu.memref_slice %arg5[%add3A_52, %dma_wait3A_57] : memref<10008x128xf32, #tpu.memory_space<vmem_shared>> -> memref<16x128xf32, #tpu.memory_space<vmem_shared>>
          tpu.wait_dma2 semaphore(%run_scoped3A : memref<!tpu.dma_semaphore, #tpu.memory_space<semaphore_mem>>) src(%dma_wait3A_58 : memref<16x128xf32, #tpu.memory_space<vmem_shared>>) dst(%arg10 : memref<16x128xf32, #tpu.memory_space<vmem>>)
          tpu.yield
        }) : () -> ()
        "tpu.region"() ({
          %run_scoped3A = tpu.sem_alloc : memref<!tpu.dma_semaphore, #tpu.memory_space<semaphore_mem>>
          %dma_start3A = arith.constant 0 : i32
          %dma_start3A_53 = arith.constant 0 : i32
          %dma_start3A_54 = tpu.memref_slice %arg4[%add3A_21, %dma_start3A, %dma_start3A_53] : memref<4x10000x128xf32, #tpu.memory_space<hbm>> -> memref<1x10000x128xf32, #tpu.memory_space<hbm>>
          %dma_start3A_55 = tpu.memref_squeeze %dma_start3A_54 : memref<1x10000x128xf32, #tpu.memory_space<hbm>> -> memref<10000x128xf32, #tpu.memory_space<hbm>>
          %dma_start3A_56 = arith.constant 0 : i32
          %dma_start3A_57 = tpu.memref_slice %dma_start3A_55[%add3A_52, %dma_start3A_56] : memref<10000x128xf32, #tpu.memory_space<hbm>> -> memref<16x128xf32, #tpu.memory_space<hbm>>
          %dma_start3A_58 = arith.constant 0 : i32
          %dma_start3A_59 = arith.constant 0 : i32
          %dma_start3A_60 = tpu.memref_slice %arg4[%add3A_21, %dma_start3A_58, %dma_start3A_59] : memref<4x10000x128xf32, #tpu.memory_space<hbm>> -> memref<1x10000x128xf32, #tpu.memory_space<hbm>>
          %dma_start3A_61 = tpu.memref_squeeze %dma_start3A_60 : memref<1x10000x128xf32, #tpu.memory_space<hbm>> -> memref<10000x128xf32, #tpu.memory_space<hbm>>
          %dma_start3A_62 = arith.constant 0 : i32
          %dma_start3A_63 = tpu.memref_slice %dma_start3A_61[%add3A_52, %dma_start3A_62] : memref<10000x128xf32, #tpu.memory_space<hbm>> -> memref<16x128xf32, #tpu.memory_space<hbm>>
          tpu.enqueue_dma source(%arg10 : memref<16x128xf32, #tpu.memory_space<vmem>>) target(%dma_start3A_63 : memref<16x128xf32, #tpu.memory_space<hbm>>) target_semaphore(%run_scoped3A : memref<!tpu.dma_semaphore, #tpu.memory_space<semaphore_mem>>)
          %dma_wait3A = arith.constant 0 : i32
          %dma_wait3A_64 = arith.constant 0 : i32
          %dma_wait3A_65 = tpu.memref_slice %arg4[%add3A_21, %dma_wait3A, %dma_wait3A_64] : memref<4x10000x128xf32, #tpu.memory_space<hbm>> -> memref<1x10000x128xf32, #tpu.memory_space<hbm>>
          %dma_wait3A_66 = tpu.memref_squeeze %dma_wait3A_65 : memref<1x10000x128xf32, #tpu.memory_space<hbm>> -> memref<10000x128xf32, #tpu.memory_space<hbm>>
          %dma_wait3A_67 = arith.constant 0 : i32
          %dma_wait3A_68 = tpu.memref_slice %dma_wait3A_66[%add3A_52, %dma_wait3A_67] : memref<10000x128xf32, #tpu.memory_space<hbm>> -> memref<16x128xf32, #tpu.memory_space<hbm>>
          %dma_wait3A_69 = arith.constant 0 : i32
          %dma_wait3A_70 = arith.constant 0 : i32
          %dma_wait3A_71 = tpu.memref_slice %arg4[%add3A_21, %dma_wait3A_69, %dma_wait3A_70] : memref<4x10000x128xf32, #tpu.memory_space<hbm>> -> memref<1x10000x128xf32, #tpu.memory_space<hbm>>
          %dma_wait3A_72 = tpu.memref_squeeze %dma_wait3A_71 : memref<1x10000x128xf32, #tpu.memory_space<hbm>> -> memref<10000x128xf32, #tpu.memory_space<hbm>>
          %dma_wait3A_73 = arith.constant 0 : i32
          %dma_wait3A_74 = tpu.memref_slice %dma_wait3A_72[%add3A_52, %dma_wait3A_73] : memref<10000x128xf32, #tpu.memory_space<hbm>> -> memref<16x128xf32, #tpu.memory_space<hbm>>
          tpu.wait_dma2 semaphore(%run_scoped3A : memref<!tpu.dma_semaphore, #tpu.memory_space<semaphore_mem>>) src(%arg10 : memref<16x128xf32, #tpu.memory_space<vmem>>) dst(%dma_wait3A_74 : memref<16x128xf32, #tpu.memory_space<hbm>>)
          tpu.yield
        }) : () -> ()
      }
      %while3A_47 = arith.constant 1 : i32
      scf.for %while3A_49 = %while3A_45 to %while3A_41 step %while3A_47  : i32 {
        %mul3A_50 = arith.constant 16 : i32
        %mul3A_51 = arith.muli %mul3A_50, %while3A_49 : i32
        %add3A_52 = arith.addi %mul3A_11, %mul3A_51 : i32
        "tpu.region"() ({
          %run_scoped3A = tpu.sem_alloc : memref<!tpu.dma_semaphore, #tpu.memory_space<semaphore_mem>>
          %dma_start3A = arith.constant 0 : i32
          %dma_start3A_53 = tpu.memref_slice %arg5[%add3A_52, %dma_start3A] : memref<10008x128xf32, #tpu.memory_space<vmem_shared>> -> memref<16x128xf32, #tpu.memory_space<vmem_shared>>
          %dma_start3A_54 = arith.constant 0 : i32
          %dma_start3A_55 = tpu.memref_slice %arg5[%add3A_52, %dma_start3A_54] : memref<10008x128xf32, #tpu.memory_space<vmem_shared>> -> memref<16x128xf32, #tpu.memory_space<vmem_shared>>
          tpu.enqueue_dma source(%dma_start3A_55 : memref<16x128xf32, #tpu.memory_space<vmem_shared>>) target(%arg10 : memref<16x128xf32, #tpu.memory_space<vmem>>) target_semaphore(%run_scoped3A : memref<!tpu.dma_semaphore, #tpu.memory_space<semaphore_mem>>)
          %dma_wait3A = arith.constant 0 : i32
          %dma_wait3A_56 = tpu.memref_slice %arg5[%add3A_52, %dma_wait3A] : memref<10008x128xf32, #tpu.memory_space<vmem_shared>> -> memref<16x128xf32, #tpu.memory_space<vmem_shared>>
          %dma_wait3A_57 = arith.constant 0 : i32
          %dma_wait3A_58 = tpu.memref_slice %arg5[%add3A_52, %dma_wait3A_57] : memref<10008x128xf32, #tpu.memory_space<vmem_shared>> -> memref<16x128xf32, #tpu.memory_space<vmem_shared>>
          tpu.wait_dma2 semaphore(%run_scoped3A : memref<!tpu.dma_semaphore, #tpu.memory_space<semaphore_mem>>) src(%dma_wait3A_58 : memref<16x128xf32, #tpu.memory_space<vmem_shared>>) dst(%arg10 : memref<16x128xf32, #tpu.memory_space<vmem>>)
          tpu.yield
        }) : () -> ()
        "tpu.region"() ({
          %run_scoped3A = tpu.sem_alloc : memref<!tpu.dma_semaphore, #tpu.memory_space<semaphore_mem>>
          %dma_start3A = arith.constant 0 : i32
          %dma_start3A_53 = arith.constant 0 : i32
          %dma_start3A_54 = tpu.memref_slice %arg4[%add3A_21, %dma_start3A, %dma_start3A_53] : memref<4x10000x128xf32, #tpu.memory_space<hbm>> -> memref<1x10000x128xf32, #tpu.memory_space<hbm>>
          %dma_start3A_55 = tpu.memref_squeeze %dma_start3A_54 : memref<1x10000x128xf32, #tpu.memory_space<hbm>> -> memref<10000x128xf32, #tpu.memory_space<hbm>>
          %dma_start3A_56 = arith.constant 0 : i32
          %dma_start3A_57 = tpu.memref_slice %dma_start3A_55[%add3A_52, %dma_start3A_56] : memref<10000x128xf32, #tpu.memory_space<hbm>> -> memref<16x128xf32, #tpu.memory_space<hbm>>
          %dma_start3A_58 = arith.constant 0 : i32
          %dma_start3A_59 = arith.constant 0 : i32
          %dma_start3A_60 = tpu.memref_slice %arg4[%add3A_21, %dma_start3A_58, %dma_start3A_59] : memref<4x10000x128xf32, #tpu.memory_space<hbm>> -> memref<1x10000x128xf32, #tpu.memory_space<hbm>>
          %dma_start3A_61 = tpu.memref_squeeze %dma_start3A_60 : memref<1x10000x128xf32, #tpu.memory_space<hbm>> -> memref<10000x128xf32, #tpu.memory_space<hbm>>
          %dma_start3A_62 = arith.constant 0 : i32
          %dma_start3A_63 = tpu.memref_slice %dma_start3A_61[%add3A_52, %dma_start3A_62] : memref<10000x128xf32, #tpu.memory_space<hbm>> -> memref<16x128xf32, #tpu.memory_space<hbm>>
          tpu.enqueue_dma source(%arg10 : memref<16x128xf32, #tpu.memory_space<vmem>>) target(%dma_start3A_63 : memref<16x128xf32, #tpu.memory_space<hbm>>) target_semaphore(%run_scoped3A : memref<!tpu.dma_semaphore, #tpu.memory_space<semaphore_mem>>)
          %dma_wait3A = arith.constant 0 : i32
          %dma_wait3A_64 = arith.constant 0 : i32
          %dma_wait3A_65 = tpu.memref_slice %arg4[%add3A_21, %dma_wait3A, %dma_wait3A_64] : memref<4x10000x128xf32, #tpu.memory_space<hbm>> -> memref<1x10000x128xf32, #tpu.memory_space<hbm>>
          %dma_wait3A_66 = tpu.memref_squeeze %dma_wait3A_65 : memref<1x10000x128xf32, #tpu.memory_space<hbm>> -> memref<10000x128xf32, #tpu.memory_space<hbm>>
          %dma_wait3A_67 = arith.constant 0 : i32
          %dma_wait3A_68 = tpu.memref_slice %dma_wait3A_66[%add3A_52, %dma_wait3A_67] : memref<10000x128xf32, #tpu.memory_space<hbm>> -> memref<16x128xf32, #tpu.memory_space<hbm>>
          %dma_wait3A_69 = arith.constant 0 : i32
          %dma_wait3A_70 = arith.constant 0 : i32
          %dma_wait3A_71 = tpu.memref_slice %arg4[%add3A_21, %dma_wait3A_69, %dma_wait3A_70] : memref<4x10000x128xf32, #tpu.memory_space<hbm>> -> memref<1x10000x128xf32, #tpu.memory_space<hbm>>
          %dma_wait3A_72 = tpu.memref_squeeze %dma_wait3A_71 : memref<1x10000x128xf32, #tpu.memory_space<hbm>> -> memref<10000x128xf32, #tpu.memory_space<hbm>>
          %dma_wait3A_73 = arith.constant 0 : i32
          %dma_wait3A_74 = tpu.memref_slice %dma_wait3A_72[%add3A_52, %dma_wait3A_73] : memref<10000x128xf32, #tpu.memory_space<hbm>> -> memref<16x128xf32, #tpu.memory_space<hbm>>
          tpu.wait_dma2 semaphore(%run_scoped3A : memref<!tpu.dma_semaphore, #tpu.memory_space<semaphore_mem>>) src(%arg10 : memref<16x128xf32, #tpu.memory_space<vmem>>) dst(%dma_wait3A_74 : memref<16x128xf32, #tpu.memory_space<hbm>>)
          tpu.yield
        }) : () -> ()
      }
      %barrier3A_48 = arith.constant 0 : index
      tpu.barrier barrier_id(%barrier3A_48)
    }
    %scan3A_17 = arith.constant 2 : i32
    return
  }
}

#map = affine_map<(d0, d1) -> (0, 0, 0)>
module attributes {stable_mosaic.version = 14 : i64} {
  func.func @body(%arg0: i32, %arg1: i32, %arg2: memref<2x1280x128xi32, #tpu.memory_space<hbm>>, %arg3: memref<4x10000x128xf32, #tpu.memory_space<hbm>>, %arg4: memref<4x10000x128xf32, #tpu.memory_space<hbm>>, %arg5: memref<10008x128xf32, #tpu.memory_space<vmem_shared>>, %arg6: memref<40x128xi32, #tpu.memory_space<vmem>>, %arg7: memref<40x128xi32, #tpu.memory_space<vmem>>, %arg8: memref<128x128xf32, #tpu.memory_space<vmem>>, %arg9: memref<128x128xf32, #tpu.memory_space<vmem>>, %arg10: memref<16x128xf32, #tpu.memory_space<vmem>>, %arg11: memref<16x128xf32, #tpu.memory_space<vmem>>, %arg12: memref<!tpu.dma_semaphore, #tpu.memory_space<semaphore_mem>>, %arg13: memref<!tpu.dma_semaphore, #tpu.memory_space<semaphore_mem>>) attributes {dimension_semantics = [#tpu.dimension_semantics<core_parallel>, #tpu.dimension_semantics<subcore_parallel>], iteration_bounds = array<i64: 2, 16>, scalar_prefetch = 0 : i64, scratch_operands = 9 : i64, tpu.core_type = #tpu.core_type<sc_vector_subcore>, window_params = [{transform_indices = #map}, {transform_indices = #map}, {transform_indices = #map}]} {
    %broadcast_in_dim3A = arith.constant 0.000000e+00 : f32
    %broadcast_in_dim3A_0 = vector.broadcast %broadcast_in_dim3A : f32 to vector<16xf32>
    %scan3A = arith.constant 0 : i32
    %scan3A_1 = arith.constant 0 : i32
    %scan3A_2 = arith.constant 16 : i32
    %scan3A_3 = arith.addi %scan3A_1, %scan3A_2 : i32
    %scan3A_4 = arith.constant 1 : i32
    scf.for %scan3A_18 = %scan3A_1 to %scan3A_3 step %scan3A_4  : i32 {
      %swap3A = arith.index_cast %scan3A_18 : i32 to index
      %swap3A_19 = arith.constant 0 : index
      %swap3A_20 = tpu.vector_load %arg11[%swap3A, %swap3A_19] {strides = array<i32>} : memref<16x128xf32, #tpu.memory_space<vmem>>, vector<1x16xf32>,
      %swap3A_21 = vector.shape_cast %swap3A_20 : vector<1x16xf32> to vector<16xf32>
      %swap3A_22 = vector.shape_cast %broadcast_in_dim3A_0 : vector<16xf32> to vector<1x16xf32>
      tpu.vector_store %arg11[%swap3A, %swap3A_19], %swap3A_22 {strides = array<i32>} : memref<16x128xf32, #tpu.memory_space<vmem>>, vector<1x16xf32>,
      %swap3A_23 = arith.index_cast %scan3A_18 : i32 to index
      %swap3A_24 = arith.constant 16 : index
      %swap3A_25 = tpu.vector_load %arg11[%swap3A_23, %swap3A_24] {strides = array<i32>} : memref<16x128xf32, #tpu.memory_space<vmem>>, vector<1x16xf32>,
      %swap3A_26 = vector.shape_cast %swap3A_25 : vector<1x16xf32> to vector<16xf32>
      %swap3A_27 = vector.shape_cast %broadcast_in_dim3A_0 : vector<16xf32> to vector<1x16xf32>
      tpu.vector_store %arg11[%swap3A_23, %swap3A_24], %swap3A_27 {strides = array<i32>} : memref<16x128xf32, #tpu.memory_space<vmem>>, vector<1x16xf32>,
      %swap3A_28 = arith.index_cast %scan3A_18 : i32 to index
      %swap3A_29 = arith.constant 32 : index
      %swap3A_30 = tpu.vector_load %arg11[%swap3A_28, %swap3A_29] {strides = array<i32>} : memref<16x128xf32, #tpu.memory_space<vmem>>, vector<1x16xf32>,
      %swap3A_31 = vector.shape_cast %swap3A_30 : vector<1x16xf32> to vector<16xf32>
      %swap3A_32 = vector.shape_cast %broadcast_in_dim3A_0 : vector<16xf32> to vector<1x16xf32>
      tpu.vector_store %arg11[%swap3A_28, %swap3A_29], %swap3A_32 {strides = array<i32>} : memref<16x128xf32, #tpu.memory_space<vmem>>, vector<1x16xf32>,
      %swap3A_33 = arith.index_cast %scan3A_18 : i32 to index
      %swap3A_34 = arith.constant 48 : index
      %swap3A_35 = tpu.vector_load %arg11[%swap3A_33, %swap3A_34] {strides = array<i32>} : memref<16x128xf32, #tpu.memory_space<vmem>>, vector<1x16xf32>,
      %swap3A_36 = vector.shape_cast %swap3A_35 : vector<1x16xf32> to vector<16xf32>
      %swap3A_37 = vector.shape_cast %broadcast_in_dim3A_0 : vector<16xf32> to vector<1x16xf32>
      tpu.vector_store %arg11[%swap3A_33, %swap3A_34], %swap3A_37 {strides = array<i32>} : memref<16x128xf32, #tpu.memory_space<vmem>>, vector<1x16xf32>,
      %swap3A_38 = arith.index_cast %scan3A_18 : i32 to index
      %swap3A_39 = arith.constant 64 : index
      %swap3A_40 = tpu.vector_load %arg11[%swap3A_38, %swap3A_39] {strides = array<i32>} : memref<16x128xf32, #tpu.memory_space<vmem>>, vector<1x16xf32>,
      %swap3A_41 = vector.shape_cast %swap3A_40 : vector<1x16xf32> to vector<16xf32>
      %swap3A_42 = vector.shape_cast %broadcast_in_dim3A_0 : vector<16xf32> to vector<1x16xf32>
      tpu.vector_store %arg11[%swap3A_38, %swap3A_39], %swap3A_42 {strides = array<i32>} : memref<16x128xf32, #tpu.memory_space<vmem>>, vector<1x16xf32>,
      %swap3A_43 = arith.index_cast %scan3A_18 : i32 to index
      %swap3A_44 = arith.constant 80 : index
      %swap3A_45 = tpu.vector_load %arg11[%swap3A_43, %swap3A_44] {strides = array<i32>} : memref<16x128xf32, #tpu.memory_space<vmem>>, vector<1x16xf32>,
      %swap3A_46 = vector.shape_cast %swap3A_45 : vector<1x16xf32> to vector<16xf32>
      %swap3A_47 = vector.shape_cast %broadcast_in_dim3A_0 : vector<16xf32> to vector<1x16xf32>
      tpu.vector_store %arg11[%swap3A_43, %swap3A_44], %swap3A_47 {strides = array<i32>} : memref<16x128xf32, #tpu.memory_space<vmem>>, vector<1x16xf32>,
      %swap3A_48 = arith.index_cast %scan3A_18 : i32 to index
      %swap3A_49 = arith.constant 96 : index
      %swap3A_50 = tpu.vector_load %arg11[%swap3A_48, %swap3A_49] {strides = array<i32>} : memref<16x128xf32, #tpu.memory_space<vmem>>, vector<1x16xf32>,
      %swap3A_51 = vector.shape_cast %swap3A_50 : vector<1x16xf32> to vector<16xf32>
      %swap3A_52 = vector.shape_cast %broadcast_in_dim3A_0 : vector<16xf32> to vector<1x16xf32>
      tpu.vector_store %arg11[%swap3A_48, %swap3A_49], %swap3A_52 {strides = array<i32>} : memref<16x128xf32, #tpu.memory_space<vmem>>, vector<1x16xf32>,
      %swap3A_53 = arith.index_cast %scan3A_18 : i32 to index
      %swap3A_54 = arith.constant 112 : index
      %swap3A_55 = tpu.vector_load %arg11[%swap3A_53, %swap3A_54] {strides = array<i32>} : memref<16x128xf32, #tpu.memory_space<vmem>>, vector<1x16xf32>,
      %swap3A_56 = vector.shape_cast %swap3A_55 : vector<1x16xf32> to vector<16xf32>
      %swap3A_57 = vector.shape_cast %broadcast_in_dim3A_0 : vector<16xf32> to vector<1x16xf32>
      tpu.vector_store %arg11[%swap3A_53, %swap3A_54], %swap3A_57 {strides = array<i32>} : memref<16x128xf32, #tpu.memory_space<vmem>>, vector<1x16xf32>,
    }
    %scan3A_5 = arith.constant 16 : i32
    %eq3A = arith.constant 0 : i32
    %eq3A_6 = arith.cmpi eq, %arg1, %eq3A : i32
    %jit3A = arith.constant 40 : i32
    %jit3A_7 = arith.constant 39 : i32
    %select_n3A = arith.select %eq3A_6, %jit3A, %jit3A_7 : i32
    %mul3A = arith.constant 39 : i32
    %mul3A_8 = arith.muli %mul3A, %arg1 : i32
    %min3A = arith.constant 1 : i32
    %min3A_9 = arith.minsi %arg1, %min3A : i32
    %add3A = arith.addi %mul3A_8, %min3A_9 : i32
    %mul3A_10 = arith.constant 16 : i32
    %mul3A_11 = arith.muli %mul3A_10, %add3A : i32
    %scan3A_12 = arith.constant 0 : i32
    %scan3A_13 = arith.constant 0 : i32
    %scan3A_14 = arith.constant 2 : i32
    %scan3A_15 = arith.addi %scan3A_13, %scan3A_14 : i32
    %scan3A_16 = arith.constant 1 : i32
    scf.for %scan3A_18 = %scan3A_13 to %scan3A_15 step %scan3A_16  : i32 {
      %mul3A_19 = arith.constant 2 : i32
      %mul3A_20 = arith.muli %arg0, %mul3A_19 : i32
      %add3A_21 = arith.addi %mul3A_20, %scan3A_18 : i32
      %while3A = arith.constant 0 : i32
      %while3A_22 = arith.constant 0 : i32
      %while3A_23 = arith.subi %select_n3A, %while3A_22 : i32
      %while3A_24 = arith.addi %while3A_22, %while3A_23 : i32
      %while3A_25 = arith.constant 1 : i32
      %while3A_26 = arith.divsi %while3A_23, %while3A_25 : i32
      %while3A_27 = arith.muli %while3A_26, %while3A_25 : i32
      %while3A_28 = arith.addi %while3A_22, %while3A_27 : i32
      %while3A_29 = arith.constant 1 : i32
      scf.for %while3A_49 = %while3A_22 to %while3A_28 step %while3A_29  : i32 {
        %mul3A_50 = arith.constant 16 : i32
        %mul3A_51 = arith.muli %mul3A_50, %while3A_49 : i32
        %add3A_52 = arith.addi %mul3A_11, %mul3A_51 : i32
        "tpu.region"() ({
          %run_scoped3A = tpu.sem_alloc : memref<!tpu.dma_semaphore, #tpu.memory_space<semaphore_mem>>
          %dma_start3A = arith.constant 0 : i32
          %dma_start3A_53 = tpu.memref_slice %arg5[%add3A_52, %dma_start3A] : memref<10008x128xf32, #tpu.memory_space<vmem_shared>> -> memref<16x128xf32, #tpu.memory_space<vmem_shared>>
          %dma_start3A_54 = arith.constant 0 : i32
          %dma_start3A_55 = tpu.memref_slice %arg5[%add3A_52, %dma_start3A_54] : memref<10008x128xf32, #tpu.memory_space<vmem_shared>> -> memref<16x128xf32, #tpu.memory_space<vmem_shared>>
          tpu.enqueue_dma source(%arg11 : memref<16x128xf32, #tpu.memory_space<vmem>>) target(%dma_start3A_55 : memref<16x128xf32, #tpu.memory_space<vmem_shared>>) target_semaphore(%run_scoped3A : memref<!tpu.dma_semaphore, #tpu.memory_space<semaphore_mem>>)
          %dma_wait3A = arith.constant 0 : i32
          %dma_wait3A_56 = tpu.memref_slice %arg5[%add3A_52, %dma_wait3A] : memref<10008x128xf32, #tpu.memory_space<vmem_shared>> -> memref<16x128xf32, #tpu.memory_space<vmem_shared>>
          %dma_wait3A_57 = arith.constant 0 : i32
          %dma_wait3A_58 = tpu.memref_slice %arg5[%add3A_52, %dma_wait3A_57] : memref<10008x128xf32, #tpu.memory_space<vmem_shared>> -> memref<16x128xf32, #tpu.memory_space<vmem_shared>>
          tpu.wait_dma2 semaphore(%run_scoped3A : memref<!tpu.dma_semaphore, #tpu.memory_space<semaphore_mem>>) src(%arg11 : memref<16x128xf32, #tpu.memory_space<vmem>>) dst(%dma_wait3A_58 : memref<16x128xf32, #tpu.memory_space<vmem_shared>>)
          tpu.yield
        }) : () -> ()
      }
      %while3A_30 = arith.constant 1 : i32
      scf.for %while3A_49 = %while3A_28 to %while3A_24 step %while3A_30  : i32 {
        %mul3A_50 = arith.constant 16 : i32
        %mul3A_51 = arith.muli %mul3A_50, %while3A_49 : i32
        %add3A_52 = arith.addi %mul3A_11, %mul3A_51 : i32
        "tpu.region"() ({
          %run_scoped3A = tpu.sem_alloc : memref<!tpu.dma_semaphore, #tpu.memory_space<semaphore_mem>>
          %dma_start3A = arith.constant 0 : i32
          %dma_start3A_53 = tpu.memref_slice %arg5[%add3A_52, %dma_start3A] : memref<10008x128xf32, #tpu.memory_space<vmem_shared>> -> memref<16x128xf32, #tpu.memory_space<vmem_shared>>
          %dma_start3A_54 = arith.constant 0 : i32
          %dma_start3A_55 = tpu.memref_slice %arg5[%add3A_52, %dma_start3A_54] : memref<10008x128xf32, #tpu.memory_space<vmem_shared>> -> memref<16x128xf32, #tpu.memory_space<vmem_shared>>
          tpu.enqueue_dma source(%arg11 : memref<16x128xf32, #tpu.memory_space<vmem>>) target(%dma_start3A_55 : memref<16x128xf32, #tpu.memory_space<vmem_shared>>) target_semaphore(%run_scoped3A : memref<!tpu.dma_semaphore, #tpu.memory_space<semaphore_mem>>)
          %dma_wait3A = arith.constant 0 : i32
          %dma_wait3A_56 = tpu.memref_slice %arg5[%add3A_52, %dma_wait3A] : memref<10008x128xf32, #tpu.memory_space<vmem_shared>> -> memref<16x128xf32, #tpu.memory_space<vmem_shared>>
          %dma_wait3A_57 = arith.constant 0 : i32
          %dma_wait3A_58 = tpu.memref_slice %arg5[%add3A_52, %dma_wait3A_57] : memref<10008x128xf32, #tpu.memory_space<vmem_shared>> -> memref<16x128xf32, #tpu.memory_space<vmem_shared>>
          tpu.wait_dma2 semaphore(%run_scoped3A : memref<!tpu.dma_semaphore, #tpu.memory_space<semaphore_mem>>) src(%arg11 : memref<16x128xf32, #tpu.memory_space<vmem>>) dst(%dma_wait3A_58 : memref<16x128xf32, #tpu.memory_space<vmem_shared>>)
          tpu.yield
        }) : () -> ()
      }
      %barrier3A = arith.constant 0 : index
      tpu.barrier barrier_id(%barrier3A)
      %scan3A_31 = arith.constant 0 : i32
      %scan3A_32 = arith.constant 0 : i32
      %scan3A_33 = arith.constant 2 : i32
      %scan3A_34 = arith.addi %scan3A_32, %scan3A_33 : i32
      %scan3A_35 = arith.constant 1 : i32
      scf.for %scan3A_49 = %scan3A_32 to %scan3A_34 step %scan3A_35  : i32 {
        %mul3A_50 = arith.constant 80 : i32
        %mul3A_51 = arith.muli %arg1, %mul3A_50 : i32
        %mul3A_52 = arith.constant 40 : i32
        %mul3A_53 = arith.muli %mul3A_52, %scan3A_49 : i32
        %add3A_54 = arith.addi %mul3A_51, %mul3A_53 : i32
        %run_scoped3A = arith.constant 0 : i32
        "tpu.region"() ({
          %run_scoped3A_93 = tpu.sem_alloc : memref<!tpu.dma_semaphore, #tpu.memory_space<semaphore_mem>>
          %dma_start3A = arith.constant 0 : i32
          %dma_start3A_94 = tpu.memref_slice %arg2[%run_scoped3A, %add3A_54, %dma_start3A] : memref<2x1280x128xi32, #tpu.memory_space<hbm>> -> memref<1x40x128xi32, #tpu.memory_space<hbm>>
          %dma_start3A_95 = tpu.memref_squeeze %dma_start3A_94 : memref<1x40x128xi32, #tpu.memory_space<hbm>> -> memref<40x128xi32, #tpu.memory_space<hbm>>
          %dma_start3A_96 = arith.constant 0 : i32
          %dma_start3A_97 = tpu.memref_slice %arg2[%run_scoped3A, %add3A_54, %dma_start3A_96] : memref<2x1280x128xi32, #tpu.memory_space<hbm>> -> memref<1x40x128xi32, #tpu.memory_space<hbm>>
          %dma_start3A_98 = tpu.memref_squeeze %dma_start3A_97 : memref<1x40x128xi32, #tpu.memory_space<hbm>> -> memref<40x128xi32, #tpu.memory_space<hbm>>
          tpu.enqueue_dma source(%dma_start3A_98 : memref<40x128xi32, #tpu.memory_space<hbm>>) target(%arg6 : memref<40x128xi32, #tpu.memory_space<vmem>>) target_semaphore(%run_scoped3A_93 : memref<!tpu.dma_semaphore, #tpu.memory_space<semaphore_mem>>)
          %dma_wait3A = arith.constant 0 : i32
          %dma_wait3A_99 = tpu.memref_slice %arg2[%run_scoped3A, %add3A_54, %dma_wait3A] : memref<2x1280x128xi32, #tpu.memory_space<hbm>> -> memref<1x40x128xi32, #tpu.memory_space<hbm>>
          %dma_wait3A_100 = tpu.memref_squeeze %dma_wait3A_99 : memref<1x40x128xi32, #tpu.memory_space<hbm>> -> memref<40x128xi32, #tpu.memory_space<hbm>>
          %dma_wait3A_101 = arith.constant 0 : i32
          %dma_wait3A_102 = tpu.memref_slice %arg2[%run_scoped3A, %add3A_54, %dma_wait3A_101] : memref<2x1280x128xi32, #tpu.memory_space<hbm>> -> memref<1x40x128xi32, #tpu.memory_space<hbm>>
          %dma_wait3A_103 = tpu.memref_squeeze %dma_wait3A_102 : memref<1x40x128xi32, #tpu.memory_space<hbm>> -> memref<40x128xi32, #tpu.memory_space<hbm>>
          tpu.wait_dma2 semaphore(%run_scoped3A_93 : memref<!tpu.dma_semaphore, #tpu.memory_space<semaphore_mem>>) src(%dma_wait3A_103 : memref<40x128xi32, #tpu.memory_space<hbm>>) dst(%arg6 : memref<40x128xi32, #tpu.memory_space<vmem>>)
          tpu.yield
        }) : () -> ()
        %run_scoped3A_55 = arith.constant 1 : i32
        "tpu.region"() ({
          %run_scoped3A_93 = tpu.sem_alloc : memref<!tpu.dma_semaphore, #tpu.memory_space<semaphore_mem>>
          %dma_start3A = arith.constant 0 : i32
          %dma_start3A_94 = tpu.memref_slice %arg2[%run_scoped3A_55, %add3A_54, %dma_start3A] : memref<2x1280x128xi32, #tpu.memory_space<hbm>> -> memref<1x40x128xi32, #tpu.memory_space<hbm>>
          %dma_start3A_95 = tpu.memref_squeeze %dma_start3A_94 : memref<1x40x128xi32, #tpu.memory_space<hbm>> -> memref<40x128xi32, #tpu.memory_space<hbm>>
          %dma_start3A_96 = arith.constant 0 : i32
          %dma_start3A_97 = tpu.memref_slice %arg2[%run_scoped3A_55, %add3A_54, %dma_start3A_96] : memref<2x1280x128xi32, #tpu.memory_space<hbm>> -> memref<1x40x128xi32, #tpu.memory_space<hbm>>
          %dma_start3A_98 = tpu.memref_squeeze %dma_start3A_97 : memref<1x40x128xi32, #tpu.memory_space<hbm>> -> memref<40x128xi32, #tpu.memory_space<hbm>>
          tpu.enqueue_dma source(%dma_start3A_98 : memref<40x128xi32, #tpu.memory_space<hbm>>) target(%arg7 : memref<40x128xi32, #tpu.memory_space<vmem>>) target_semaphore(%run_scoped3A_93 : memref<!tpu.dma_semaphore, #tpu.memory_space<semaphore_mem>>)
          %dma_wait3A = arith.constant 0 : i32
          %dma_wait3A_99 = tpu.memref_slice %arg2[%run_scoped3A_55, %add3A_54, %dma_wait3A] : memref<2x1280x128xi32, #tpu.memory_space<hbm>> -> memref<1x40x128xi32, #tpu.memory_space<hbm>>
          %dma_wait3A_100 = tpu.memref_squeeze %dma_wait3A_99 : memref<1x40x128xi32, #tpu.memory_space<hbm>> -> memref<40x128xi32, #tpu.memory_space<hbm>>
          %dma_wait3A_101 = arith.constant 0 : i32
          %dma_wait3A_102 = tpu.memref_slice %arg2[%run_scoped3A_55, %add3A_54, %dma_wait3A_101] : memref<2x1280x128xi32, #tpu.memory_space<hbm>> -> memref<1x40x128xi32, #tpu.memory_space<hbm>>
          %dma_wait3A_103 = tpu.memref_squeeze %dma_wait3A_102 : memref<1x40x128xi32, #tpu.memory_space<hbm>> -> memref<40x128xi32, #tpu.memory_space<hbm>>
          tpu.wait_dma2 semaphore(%run_scoped3A_93 : memref<!tpu.dma_semaphore, #tpu.memory_space<semaphore_mem>>) src(%dma_wait3A_103 : memref<40x128xi32, #tpu.memory_space<hbm>>) dst(%arg7 : memref<40x128xi32, #tpu.memory_space<vmem>>)
          tpu.yield
        }) : () -> ()
        %eq3A_56 = arith.constant 15 : i32
        %eq3A_57 = arith.cmpi eq, %arg1, %eq3A_56 : i32
        %eq3A_58 = arith.constant 0 : i32
        %eq3A_59 = arith.cmpi eq, %scan3A_49, %eq3A_58 : i32
        %jit3A_60 = arith.constant 40 : i32
        %jit3A_61 = arith.constant 10 : i32
        %select_n3A_62 = arith.select %eq3A_59, %jit3A_60, %jit3A_61 : i32
        %jit3A_63 = arith.constant 40 : i32
        %select_n3A_64 = arith.select %eq3A_57, %select_n3A_62, %jit3A_63 : i32
        %jit3A_65 = arith.constant 2 : i32
        %div3A = arith.divsi %select_n3A_64, %jit3A_65 : i32
        %sign3A = arith.constant 0 : i32
        %sign3A_66 = arith.cmpi sgt, %select_n3A_64, %sign3A : i32
        %sign3A_67 = arith.extui %sign3A_66 : i1 to i32
        %sign3A_68 = arith.constant 0 : i32
        %sign3A_69 = arith.cmpi slt, %select_n3A_64, %sign3A_68 : i32
        %sign3A_70 = arith.extui %sign3A_69 : i1 to i32
        %sign3A_71 = arith.subi %sign3A_67, %sign3A_70 : i32
        %sign3A_72 = arith.constant 0 : i32
        %sign3A_73 = arith.cmpi sgt, %jit3A_65, %sign3A_72 : i32
        %sign3A_74 = arith.extui %sign3A_73 : i1 to i32
        %sign3A_75 = arith.constant 0 : i32
        %sign3A_76 = arith.cmpi slt, %jit3A_65, %sign3A_75 : i32
        %sign3A_77 = arith.extui %sign3A_76 : i1 to i32
        %sign3A_78 = arith.subi %sign3A_74, %sign3A_77 : i32
        %ne3A = arith.cmpi ne, %sign3A_71, %sign3A_78 : i32
        %rem3A = arith.remsi %select_n3A_64, %jit3A_65 : i32
        %ne3A_79 = arith.constant 0 : i32
        %ne3A_80 = arith.cmpi ne, %rem3A, %ne3A_79 : i32
        %and3A = arith.andi %ne3A, %ne3A_80 : i1
        %sub3A = arith.constant 1 : i32
        %sub3A_81 = arith.subi %div3A, %sub3A : i32
        %select_n3A_82 = arith.select %and3A, %sub3A_81, %div3A : i32
        %while3A_83 = arith.constant 0 : i32
        %while3A_84 = arith.constant 0 : i32
        %while3A_85 = arith.subi %select_n3A_82, %while3A_84 : i32
        %while3A_86 = arith.addi %while3A_84, %while3A_85 : i32
        %while3A_87 = arith.constant 1 : i32
        %while3A_88 = arith.divsi %while3A_85, %while3A_87 : i32
        %while3A_89 = arith.muli %while3A_88, %while3A_87 : i32
        %while3A_90 = arith.addi %while3A_84, %while3A_89 : i32
        %while3A_91 = arith.constant 1 : i32
        scf.for %while3A_93 = %while3A_84 to %while3A_90 step %while3A_91  : i32 {
          %mul3A_94 = arith.constant 2 : i32
          %mul3A_95 = arith.muli %mul3A_94, %while3A_93 : i32
          %dma_start3A = arith.constant 0 : i32
          %dma_start3A_96 = tpu.memref_slice %arg6[%mul3A_95, %dma_start3A] : memref<40x128xi32, #tpu.memory_space<vmem>> -> memref<1x128xi32, #tpu.memory_space<vmem>>
          %dma_start3A_97 = tpu.memref_squeeze %dma_start3A_96 : memref<1x128xi32, #tpu.memory_space<vmem>> -> memref<128xi32, #tpu.memory_space<vmem>>
          %dma_start3A_98 = arith.constant 0 : i32
          %dma_start3A_99 = arith.constant 0 : i32
          %dma_start3A_100 = tpu.memref_slice %arg3[%add3A_21, %dma_start3A_98, %dma_start3A_99] : memref<4x10000x128xf32, #tpu.memory_space<hbm>> -> memref<1x10000x128xf32, #tpu.memory_space<hbm>>
          %dma_start3A_101 = tpu.memref_squeeze %dma_start3A_100 : memref<1x10000x128xf32, #tpu.memory_space<hbm>> -> memref<10000x128xf32, #tpu.memory_space<hbm>>
          %dma_start3A_102 = arith.constant 0 : i32
          %dma_start3A_103 = arith.constant 0 : i32
          %dma_start3A_104 = tpu.memref_slice %dma_start3A_101[%dma_start3A_102, %dma_start3A_103] : memref<10000x128xf32, #tpu.memory_space<hbm>> -> memref<10000x128xf32, #tpu.memory_space<hbm>>
          tpu.enqueue_indirect_dma source(%dma_start3A_104 : memref<10000x128xf32, #tpu.memory_space<hbm>>) target(%arg8 : memref<128x128xf32, #tpu.memory_space<vmem>>) offsets(%dma_start3A_97 : memref<128xi32, #tpu.memory_space<vmem>>) semaphore(%arg12 : memref<!tpu.dma_semaphore, #tpu.memory_space<semaphore_mem>>)
          %add3A_105 = arith.constant 1 : i32
          %add3A_106 = arith.addi %mul3A_95, %add3A_105 : i32
          %dma_start3A_107 = arith.constant 0 : i32
          %dma_start3A_108 = tpu.memref_slice %arg6[%add3A_106, %dma_start3A_107] : memref<40x128xi32, #tpu.memory_space<vmem>> -> memref<1x128xi32, #tpu.memory_space<vmem>>
          %dma_start3A_109 = tpu.memref_squeeze %dma_start3A_108 : memref<1x128xi32, #tpu.memory_space<vmem>> -> memref<128xi32, #tpu.memory_space<vmem>>
          %dma_start3A_110 = arith.constant 0 : i32
          %dma_start3A_111 = arith.constant 0 : i32
          %dma_start3A_112 = tpu.memref_slice %arg3[%add3A_21, %dma_start3A_110, %dma_start3A_111] : memref<4x10000x128xf32, #tpu.memory_space<hbm>> -> memref<1x10000x128xf32, #tpu.memory_space<hbm>>
          %dma_start3A_113 = tpu.memref_squeeze %dma_start3A_112 : memref<1x10000x128xf32, #tpu.memory_space<hbm>> -> memref<10000x128xf32, #tpu.memory_space<hbm>>
          %dma_start3A_114 = arith.constant 0 : i32
          %dma_start3A_115 = arith.constant 0 : i32
          %dma_start3A_116 = tpu.memref_slice %dma_start3A_113[%dma_start3A_114, %dma_start3A_115] : memref<10000x128xf32, #tpu.memory_space<hbm>> -> memref<10000x128xf32, #tpu.memory_space<hbm>>
          tpu.enqueue_indirect_dma source(%dma_start3A_116 : memref<10000x128xf32, #tpu.memory_space<hbm>>) target(%arg9 : memref<128x128xf32, #tpu.memory_space<vmem>>) offsets(%dma_start3A_109 : memref<128xi32, #tpu.memory_space<vmem>>) semaphore(%arg13 : memref<!tpu.dma_semaphore, #tpu.memory_space<semaphore_mem>>)
          %dma_wait3A = arith.constant 0 : i32
          %dma_wait3A_117 = tpu.memref_slice %arg6[%mul3A_95, %dma_wait3A] : memref<40x128xi32, #tpu.memory_space<vmem>> -> memref<1x128xi32, #tpu.memory_space<vmem>>
          %dma_wait3A_118 = tpu.memref_squeeze %dma_wait3A_117 : memref<1x128xi32, #tpu.memory_space<vmem>> -> memref<128xi32, #tpu.memory_space<vmem>>
          %dma_wait3A_119 = arith.constant 0 : i32
          %dma_wait3A_120 = arith.constant 0 : i32
          %dma_wait3A_121 = tpu.memref_slice %arg3[%add3A_21, %dma_wait3A_119, %dma_wait3A_120] : memref<4x10000x128xf32, #tpu.memory_space<hbm>> -> memref<1x10000x128xf32, #tpu.memory_space<hbm>>
          %dma_wait3A_122 = tpu.memref_squeeze %dma_wait3A_121 : memref<1x10000x128xf32, #tpu.memory_space<hbm>> -> memref<10000x128xf32, #tpu.memory_space<hbm>>
          %dma_wait3A_123 = arith.constant 0 : i32
          %dma_wait3A_124 = arith.constant 0 : i32
          %dma_wait3A_125 = tpu.memref_slice %dma_wait3A_122[%dma_wait3A_123, %dma_wait3A_124] : memref<10000x128xf32, #tpu.memory_space<hbm>> -> memref<10000x128xf32, #tpu.memory_space<hbm>>
          tpu.wait_indirect_dma semaphore(%arg12 : memref<!tpu.dma_semaphore, #tpu.memory_space<semaphore_mem>>) src(%dma_wait3A_125 : memref<10000x128xf32, #tpu.memory_space<hbm>>) dst(%arg8 : memref<128x128xf32, #tpu.memory_space<vmem>>)
          "tpu.region"() ({
            %run_scoped3A_138 = tpu.sem_alloc : memref<!tpu.dma_semaphore, #tpu.memory_space<semaphore_mem>>
            %dma_start3A_139 = arith.constant 0 : i32
            %dma_start3A_140 = tpu.memref_slice %arg7[%mul3A_95, %dma_start3A_139] : memref<40x128xi32, #tpu.memory_space<vmem>> -> memref<1x128xi32, #tpu.memory_space<vmem>>
            %dma_start3A_141 = tpu.memref_squeeze %dma_start3A_140 : memref<1x128xi32, #tpu.memory_space<vmem>> -> memref<128xi32, #tpu.memory_space<vmem>>
            %dma_start3A_142 = arith.constant 0 : i32
            %dma_start3A_143 = arith.constant 0 : i32
            %dma_start3A_144 = tpu.memref_slice %arg5[%dma_start3A_142, %dma_start3A_143] : memref<10008x128xf32, #tpu.memory_space<vmem_shared>> -> memref<10008x128xf32, #tpu.memory_space<vmem_shared>>
            tpu.enqueue_indirect_dma source(%arg8 : memref<128x128xf32, #tpu.memory_space<vmem>>) target(%dma_start3A_144 : memref<10008x128xf32, #tpu.memory_space<vmem_shared>>) offsets(%dma_start3A_141 : memref<128xi32, #tpu.memory_space<vmem>>) semaphore(%run_scoped3A_138 : memref<!tpu.dma_semaphore, #tpu.memory_space<semaphore_mem>>) {add = true}
            %dma_wait3A_145 = arith.constant 0 : i32
            %dma_wait3A_146 = tpu.memref_slice %arg7[%mul3A_95, %dma_wait3A_145] : memref<40x128xi32, #tpu.memory_space<vmem>> -> memref<1x128xi32, #tpu.memory_space<vmem>>
            %dma_wait3A_147 = tpu.memref_squeeze %dma_wait3A_146 : memref<1x128xi32, #tpu.memory_space<vmem>> -> memref<128xi32, #tpu.memory_space<vmem>>
            %dma_wait3A_148 = arith.constant 0 : i32
            %dma_wait3A_149 = arith.constant 0 : i32
            %dma_wait3A_150 = tpu.memref_slice %arg5[%dma_wait3A_148, %dma_wait3A_149] : memref<10008x128xf32, #tpu.memory_space<vmem_shared>> -> memref<10008x128xf32, #tpu.memory_space<vmem_shared>>
            tpu.wait_indirect_dma semaphore(%run_scoped3A_138 : memref<!tpu.dma_semaphore, #tpu.memory_space<semaphore_mem>>) src(%arg8 : memref<128x128xf32, #tpu.memory_space<vmem>>) dst(%dma_wait3A_150 : memref<10008x128xf32, #tpu.memory_space<vmem_shared>>)
            tpu.yield
          }) : () -> ()
          %dma_wait3A_126 = arith.constant 0 : i32
          %dma_wait3A_127 = tpu.memref_slice %arg6[%add3A_106, %dma_wait3A_126] : memref<40x128xi32, #tpu.memory_space<vmem>> -> memref<1x128xi32, #tpu.memory_space<vmem>>
          %dma_wait3A_128 = tpu.memref_squeeze %dma_wait3A_127 : memref<1x128xi32, #tpu.memory_space<vmem>> -> memref<128xi32, #tpu.memory_space<vmem>>
          %dma_wait3A_129 = arith.constant 0 : i32
          %dma_wait3A_130 = arith.constant 0 : i32
          %dma_wait3A_131 = tpu.memref_slice %arg3[%add3A_21, %dma_wait3A_129, %dma_wait3A_130] : memref<4x10000x128xf32, #tpu.memory_space<hbm>> -> memref<1x10000x128xf32, #tpu.memory_space<hbm>>
          %dma_wait3A_132 = tpu.memref_squeeze %dma_wait3A_131 : memref<1x10000x128xf32, #tpu.memory_space<hbm>> -> memref<10000x128xf32, #tpu.memory_space<hbm>>
          %dma_wait3A_133 = arith.constant 0 : i32
          %dma_wait3A_134 = arith.constant 0 : i32
          %dma_wait3A_135 = tpu.memref_slice %dma_wait3A_132[%dma_wait3A_133, %dma_wait3A_134] : memref<10000x128xf32, #tpu.memory_space<hbm>> -> memref<10000x128xf32, #tpu.memory_space<hbm>>
          tpu.wait_indirect_dma semaphore(%arg13 : memref<!tpu.dma_semaphore, #tpu.memory_space<semaphore_mem>>) src(%dma_wait3A_135 : memref<10000x128xf32, #tpu.memory_space<hbm>>) dst(%arg9 : memref<128x128xf32, #tpu.memory_space<vmem>>)
          %add3A_136 = arith.constant 1 : i32
          %add3A_137 = arith.addi %mul3A_95, %add3A_136 : i32
          "tpu.region"() ({
            %run_scoped3A_138 = tpu.sem_alloc : memref<!tpu.dma_semaphore, #tpu.memory_space<semaphore_mem>>
            %dma_start3A_139 = arith.constant 0 : i32
            %dma_start3A_140 = tpu.memref_slice %arg7[%add3A_137, %dma_start3A_139] : memref<40x128xi32, #tpu.memory_space<vmem>> -> memref<1x128xi32, #tpu.memory_space<vmem>>
            %dma_start3A_141 = tpu.memref_squeeze %dma_start3A_140 : memref<1x128xi32, #tpu.memory_space<vmem>> -> memref<128xi32, #tpu.memory_space<vmem>>
            %dma_start3A_142 = arith.constant 0 : i32
            %dma_start3A_143 = arith.constant 0 : i32
            %dma_start3A_144 = tpu.memref_slice %arg5[%dma_start3A_142, %dma_start3A_143] : memref<10008x128xf32, #tpu.memory_space<vmem_shared>> -> memref<10008x128xf32, #tpu.memory_space<vmem_shared>>
            tpu.enqueue_indirect_dma source(%arg9 : memref<128x128xf32, #tpu.memory_space<vmem>>) target(%dma_start3A_144 : memref<10008x128xf32, #tpu.memory_space<vmem_shared>>) offsets(%dma_start3A_141 : memref<128xi32, #tpu.memory_space<vmem>>) semaphore(%run_scoped3A_138 : memref<!tpu.dma_semaphore, #tpu.memory_space<semaphore_mem>>) {add = true}
            %dma_wait3A_145 = arith.constant 0 : i32
            %dma_wait3A_146 = tpu.memref_slice %arg7[%add3A_137, %dma_wait3A_145] : memref<40x128xi32, #tpu.memory_space<vmem>> -> memref<1x128xi32, #tpu.memory_space<vmem>>
            %dma_wait3A_147 = tpu.memref_squeeze %dma_wait3A_146 : memref<1x128xi32, #tpu.memory_space<vmem>> -> memref<128xi32, #tpu.memory_space<vmem>>
            %dma_wait3A_148 = arith.constant 0 : i32
            %dma_wait3A_149 = arith.constant 0 : i32
            %dma_wait3A_150 = tpu.memref_slice %arg5[%dma_wait3A_148, %dma_wait3A_149] : memref<10008x128xf32, #tpu.memory_space<vmem_shared>> -> memref<10008x128xf32, #tpu.memory_space<vmem_shared>>
            tpu.wait_indirect_dma semaphore(%run_scoped3A_138 : memref<!tpu.dma_semaphore, #tpu.memory_space<semaphore_mem>>) src(%arg9 : memref<128x128xf32, #tpu.memory_space<vmem>>) dst(%dma_wait3A_150 : memref<10008x128xf32, #tpu.memory_space<vmem_shared>>)
            tpu.yield
          }) : () -> ()
        }
        %while3A_92 = arith.constant 1 : i32
        scf.for %while3A_93 = %while3A_90 to %while3A_86 step %while3A_92  : i32 {
          %mul3A_94 = arith.constant 2 : i32
          %mul3A_95 = arith.muli %mul3A_94, %while3A_93 : i32
          %dma_start3A = arith.constant 0 : i32
          %dma_start3A_96 = tpu.memref_slice %arg6[%mul3A_95, %dma_start3A] : memref<40x128xi32, #tpu.memory_space<vmem>> -> memref<1x128xi32, #tpu.memory_space<vmem>>
          %dma_start3A_97 = tpu.memref_squeeze %dma_start3A_96 : memref<1x128xi32, #tpu.memory_space<vmem>> -> memref<128xi32, #tpu.memory_space<vmem>>
          %dma_start3A_98 = arith.constant 0 : i32
          %dma_start3A_99 = arith.constant 0 : i32
          %dma_start3A_100 = tpu.memref_slice %arg3[%add3A_21, %dma_start3A_98, %dma_start3A_99] : memref<4x10000x128xf32, #tpu.memory_space<hbm>> -> memref<1x10000x128xf32, #tpu.memory_space<hbm>>
          %dma_start3A_101 = tpu.memref_squeeze %dma_start3A_100 : memref<1x10000x128xf32, #tpu.memory_space<hbm>> -> memref<10000x128xf32, #tpu.memory_space<hbm>>
          %dma_start3A_102 = arith.constant 0 : i32
          %dma_start3A_103 = arith.constant 0 : i32
          %dma_start3A_104 = tpu.memref_slice %dma_start3A_101[%dma_start3A_102, %dma_start3A_103] : memref<10000x128xf32, #tpu.memory_space<hbm>> -> memref<10000x128xf32, #tpu.memory_space<hbm>>
          tpu.enqueue_indirect_dma source(%dma_start3A_104 : memref<10000x128xf32, #tpu.memory_space<hbm>>) target(%arg8 : memref<128x128xf32, #tpu.memory_space<vmem>>) offsets(%dma_start3A_97 : memref<128xi32, #tpu.memory_space<vmem>>) semaphore(%arg12 : memref<!tpu.dma_semaphore, #tpu.memory_space<semaphore_mem>>)
          %add3A_105 = arith.constant 1 : i32
          %add3A_106 = arith.addi %mul3A_95, %add3A_105 : i32
          %dma_start3A_107 = arith.constant 0 : i32
          %dma_start3A_108 = tpu.memref_slice %arg6[%add3A_106, %dma_start3A_107] : memref<40x128xi32, #tpu.memory_space<vmem>> -> memref<1x128xi32, #tpu.memory_space<vmem>>
          %dma_start3A_109 = tpu.memref_squeeze %dma_start3A_108 : memref<1x128xi32, #tpu.memory_space<vmem>> -> memref<128xi32, #tpu.memory_space<vmem>>
          %dma_start3A_110 = arith.constant 0 : i32
          %dma_start3A_111 = arith.constant 0 : i32
          %dma_start3A_112 = tpu.memref_slice %arg3[%add3A_21, %dma_start3A_110, %dma_start3A_111] : memref<4x10000x128xf32, #tpu.memory_space<hbm>> -> memref<1x10000x128xf32, #tpu.memory_space<hbm>>
          %dma_start3A_113 = tpu.memref_squeeze %dma_start3A_112 : memref<1x10000x128xf32, #tpu.memory_space<hbm>> -> memref<10000x128xf32, #tpu.memory_space<hbm>>
          %dma_start3A_114 = arith.constant 0 : i32
          %dma_start3A_115 = arith.constant 0 : i32
          %dma_start3A_116 = tpu.memref_slice %dma_start3A_113[%dma_start3A_114, %dma_start3A_115] : memref<10000x128xf32, #tpu.memory_space<hbm>> -> memref<10000x128xf32, #tpu.memory_space<hbm>>
          tpu.enqueue_indirect_dma source(%dma_start3A_116 : memref<10000x128xf32, #tpu.memory_space<hbm>>) target(%arg9 : memref<128x128xf32, #tpu.memory_space<vmem>>) offsets(%dma_start3A_109 : memref<128xi32, #tpu.memory_space<vmem>>) semaphore(%arg13 : memref<!tpu.dma_semaphore, #tpu.memory_space<semaphore_mem>>)
          %dma_wait3A = arith.constant 0 : i32
          %dma_wait3A_117 = tpu.memref_slice %arg6[%mul3A_95, %dma_wait3A] : memref<40x128xi32, #tpu.memory_space<vmem>> -> memref<1x128xi32, #tpu.memory_space<vmem>>
          %dma_wait3A_118 = tpu.memref_squeeze %dma_wait3A_117 : memref<1x128xi32, #tpu.memory_space<vmem>> -> memref<128xi32, #tpu.memory_space<vmem>>
          %dma_wait3A_119 = arith.constant 0 : i32
          %dma_wait3A_120 = arith.constant 0 : i32
          %dma_wait3A_121 = tpu.memref_slice %arg3[%add3A_21, %dma_wait3A_119, %dma_wait3A_120] : memref<4x10000x128xf32, #tpu.memory_space<hbm>> -> memref<1x10000x128xf32, #tpu.memory_space<hbm>>
          %dma_wait3A_122 = tpu.memref_squeeze %dma_wait3A_121 : memref<1x10000x128xf32, #tpu.memory_space<hbm>> -> memref<10000x128xf32, #tpu.memory_space<hbm>>
          %dma_wait3A_123 = arith.constant 0 : i32
          %dma_wait3A_124 = arith.constant 0 : i32
          %dma_wait3A_125 = tpu.memref_slice %dma_wait3A_122[%dma_wait3A_123, %dma_wait3A_124] : memref<10000x128xf32, #tpu.memory_space<hbm>> -> memref<10000x128xf32, #tpu.memory_space<hbm>>
          tpu.wait_indirect_dma semaphore(%arg12 : memref<!tpu.dma_semaphore, #tpu.memory_space<semaphore_mem>>) src(%dma_wait3A_125 : memref<10000x128xf32, #tpu.memory_space<hbm>>) dst(%arg8 : memref<128x128xf32, #tpu.memory_space<vmem>>)
          "tpu.region"() ({
            %run_scoped3A_138 = tpu.sem_alloc : memref<!tpu.dma_semaphore, #tpu.memory_space<semaphore_mem>>
            %dma_start3A_139 = arith.constant 0 : i32
            %dma_start3A_140 = tpu.memref_slice %arg7[%mul3A_95, %dma_start3A_139] : memref<40x128xi32, #tpu.memory_space<vmem>> -> memref<1x128xi32, #tpu.memory_space<vmem>>
            %dma_start3A_141 = tpu.memref_squeeze %dma_start3A_140 : memref<1x128xi32, #tpu.memory_space<vmem>> -> memref<128xi32, #tpu.memory_space<vmem>>
            %dma_start3A_142 = arith.constant 0 : i32
            %dma_start3A_143 = arith.constant 0 : i32
            %dma_start3A_144 = tpu.memref_slice %arg5[%dma_start3A_142, %dma_start3A_143] : memref<10008x128xf32, #tpu.memory_space<vmem_shared>> -> memref<10008x128xf32, #tpu.memory_space<vmem_shared>>
            tpu.enqueue_indirect_dma source(%arg8 : memref<128x128xf32, #tpu.memory_space<vmem>>) target(%dma_start3A_144 : memref<10008x128xf32, #tpu.memory_space<vmem_shared>>) offsets(%dma_start3A_141 : memref<128xi32, #tpu.memory_space<vmem>>) semaphore(%run_scoped3A_138 : memref<!tpu.dma_semaphore, #tpu.memory_space<semaphore_mem>>) {add = true}
            %dma_wait3A_145 = arith.constant 0 : i32
            %dma_wait3A_146 = tpu.memref_slice %arg7[%mul3A_95, %dma_wait3A_145] : memref<40x128xi32, #tpu.memory_space<vmem>> -> memref<1x128xi32, #tpu.memory_space<vmem>>
            %dma_wait3A_147 = tpu.memref_squeeze %dma_wait3A_146 : memref<1x128xi32, #tpu.memory_space<vmem>> -> memref<128xi32, #tpu.memory_space<vmem>>
            %dma_wait3A_148 = arith.constant 0 : i32
            %dma_wait3A_149 = arith.constant 0 : i32
            %dma_wait3A_150 = tpu.memref_slice %arg5[%dma_wait3A_148, %dma_wait3A_149] : memref<10008x128xf32, #tpu.memory_space<vmem_shared>> -> memref<10008x128xf32, #tpu.memory_space<vmem_shared>>
            tpu.wait_indirect_dma semaphore(%run_scoped3A_138 : memref<!tpu.dma_semaphore, #tpu.memory_space<semaphore_mem>>) src(%arg8 : memref<128x128xf32, #tpu.memory_space<vmem>>) dst(%dma_wait3A_150 : memref<10008x128xf32, #tpu.memory_space<vmem_shared>>)
            tpu.yield
          }) : () -> ()
          %dma_wait3A_126 = arith.constant 0 : i32
          %dma_wait3A_127 = tpu.memref_slice %arg6[%add3A_106, %dma_wait3A_126] : memref<40x128xi32, #tpu.memory_space<vmem>> -> memref<1x128xi32, #tpu.memory_space<vmem>>
          %dma_wait3A_128 = tpu.memref_squeeze %dma_wait3A_127 : memref<1x128xi32, #tpu.memory_space<vmem>> -> memref<128xi32, #tpu.memory_space<vmem>>
          %dma_wait3A_129 = arith.constant 0 : i32
          %dma_wait3A_130 = arith.constant 0 : i32
          %dma_wait3A_131 = tpu.memref_slice %arg3[%add3A_21, %dma_wait3A_129, %dma_wait3A_130] : memref<4x10000x128xf32, #tpu.memory_space<hbm>> -> memref<1x10000x128xf32, #tpu.memory_space<hbm>>
          %dma_wait3A_132 = tpu.memref_squeeze %dma_wait3A_131 : memref<1x10000x128xf32, #tpu.memory_space<hbm>> -> memref<10000x128xf32, #tpu.memory_space<hbm>>
          %dma_wait3A_133 = arith.constant 0 : i32
          %dma_wait3A_134 = arith.constant 0 : i32
          %dma_wait3A_135 = tpu.memref_slice %dma_wait3A_132[%dma_wait3A_133, %dma_wait3A_134] : memref<10000x128xf32, #tpu.memory_space<hbm>> -> memref<10000x128xf32, #tpu.memory_space<hbm>>
          tpu.wait_indirect_dma semaphore(%arg13 : memref<!tpu.dma_semaphore, #tpu.memory_space<semaphore_mem>>) src(%dma_wait3A_135 : memref<10000x128xf32, #tpu.memory_space<hbm>>) dst(%arg9 : memref<128x128xf32, #tpu.memory_space<vmem>>)
          %add3A_136 = arith.constant 1 : i32
          %add3A_137 = arith.addi %mul3A_95, %add3A_136 : i32
          "tpu.region"() ({
            %run_scoped3A_138 = tpu.sem_alloc : memref<!tpu.dma_semaphore, #tpu.memory_space<semaphore_mem>>
            %dma_start3A_139 = arith.constant 0 : i32
            %dma_start3A_140 = tpu.memref_slice %arg7[%add3A_137, %dma_start3A_139] : memref<40x128xi32, #tpu.memory_space<vmem>> -> memref<1x128xi32, #tpu.memory_space<vmem>>
            %dma_start3A_141 = tpu.memref_squeeze %dma_start3A_140 : memref<1x128xi32, #tpu.memory_space<vmem>> -> memref<128xi32, #tpu.memory_space<vmem>>
            %dma_start3A_142 = arith.constant 0 : i32
            %dma_start3A_143 = arith.constant 0 : i32
            %dma_start3A_144 = tpu.memref_slice %arg5[%dma_start3A_142, %dma_start3A_143] : memref<10008x128xf32, #tpu.memory_space<vmem_shared>> -> memref<10008x128xf32, #tpu.memory_space<vmem_shared>>
            tpu.enqueue_indirect_dma source(%arg9 : memref<128x128xf32, #tpu.memory_space<vmem>>) target(%dma_start3A_144 : memref<10008x128xf32, #tpu.memory_space<vmem_shared>>) offsets(%dma_start3A_141 : memref<128xi32, #tpu.memory_space<vmem>>) semaphore(%run_scoped3A_138 : memref<!tpu.dma_semaphore, #tpu.memory_space<semaphore_mem>>) {add = true}
            %dma_wait3A_145 = arith.constant 0 : i32
            %dma_wait3A_146 = tpu.memref_slice %arg7[%add3A_137, %dma_wait3A_145] : memref<40x128xi32, #tpu.memory_space<vmem>> -> memref<1x128xi32, #tpu.memory_space<vmem>>
            %dma_wait3A_147 = tpu.memref_squeeze %dma_wait3A_146 : memref<1x128xi32, #tpu.memory_space<vmem>> -> memref<128xi32, #tpu.memory_space<vmem>>
            %dma_wait3A_148 = arith.constant 0 : i32
            %dma_wait3A_149 = arith.constant 0 : i32
            %dma_wait3A_150 = tpu.memref_slice %arg5[%dma_wait3A_148, %dma_wait3A_149] : memref<10008x128xf32, #tpu.memory_space<vmem_shared>> -> memref<10008x128xf32, #tpu.memory_space<vmem_shared>>
            tpu.wait_indirect_dma semaphore(%run_scoped3A_138 : memref<!tpu.dma_semaphore, #tpu.memory_space<semaphore_mem>>) src(%arg9 : memref<128x128xf32, #tpu.memory_space<vmem>>) dst(%dma_wait3A_150 : memref<10008x128xf32, #tpu.memory_space<vmem_shared>>)
            tpu.yield
          }) : () -> ()
        }
      }
      %scan3A_36 = arith.constant 2 : i32
      %barrier3A_37 = arith.constant 0 : index
      tpu.barrier barrier_id(%barrier3A_37)
      %while3A_38 = arith.constant 0 : i32
      %while3A_39 = arith.constant 0 : i32
      %while3A_40 = arith.subi %select_n3A, %while3A_39 : i32
      %while3A_41 = arith.addi %while3A_39, %while3A_40 : i32
      %while3A_42 = arith.constant 1 : i32
      %while3A_43 = arith.divsi %while3A_40, %while3A_42 : i32
      %while3A_44 = arith.muli %while3A_43, %while3A_42 : i32
      %while3A_45 = arith.addi %while3A_39, %while3A_44 : i32
      %while3A_46 = arith.constant 1 : i32
      scf.for %while3A_49 = %while3A_39 to %while3A_45 step %while3A_46  : i32 {
        %mul3A_50 = arith.constant 16 : i32
        %mul3A_51 = arith.muli %mul3A_50, %while3A_49 : i32
        %add3A_52 = arith.addi %mul3A_11, %mul3A_51 : i32
        "tpu.region"() ({
          %run_scoped3A = tpu.sem_alloc : memref<!tpu.dma_semaphore, #tpu.memory_space<semaphore_mem>>
          %dma_start3A = arith.constant 0 : i32
          %dma_start3A_53 = tpu.memref_slice %arg5[%add3A_52, %dma_start3A] : memref<10008x128xf32, #tpu.memory_space<vmem_shared>> -> memref<16x128xf32, #tpu.memory_space<vmem_shared>>
          %dma_start3A_54 = arith.constant 0 : i32
          %dma_start3A_55 = tpu.memref_slice %arg5[%add3A_52, %dma_start3A_54] : memref<10008x128xf32, #tpu.memory_space<vmem_shared>> -> memref<16x128xf32, #tpu.memory_space<vmem_shared>>
          tpu.enqueue_dma source(%dma_start3A_55 : memref<16x128xf32, #tpu.memory_space<vmem_shared>>) target(%arg10 : memref<16x128xf32, #tpu.memory_space<vmem>>) target_semaphore(%run_scoped3A : memref<!tpu.dma_semaphore, #tpu.memory_space<semaphore_mem>>)
          %dma_wait3A = arith.constant 0 : i32
          %dma_wait3A_56 = tpu.memref_slice %arg5[%add3A_52, %dma_wait3A] : memref<10008x128xf32, #tpu.memory_space<vmem_shared>> -> memref<16x128xf32, #tpu.memory_space<vmem_shared>>
          %dma_wait3A_57 = arith.constant 0 : i32
          %dma_wait3A_58 = tpu.memref_slice %arg5[%add3A_52, %dma_wait3A_57] : memref<10008x128xf32, #tpu.memory_space<vmem_shared>> -> memref<16x128xf32, #tpu.memory_space<vmem_shared>>
          tpu.wait_dma2 semaphore(%run_scoped3A : memref<!tpu.dma_semaphore, #tpu.memory_space<semaphore_mem>>) src(%dma_wait3A_58 : memref<16x128xf32, #tpu.memory_space<vmem_shared>>) dst(%arg10 : memref<16x128xf32, #tpu.memory_space<vmem>>)
          tpu.yield
        }) : () -> ()
        "tpu.region"() ({
          %run_scoped3A = tpu.sem_alloc : memref<!tpu.dma_semaphore, #tpu.memory_space<semaphore_mem>>
          %dma_start3A = arith.constant 0 : i32
          %dma_start3A_53 = arith.constant 0 : i32
          %dma_start3A_54 = tpu.memref_slice %arg4[%add3A_21, %dma_start3A, %dma_start3A_53] : memref<4x10000x128xf32, #tpu.memory_space<hbm>> -> memref<1x10000x128xf32, #tpu.memory_space<hbm>>
          %dma_start3A_55 = tpu.memref_squeeze %dma_start3A_54 : memref<1x10000x128xf32, #tpu.memory_space<hbm>> -> memref<10000x128xf32, #tpu.memory_space<hbm>>
          %dma_start3A_56 = arith.constant 0 : i32
          %dma_start3A_57 = tpu.memref_slice %dma_start3A_55[%add3A_52, %dma_start3A_56] : memref<10000x128xf32, #tpu.memory_space<hbm>> -> memref<16x128xf32, #tpu.memory_space<hbm>>
          %dma_start3A_58 = arith.constant 0 : i32
          %dma_start3A_59 = arith.constant 0 : i32
          %dma_start3A_60 = tpu.memref_slice %arg4[%add3A_21, %dma_start3A_58, %dma_start3A_59] : memref<4x10000x128xf32, #tpu.memory_space<hbm>> -> memref<1x10000x128xf32, #tpu.memory_space<hbm>>
          %dma_start3A_61 = tpu.memref_squeeze %dma_start3A_60 : memref<1x10000x128xf32, #tpu.memory_space<hbm>> -> memref<10000x128xf32, #tpu.memory_space<hbm>>
          %dma_start3A_62 = arith.constant 0 : i32
          %dma_start3A_63 = tpu.memref_slice %dma_start3A_61[%add3A_52, %dma_start3A_62] : memref<10000x128xf32, #tpu.memory_space<hbm>> -> memref<16x128xf32, #tpu.memory_space<hbm>>
          tpu.enqueue_dma source(%arg10 : memref<16x128xf32, #tpu.memory_space<vmem>>) target(%dma_start3A_63 : memref<16x128xf32, #tpu.memory_space<hbm>>) target_semaphore(%run_scoped3A : memref<!tpu.dma_semaphore, #tpu.memory_space<semaphore_mem>>)
          %dma_wait3A = arith.constant 0 : i32
          %dma_wait3A_64 = arith.constant 0 : i32
          %dma_wait3A_65 = tpu.memref_slice %arg4[%add3A_21, %dma_wait3A, %dma_wait3A_64] : memref<4x10000x128xf32, #tpu.memory_space<hbm>> -> memref<1x10000x128xf32, #tpu.memory_space<hbm>>
          %dma_wait3A_66 = tpu.memref_squeeze %dma_wait3A_65 : memref<1x10000x128xf32, #tpu.memory_space<hbm>> -> memref<10000x128xf32, #tpu.memory_space<hbm>>
          %dma_wait3A_67 = arith.constant 0 : i32
          %dma_wait3A_68 = tpu.memref_slice %dma_wait3A_66[%add3A_52, %dma_wait3A_67] : memref<10000x128xf32, #tpu.memory_space<hbm>> -> memref<16x128xf32, #tpu.memory_space<hbm>>
          %dma_wait3A_69 = arith.constant 0 : i32
          %dma_wait3A_70 = arith.constant 0 : i32
          %dma_wait3A_71 = tpu.memref_slice %arg4[%add3A_21, %dma_wait3A_69, %dma_wait3A_70] : memref<4x10000x128xf32, #tpu.memory_space<hbm>> -> memref<1x10000x128xf32, #tpu.memory_space<hbm>>
          %dma_wait3A_72 = tpu.memref_squeeze %dma_wait3A_71 : memref<1x10000x128xf32, #tpu.memory_space<hbm>> -> memref<10000x128xf32, #tpu.memory_space<hbm>>
          %dma_wait3A_73 = arith.constant 0 : i32
          %dma_wait3A_74 = tpu.memref_slice %dma_wait3A_72[%add3A_52, %dma_wait3A_73] : memref<10000x128xf32, #tpu.memory_space<hbm>> -> memref<16x128xf32, #tpu.memory_space<hbm>>
          tpu.wait_dma2 semaphore(%run_scoped3A : memref<!tpu.dma_semaphore, #tpu.memory_space<semaphore_mem>>) src(%arg10 : memref<16x128xf32, #tpu.memory_space<vmem>>) dst(%dma_wait3A_74 : memref<16x128xf32, #tpu.memory_space<hbm>>)
          tpu.yield
        }) : () -> ()
      }
      %while3A_47 = arith.constant 1 : i32
      scf.for %while3A_49 = %while3A_45 to %while3A_41 step %while3A_47  : i32 {
        %mul3A_50 = arith.constant 16 : i32
        %mul3A_51 = arith.muli %mul3A_50, %while3A_49 : i32
        %add3A_52 = arith.addi %mul3A_11, %mul3A_51 : i32
        "tpu.region"() ({
          %run_scoped3A = tpu.sem_alloc : memref<!tpu.dma_semaphore, #tpu.memory_space<semaphore_mem>>
          %dma_start3A = arith.constant 0 : i32
          %dma_start3A_53 = tpu.memref_slice %arg5[%add3A_52, %dma_start3A] : memref<10008x128xf32, #tpu.memory_space<vmem_shared>> -> memref<16x128xf32, #tpu.memory_space<vmem_shared>>
          %dma_start3A_54 = arith.constant 0 : i32
          %dma_start3A_55 = tpu.memref_slice %arg5[%add3A_52, %dma_start3A_54] : memref<10008x128xf32, #tpu.memory_space<vmem_shared>> -> memref<16x128xf32, #tpu.memory_space<vmem_shared>>
          tpu.enqueue_dma source(%dma_start3A_55 : memref<16x128xf32, #tpu.memory_space<vmem_shared>>) target(%arg10 : memref<16x128xf32, #tpu.memory_space<vmem>>) target_semaphore(%run_scoped3A : memref<!tpu.dma_semaphore, #tpu.memory_space<semaphore_mem>>)
          %dma_wait3A = arith.constant 0 : i32
          %dma_wait3A_56 = tpu.memref_slice %arg5[%add3A_52, %dma_wait3A] : memref<10008x128xf32, #tpu.memory_space<vmem_shared>> -> memref<16x128xf32, #tpu.memory_space<vmem_shared>>
          %dma_wait3A_57 = arith.constant 0 : i32
          %dma_wait3A_58 = tpu.memref_slice %arg5[%add3A_52, %dma_wait3A_57] : memref<10008x128xf32, #tpu.memory_space<vmem_shared>> -> memref<16x128xf32, #tpu.memory_space<vmem_shared>>
          tpu.wait_dma2 semaphore(%run_scoped3A : memref<!tpu.dma_semaphore, #tpu.memory_space<semaphore_mem>>) src(%dma_wait3A_58 : memref<16x128xf32, #tpu.memory_space<vmem_shared>>) dst(%arg10 : memref<16x128xf32, #tpu.memory_space<vmem>>)
          tpu.yield
        }) : () -> ()
        "tpu.region"() ({
          %run_scoped3A = tpu.sem_alloc : memref<!tpu.dma_semaphore, #tpu.memory_space<semaphore_mem>>
          %dma_start3A = arith.constant 0 : i32
          %dma_start3A_53 = arith.constant 0 : i32
          %dma_start3A_54 = tpu.memref_slice %arg4[%add3A_21, %dma_start3A, %dma_start3A_53] : memref<4x10000x128xf32, #tpu.memory_space<hbm>> -> memref<1x10000x128xf32, #tpu.memory_space<hbm>>
          %dma_start3A_55 = tpu.memref_squeeze %dma_start3A_54 : memref<1x10000x128xf32, #tpu.memory_space<hbm>> -> memref<10000x128xf32, #tpu.memory_space<hbm>>
          %dma_start3A_56 = arith.constant 0 : i32
          %dma_start3A_57 = tpu.memref_slice %dma_start3A_55[%add3A_52, %dma_start3A_56] : memref<10000x128xf32, #tpu.memory_space<hbm>> -> memref<16x128xf32, #tpu.memory_space<hbm>>
          %dma_start3A_58 = arith.constant 0 : i32
          %dma_start3A_59 = arith.constant 0 : i32
          %dma_start3A_60 = tpu.memref_slice %arg4[%add3A_21, %dma_start3A_58, %dma_start3A_59] : memref<4x10000x128xf32, #tpu.memory_space<hbm>> -> memref<1x10000x128xf32, #tpu.memory_space<hbm>>
          %dma_start3A_61 = tpu.memref_squeeze %dma_start3A_60 : memref<1x10000x128xf32, #tpu.memory_space<hbm>> -> memref<10000x128xf32, #tpu.memory_space<hbm>>
          %dma_start3A_62 = arith.constant 0 : i32
          %dma_start3A_63 = tpu.memref_slice %dma_start3A_61[%add3A_52, %dma_start3A_62] : memref<10000x128xf32, #tpu.memory_space<hbm>> -> memref<16x128xf32, #tpu.memory_space<hbm>>
          tpu.enqueue_dma source(%arg10 : memref<16x128xf32, #tpu.memory_space<vmem>>) target(%dma_start3A_63 : memref<16x128xf32, #tpu.memory_space<hbm>>) target_semaphore(%run_scoped3A : memref<!tpu.dma_semaphore, #tpu.memory_space<semaphore_mem>>)
          %dma_wait3A = arith.constant 0 : i32
          %dma_wait3A_64 = arith.constant 0 : i32
          %dma_wait3A_65 = tpu.memref_slice %arg4[%add3A_21, %dma_wait3A, %dma_wait3A_64] : memref<4x10000x128xf32, #tpu.memory_space<hbm>> -> memref<1x10000x128xf32, #tpu.memory_space<hbm>>
          %dma_wait3A_66 = tpu.memref_squeeze %dma_wait3A_65 : memref<1x10000x128xf32, #tpu.memory_space<hbm>> -> memref<10000x128xf32, #tpu.memory_space<hbm>>
          %dma_wait3A_67 = arith.constant 0 : i32
          %dma_wait3A_68 = tpu.memref_slice %dma_wait3A_66[%add3A_52, %dma_wait3A_67] : memref<10000x128xf32, #tpu.memory_space<hbm>> -> memref<16x128xf32, #tpu.memory_space<hbm>>
          %dma_wait3A_69 = arith.constant 0 : i32
          %dma_wait3A_70 = arith.constant 0 : i32
          %dma_wait3A_71 = tpu.memref_slice %arg4[%add3A_21, %dma_wait3A_69, %dma_wait3A_70] : memref<4x10000x128xf32, #tpu.memory_space<hbm>> -> memref<1x10000x128xf32, #tpu.memory_space<hbm>>
          %dma_wait3A_72 = tpu.memref_squeeze %dma_wait3A_71 : memref<1x10000x128xf32, #tpu.memory_space<hbm>> -> memref<10000x128xf32, #tpu.memory_space<hbm>>
          %dma_wait3A_73 = arith.constant 0 : i32
          %dma_wait3A_74 = tpu.memref_slice %dma_wait3A_72[%add3A_52, %dma_wait3A_73] : memref<10000x128xf32, #tpu.memory_space<hbm>> -> memref<16x128xf32, #tpu.memory_space<hbm>>
          tpu.wait_dma2 semaphore(%run_scoped3A : memref<!tpu.dma_semaphore, #tpu.memory_space<semaphore_mem>>) src(%arg10 : memref<16x128xf32, #tpu.memory_space<vmem>>) dst(%dma_wait3A_74 : memref<16x128xf32, #tpu.memory_space<hbm>>)
          tpu.yield
        }) : () -> ()
      }
      %barrier3A_48 = arith.constant 0 : index
      tpu.barrier barrier_id(%barrier3A_48)
    }
    %scan3A_17 = arith.constant 2 : i32
    return
  }
}

#map = affine_map<(d0, d1) -> (0, 0, 0)>
module attributes {stable_mosaic.version = 14 : i64} {
  func.func @body(%arg0: i32, %arg1: i32, %arg2: memref<2x1280x128xi32, #tpu.memory_space<hbm>>, %arg3: memref<4x10000x128xf32, #tpu.memory_space<hbm>>, %arg4: memref<4x10000x128xf32, #tpu.memory_space<hbm>>, %arg5: memref<10008x128xf32, #tpu.memory_space<vmem_shared>>, %arg6: memref<40x128xi32, #tpu.memory_space<vmem>>, %arg7: memref<40x128xi32, #tpu.memory_space<vmem>>, %arg8: memref<128x128xf32, #tpu.memory_space<vmem>>, %arg9: memref<128x128xf32, #tpu.memory_space<vmem>>, %arg10: memref<16x128xf32, #tpu.memory_space<vmem>>, %arg11: memref<16x128xf32, #tpu.memory_space<vmem>>, %arg12: memref<!tpu.dma_semaphore, #tpu.memory_space<semaphore_mem>>, %arg13: memref<!tpu.dma_semaphore, #tpu.memory_space<semaphore_mem>>) attributes {dimension_semantics = [#tpu.dimension_semantics<core_parallel>, #tpu.dimension_semantics<subcore_parallel>], iteration_bounds = array<i64: 2, 16>, scalar_prefetch = 0 : i64, scratch_operands = 9 : i64, tpu.core_type = #tpu.core_type<sc_vector_subcore>, window_params = [{transform_indices = #map}, {transform_indices = #map}, {transform_indices = #map}]} {
    %broadcast_in_dim3A = arith.constant 0.000000e+00 : f32
    %broadcast_in_dim3A_0 = vector.broadcast %broadcast_in_dim3A : f32 to vector<16xf32>
    %scan3A = arith.constant 0 : i32
    %scan3A_1 = arith.constant 0 : i32
    %scan3A_2 = arith.constant 16 : i32
    %scan3A_3 = arith.addi %scan3A_1, %scan3A_2 : i32
    %scan3A_4 = arith.constant 1 : i32
    scf.for %scan3A_18 = %scan3A_1 to %scan3A_3 step %scan3A_4  : i32 {
      %swap3A = arith.index_cast %scan3A_18 : i32 to index
      %swap3A_19 = arith.constant 0 : index
      %swap3A_20 = tpu.vector_load %arg11[%swap3A, %swap3A_19] {strides = array<i32>} : memref<16x128xf32, #tpu.memory_space<vmem>>, vector<1x16xf32>,
      %swap3A_21 = vector.shape_cast %swap3A_20 : vector<1x16xf32> to vector<16xf32>
      %swap3A_22 = vector.shape_cast %broadcast_in_dim3A_0 : vector<16xf32> to vector<1x16xf32>
      tpu.vector_store %arg11[%swap3A, %swap3A_19], %swap3A_22 {strides = array<i32>} : memref<16x128xf32, #tpu.memory_space<vmem>>, vector<1x16xf32>,
      %swap3A_23 = arith.index_cast %scan3A_18 : i32 to index
      %swap3A_24 = arith.constant 16 : index
      %swap3A_25 = tpu.vector_load %arg11[%swap3A_23, %swap3A_24] {strides = array<i32>} : memref<16x128xf32, #tpu.memory_space<vmem>>, vector<1x16xf32>,
      %swap3A_26 = vector.shape_cast %swap3A_25 : vector<1x16xf32> to vector<16xf32>
      %swap3A_27 = vector.shape_cast %broadcast_in_dim3A_0 : vector<16xf32> to vector<1x16xf32>
      tpu.vector_store %arg11[%swap3A_23, %swap3A_24], %swap3A_27 {strides = array<i32>} : memref<16x128xf32, #tpu.memory_space<vmem>>, vector<1x16xf32>,
      %swap3A_28 = arith.index_cast %scan3A_18 : i32 to index
      %swap3A_29 = arith.constant 32 : index
      %swap3A_30 = tpu.vector_load %arg11[%swap3A_28, %swap3A_29] {strides = array<i32>} : memref<16x128xf32, #tpu.memory_space<vmem>>, vector<1x16xf32>,
      %swap3A_31 = vector.shape_cast %swap3A_30 : vector<1x16xf32> to vector<16xf32>
      %swap3A_32 = vector.shape_cast %broadcast_in_dim3A_0 : vector<16xf32> to vector<1x16xf32>
      tpu.vector_store %arg11[%swap3A_28, %swap3A_29], %swap3A_32 {strides = array<i32>} : memref<16x128xf32, #tpu.memory_space<vmem>>, vector<1x16xf32>,
      %swap3A_33 = arith.index_cast %scan3A_18 : i32 to index
      %swap3A_34 = arith.constant 48 : index
      %swap3A_35 = tpu.vector_load %arg11[%swap3A_33, %swap3A_34] {strides = array<i32>} : memref<16x128xf32, #tpu.memory_space<vmem>>, vector<1x16xf32>,
      %swap3A_36 = vector.shape_cast %swap3A_35 : vector<1x16xf32> to vector<16xf32>
      %swap3A_37 = vector.shape_cast %broadcast_in_dim3A_0 : vector<16xf32> to vector<1x16xf32>
      tpu.vector_store %arg11[%swap3A_33, %swap3A_34], %swap3A_37 {strides = array<i32>} : memref<16x128xf32, #tpu.memory_space<vmem>>, vector<1x16xf32>,
      %swap3A_38 = arith.index_cast %scan3A_18 : i32 to index
      %swap3A_39 = arith.constant 64 : index
      %swap3A_40 = tpu.vector_load %arg11[%swap3A_38, %swap3A_39] {strides = array<i32>} : memref<16x128xf32, #tpu.memory_space<vmem>>, vector<1x16xf32>,
      %swap3A_41 = vector.shape_cast %swap3A_40 : vector<1x16xf32> to vector<16xf32>
      %swap3A_42 = vector.shape_cast %broadcast_in_dim3A_0 : vector<16xf32> to vector<1x16xf32>
      tpu.vector_store %arg11[%swap3A_38, %swap3A_39], %swap3A_42 {strides = array<i32>} : memref<16x128xf32, #tpu.memory_space<vmem>>, vector<1x16xf32>,
      %swap3A_43 = arith.index_cast %scan3A_18 : i32 to index
      %swap3A_44 = arith.constant 80 : index
      %swap3A_45 = tpu.vector_load %arg11[%swap3A_43, %swap3A_44] {strides = array<i32>} : memref<16x128xf32, #tpu.memory_space<vmem>>, vector<1x16xf32>,
      %swap3A_46 = vector.shape_cast %swap3A_45 : vector<1x16xf32> to vector<16xf32>
      %swap3A_47 = vector.shape_cast %broadcast_in_dim3A_0 : vector<16xf32> to vector<1x16xf32>
      tpu.vector_store %arg11[%swap3A_43, %swap3A_44], %swap3A_47 {strides = array<i32>} : memref<16x128xf32, #tpu.memory_space<vmem>>, vector<1x16xf32>,
      %swap3A_48 = arith.index_cast %scan3A_18 : i32 to index
      %swap3A_49 = arith.constant 96 : index
      %swap3A_50 = tpu.vector_load %arg11[%swap3A_48, %swap3A_49] {strides = array<i32>} : memref<16x128xf32, #tpu.memory_space<vmem>>, vector<1x16xf32>,
      %swap3A_51 = vector.shape_cast %swap3A_50 : vector<1x16xf32> to vector<16xf32>
      %swap3A_52 = vector.shape_cast %broadcast_in_dim3A_0 : vector<16xf32> to vector<1x16xf32>
      tpu.vector_store %arg11[%swap3A_48, %swap3A_49], %swap3A_52 {strides = array<i32>} : memref<16x128xf32, #tpu.memory_space<vmem>>, vector<1x16xf32>,
      %swap3A_53 = arith.index_cast %scan3A_18 : i32 to index
      %swap3A_54 = arith.constant 112 : index
      %swap3A_55 = tpu.vector_load %arg11[%swap3A_53, %swap3A_54] {strides = array<i32>} : memref<16x128xf32, #tpu.memory_space<vmem>>, vector<1x16xf32>,
      %swap3A_56 = vector.shape_cast %swap3A_55 : vector<1x16xf32> to vector<16xf32>
      %swap3A_57 = vector.shape_cast %broadcast_in_dim3A_0 : vector<16xf32> to vector<1x16xf32>
      tpu.vector_store %arg11[%swap3A_53, %swap3A_54], %swap3A_57 {strides = array<i32>} : memref<16x128xf32, #tpu.memory_space<vmem>>, vector<1x16xf32>,
    }
    %scan3A_5 = arith.constant 16 : i32
    %eq3A = arith.constant 0 : i32
    %eq3A_6 = arith.cmpi eq, %arg1, %eq3A : i32
    %jit3A = arith.constant 40 : i32
    %jit3A_7 = arith.constant 39 : i32
    %select_n3A = arith.select %eq3A_6, %jit3A, %jit3A_7 : i32
    %mul3A = arith.constant 39 : i32
    %mul3A_8 = arith.muli %mul3A, %arg1 : i32
    %min3A = arith.constant 1 : i32
    %min3A_9 = arith.minsi %arg1, %min3A : i32
    %add3A = arith.addi %mul3A_8, %min3A_9 : i32
    %mul3A_10 = arith.constant 16 : i32
    %mul3A_11 = arith.muli %mul3A_10, %add3A : i32
    %scan3A_12 = arith.constant 0 : i32
    %scan3A_13 = arith.constant 0 : i32
    %scan3A_14 = arith.constant 2 : i32
    %scan3A_15 = arith.addi %scan3A_13, %scan3A_14 : i32
    %scan3A_16 = arith.constant 1 : i32
    scf.for %scan3A_18 = %scan3A_13 to %scan3A_15 step %scan3A_16  : i32 {
      %mul3A_19 = arith.constant 2 : i32
      %mul3A_20 = arith.muli %arg0, %mul3A_19 : i32
      %add3A_21 = arith.addi %mul3A_20, %scan3A_18 : i32
      %while3A = arith.constant 0 : i32
      %while3A_22 = arith.constant 0 : i32
      %while3A_23 = arith.subi %select_n3A, %while3A_22 : i32
      %while3A_24 = arith.addi %while3A_22, %while3A_23 : i32
      %while3A_25 = arith.constant 1 : i32
      %while3A_26 = arith.divsi %while3A_23, %while3A_25 : i32
      %while3A_27 = arith.muli %while3A_26, %while3A_25 : i32
      %while3A_28 = arith.addi %while3A_22, %while3A_27 : i32
      %while3A_29 = arith.constant 1 : i32
      scf.for %while3A_49 = %while3A_22 to %while3A_28 step %while3A_29  : i32 {
        %mul3A_50 = arith.constant 16 : i32
        %mul3A_51 = arith.muli %mul3A_50, %while3A_49 : i32
        %add3A_52 = arith.addi %mul3A_11, %mul3A_51 : i32
        "tpu.region"() ({
          %run_scoped3A = tpu.sem_alloc : memref<!tpu.dma_semaphore, #tpu.memory_space<semaphore_mem>>
          %dma_start3A = arith.constant 0 : i32
          %dma_start3A_53 = tpu.memref_slice %arg5[%add3A_52, %dma_start3A] : memref<10008x128xf32, #tpu.memory_space<vmem_shared>> -> memref<16x128xf32, #tpu.memory_space<vmem_shared>>
          %dma_start3A_54 = arith.constant 0 : i32
          %dma_start3A_55 = tpu.memref_slice %arg5[%add3A_52, %dma_start3A_54] : memref<10008x128xf32, #tpu.memory_space<vmem_shared>> -> memref<16x128xf32, #tpu.memory_space<vmem_shared>>
          tpu.enqueue_dma source(%arg11 : memref<16x128xf32, #tpu.memory_space<vmem>>) target(%dma_start3A_55 : memref<16x128xf32, #tpu.memory_space<vmem_shared>>) target_semaphore(%run_scoped3A : memref<!tpu.dma_semaphore, #tpu.memory_space<semaphore_mem>>)
          %dma_wait3A = arith.constant 0 : i32
          %dma_wait3A_56 = tpu.memref_slice %arg5[%add3A_52, %dma_wait3A] : memref<10008x128xf32, #tpu.memory_space<vmem_shared>> -> memref<16x128xf32, #tpu.memory_space<vmem_shared>>
          %dma_wait3A_57 = arith.constant 0 : i32
          %dma_wait3A_58 = tpu.memref_slice %arg5[%add3A_52, %dma_wait3A_57] : memref<10008x128xf32, #tpu.memory_space<vmem_shared>> -> memref<16x128xf32, #tpu.memory_space<vmem_shared>>
          tpu.wait_dma2 semaphore(%run_scoped3A : memref<!tpu.dma_semaphore, #tpu.memory_space<semaphore_mem>>) src(%arg11 : memref<16x128xf32, #tpu.memory_space<vmem>>) dst(%dma_wait3A_58 : memref<16x128xf32, #tpu.memory_space<vmem_shared>>)
          tpu.yield
        }) : () -> ()
      }
      %while3A_30 = arith.constant 1 : i32
      scf.for %while3A_49 = %while3A_28 to %while3A_24 step %while3A_30  : i32 {
        %mul3A_50 = arith.constant 16 : i32
        %mul3A_51 = arith.muli %mul3A_50, %while3A_49 : i32
        %add3A_52 = arith.addi %mul3A_11, %mul3A_51 : i32
        "tpu.region"() ({
          %run_scoped3A = tpu.sem_alloc : memref<!tpu.dma_semaphore, #tpu.memory_space<semaphore_mem>>
          %dma_start3A = arith.constant 0 : i32
          %dma_start3A_53 = tpu.memref_slice %arg5[%add3A_52, %dma_start3A] : memref<10008x128xf32, #tpu.memory_space<vmem_shared>> -> memref<16x128xf32, #tpu.memory_space<vmem_shared>>
          %dma_start3A_54 = arith.constant 0 : i32
          %dma_start3A_55 = tpu.memref_slice %arg5[%add3A_52, %dma_start3A_54] : memref<10008x128xf32, #tpu.memory_space<vmem_shared>> -> memref<16x128xf32, #tpu.memory_space<vmem_shared>>
          tpu.enqueue_dma source(%arg11 : memref<16x128xf32, #tpu.memory_space<vmem>>) target(%dma_start3A_55 : memref<16x128xf32, #tpu.memory_space<vmem_shared>>) target_semaphore(%run_scoped3A : memref<!tpu.dma_semaphore, #tpu.memory_space<semaphore_mem>>)
          %dma_wait3A = arith.constant 0 : i32
          %dma_wait3A_56 = tpu.memref_slice %arg5[%add3A_52, %dma_wait3A] : memref<10008x128xf32, #tpu.memory_space<vmem_shared>> -> memref<16x128xf32, #tpu.memory_space<vmem_shared>>
          %dma_wait3A_57 = arith.constant 0 : i32
          %dma_wait3A_58 = tpu.memref_slice %arg5[%add3A_52, %dma_wait3A_57] : memref<10008x128xf32, #tpu.memory_space<vmem_shared>> -> memref<16x128xf32, #tpu.memory_space<vmem_shared>>
          tpu.wait_dma2 semaphore(%run_scoped3A : memref<!tpu.dma_semaphore, #tpu.memory_space<semaphore_mem>>) src(%arg11 : memref<16x128xf32, #tpu.memory_space<vmem>>) dst(%dma_wait3A_58 : memref<16x128xf32, #tpu.memory_space<vmem_shared>>)
          tpu.yield
        }) : () -> ()
      }
      %barrier3A = arith.constant 0 : index
      tpu.barrier barrier_id(%barrier3A)
      %scan3A_31 = arith.constant 0 : i32
      %scan3A_32 = arith.constant 0 : i32
      %scan3A_33 = arith.constant 2 : i32
      %scan3A_34 = arith.addi %scan3A_32, %scan3A_33 : i32
      %scan3A_35 = arith.constant 1 : i32
      scf.for %scan3A_49 = %scan3A_32 to %scan3A_34 step %scan3A_35  : i32 {
        %mul3A_50 = arith.constant 80 : i32
        %mul3A_51 = arith.muli %arg1, %mul3A_50 : i32
        %mul3A_52 = arith.constant 40 : i32
        %mul3A_53 = arith.muli %mul3A_52, %scan3A_49 : i32
        %add3A_54 = arith.addi %mul3A_51, %mul3A_53 : i32
        %run_scoped3A = arith.constant 0 : i32
        "tpu.region"() ({
          %run_scoped3A_93 = tpu.sem_alloc : memref<!tpu.dma_semaphore, #tpu.memory_space<semaphore_mem>>
          %dma_start3A = arith.constant 0 : i32
          %dma_start3A_94 = tpu.memref_slice %arg2[%run_scoped3A, %add3A_54, %dma_start3A] : memref<2x1280x128xi32, #tpu.memory_space<hbm>> -> memref<1x40x128xi32, #tpu.memory_space<hbm>>
          %dma_start3A_95 = tpu.memref_squeeze %dma_start3A_94 : memref<1x40x128xi32, #tpu.memory_space<hbm>> -> memref<40x128xi32, #tpu.memory_space<hbm>>
          %dma_start3A_96 = arith.constant 0 : i32
          %dma_start3A_97 = tpu.memref_slice %arg2[%run_scoped3A, %add3A_54, %dma_start3A_96] : memref<2x1280x128xi32, #tpu.memory_space<hbm>> -> memref<1x40x128xi32, #tpu.memory_space<hbm>>
          %dma_start3A_98 = tpu.memref_squeeze %dma_start3A_97 : memref<1x40x128xi32, #tpu.memory_space<hbm>> -> memref<40x128xi32, #tpu.memory_space<hbm>>
          tpu.enqueue_dma source(%dma_start3A_98 : memref<40x128xi32, #tpu.memory_space<hbm>>) target(%arg6 : memref<40x128xi32, #tpu.memory_space<vmem>>) target_semaphore(%run_scoped3A_93 : memref<!tpu.dma_semaphore, #tpu.memory_space<semaphore_mem>>)
          %dma_wait3A = arith.constant 0 : i32
          %dma_wait3A_99 = tpu.memref_slice %arg2[%run_scoped3A, %add3A_54, %dma_wait3A] : memref<2x1280x128xi32, #tpu.memory_space<hbm>> -> memref<1x40x128xi32, #tpu.memory_space<hbm>>
          %dma_wait3A_100 = tpu.memref_squeeze %dma_wait3A_99 : memref<1x40x128xi32, #tpu.memory_space<hbm>> -> memref<40x128xi32, #tpu.memory_space<hbm>>
          %dma_wait3A_101 = arith.constant 0 : i32
          %dma_wait3A_102 = tpu.memref_slice %arg2[%run_scoped3A, %add3A_54, %dma_wait3A_101] : memref<2x1280x128xi32, #tpu.memory_space<hbm>> -> memref<1x40x128xi32, #tpu.memory_space<hbm>>
          %dma_wait3A_103 = tpu.memref_squeeze %dma_wait3A_102 : memref<1x40x128xi32, #tpu.memory_space<hbm>> -> memref<40x128xi32, #tpu.memory_space<hbm>>
          tpu.wait_dma2 semaphore(%run_scoped3A_93 : memref<!tpu.dma_semaphore, #tpu.memory_space<semaphore_mem>>) src(%dma_wait3A_103 : memref<40x128xi32, #tpu.memory_space<hbm>>) dst(%arg6 : memref<40x128xi32, #tpu.memory_space<vmem>>)
          tpu.yield
        }) : () -> ()
        %run_scoped3A_55 = arith.constant 1 : i32
        "tpu.region"() ({
          %run_scoped3A_93 = tpu.sem_alloc : memref<!tpu.dma_semaphore, #tpu.memory_space<semaphore_mem>>
          %dma_start3A = arith.constant 0 : i32
          %dma_start3A_94 = tpu.memref_slice %arg2[%run_scoped3A_55, %add3A_54, %dma_start3A] : memref<2x1280x128xi32, #tpu.memory_space<hbm>> -> memref<1x40x128xi32, #tpu.memory_space<hbm>>
          %dma_start3A_95 = tpu.memref_squeeze %dma_start3A_94 : memref<1x40x128xi32, #tpu.memory_space<hbm>> -> memref<40x128xi32, #tpu.memory_space<hbm>>
          %dma_start3A_96 = arith.constant 0 : i32
          %dma_start3A_97 = tpu.memref_slice %arg2[%run_scoped3A_55, %add3A_54, %dma_start3A_96] : memref<2x1280x128xi32, #tpu.memory_space<hbm>> -> memref<1x40x128xi32, #tpu.memory_space<hbm>>
          %dma_start3A_98 = tpu.memref_squeeze %dma_start3A_97 : memref<1x40x128xi32, #tpu.memory_space<hbm>> -> memref<40x128xi32, #tpu.memory_space<hbm>>
          tpu.enqueue_dma source(%dma_start3A_98 : memref<40x128xi32, #tpu.memory_space<hbm>>) target(%arg7 : memref<40x128xi32, #tpu.memory_space<vmem>>) target_semaphore(%run_scoped3A_93 : memref<!tpu.dma_semaphore, #tpu.memory_space<semaphore_mem>>)
          %dma_wait3A = arith.constant 0 : i32
          %dma_wait3A_99 = tpu.memref_slice %arg2[%run_scoped3A_55, %add3A_54, %dma_wait3A] : memref<2x1280x128xi32, #tpu.memory_space<hbm>> -> memref<1x40x128xi32, #tpu.memory_space<hbm>>
          %dma_wait3A_100 = tpu.memref_squeeze %dma_wait3A_99 : memref<1x40x128xi32, #tpu.memory_space<hbm>> -> memref<40x128xi32, #tpu.memory_space<hbm>>
          %dma_wait3A_101 = arith.constant 0 : i32
          %dma_wait3A_102 = tpu.memref_slice %arg2[%run_scoped3A_55, %add3A_54, %dma_wait3A_101] : memref<2x1280x128xi32, #tpu.memory_space<hbm>> -> memref<1x40x128xi32, #tpu.memory_space<hbm>>
          %dma_wait3A_103 = tpu.memref_squeeze %dma_wait3A_102 : memref<1x40x128xi32, #tpu.memory_space<hbm>> -> memref<40x128xi32, #tpu.memory_space<hbm>>
          tpu.wait_dma2 semaphore(%run_scoped3A_93 : memref<!tpu.dma_semaphore, #tpu.memory_space<semaphore_mem>>) src(%dma_wait3A_103 : memref<40x128xi32, #tpu.memory_space<hbm>>) dst(%arg7 : memref<40x128xi32, #tpu.memory_space<vmem>>)
          tpu.yield
        }) : () -> ()
        %eq3A_56 = arith.constant 15 : i32
        %eq3A_57 = arith.cmpi eq, %arg1, %eq3A_56 : i32
        %eq3A_58 = arith.constant 0 : i32
        %eq3A_59 = arith.cmpi eq, %scan3A_49, %eq3A_58 : i32
        %jit3A_60 = arith.constant 40 : i32
        %jit3A_61 = arith.constant 10 : i32
        %select_n3A_62 = arith.select %eq3A_59, %jit3A_60, %jit3A_61 : i32
        %jit3A_63 = arith.constant 40 : i32
        %select_n3A_64 = arith.select %eq3A_57, %select_n3A_62, %jit3A_63 : i32
        %jit3A_65 = arith.constant 2 : i32
        %div3A = arith.divsi %select_n3A_64, %jit3A_65 : i32
        %sign3A = arith.constant 0 : i32
        %sign3A_66 = arith.cmpi sgt, %select_n3A_64, %sign3A : i32
        %sign3A_67 = arith.extui %sign3A_66 : i1 to i32
        %sign3A_68 = arith.constant 0 : i32
        %sign3A_69 = arith.cmpi slt, %select_n3A_64, %sign3A_68 : i32
        %sign3A_70 = arith.extui %sign3A_69 : i1 to i32
        %sign3A_71 = arith.subi %sign3A_67, %sign3A_70 : i32
        %sign3A_72 = arith.constant 0 : i32
        %sign3A_73 = arith.cmpi sgt, %jit3A_65, %sign3A_72 : i32
        %sign3A_74 = arith.extui %sign3A_73 : i1 to i32
        %sign3A_75 = arith.constant 0 : i32
        %sign3A_76 = arith.cmpi slt, %jit3A_65, %sign3A_75 : i32
        %sign3A_77 = arith.extui %sign3A_76 : i1 to i32
        %sign3A_78 = arith.subi %sign3A_74, %sign3A_77 : i32
        %ne3A = arith.cmpi ne, %sign3A_71, %sign3A_78 : i32
        %rem3A = arith.remsi %select_n3A_64, %jit3A_65 : i32
        %ne3A_79 = arith.constant 0 : i32
        %ne3A_80 = arith.cmpi ne, %rem3A, %ne3A_79 : i32
        %and3A = arith.andi %ne3A, %ne3A_80 : i1
        %sub3A = arith.constant 1 : i32
        %sub3A_81 = arith.subi %div3A, %sub3A : i32
        %select_n3A_82 = arith.select %and3A, %sub3A_81, %div3A : i32
        %while3A_83 = arith.constant 0 : i32
        %while3A_84 = arith.constant 0 : i32
        %while3A_85 = arith.subi %select_n3A_82, %while3A_84 : i32
        %while3A_86 = arith.addi %while3A_84, %while3A_85 : i32
        %while3A_87 = arith.constant 1 : i32
        %while3A_88 = arith.divsi %while3A_85, %while3A_87 : i32
        %while3A_89 = arith.muli %while3A_88, %while3A_87 : i32
        %while3A_90 = arith.addi %while3A_84, %while3A_89 : i32
        %while3A_91 = arith.constant 1 : i32
        scf.for %while3A_93 = %while3A_84 to %while3A_90 step %while3A_91  : i32 {
          %mul3A_94 = arith.constant 2 : i32
          %mul3A_95 = arith.muli %mul3A_94, %while3A_93 : i32
          %dma_start3A = arith.constant 0 : i32
          %dma_start3A_96 = tpu.memref_slice %arg6[%mul3A_95, %dma_start3A] : memref<40x128xi32, #tpu.memory_space<vmem>> -> memref<1x128xi32, #tpu.memory_space<vmem>>
          %dma_start3A_97 = tpu.memref_squeeze %dma_start3A_96 : memref<1x128xi32, #tpu.memory_space<vmem>> -> memref<128xi32, #tpu.memory_space<vmem>>
          %dma_start3A_98 = arith.constant 0 : i32
          %dma_start3A_99 = arith.constant 0 : i32
          %dma_start3A_100 = tpu.memref_slice %arg3[%add3A_21, %dma_start3A_98, %dma_start3A_99] : memref<4x10000x128xf32, #tpu.memory_space<hbm>> -> memref<1x10000x128xf32, #tpu.memory_space<hbm>>
          %dma_start3A_101 = tpu.memref_squeeze %dma_start3A_100 : memref<1x10000x128xf32, #tpu.memory_space<hbm>> -> memref<10000x128xf32, #tpu.memory_space<hbm>>
          %dma_start3A_102 = arith.constant 0 : i32
          %dma_start3A_103 = arith.constant 0 : i32
          %dma_start3A_104 = tpu.memref_slice %dma_start3A_101[%dma_start3A_102, %dma_start3A_103] : memref<10000x128xf32, #tpu.memory_space<hbm>> -> memref<10000x128xf32, #tpu.memory_space<hbm>>
          tpu.enqueue_indirect_dma source(%dma_start3A_104 : memref<10000x128xf32, #tpu.memory_space<hbm>>) target(%arg8 : memref<128x128xf32, #tpu.memory_space<vmem>>) offsets(%dma_start3A_97 : memref<128xi32, #tpu.memory_space<vmem>>) semaphore(%arg12 : memref<!tpu.dma_semaphore, #tpu.memory_space<semaphore_mem>>)
          %add3A_105 = arith.constant 1 : i32
          %add3A_106 = arith.addi %mul3A_95, %add3A_105 : i32
          %dma_start3A_107 = arith.constant 0 : i32
          %dma_start3A_108 = tpu.memref_slice %arg6[%add3A_106, %dma_start3A_107] : memref<40x128xi32, #tpu.memory_space<vmem>> -> memref<1x128xi32, #tpu.memory_space<vmem>>
          %dma_start3A_109 = tpu.memref_squeeze %dma_start3A_108 : memref<1x128xi32, #tpu.memory_space<vmem>> -> memref<128xi32, #tpu.memory_space<vmem>>
          %dma_start3A_110 = arith.constant 0 : i32
          %dma_start3A_111 = arith.constant 0 : i32
          %dma_start3A_112 = tpu.memref_slice %arg3[%add3A_21, %dma_start3A_110, %dma_start3A_111] : memref<4x10000x128xf32, #tpu.memory_space<hbm>> -> memref<1x10000x128xf32, #tpu.memory_space<hbm>>
          %dma_start3A_113 = tpu.memref_squeeze %dma_start3A_112 : memref<1x10000x128xf32, #tpu.memory_space<hbm>> -> memref<10000x128xf32, #tpu.memory_space<hbm>>
          %dma_start3A_114 = arith.constant 0 : i32
          %dma_start3A_115 = arith.constant 0 : i32
          %dma_start3A_116 = tpu.memref_slice %dma_start3A_113[%dma_start3A_114, %dma_start3A_115] : memref<10000x128xf32, #tpu.memory_space<hbm>> -> memref<10000x128xf32, #tpu.memory_space<hbm>>
          tpu.enqueue_indirect_dma source(%dma_start3A_116 : memref<10000x128xf32, #tpu.memory_space<hbm>>) target(%arg9 : memref<128x128xf32, #tpu.memory_space<vmem>>) offsets(%dma_start3A_109 : memref<128xi32, #tpu.memory_space<vmem>>) semaphore(%arg13 : memref<!tpu.dma_semaphore, #tpu.memory_space<semaphore_mem>>)
          %dma_wait3A = arith.constant 0 : i32
          %dma_wait3A_117 = tpu.memref_slice %arg6[%mul3A_95, %dma_wait3A] : memref<40x128xi32, #tpu.memory_space<vmem>> -> memref<1x128xi32, #tpu.memory_space<vmem>>
          %dma_wait3A_118 = tpu.memref_squeeze %dma_wait3A_117 : memref<1x128xi32, #tpu.memory_space<vmem>> -> memref<128xi32, #tpu.memory_space<vmem>>
          %dma_wait3A_119 = arith.constant 0 : i32
          %dma_wait3A_120 = arith.constant 0 : i32
          %dma_wait3A_121 = tpu.memref_slice %arg3[%add3A_21, %dma_wait3A_119, %dma_wait3A_120] : memref<4x10000x128xf32, #tpu.memory_space<hbm>> -> memref<1x10000x128xf32, #tpu.memory_space<hbm>>
          %dma_wait3A_122 = tpu.memref_squeeze %dma_wait3A_121 : memref<1x10000x128xf32, #tpu.memory_space<hbm>> -> memref<10000x128xf32, #tpu.memory_space<hbm>>
          %dma_wait3A_123 = arith.constant 0 : i32
          %dma_wait3A_124 = arith.constant 0 : i32
          %dma_wait3A_125 = tpu.memref_slice %dma_wait3A_122[%dma_wait3A_123, %dma_wait3A_124] : memref<10000x128xf32, #tpu.memory_space<hbm>> -> memref<10000x128xf32, #tpu.memory_space<hbm>>
          tpu.wait_indirect_dma semaphore(%arg12 : memref<!tpu.dma_semaphore, #tpu.memory_space<semaphore_mem>>) src(%dma_wait3A_125 : memref<10000x128xf32, #tpu.memory_space<hbm>>) dst(%arg8 : memref<128x128xf32, #tpu.memory_space<vmem>>)
          "tpu.region"() ({
            %run_scoped3A_138 = tpu.sem_alloc : memref<!tpu.dma_semaphore, #tpu.memory_space<semaphore_mem>>
            %dma_start3A_139 = arith.constant 0 : i32
            %dma_start3A_140 = tpu.memref_slice %arg7[%mul3A_95, %dma_start3A_139] : memref<40x128xi32, #tpu.memory_space<vmem>> -> memref<1x128xi32, #tpu.memory_space<vmem>>
            %dma_start3A_141 = tpu.memref_squeeze %dma_start3A_140 : memref<1x128xi32, #tpu.memory_space<vmem>> -> memref<128xi32, #tpu.memory_space<vmem>>
            %dma_start3A_142 = arith.constant 0 : i32
            %dma_start3A_143 = arith.constant 0 : i32
            %dma_start3A_144 = tpu.memref_slice %arg5[%dma_start3A_142, %dma_start3A_143] : memref<10008x128xf32, #tpu.memory_space<vmem_shared>> -> memref<10008x128xf32, #tpu.memory_space<vmem_shared>>
            tpu.enqueue_indirect_dma source(%arg8 : memref<128x128xf32, #tpu.memory_space<vmem>>) target(%dma_start3A_144 : memref<10008x128xf32, #tpu.memory_space<vmem_shared>>) offsets(%dma_start3A_141 : memref<128xi32, #tpu.memory_space<vmem>>) semaphore(%run_scoped3A_138 : memref<!tpu.dma_semaphore, #tpu.memory_space<semaphore_mem>>) {add = true}
            %dma_wait3A_145 = arith.constant 0 : i32
            %dma_wait3A_146 = tpu.memref_slice %arg7[%mul3A_95, %dma_wait3A_145] : memref<40x128xi32, #tpu.memory_space<vmem>> -> memref<1x128xi32, #tpu.memory_space<vmem>>
            %dma_wait3A_147 = tpu.memref_squeeze %dma_wait3A_146 : memref<1x128xi32, #tpu.memory_space<vmem>> -> memref<128xi32, #tpu.memory_space<vmem>>
            %dma_wait3A_148 = arith.constant 0 : i32
            %dma_wait3A_149 = arith.constant 0 : i32
            %dma_wait3A_150 = tpu.memref_slice %arg5[%dma_wait3A_148, %dma_wait3A_149] : memref<10008x128xf32, #tpu.memory_space<vmem_shared>> -> memref<10008x128xf32, #tpu.memory_space<vmem_shared>>
            tpu.wait_indirect_dma semaphore(%run_scoped3A_138 : memref<!tpu.dma_semaphore, #tpu.memory_space<semaphore_mem>>) src(%arg8 : memref<128x128xf32, #tpu.memory_space<vmem>>) dst(%dma_wait3A_150 : memref<10008x128xf32, #tpu.memory_space<vmem_shared>>)
            tpu.yield
          }) : () -> ()
          %dma_wait3A_126 = arith.constant 0 : i32
          %dma_wait3A_127 = tpu.memref_slice %arg6[%add3A_106, %dma_wait3A_126] : memref<40x128xi32, #tpu.memory_space<vmem>> -> memref<1x128xi32, #tpu.memory_space<vmem>>
          %dma_wait3A_128 = tpu.memref_squeeze %dma_wait3A_127 : memref<1x128xi32, #tpu.memory_space<vmem>> -> memref<128xi32, #tpu.memory_space<vmem>>
          %dma_wait3A_129 = arith.constant 0 : i32
          %dma_wait3A_130 = arith.constant 0 : i32
          %dma_wait3A_131 = tpu.memref_slice %arg3[%add3A_21, %dma_wait3A_129, %dma_wait3A_130] : memref<4x10000x128xf32, #tpu.memory_space<hbm>> -> memref<1x10000x128xf32, #tpu.memory_space<hbm>>
          %dma_wait3A_132 = tpu.memref_squeeze %dma_wait3A_131 : memref<1x10000x128xf32, #tpu.memory_space<hbm>> -> memref<10000x128xf32, #tpu.memory_space<hbm>>
          %dma_wait3A_133 = arith.constant 0 : i32
          %dma_wait3A_134 = arith.constant 0 : i32
          %dma_wait3A_135 = tpu.memref_slice %dma_wait3A_132[%dma_wait3A_133, %dma_wait3A_134] : memref<10000x128xf32, #tpu.memory_space<hbm>> -> memref<10000x128xf32, #tpu.memory_space<hbm>>
          tpu.wait_indirect_dma semaphore(%arg13 : memref<!tpu.dma_semaphore, #tpu.memory_space<semaphore_mem>>) src(%dma_wait3A_135 : memref<10000x128xf32, #tpu.memory_space<hbm>>) dst(%arg9 : memref<128x128xf32, #tpu.memory_space<vmem>>)
          %add3A_136 = arith.constant 1 : i32
          %add3A_137 = arith.addi %mul3A_95, %add3A_136 : i32
          "tpu.region"() ({
            %run_scoped3A_138 = tpu.sem_alloc : memref<!tpu.dma_semaphore, #tpu.memory_space<semaphore_mem>>
            %dma_start3A_139 = arith.constant 0 : i32
            %dma_start3A_140 = tpu.memref_slice %arg7[%add3A_137, %dma_start3A_139] : memref<40x128xi32, #tpu.memory_space<vmem>> -> memref<1x128xi32, #tpu.memory_space<vmem>>
            %dma_start3A_141 = tpu.memref_squeeze %dma_start3A_140 : memref<1x128xi32, #tpu.memory_space<vmem>> -> memref<128xi32, #tpu.memory_space<vmem>>
            %dma_start3A_142 = arith.constant 0 : i32
            %dma_start3A_143 = arith.constant 0 : i32
            %dma_start3A_144 = tpu.memref_slice %arg5[%dma_start3A_142, %dma_start3A_143] : memref<10008x128xf32, #tpu.memory_space<vmem_shared>> -> memref<10008x128xf32, #tpu.memory_space<vmem_shared>>
            tpu.enqueue_indirect_dma source(%arg9 : memref<128x128xf32, #tpu.memory_space<vmem>>) target(%dma_start3A_144 : memref<10008x128xf32, #tpu.memory_space<vmem_shared>>) offsets(%dma_start3A_141 : memref<128xi32, #tpu.memory_space<vmem>>) semaphore(%run_scoped3A_138 : memref<!tpu.dma_semaphore, #tpu.memory_space<semaphore_mem>>) {add = true}
            %dma_wait3A_145 = arith.constant 0 : i32
            %dma_wait3A_146 = tpu.memref_slice %arg7[%add3A_137, %dma_wait3A_145] : memref<40x128xi32, #tpu.memory_space<vmem>> -> memref<1x128xi32, #tpu.memory_space<vmem>>
            %dma_wait3A_147 = tpu.memref_squeeze %dma_wait3A_146 : memref<1x128xi32, #tpu.memory_space<vmem>> -> memref<128xi32, #tpu.memory_space<vmem>>
            %dma_wait3A_148 = arith.constant 0 : i32
            %dma_wait3A_149 = arith.constant 0 : i32
            %dma_wait3A_150 = tpu.memref_slice %arg5[%dma_wait3A_148, %dma_wait3A_149] : memref<10008x128xf32, #tpu.memory_space<vmem_shared>> -> memref<10008x128xf32, #tpu.memory_space<vmem_shared>>
            tpu.wait_indirect_dma semaphore(%run_scoped3A_138 : memref<!tpu.dma_semaphore, #tpu.memory_space<semaphore_mem>>) src(%arg9 : memref<128x128xf32, #tpu.memory_space<vmem>>) dst(%dma_wait3A_150 : memref<10008x128xf32, #tpu.memory_space<vmem_shared>>)
            tpu.yield
          }) : () -> ()
        }
        %while3A_92 = arith.constant 1 : i32
        scf.for %while3A_93 = %while3A_90 to %while3A_86 step %while3A_92  : i32 {
          %mul3A_94 = arith.constant 2 : i32
          %mul3A_95 = arith.muli %mul3A_94, %while3A_93 : i32
          %dma_start3A = arith.constant 0 : i32
          %dma_start3A_96 = tpu.memref_slice %arg6[%mul3A_95, %dma_start3A] : memref<40x128xi32, #tpu.memory_space<vmem>> -> memref<1x128xi32, #tpu.memory_space<vmem>>
          %dma_start3A_97 = tpu.memref_squeeze %dma_start3A_96 : memref<1x128xi32, #tpu.memory_space<vmem>> -> memref<128xi32, #tpu.memory_space<vmem>>
          %dma_start3A_98 = arith.constant 0 : i32
          %dma_start3A_99 = arith.constant 0 : i32
          %dma_start3A_100 = tpu.memref_slice %arg3[%add3A_21, %dma_start3A_98, %dma_start3A_99] : memref<4x10000x128xf32, #tpu.memory_space<hbm>> -> memref<1x10000x128xf32, #tpu.memory_space<hbm>>
          %dma_start3A_101 = tpu.memref_squeeze %dma_start3A_100 : memref<1x10000x128xf32, #tpu.memory_space<hbm>> -> memref<10000x128xf32, #tpu.memory_space<hbm>>
          %dma_start3A_102 = arith.constant 0 : i32
          %dma_start3A_103 = arith.constant 0 : i32
          %dma_start3A_104 = tpu.memref_slice %dma_start3A_101[%dma_start3A_102, %dma_start3A_103] : memref<10000x128xf32, #tpu.memory_space<hbm>> -> memref<10000x128xf32, #tpu.memory_space<hbm>>
          tpu.enqueue_indirect_dma source(%dma_start3A_104 : memref<10000x128xf32, #tpu.memory_space<hbm>>) target(%arg8 : memref<128x128xf32, #tpu.memory_space<vmem>>) offsets(%dma_start3A_97 : memref<128xi32, #tpu.memory_space<vmem>>) semaphore(%arg12 : memref<!tpu.dma_semaphore, #tpu.memory_space<semaphore_mem>>)
          %add3A_105 = arith.constant 1 : i32
          %add3A_106 = arith.addi %mul3A_95, %add3A_105 : i32
          %dma_start3A_107 = arith.constant 0 : i32
          %dma_start3A_108 = tpu.memref_slice %arg6[%add3A_106, %dma_start3A_107] : memref<40x128xi32, #tpu.memory_space<vmem>> -> memref<1x128xi32, #tpu.memory_space<vmem>>
          %dma_start3A_109 = tpu.memref_squeeze %dma_start3A_108 : memref<1x128xi32, #tpu.memory_space<vmem>> -> memref<128xi32, #tpu.memory_space<vmem>>
          %dma_start3A_110 = arith.constant 0 : i32
          %dma_start3A_111 = arith.constant 0 : i32
          %dma_start3A_112 = tpu.memref_slice %arg3[%add3A_21, %dma_start3A_110, %dma_start3A_111] : memref<4x10000x128xf32, #tpu.memory_space<hbm>> -> memref<1x10000x128xf32, #tpu.memory_space<hbm>>
          %dma_start3A_113 = tpu.memref_squeeze %dma_start3A_112 : memref<1x10000x128xf32, #tpu.memory_space<hbm>> -> memref<10000x128xf32, #tpu.memory_space<hbm>>
          %dma_start3A_114 = arith.constant 0 : i32
          %dma_start3A_115 = arith.constant 0 : i32
          %dma_start3A_116 = tpu.memref_slice %dma_start3A_113[%dma_start3A_114, %dma_start3A_115] : memref<10000x128xf32, #tpu.memory_space<hbm>> -> memref<10000x128xf32, #tpu.memory_space<hbm>>
          tpu.enqueue_indirect_dma source(%dma_start3A_116 : memref<10000x128xf32, #tpu.memory_space<hbm>>) target(%arg9 : memref<128x128xf32, #tpu.memory_space<vmem>>) offsets(%dma_start3A_109 : memref<128xi32, #tpu.memory_space<vmem>>) semaphore(%arg13 : memref<!tpu.dma_semaphore, #tpu.memory_space<semaphore_mem>>)
          %dma_wait3A = arith.constant 0 : i32
          %dma_wait3A_117 = tpu.memref_slice %arg6[%mul3A_95, %dma_wait3A] : memref<40x128xi32, #tpu.memory_space<vmem>> -> memref<1x128xi32, #tpu.memory_space<vmem>>
          %dma_wait3A_118 = tpu.memref_squeeze %dma_wait3A_117 : memref<1x128xi32, #tpu.memory_space<vmem>> -> memref<128xi32, #tpu.memory_space<vmem>>
          %dma_wait3A_119 = arith.constant 0 : i32
          %dma_wait3A_120 = arith.constant 0 : i32
          %dma_wait3A_121 = tpu.memref_slice %arg3[%add3A_21, %dma_wait3A_119, %dma_wait3A_120] : memref<4x10000x128xf32, #tpu.memory_space<hbm>> -> memref<1x10000x128xf32, #tpu.memory_space<hbm>>
          %dma_wait3A_122 = tpu.memref_squeeze %dma_wait3A_121 : memref<1x10000x128xf32, #tpu.memory_space<hbm>> -> memref<10000x128xf32, #tpu.memory_space<hbm>>
          %dma_wait3A_123 = arith.constant 0 : i32
          %dma_wait3A_124 = arith.constant 0 : i32
          %dma_wait3A_125 = tpu.memref_slice %dma_wait3A_122[%dma_wait3A_123, %dma_wait3A_124] : memref<10000x128xf32, #tpu.memory_space<hbm>> -> memref<10000x128xf32, #tpu.memory_space<hbm>>
          tpu.wait_indirect_dma semaphore(%arg12 : memref<!tpu.dma_semaphore, #tpu.memory_space<semaphore_mem>>) src(%dma_wait3A_125 : memref<10000x128xf32, #tpu.memory_space<hbm>>) dst(%arg8 : memref<128x128xf32, #tpu.memory_space<vmem>>)
          "tpu.region"() ({
            %run_scoped3A_138 = tpu.sem_alloc : memref<!tpu.dma_semaphore, #tpu.memory_space<semaphore_mem>>
            %dma_start3A_139 = arith.constant 0 : i32
            %dma_start3A_140 = tpu.memref_slice %arg7[%mul3A_95, %dma_start3A_139] : memref<40x128xi32, #tpu.memory_space<vmem>> -> memref<1x128xi32, #tpu.memory_space<vmem>>
            %dma_start3A_141 = tpu.memref_squeeze %dma_start3A_140 : memref<1x128xi32, #tpu.memory_space<vmem>> -> memref<128xi32, #tpu.memory_space<vmem>>
            %dma_start3A_142 = arith.constant 0 : i32
            %dma_start3A_143 = arith.constant 0 : i32
            %dma_start3A_144 = tpu.memref_slice %arg5[%dma_start3A_142, %dma_start3A_143] : memref<10008x128xf32, #tpu.memory_space<vmem_shared>> -> memref<10008x128xf32, #tpu.memory_space<vmem_shared>>
            tpu.enqueue_indirect_dma source(%arg8 : memref<128x128xf32, #tpu.memory_space<vmem>>) target(%dma_start3A_144 : memref<10008x128xf32, #tpu.memory_space<vmem_shared>>) offsets(%dma_start3A_141 : memref<128xi32, #tpu.memory_space<vmem>>) semaphore(%run_scoped3A_138 : memref<!tpu.dma_semaphore, #tpu.memory_space<semaphore_mem>>) {add = true}
            %dma_wait3A_145 = arith.constant 0 : i32
            %dma_wait3A_146 = tpu.memref_slice %arg7[%mul3A_95, %dma_wait3A_145] : memref<40x128xi32, #tpu.memory_space<vmem>> -> memref<1x128xi32, #tpu.memory_space<vmem>>
            %dma_wait3A_147 = tpu.memref_squeeze %dma_wait3A_146 : memref<1x128xi32, #tpu.memory_space<vmem>> -> memref<128xi32, #tpu.memory_space<vmem>>
            %dma_wait3A_148 = arith.constant 0 : i32
            %dma_wait3A_149 = arith.constant 0 : i32
            %dma_wait3A_150 = tpu.memref_slice %arg5[%dma_wait3A_148, %dma_wait3A_149] : memref<10008x128xf32, #tpu.memory_space<vmem_shared>> -> memref<10008x128xf32, #tpu.memory_space<vmem_shared>>
            tpu.wait_indirect_dma semaphore(%run_scoped3A_138 : memref<!tpu.dma_semaphore, #tpu.memory_space<semaphore_mem>>) src(%arg8 : memref<128x128xf32, #tpu.memory_space<vmem>>) dst(%dma_wait3A_150 : memref<10008x128xf32, #tpu.memory_space<vmem_shared>>)
            tpu.yield
          }) : () -> ()
          %dma_wait3A_126 = arith.constant 0 : i32
          %dma_wait3A_127 = tpu.memref_slice %arg6[%add3A_106, %dma_wait3A_126] : memref<40x128xi32, #tpu.memory_space<vmem>> -> memref<1x128xi32, #tpu.memory_space<vmem>>
          %dma_wait3A_128 = tpu.memref_squeeze %dma_wait3A_127 : memref<1x128xi32, #tpu.memory_space<vmem>> -> memref<128xi32, #tpu.memory_space<vmem>>
          %dma_wait3A_129 = arith.constant 0 : i32
          %dma_wait3A_130 = arith.constant 0 : i32
          %dma_wait3A_131 = tpu.memref_slice %arg3[%add3A_21, %dma_wait3A_129, %dma_wait3A_130] : memref<4x10000x128xf32, #tpu.memory_space<hbm>> -> memref<1x10000x128xf32, #tpu.memory_space<hbm>>
          %dma_wait3A_132 = tpu.memref_squeeze %dma_wait3A_131 : memref<1x10000x128xf32, #tpu.memory_space<hbm>> -> memref<10000x128xf32, #tpu.memory_space<hbm>>
          %dma_wait3A_133 = arith.constant 0 : i32
          %dma_wait3A_134 = arith.constant 0 : i32
          %dma_wait3A_135 = tpu.memref_slice %dma_wait3A_132[%dma_wait3A_133, %dma_wait3A_134] : memref<10000x128xf32, #tpu.memory_space<hbm>> -> memref<10000x128xf32, #tpu.memory_space<hbm>>
          tpu.wait_indirect_dma semaphore(%arg13 : memref<!tpu.dma_semaphore, #tpu.memory_space<semaphore_mem>>) src(%dma_wait3A_135 : memref<10000x128xf32, #tpu.memory_space<hbm>>) dst(%arg9 : memref<128x128xf32, #tpu.memory_space<vmem>>)
          %add3A_136 = arith.constant 1 : i32
          %add3A_137 = arith.addi %mul3A_95, %add3A_136 : i32
          "tpu.region"() ({
            %run_scoped3A_138 = tpu.sem_alloc : memref<!tpu.dma_semaphore, #tpu.memory_space<semaphore_mem>>
            %dma_start3A_139 = arith.constant 0 : i32
            %dma_start3A_140 = tpu.memref_slice %arg7[%add3A_137, %dma_start3A_139] : memref<40x128xi32, #tpu.memory_space<vmem>> -> memref<1x128xi32, #tpu.memory_space<vmem>>
            %dma_start3A_141 = tpu.memref_squeeze %dma_start3A_140 : memref<1x128xi32, #tpu.memory_space<vmem>> -> memref<128xi32, #tpu.memory_space<vmem>>
            %dma_start3A_142 = arith.constant 0 : i32
            %dma_start3A_143 = arith.constant 0 : i32
            %dma_start3A_144 = tpu.memref_slice %arg5[%dma_start3A_142, %dma_start3A_143] : memref<10008x128xf32, #tpu.memory_space<vmem_shared>> -> memref<10008x128xf32, #tpu.memory_space<vmem_shared>>
            tpu.enqueue_indirect_dma source(%arg9 : memref<128x128xf32, #tpu.memory_space<vmem>>) target(%dma_start3A_144 : memref<10008x128xf32, #tpu.memory_space<vmem_shared>>) offsets(%dma_start3A_141 : memref<128xi32, #tpu.memory_space<vmem>>) semaphore(%run_scoped3A_138 : memref<!tpu.dma_semaphore, #tpu.memory_space<semaphore_mem>>) {add = true}
            %dma_wait3A_145 = arith.constant 0 : i32
            %dma_wait3A_146 = tpu.memref_slice %arg7[%add3A_137, %dma_wait3A_145] : memref<40x128xi32, #tpu.memory_space<vmem>> -> memref<1x128xi32, #tpu.memory_space<vmem>>
            %dma_wait3A_147 = tpu.memref_squeeze %dma_wait3A_146 : memref<1x128xi32, #tpu.memory_space<vmem>> -> memref<128xi32, #tpu.memory_space<vmem>>
            %dma_wait3A_148 = arith.constant 0 : i32
            %dma_wait3A_149 = arith.constant 0 : i32
            %dma_wait3A_150 = tpu.memref_slice %arg5[%dma_wait3A_148, %dma_wait3A_149] : memref<10008x128xf32, #tpu.memory_space<vmem_shared>> -> memref<10008x128xf32, #tpu.memory_space<vmem_shared>>
            tpu.wait_indirect_dma semaphore(%run_scoped3A_138 : memref<!tpu.dma_semaphore, #tpu.memory_space<semaphore_mem>>) src(%arg9 : memref<128x128xf32, #tpu.memory_space<vmem>>) dst(%dma_wait3A_150 : memref<10008x128xf32, #tpu.memory_space<vmem_shared>>)
            tpu.yield
          }) : () -> ()
        }
      }
      %scan3A_36 = arith.constant 2 : i32
      %barrier3A_37 = arith.constant 0 : index
      tpu.barrier barrier_id(%barrier3A_37)
      %while3A_38 = arith.constant 0 : i32
      %while3A_39 = arith.constant 0 : i32
      %while3A_40 = arith.subi %select_n3A, %while3A_39 : i32
      %while3A_41 = arith.addi %while3A_39, %while3A_40 : i32
      %while3A_42 = arith.constant 1 : i32
      %while3A_43 = arith.divsi %while3A_40, %while3A_42 : i32
      %while3A_44 = arith.muli %while3A_43, %while3A_42 : i32
      %while3A_45 = arith.addi %while3A_39, %while3A_44 : i32
      %while3A_46 = arith.constant 1 : i32
      scf.for %while3A_49 = %while3A_39 to %while3A_45 step %while3A_46  : i32 {
        %mul3A_50 = arith.constant 16 : i32
        %mul3A_51 = arith.muli %mul3A_50, %while3A_49 : i32
        %add3A_52 = arith.addi %mul3A_11, %mul3A_51 : i32
        "tpu.region"() ({
          %run_scoped3A = tpu.sem_alloc : memref<!tpu.dma_semaphore, #tpu.memory_space<semaphore_mem>>
          %dma_start3A = arith.constant 0 : i32
          %dma_start3A_53 = tpu.memref_slice %arg5[%add3A_52, %dma_start3A] : memref<10008x128xf32, #tpu.memory_space<vmem_shared>> -> memref<16x128xf32, #tpu.memory_space<vmem_shared>>
          %dma_start3A_54 = arith.constant 0 : i32
          %dma_start3A_55 = tpu.memref_slice %arg5[%add3A_52, %dma_start3A_54] : memref<10008x128xf32, #tpu.memory_space<vmem_shared>> -> memref<16x128xf32, #tpu.memory_space<vmem_shared>>
          tpu.enqueue_dma source(%dma_start3A_55 : memref<16x128xf32, #tpu.memory_space<vmem_shared>>) target(%arg10 : memref<16x128xf32, #tpu.memory_space<vmem>>) target_semaphore(%run_scoped3A : memref<!tpu.dma_semaphore, #tpu.memory_space<semaphore_mem>>)
          %dma_wait3A = arith.constant 0 : i32
          %dma_wait3A_56 = tpu.memref_slice %arg5[%add3A_52, %dma_wait3A] : memref<10008x128xf32, #tpu.memory_space<vmem_shared>> -> memref<16x128xf32, #tpu.memory_space<vmem_shared>>
          %dma_wait3A_57 = arith.constant 0 : i32
          %dma_wait3A_58 = tpu.memref_slice %arg5[%add3A_52, %dma_wait3A_57] : memref<10008x128xf32, #tpu.memory_space<vmem_shared>> -> memref<16x128xf32, #tpu.memory_space<vmem_shared>>
          tpu.wait_dma2 semaphore(%run_scoped3A : memref<!tpu.dma_semaphore, #tpu.memory_space<semaphore_mem>>) src(%dma_wait3A_58 : memref<16x128xf32, #tpu.memory_space<vmem_shared>>) dst(%arg10 : memref<16x128xf32, #tpu.memory_space<vmem>>)
          tpu.yield
        }) : () -> ()
        "tpu.region"() ({
          %run_scoped3A = tpu.sem_alloc : memref<!tpu.dma_semaphore, #tpu.memory_space<semaphore_mem>>
          %dma_start3A = arith.constant 0 : i32
          %dma_start3A_53 = arith.constant 0 : i32
          %dma_start3A_54 = tpu.memref_slice %arg4[%add3A_21, %dma_start3A, %dma_start3A_53] : memref<4x10000x128xf32, #tpu.memory_space<hbm>> -> memref<1x10000x128xf32, #tpu.memory_space<hbm>>
          %dma_start3A_55 = tpu.memref_squeeze %dma_start3A_54 : memref<1x10000x128xf32, #tpu.memory_space<hbm>> -> memref<10000x128xf32, #tpu.memory_space<hbm>>
          %dma_start3A_56 = arith.constant 0 : i32
          %dma_start3A_57 = tpu.memref_slice %dma_start3A_55[%add3A_52, %dma_start3A_56] : memref<10000x128xf32, #tpu.memory_space<hbm>> -> memref<16x128xf32, #tpu.memory_space<hbm>>
          %dma_start3A_58 = arith.constant 0 : i32
          %dma_start3A_59 = arith.constant 0 : i32
          %dma_start3A_60 = tpu.memref_slice %arg4[%add3A_21, %dma_start3A_58, %dma_start3A_59] : memref<4x10000x128xf32, #tpu.memory_space<hbm>> -> memref<1x10000x128xf32, #tpu.memory_space<hbm>>
          %dma_start3A_61 = tpu.memref_squeeze %dma_start3A_60 : memref<1x10000x128xf32, #tpu.memory_space<hbm>> -> memref<10000x128xf32, #tpu.memory_space<hbm>>
          %dma_start3A_62 = arith.constant 0 : i32
          %dma_start3A_63 = tpu.memref_slice %dma_start3A_61[%add3A_52, %dma_start3A_62] : memref<10000x128xf32, #tpu.memory_space<hbm>> -> memref<16x128xf32, #tpu.memory_space<hbm>>
          tpu.enqueue_dma source(%arg10 : memref<16x128xf32, #tpu.memory_space<vmem>>) target(%dma_start3A_63 : memref<16x128xf32, #tpu.memory_space<hbm>>) target_semaphore(%run_scoped3A : memref<!tpu.dma_semaphore, #tpu.memory_space<semaphore_mem>>)
          %dma_wait3A = arith.constant 0 : i32
          %dma_wait3A_64 = arith.constant 0 : i32
          %dma_wait3A_65 = tpu.memref_slice %arg4[%add3A_21, %dma_wait3A, %dma_wait3A_64] : memref<4x10000x128xf32, #tpu.memory_space<hbm>> -> memref<1x10000x128xf32, #tpu.memory_space<hbm>>
          %dma_wait3A_66 = tpu.memref_squeeze %dma_wait3A_65 : memref<1x10000x128xf32, #tpu.memory_space<hbm>> -> memref<10000x128xf32, #tpu.memory_space<hbm>>
          %dma_wait3A_67 = arith.constant 0 : i32
          %dma_wait3A_68 = tpu.memref_slice %dma_wait3A_66[%add3A_52, %dma_wait3A_67] : memref<10000x128xf32, #tpu.memory_space<hbm>> -> memref<16x128xf32, #tpu.memory_space<hbm>>
          %dma_wait3A_69 = arith.constant 0 : i32
          %dma_wait3A_70 = arith.constant 0 : i32
          %dma_wait3A_71 = tpu.memref_slice %arg4[%add3A_21, %dma_wait3A_69, %dma_wait3A_70] : memref<4x10000x128xf32, #tpu.memory_space<hbm>> -> memref<1x10000x128xf32, #tpu.memory_space<hbm>>
          %dma_wait3A_72 = tpu.memref_squeeze %dma_wait3A_71 : memref<1x10000x128xf32, #tpu.memory_space<hbm>> -> memref<10000x128xf32, #tpu.memory_space<hbm>>
          %dma_wait3A_73 = arith.constant 0 : i32
          %dma_wait3A_74 = tpu.memref_slice %dma_wait3A_72[%add3A_52, %dma_wait3A_73] : memref<10000x128xf32, #tpu.memory_space<hbm>> -> memref<16x128xf32, #tpu.memory_space<hbm>>
          tpu.wait_dma2 semaphore(%run_scoped3A : memref<!tpu.dma_semaphore, #tpu.memory_space<semaphore_mem>>) src(%arg10 : memref<16x128xf32, #tpu.memory_space<vmem>>) dst(%dma_wait3A_74 : memref<16x128xf32, #tpu.memory_space<hbm>>)
          tpu.yield
        }) : () -> ()
      }
      %while3A_47 = arith.constant 1 : i32
      scf.for %while3A_49 = %while3A_45 to %while3A_41 step %while3A_47  : i32 {
        %mul3A_50 = arith.constant 16 : i32
        %mul3A_51 = arith.muli %mul3A_50, %while3A_49 : i32
        %add3A_52 = arith.addi %mul3A_11, %mul3A_51 : i32
        "tpu.region"() ({
          %run_scoped3A = tpu.sem_alloc : memref<!tpu.dma_semaphore, #tpu.memory_space<semaphore_mem>>
          %dma_start3A = arith.constant 0 : i32
          %dma_start3A_53 = tpu.memref_slice %arg5[%add3A_52, %dma_start3A] : memref<10008x128xf32, #tpu.memory_space<vmem_shared>> -> memref<16x128xf32, #tpu.memory_space<vmem_shared>>
          %dma_start3A_54 = arith.constant 0 : i32
          %dma_start3A_55 = tpu.memref_slice %arg5[%add3A_52, %dma_start3A_54] : memref<10008x128xf32, #tpu.memory_space<vmem_shared>> -> memref<16x128xf32, #tpu.memory_space<vmem_shared>>
          tpu.enqueue_dma source(%dma_start3A_55 : memref<16x128xf32, #tpu.memory_space<vmem_shared>>) target(%arg10 : memref<16x128xf32, #tpu.memory_space<vmem>>) target_semaphore(%run_scoped3A : memref<!tpu.dma_semaphore, #tpu.memory_space<semaphore_mem>>)
          %dma_wait3A = arith.constant 0 : i32
          %dma_wait3A_56 = tpu.memref_slice %arg5[%add3A_52, %dma_wait3A] : memref<10008x128xf32, #tpu.memory_space<vmem_shared>> -> memref<16x128xf32, #tpu.memory_space<vmem_shared>>
          %dma_wait3A_57 = arith.constant 0 : i32
          %dma_wait3A_58 = tpu.memref_slice %arg5[%add3A_52, %dma_wait3A_57] : memref<10008x128xf32, #tpu.memory_space<vmem_shared>> -> memref<16x128xf32, #tpu.memory_space<vmem_shared>>
          tpu.wait_dma2 semaphore(%run_scoped3A : memref<!tpu.dma_semaphore, #tpu.memory_space<semaphore_mem>>) src(%dma_wait3A_58 : memref<16x128xf32, #tpu.memory_space<vmem_shared>>) dst(%arg10 : memref<16x128xf32, #tpu.memory_space<vmem>>)
          tpu.yield
        }) : () -> ()
        "tpu.region"() ({
          %run_scoped3A = tpu.sem_alloc : memref<!tpu.dma_semaphore, #tpu.memory_space<semaphore_mem>>
          %dma_start3A = arith.constant 0 : i32
          %dma_start3A_53 = arith.constant 0 : i32
          %dma_start3A_54 = tpu.memref_slice %arg4[%add3A_21, %dma_start3A, %dma_start3A_53] : memref<4x10000x128xf32, #tpu.memory_space<hbm>> -> memref<1x10000x128xf32, #tpu.memory_space<hbm>>
          %dma_start3A_55 = tpu.memref_squeeze %dma_start3A_54 : memref<1x10000x128xf32, #tpu.memory_space<hbm>> -> memref<10000x128xf32, #tpu.memory_space<hbm>>
          %dma_start3A_56 = arith.constant 0 : i32
          %dma_start3A_57 = tpu.memref_slice %dma_start3A_55[%add3A_52, %dma_start3A_56] : memref<10000x128xf32, #tpu.memory_space<hbm>> -> memref<16x128xf32, #tpu.memory_space<hbm>>
          %dma_start3A_58 = arith.constant 0 : i32
          %dma_start3A_59 = arith.constant 0 : i32
          %dma_start3A_60 = tpu.memref_slice %arg4[%add3A_21, %dma_start3A_58, %dma_start3A_59] : memref<4x10000x128xf32, #tpu.memory_space<hbm>> -> memref<1x10000x128xf32, #tpu.memory_space<hbm>>
          %dma_start3A_61 = tpu.memref_squeeze %dma_start3A_60 : memref<1x10000x128xf32, #tpu.memory_space<hbm>> -> memref<10000x128xf32, #tpu.memory_space<hbm>>
          %dma_start3A_62 = arith.constant 0 : i32
          %dma_start3A_63 = tpu.memref_slice %dma_start3A_61[%add3A_52, %dma_start3A_62] : memref<10000x128xf32, #tpu.memory_space<hbm>> -> memref<16x128xf32, #tpu.memory_space<hbm>>
          tpu.enqueue_dma source(%arg10 : memref<16x128xf32, #tpu.memory_space<vmem>>) target(%dma_start3A_63 : memref<16x128xf32, #tpu.memory_space<hbm>>) target_semaphore(%run_scoped3A : memref<!tpu.dma_semaphore, #tpu.memory_space<semaphore_mem>>)
          %dma_wait3A = arith.constant 0 : i32
          %dma_wait3A_64 = arith.constant 0 : i32
          %dma_wait3A_65 = tpu.memref_slice %arg4[%add3A_21, %dma_wait3A, %dma_wait3A_64] : memref<4x10000x128xf32, #tpu.memory_space<hbm>> -> memref<1x10000x128xf32, #tpu.memory_space<hbm>>
          %dma_wait3A_66 = tpu.memref_squeeze %dma_wait3A_65 : memref<1x10000x128xf32, #tpu.memory_space<hbm>> -> memref<10000x128xf32, #tpu.memory_space<hbm>>
          %dma_wait3A_67 = arith.constant 0 : i32
          %dma_wait3A_68 = tpu.memref_slice %dma_wait3A_66[%add3A_52, %dma_wait3A_67] : memref<10000x128xf32, #tpu.memory_space<hbm>> -> memref<16x128xf32, #tpu.memory_space<hbm>>
          %dma_wait3A_69 = arith.constant 0 : i32
          %dma_wait3A_70 = arith.constant 0 : i32
          %dma_wait3A_71 = tpu.memref_slice %arg4[%add3A_21, %dma_wait3A_69, %dma_wait3A_70] : memref<4x10000x128xf32, #tpu.memory_space<hbm>> -> memref<1x10000x128xf32, #tpu.memory_space<hbm>>
          %dma_wait3A_72 = tpu.memref_squeeze %dma_wait3A_71 : memref<1x10000x128xf32, #tpu.memory_space<hbm>> -> memref<10000x128xf32, #tpu.memory_space<hbm>>
          %dma_wait3A_73 = arith.constant 0 : i32
          %dma_wait3A_74 = tpu.memref_slice %dma_wait3A_72[%add3A_52, %dma_wait3A_73] : memref<10000x128xf32, #tpu.memory_space<hbm>> -> memref<16x128xf32, #tpu.memory_space<hbm>>
          tpu.wait_dma2 semaphore(%run_scoped3A : memref<!tpu.dma_semaphore, #tpu.memory_space<semaphore_mem>>) src(%arg10 : memref<16x128xf32, #tpu.memory_space<vmem>>) dst(%dma_wait3A_74 : memref<16x128xf32, #tpu.memory_space<hbm>>)
          tpu.yield
        }) : () -> ()
      }
      %barrier3A_48 = arith.constant 0 : index
      tpu.barrier barrier_id(%barrier3A_48)
    }
    %scan3A_17 = arith.constant 2 : i32
    return
  }
}

#map = affine_map<(d0, d1) -> (0, 0, 0)>
module attributes {stable_mosaic.version = 14 : i64} {
  func.func @body(%arg0: i32, %arg1: i32, %arg2: memref<2x1280x128xi32, #tpu.memory_space<hbm>>, %arg3: memref<2x10000x128xf32, #tpu.memory_space<hbm>>, %arg4: memref<2x10000x128xf32, #tpu.memory_space<hbm>>, %arg5: memref<10008x128xf32, #tpu.memory_space<vmem_shared>>, %arg6: memref<40x128xi32, #tpu.memory_space<vmem>>, %arg7: memref<40x128xi32, #tpu.memory_space<vmem>>, %arg8: memref<128x128xf32, #tpu.memory_space<vmem>>, %arg9: memref<128x128xf32, #tpu.memory_space<vmem>>, %arg10: memref<16x128xf32, #tpu.memory_space<vmem>>, %arg11: memref<16x128xf32, #tpu.memory_space<vmem>>, %arg12: memref<!tpu.dma_semaphore, #tpu.memory_space<semaphore_mem>>, %arg13: memref<!tpu.dma_semaphore, #tpu.memory_space<semaphore_mem>>) attributes {dimension_semantics = [#tpu.dimension_semantics<core_parallel>, #tpu.dimension_semantics<subcore_parallel>], iteration_bounds = array<i64: 2, 16>, scalar_prefetch = 0 : i64, scratch_operands = 9 : i64, tpu.core_type = #tpu.core_type<sc_vector_subcore>, window_params = [{transform_indices = #map}, {transform_indices = #map}, {transform_indices = #map}]} {
    %broadcast_in_dim3A = arith.constant 0.000000e+00 : f32
    %broadcast_in_dim3A_0 = vector.broadcast %broadcast_in_dim3A : f32 to vector<16xf32>
    %scan3A = arith.constant 0 : i32
    %scan3A_1 = arith.constant 0 : i32
    %scan3A_2 = arith.constant 16 : i32
    %scan3A_3 = arith.addi %scan3A_1, %scan3A_2 : i32
    %scan3A_4 = arith.constant 1 : i32
    scf.for %scan3A_45 = %scan3A_1 to %scan3A_3 step %scan3A_4  : i32 {
      %swap3A = arith.index_cast %scan3A_45 : i32 to index
      %swap3A_46 = arith.constant 0 : index
      %swap3A_47 = tpu.vector_load %arg11[%swap3A, %swap3A_46] {strides = array<i32>} : memref<16x128xf32, #tpu.memory_space<vmem>>, vector<1x16xf32>,
      %swap3A_48 = vector.shape_cast %swap3A_47 : vector<1x16xf32> to vector<16xf32>
      %swap3A_49 = vector.shape_cast %broadcast_in_dim3A_0 : vector<16xf32> to vector<1x16xf32>
      tpu.vector_store %arg11[%swap3A, %swap3A_46], %swap3A_49 {strides = array<i32>} : memref<16x128xf32, #tpu.memory_space<vmem>>, vector<1x16xf32>,
      %swap3A_50 = arith.index_cast %scan3A_45 : i32 to index
      %swap3A_51 = arith.constant 16 : index
      %swap3A_52 = tpu.vector_load %arg11[%swap3A_50, %swap3A_51] {strides = array<i32>} : memref<16x128xf32, #tpu.memory_space<vmem>>, vector<1x16xf32>,
      %swap3A_53 = vector.shape_cast %swap3A_52 : vector<1x16xf32> to vector<16xf32>
      %swap3A_54 = vector.shape_cast %broadcast_in_dim3A_0 : vector<16xf32> to vector<1x16xf32>
      tpu.vector_store %arg11[%swap3A_50, %swap3A_51], %swap3A_54 {strides = array<i32>} : memref<16x128xf32, #tpu.memory_space<vmem>>, vector<1x16xf32>,
      %swap3A_55 = arith.index_cast %scan3A_45 : i32 to index
      %swap3A_56 = arith.constant 32 : index
      %swap3A_57 = tpu.vector_load %arg11[%swap3A_55, %swap3A_56] {strides = array<i32>} : memref<16x128xf32, #tpu.memory_space<vmem>>, vector<1x16xf32>,
      %swap3A_58 = vector.shape_cast %swap3A_57 : vector<1x16xf32> to vector<16xf32>
      %swap3A_59 = vector.shape_cast %broadcast_in_dim3A_0 : vector<16xf32> to vector<1x16xf32>
      tpu.vector_store %arg11[%swap3A_55, %swap3A_56], %swap3A_59 {strides = array<i32>} : memref<16x128xf32, #tpu.memory_space<vmem>>, vector<1x16xf32>,
      %swap3A_60 = arith.index_cast %scan3A_45 : i32 to index
      %swap3A_61 = arith.constant 48 : index
      %swap3A_62 = tpu.vector_load %arg11[%swap3A_60, %swap3A_61] {strides = array<i32>} : memref<16x128xf32, #tpu.memory_space<vmem>>, vector<1x16xf32>,
      %swap3A_63 = vector.shape_cast %swap3A_62 : vector<1x16xf32> to vector<16xf32>
      %swap3A_64 = vector.shape_cast %broadcast_in_dim3A_0 : vector<16xf32> to vector<1x16xf32>
      tpu.vector_store %arg11[%swap3A_60, %swap3A_61], %swap3A_64 {strides = array<i32>} : memref<16x128xf32, #tpu.memory_space<vmem>>, vector<1x16xf32>,
      %swap3A_65 = arith.index_cast %scan3A_45 : i32 to index
      %swap3A_66 = arith.constant 64 : index
      %swap3A_67 = tpu.vector_load %arg11[%swap3A_65, %swap3A_66] {strides = array<i32>} : memref<16x128xf32, #tpu.memory_space<vmem>>, vector<1x16xf32>,
      %swap3A_68 = vector.shape_cast %swap3A_67 : vector<1x16xf32> to vector<16xf32>
      %swap3A_69 = vector.shape_cast %broadcast_in_dim3A_0 : vector<16xf32> to vector<1x16xf32>
      tpu.vector_store %arg11[%swap3A_65, %swap3A_66], %swap3A_69 {strides = array<i32>} : memref<16x128xf32, #tpu.memory_space<vmem>>, vector<1x16xf32>,
      %swap3A_70 = arith.index_cast %scan3A_45 : i32 to index
      %swap3A_71 = arith.constant 80 : index
      %swap3A_72 = tpu.vector_load %arg11[%swap3A_70, %swap3A_71] {strides = array<i32>} : memref<16x128xf32, #tpu.memory_space<vmem>>, vector<1x16xf32>,
      %swap3A_73 = vector.shape_cast %swap3A_72 : vector<1x16xf32> to vector<16xf32>
      %swap3A_74 = vector.shape_cast %broadcast_in_dim3A_0 : vector<16xf32> to vector<1x16xf32>
      tpu.vector_store %arg11[%swap3A_70, %swap3A_71], %swap3A_74 {strides = array<i32>} : memref<16x128xf32, #tpu.memory_space<vmem>>, vector<1x16xf32>,
      %swap3A_75 = arith.index_cast %scan3A_45 : i32 to index
      %swap3A_76 = arith.constant 96 : index
      %swap3A_77 = tpu.vector_load %arg11[%swap3A_75, %swap3A_76] {strides = array<i32>} : memref<16x128xf32, #tpu.memory_space<vmem>>, vector<1x16xf32>,
      %swap3A_78 = vector.shape_cast %swap3A_77 : vector<1x16xf32> to vector<16xf32>
      %swap3A_79 = vector.shape_cast %broadcast_in_dim3A_0 : vector<16xf32> to vector<1x16xf32>
      tpu.vector_store %arg11[%swap3A_75, %swap3A_76], %swap3A_79 {strides = array<i32>} : memref<16x128xf32, #tpu.memory_space<vmem>>, vector<1x16xf32>,
      %swap3A_80 = arith.index_cast %scan3A_45 : i32 to index
      %swap3A_81 = arith.constant 112 : index
      %swap3A_82 = tpu.vector_load %arg11[%swap3A_80, %swap3A_81] {strides = array<i32>} : memref<16x128xf32, #tpu.memory_space<vmem>>, vector<1x16xf32>,
      %swap3A_83 = vector.shape_cast %swap3A_82 : vector<1x16xf32> to vector<16xf32>
      %swap3A_84 = vector.shape_cast %broadcast_in_dim3A_0 : vector<16xf32> to vector<1x16xf32>
      tpu.vector_store %arg11[%swap3A_80, %swap3A_81], %swap3A_84 {strides = array<i32>} : memref<16x128xf32, #tpu.memory_space<vmem>>, vector<1x16xf32>,
    }
    %scan3A_5 = arith.constant 16 : i32
    %eq3A = arith.constant 0 : i32
    %eq3A_6 = arith.cmpi eq, %arg1, %eq3A : i32
    %jit3A = arith.constant 40 : i32
    %jit3A_7 = arith.constant 39 : i32
    %select_n3A = arith.select %eq3A_6, %jit3A, %jit3A_7 : i32
    %mul3A = arith.constant 39 : i32
    %mul3A_8 = arith.muli %mul3A, %arg1 : i32
    %min3A = arith.constant 1 : i32
    %min3A_9 = arith.minsi %arg1, %min3A : i32
    %add3A = arith.addi %mul3A_8, %min3A_9 : i32
    %mul3A_10 = arith.constant 16 : i32
    %mul3A_11 = arith.muli %mul3A_10, %add3A : i32
    %scan3A_12 = arith.constant 0 : i32
    %scan3A_13 = arith.constant 0 : i32
    %mul3A_14 = arith.constant 1 : i32
    %mul3A_15 = arith.muli %arg0, %mul3A_14 : i32
    %add3A_16 = arith.addi %mul3A_15, %scan3A_13 : i32
    %while3A = arith.constant 0 : i32
    %while3A_17 = arith.constant 0 : i32
    %while3A_18 = arith.subi %select_n3A, %while3A_17 : i32
    %while3A_19 = arith.addi %while3A_17, %while3A_18 : i32
    %while3A_20 = arith.constant 1 : i32
    %while3A_21 = arith.divsi %while3A_18, %while3A_20 : i32
    %while3A_22 = arith.muli %while3A_21, %while3A_20 : i32
    %while3A_23 = arith.addi %while3A_17, %while3A_22 : i32
    %while3A_24 = arith.constant 1 : i32
    scf.for %while3A_45 = %while3A_17 to %while3A_23 step %while3A_24  : i32 {
      %mul3A_46 = arith.constant 16 : i32
      %mul3A_47 = arith.muli %mul3A_46, %while3A_45 : i32
      %add3A_48 = arith.addi %mul3A_11, %mul3A_47 : i32
      "tpu.region"() ({
        %run_scoped3A = tpu.sem_alloc : memref<!tpu.dma_semaphore, #tpu.memory_space<semaphore_mem>>
        %dma_start3A = arith.constant 0 : i32
        %dma_start3A_49 = tpu.memref_slice %arg5[%add3A_48, %dma_start3A] : memref<10008x128xf32, #tpu.memory_space<vmem_shared>> -> memref<16x128xf32, #tpu.memory_space<vmem_shared>>
        %dma_start3A_50 = arith.constant 0 : i32
        %dma_start3A_51 = tpu.memref_slice %arg5[%add3A_48, %dma_start3A_50] : memref<10008x128xf32, #tpu.memory_space<vmem_shared>> -> memref<16x128xf32, #tpu.memory_space<vmem_shared>>
        tpu.enqueue_dma source(%arg11 : memref<16x128xf32, #tpu.memory_space<vmem>>) target(%dma_start3A_51 : memref<16x128xf32, #tpu.memory_space<vmem_shared>>) target_semaphore(%run_scoped3A : memref<!tpu.dma_semaphore, #tpu.memory_space<semaphore_mem>>)
        %dma_wait3A = arith.constant 0 : i32
        %dma_wait3A_52 = tpu.memref_slice %arg5[%add3A_48, %dma_wait3A] : memref<10008x128xf32, #tpu.memory_space<vmem_shared>> -> memref<16x128xf32, #tpu.memory_space<vmem_shared>>
        %dma_wait3A_53 = arith.constant 0 : i32
        %dma_wait3A_54 = tpu.memref_slice %arg5[%add3A_48, %dma_wait3A_53] : memref<10008x128xf32, #tpu.memory_space<vmem_shared>> -> memref<16x128xf32, #tpu.memory_space<vmem_shared>>
        tpu.wait_dma2 semaphore(%run_scoped3A : memref<!tpu.dma_semaphore, #tpu.memory_space<semaphore_mem>>) src(%arg11 : memref<16x128xf32, #tpu.memory_space<vmem>>) dst(%dma_wait3A_54 : memref<16x128xf32, #tpu.memory_space<vmem_shared>>)
        tpu.yield
      }) : () -> ()
    }
    %while3A_25 = arith.constant 1 : i32
    scf.for %while3A_45 = %while3A_23 to %while3A_19 step %while3A_25  : i32 {
      %mul3A_46 = arith.constant 16 : i32
      %mul3A_47 = arith.muli %mul3A_46, %while3A_45 : i32
      %add3A_48 = arith.addi %mul3A_11, %mul3A_47 : i32
      "tpu.region"() ({
        %run_scoped3A = tpu.sem_alloc : memref<!tpu.dma_semaphore, #tpu.memory_space<semaphore_mem>>
        %dma_start3A = arith.constant 0 : i32
        %dma_start3A_49 = tpu.memref_slice %arg5[%add3A_48, %dma_start3A] : memref<10008x128xf32, #tpu.memory_space<vmem_shared>> -> memref<16x128xf32, #tpu.memory_space<vmem_shared>>
        %dma_start3A_50 = arith.constant 0 : i32
        %dma_start3A_51 = tpu.memref_slice %arg5[%add3A_48, %dma_start3A_50] : memref<10008x128xf32, #tpu.memory_space<vmem_shared>> -> memref<16x128xf32, #tpu.memory_space<vmem_shared>>
        tpu.enqueue_dma source(%arg11 : memref<16x128xf32, #tpu.memory_space<vmem>>) target(%dma_start3A_51 : memref<16x128xf32, #tpu.memory_space<vmem_shared>>) target_semaphore(%run_scoped3A : memref<!tpu.dma_semaphore, #tpu.memory_space<semaphore_mem>>)
        %dma_wait3A = arith.constant 0 : i32
        %dma_wait3A_52 = tpu.memref_slice %arg5[%add3A_48, %dma_wait3A] : memref<10008x128xf32, #tpu.memory_space<vmem_shared>> -> memref<16x128xf32, #tpu.memory_space<vmem_shared>>
        %dma_wait3A_53 = arith.constant 0 : i32
        %dma_wait3A_54 = tpu.memref_slice %arg5[%add3A_48, %dma_wait3A_53] : memref<10008x128xf32, #tpu.memory_space<vmem_shared>> -> memref<16x128xf32, #tpu.memory_space<vmem_shared>>
        tpu.wait_dma2 semaphore(%run_scoped3A : memref<!tpu.dma_semaphore, #tpu.memory_space<semaphore_mem>>) src(%arg11 : memref<16x128xf32, #tpu.memory_space<vmem>>) dst(%dma_wait3A_54 : memref<16x128xf32, #tpu.memory_space<vmem_shared>>)
        tpu.yield
      }) : () -> ()
    }
    %barrier3A = arith.constant 0 : index
    tpu.barrier barrier_id(%barrier3A)
    %scan3A_26 = arith.constant 0 : i32
    %scan3A_27 = arith.constant 0 : i32
    %scan3A_28 = arith.constant 2 : i32
    %scan3A_29 = arith.addi %scan3A_27, %scan3A_28 : i32
    %scan3A_30 = arith.constant 1 : i32
    scf.for %scan3A_45 = %scan3A_27 to %scan3A_29 step %scan3A_30  : i32 {
      %mul3A_46 = arith.constant 80 : i32
      %mul3A_47 = arith.muli %arg1, %mul3A_46 : i32
      %mul3A_48 = arith.constant 40 : i32
      %mul3A_49 = arith.muli %mul3A_48, %scan3A_45 : i32
      %add3A_50 = arith.addi %mul3A_47, %mul3A_49 : i32
      %run_scoped3A = arith.constant 0 : i32
      "tpu.region"() ({
        %run_scoped3A_89 = tpu.sem_alloc : memref<!tpu.dma_semaphore, #tpu.memory_space<semaphore_mem>>
        %dma_start3A = arith.constant 0 : i32
        %dma_start3A_90 = tpu.memref_slice %arg2[%run_scoped3A, %add3A_50, %dma_start3A] : memref<2x1280x128xi32, #tpu.memory_space<hbm>> -> memref<1x40x128xi32, #tpu.memory_space<hbm>>
        %dma_start3A_91 = tpu.memref_squeeze %dma_start3A_90 : memref<1x40x128xi32, #tpu.memory_space<hbm>> -> memref<40x128xi32, #tpu.memory_space<hbm>>
        %dma_start3A_92 = arith.constant 0 : i32
        %dma_start3A_93 = tpu.memref_slice %arg2[%run_scoped3A, %add3A_50, %dma_start3A_92] : memref<2x1280x128xi32, #tpu.memory_space<hbm>> -> memref<1x40x128xi32, #tpu.memory_space<hbm>>
        %dma_start3A_94 = tpu.memref_squeeze %dma_start3A_93 : memref<1x40x128xi32, #tpu.memory_space<hbm>> -> memref<40x128xi32, #tpu.memory_space<hbm>>
        tpu.enqueue_dma source(%dma_start3A_94 : memref<40x128xi32, #tpu.memory_space<hbm>>) target(%arg6 : memref<40x128xi32, #tpu.memory_space<vmem>>) target_semaphore(%run_scoped3A_89 : memref<!tpu.dma_semaphore, #tpu.memory_space<semaphore_mem>>)
        %dma_wait3A = arith.constant 0 : i32
        %dma_wait3A_95 = tpu.memref_slice %arg2[%run_scoped3A, %add3A_50, %dma_wait3A] : memref<2x1280x128xi32, #tpu.memory_space<hbm>> -> memref<1x40x128xi32, #tpu.memory_space<hbm>>
        %dma_wait3A_96 = tpu.memref_squeeze %dma_wait3A_95 : memref<1x40x128xi32, #tpu.memory_space<hbm>> -> memref<40x128xi32, #tpu.memory_space<hbm>>
        %dma_wait3A_97 = arith.constant 0 : i32
        %dma_wait3A_98 = tpu.memref_slice %arg2[%run_scoped3A, %add3A_50, %dma_wait3A_97] : memref<2x1280x128xi32, #tpu.memory_space<hbm>> -> memref<1x40x128xi32, #tpu.memory_space<hbm>>
        %dma_wait3A_99 = tpu.memref_squeeze %dma_wait3A_98 : memref<1x40x128xi32, #tpu.memory_space<hbm>> -> memref<40x128xi32, #tpu.memory_space<hbm>>
        tpu.wait_dma2 semaphore(%run_scoped3A_89 : memref<!tpu.dma_semaphore, #tpu.memory_space<semaphore_mem>>) src(%dma_wait3A_99 : memref<40x128xi32, #tpu.memory_space<hbm>>) dst(%arg6 : memref<40x128xi32, #tpu.memory_space<vmem>>)
        tpu.yield
      }) : () -> ()
      %run_scoped3A_51 = arith.constant 1 : i32
      "tpu.region"() ({
        %run_scoped3A_89 = tpu.sem_alloc : memref<!tpu.dma_semaphore, #tpu.memory_space<semaphore_mem>>
        %dma_start3A = arith.constant 0 : i32
        %dma_start3A_90 = tpu.memref_slice %arg2[%run_scoped3A_51, %add3A_50, %dma_start3A] : memref<2x1280x128xi32, #tpu.memory_space<hbm>> -> memref<1x40x128xi32, #tpu.memory_space<hbm>>
        %dma_start3A_91 = tpu.memref_squeeze %dma_start3A_90 : memref<1x40x128xi32, #tpu.memory_space<hbm>> -> memref<40x128xi32, #tpu.memory_space<hbm>>
        %dma_start3A_92 = arith.constant 0 : i32
        %dma_start3A_93 = tpu.memref_slice %arg2[%run_scoped3A_51, %add3A_50, %dma_start3A_92] : memref<2x1280x128xi32, #tpu.memory_space<hbm>> -> memref<1x40x128xi32, #tpu.memory_space<hbm>>
        %dma_start3A_94 = tpu.memref_squeeze %dma_start3A_93 : memref<1x40x128xi32, #tpu.memory_space<hbm>> -> memref<40x128xi32, #tpu.memory_space<hbm>>
        tpu.enqueue_dma source(%dma_start3A_94 : memref<40x128xi32, #tpu.memory_space<hbm>>) target(%arg7 : memref<40x128xi32, #tpu.memory_space<vmem>>) target_semaphore(%run_scoped3A_89 : memref<!tpu.dma_semaphore, #tpu.memory_space<semaphore_mem>>)
        %dma_wait3A = arith.constant 0 : i32
        %dma_wait3A_95 = tpu.memref_slice %arg2[%run_scoped3A_51, %add3A_50, %dma_wait3A] : memref<2x1280x128xi32, #tpu.memory_space<hbm>> -> memref<1x40x128xi32, #tpu.memory_space<hbm>>
        %dma_wait3A_96 = tpu.memref_squeeze %dma_wait3A_95 : memref<1x40x128xi32, #tpu.memory_space<hbm>> -> memref<40x128xi32, #tpu.memory_space<hbm>>
        %dma_wait3A_97 = arith.constant 0 : i32
        %dma_wait3A_98 = tpu.memref_slice %arg2[%run_scoped3A_51, %add3A_50, %dma_wait3A_97] : memref<2x1280x128xi32, #tpu.memory_space<hbm>> -> memref<1x40x128xi32, #tpu.memory_space<hbm>>
        %dma_wait3A_99 = tpu.memref_squeeze %dma_wait3A_98 : memref<1x40x128xi32, #tpu.memory_space<hbm>> -> memref<40x128xi32, #tpu.memory_space<hbm>>
        tpu.wait_dma2 semaphore(%run_scoped3A_89 : memref<!tpu.dma_semaphore, #tpu.memory_space<semaphore_mem>>) src(%dma_wait3A_99 : memref<40x128xi32, #tpu.memory_space<hbm>>) dst(%arg7 : memref<40x128xi32, #tpu.memory_space<vmem>>)
        tpu.yield
      }) : () -> ()
      %eq3A_52 = arith.constant 15 : i32
      %eq3A_53 = arith.cmpi eq, %arg1, %eq3A_52 : i32
      %eq3A_54 = arith.constant 0 : i32
      %eq3A_55 = arith.cmpi eq, %scan3A_45, %eq3A_54 : i32
      %jit3A_56 = arith.constant 40 : i32
      %jit3A_57 = arith.constant 10 : i32
      %select_n3A_58 = arith.select %eq3A_55, %jit3A_56, %jit3A_57 : i32
      %jit3A_59 = arith.constant 40 : i32
      %select_n3A_60 = arith.select %eq3A_53, %select_n3A_58, %jit3A_59 : i32
      %jit3A_61 = arith.constant 2 : i32
      %div3A = arith.divsi %select_n3A_60, %jit3A_61 : i32
      %sign3A = arith.constant 0 : i32
      %sign3A_62 = arith.cmpi sgt, %select_n3A_60, %sign3A : i32
      %sign3A_63 = arith.extui %sign3A_62 : i1 to i32
      %sign3A_64 = arith.constant 0 : i32
      %sign3A_65 = arith.cmpi slt, %select_n3A_60, %sign3A_64 : i32
      %sign3A_66 = arith.extui %sign3A_65 : i1 to i32
      %sign3A_67 = arith.subi %sign3A_63, %sign3A_66 : i32
      %sign3A_68 = arith.constant 0 : i32
      %sign3A_69 = arith.cmpi sgt, %jit3A_61, %sign3A_68 : i32
      %sign3A_70 = arith.extui %sign3A_69 : i1 to i32
      %sign3A_71 = arith.constant 0 : i32
      %sign3A_72 = arith.cmpi slt, %jit3A_61, %sign3A_71 : i32
      %sign3A_73 = arith.extui %sign3A_72 : i1 to i32
      %sign3A_74 = arith.subi %sign3A_70, %sign3A_73 : i32
      %ne3A = arith.cmpi ne, %sign3A_67, %sign3A_74 : i32
      %rem3A = arith.remsi %select_n3A_60, %jit3A_61 : i32
      %ne3A_75 = arith.constant 0 : i32
      %ne3A_76 = arith.cmpi ne, %rem3A, %ne3A_75 : i32
      %and3A = arith.andi %ne3A, %ne3A_76 : i1
      %sub3A = arith.constant 1 : i32
      %sub3A_77 = arith.subi %div3A, %sub3A : i32
      %select_n3A_78 = arith.select %and3A, %sub3A_77, %div3A : i32
      %while3A_79 = arith.constant 0 : i32
      %while3A_80 = arith.constant 0 : i32
      %while3A_81 = arith.subi %select_n3A_78, %while3A_80 : i32
      %while3A_82 = arith.addi %while3A_80, %while3A_81 : i32
      %while3A_83 = arith.constant 1 : i32
      %while3A_84 = arith.divsi %while3A_81, %while3A_83 : i32
      %while3A_85 = arith.muli %while3A_84, %while3A_83 : i32
      %while3A_86 = arith.addi %while3A_80, %while3A_85 : i32
      %while3A_87 = arith.constant 1 : i32
      scf.for %while3A_89 = %while3A_80 to %while3A_86 step %while3A_87  : i32 {
        %mul3A_90 = arith.constant 2 : i32
        %mul3A_91 = arith.muli %mul3A_90, %while3A_89 : i32
        %dma_start3A = arith.constant 0 : i32
        %dma_start3A_92 = tpu.memref_slice %arg6[%mul3A_91, %dma_start3A] : memref<40x128xi32, #tpu.memory_space<vmem>> -> memref<1x128xi32, #tpu.memory_space<vmem>>
        %dma_start3A_93 = tpu.memref_squeeze %dma_start3A_92 : memref<1x128xi32, #tpu.memory_space<vmem>> -> memref<128xi32, #tpu.memory_space<vmem>>
        %dma_start3A_94 = arith.constant 0 : i32
        %dma_start3A_95 = arith.constant 0 : i32
        %dma_start3A_96 = tpu.memref_slice %arg3[%add3A_16, %dma_start3A_94, %dma_start3A_95] : memref<2x10000x128xf32, #tpu.memory_space<hbm>> -> memref<1x10000x128xf32, #tpu.memory_space<hbm>>
        %dma_start3A_97 = tpu.memref_squeeze %dma_start3A_96 : memref<1x10000x128xf32, #tpu.memory_space<hbm>> -> memref<10000x128xf32, #tpu.memory_space<hbm>>
        %dma_start3A_98 = arith.constant 0 : i32
        %dma_start3A_99 = arith.constant 0 : i32
        %dma_start3A_100 = tpu.memref_slice %dma_start3A_97[%dma_start3A_98, %dma_start3A_99] : memref<10000x128xf32, #tpu.memory_space<hbm>> -> memref<10000x128xf32, #tpu.memory_space<hbm>>
        tpu.enqueue_indirect_dma source(%dma_start3A_100 : memref<10000x128xf32, #tpu.memory_space<hbm>>) target(%arg8 : memref<128x128xf32, #tpu.memory_space<vmem>>) offsets(%dma_start3A_93 : memref<128xi32, #tpu.memory_space<vmem>>) semaphore(%arg12 : memref<!tpu.dma_semaphore, #tpu.memory_space<semaphore_mem>>)
        %add3A_101 = arith.constant 1 : i32
        %add3A_102 = arith.addi %mul3A_91, %add3A_101 : i32
        %dma_start3A_103 = arith.constant 0 : i32
        %dma_start3A_104 = tpu.memref_slice %arg6[%add3A_102, %dma_start3A_103] : memref<40x128xi32, #tpu.memory_space<vmem>> -> memref<1x128xi32, #tpu.memory_space<vmem>>
        %dma_start3A_105 = tpu.memref_squeeze %dma_start3A_104 : memref<1x128xi32, #tpu.memory_space<vmem>> -> memref<128xi32, #tpu.memory_space<vmem>>
        %dma_start3A_106 = arith.constant 0 : i32
        %dma_start3A_107 = arith.constant 0 : i32
        %dma_start3A_108 = tpu.memref_slice %arg3[%add3A_16, %dma_start3A_106, %dma_start3A_107] : memref<2x10000x128xf32, #tpu.memory_space<hbm>> -> memref<1x10000x128xf32, #tpu.memory_space<hbm>>
        %dma_start3A_109 = tpu.memref_squeeze %dma_start3A_108 : memref<1x10000x128xf32, #tpu.memory_space<hbm>> -> memref<10000x128xf32, #tpu.memory_space<hbm>>
        %dma_start3A_110 = arith.constant 0 : i32
        %dma_start3A_111 = arith.constant 0 : i32
        %dma_start3A_112 = tpu.memref_slice %dma_start3A_109[%dma_start3A_110, %dma_start3A_111] : memref<10000x128xf32, #tpu.memory_space<hbm>> -> memref<10000x128xf32, #tpu.memory_space<hbm>>
        tpu.enqueue_indirect_dma source(%dma_start3A_112 : memref<10000x128xf32, #tpu.memory_space<hbm>>) target(%arg9 : memref<128x128xf32, #tpu.memory_space<vmem>>) offsets(%dma_start3A_105 : memref<128xi32, #tpu.memory_space<vmem>>) semaphore(%arg13 : memref<!tpu.dma_semaphore, #tpu.memory_space<semaphore_mem>>)
        %dma_wait3A = arith.constant 0 : i32
        %dma_wait3A_113 = tpu.memref_slice %arg6[%mul3A_91, %dma_wait3A] : memref<40x128xi32, #tpu.memory_space<vmem>> -> memref<1x128xi32, #tpu.memory_space<vmem>>
        %dma_wait3A_114 = tpu.memref_squeeze %dma_wait3A_113 : memref<1x128xi32, #tpu.memory_space<vmem>> -> memref<128xi32, #tpu.memory_space<vmem>>
        %dma_wait3A_115 = arith.constant 0 : i32
        %dma_wait3A_116 = arith.constant 0 : i32
        %dma_wait3A_117 = tpu.memref_slice %arg3[%add3A_16, %dma_wait3A_115, %dma_wait3A_116] : memref<2x10000x128xf32, #tpu.memory_space<hbm>> -> memref<1x10000x128xf32, #tpu.memory_space<hbm>>
        %dma_wait3A_118 = tpu.memref_squeeze %dma_wait3A_117 : memref<1x10000x128xf32, #tpu.memory_space<hbm>> -> memref<10000x128xf32, #tpu.memory_space<hbm>>
        %dma_wait3A_119 = arith.constant 0 : i32
        %dma_wait3A_120 = arith.constant 0 : i32
        %dma_wait3A_121 = tpu.memref_slice %dma_wait3A_118[%dma_wait3A_119, %dma_wait3A_120] : memref<10000x128xf32, #tpu.memory_space<hbm>> -> memref<10000x128xf32, #tpu.memory_space<hbm>>
        tpu.wait_indirect_dma semaphore(%arg12 : memref<!tpu.dma_semaphore, #tpu.memory_space<semaphore_mem>>) src(%dma_wait3A_121 : memref<10000x128xf32, #tpu.memory_space<hbm>>) dst(%arg8 : memref<128x128xf32, #tpu.memory_space<vmem>>)
        "tpu.region"() ({
          %run_scoped3A_134 = tpu.sem_alloc : memref<!tpu.dma_semaphore, #tpu.memory_space<semaphore_mem>>
          %dma_start3A_135 = arith.constant 0 : i32
          %dma_start3A_136 = tpu.memref_slice %arg7[%mul3A_91, %dma_start3A_135] : memref<40x128xi32, #tpu.memory_space<vmem>> -> memref<1x128xi32, #tpu.memory_space<vmem>>
          %dma_start3A_137 = tpu.memref_squeeze %dma_start3A_136 : memref<1x128xi32, #tpu.memory_space<vmem>> -> memref<128xi32, #tpu.memory_space<vmem>>
          %dma_start3A_138 = arith.constant 0 : i32
          %dma_start3A_139 = arith.constant 0 : i32
          %dma_start3A_140 = tpu.memref_slice %arg5[%dma_start3A_138, %dma_start3A_139] : memref<10008x128xf32, #tpu.memory_space<vmem_shared>> -> memref<10008x128xf32, #tpu.memory_space<vmem_shared>>
          tpu.enqueue_indirect_dma source(%arg8 : memref<128x128xf32, #tpu.memory_space<vmem>>) target(%dma_start3A_140 : memref<10008x128xf32, #tpu.memory_space<vmem_shared>>) offsets(%dma_start3A_137 : memref<128xi32, #tpu.memory_space<vmem>>) semaphore(%run_scoped3A_134 : memref<!tpu.dma_semaphore, #tpu.memory_space<semaphore_mem>>) {add = true}
          %dma_wait3A_141 = arith.constant 0 : i32
          %dma_wait3A_142 = tpu.memref_slice %arg7[%mul3A_91, %dma_wait3A_141] : memref<40x128xi32, #tpu.memory_space<vmem>> -> memref<1x128xi32, #tpu.memory_space<vmem>>
          %dma_wait3A_143 = tpu.memref_squeeze %dma_wait3A_142 : memref<1x128xi32, #tpu.memory_space<vmem>> -> memref<128xi32, #tpu.memory_space<vmem>>
          %dma_wait3A_144 = arith.constant 0 : i32
          %dma_wait3A_145 = arith.constant 0 : i32
          %dma_wait3A_146 = tpu.memref_slice %arg5[%dma_wait3A_144, %dma_wait3A_145] : memref<10008x128xf32, #tpu.memory_space<vmem_shared>> -> memref<10008x128xf32, #tpu.memory_space<vmem_shared>>
          tpu.wait_indirect_dma semaphore(%run_scoped3A_134 : memref<!tpu.dma_semaphore, #tpu.memory_space<semaphore_mem>>) src(%arg8 : memref<128x128xf32, #tpu.memory_space<vmem>>) dst(%dma_wait3A_146 : memref<10008x128xf32, #tpu.memory_space<vmem_shared>>)
          tpu.yield
        }) : () -> ()
        %dma_wait3A_122 = arith.constant 0 : i32
        %dma_wait3A_123 = tpu.memref_slice %arg6[%add3A_102, %dma_wait3A_122] : memref<40x128xi32, #tpu.memory_space<vmem>> -> memref<1x128xi32, #tpu.memory_space<vmem>>
        %dma_wait3A_124 = tpu.memref_squeeze %dma_wait3A_123 : memref<1x128xi32, #tpu.memory_space<vmem>> -> memref<128xi32, #tpu.memory_space<vmem>>
        %dma_wait3A_125 = arith.constant 0 : i32
        %dma_wait3A_126 = arith.constant 0 : i32
        %dma_wait3A_127 = tpu.memref_slice %arg3[%add3A_16, %dma_wait3A_125, %dma_wait3A_126] : memref<2x10000x128xf32, #tpu.memory_space<hbm>> -> memref<1x10000x128xf32, #tpu.memory_space<hbm>>
        %dma_wait3A_128 = tpu.memref_squeeze %dma_wait3A_127 : memref<1x10000x128xf32, #tpu.memory_space<hbm>> -> memref<10000x128xf32, #tpu.memory_space<hbm>>
        %dma_wait3A_129 = arith.constant 0 : i32
        %dma_wait3A_130 = arith.constant 0 : i32
        %dma_wait3A_131 = tpu.memref_slice %dma_wait3A_128[%dma_wait3A_129, %dma_wait3A_130] : memref<10000x128xf32, #tpu.memory_space<hbm>> -> memref<10000x128xf32, #tpu.memory_space<hbm>>
        tpu.wait_indirect_dma semaphore(%arg13 : memref<!tpu.dma_semaphore, #tpu.memory_space<semaphore_mem>>) src(%dma_wait3A_131 : memref<10000x128xf32, #tpu.memory_space<hbm>>) dst(%arg9 : memref<128x128xf32, #tpu.memory_space<vmem>>)
        %add3A_132 = arith.constant 1 : i32
        %add3A_133 = arith.addi %mul3A_91, %add3A_132 : i32
        "tpu.region"() ({
          %run_scoped3A_134 = tpu.sem_alloc : memref<!tpu.dma_semaphore, #tpu.memory_space<semaphore_mem>>
          %dma_start3A_135 = arith.constant 0 : i32
          %dma_start3A_136 = tpu.memref_slice %arg7[%add3A_133, %dma_start3A_135] : memref<40x128xi32, #tpu.memory_space<vmem>> -> memref<1x128xi32, #tpu.memory_space<vmem>>
          %dma_start3A_137 = tpu.memref_squeeze %dma_start3A_136 : memref<1x128xi32, #tpu.memory_space<vmem>> -> memref<128xi32, #tpu.memory_space<vmem>>
          %dma_start3A_138 = arith.constant 0 : i32
          %dma_start3A_139 = arith.constant 0 : i32
          %dma_start3A_140 = tpu.memref_slice %arg5[%dma_start3A_138, %dma_start3A_139] : memref<10008x128xf32, #tpu.memory_space<vmem_shared>> -> memref<10008x128xf32, #tpu.memory_space<vmem_shared>>
          tpu.enqueue_indirect_dma source(%arg9 : memref<128x128xf32, #tpu.memory_space<vmem>>) target(%dma_start3A_140 : memref<10008x128xf32, #tpu.memory_space<vmem_shared>>) offsets(%dma_start3A_137 : memref<128xi32, #tpu.memory_space<vmem>>) semaphore(%run_scoped3A_134 : memref<!tpu.dma_semaphore, #tpu.memory_space<semaphore_mem>>) {add = true}
          %dma_wait3A_141 = arith.constant 0 : i32
          %dma_wait3A_142 = tpu.memref_slice %arg7[%add3A_133, %dma_wait3A_141] : memref<40x128xi32, #tpu.memory_space<vmem>> -> memref<1x128xi32, #tpu.memory_space<vmem>>
          %dma_wait3A_143 = tpu.memref_squeeze %dma_wait3A_142 : memref<1x128xi32, #tpu.memory_space<vmem>> -> memref<128xi32, #tpu.memory_space<vmem>>
          %dma_wait3A_144 = arith.constant 0 : i32
          %dma_wait3A_145 = arith.constant 0 : i32
          %dma_wait3A_146 = tpu.memref_slice %arg5[%dma_wait3A_144, %dma_wait3A_145] : memref<10008x128xf32, #tpu.memory_space<vmem_shared>> -> memref<10008x128xf32, #tpu.memory_space<vmem_shared>>
          tpu.wait_indirect_dma semaphore(%run_scoped3A_134 : memref<!tpu.dma_semaphore, #tpu.memory_space<semaphore_mem>>) src(%arg9 : memref<128x128xf32, #tpu.memory_space<vmem>>) dst(%dma_wait3A_146 : memref<10008x128xf32, #tpu.memory_space<vmem_shared>>)
          tpu.yield
        }) : () -> ()
      }
      %while3A_88 = arith.constant 1 : i32
      scf.for %while3A_89 = %while3A_86 to %while3A_82 step %while3A_88  : i32 {
        %mul3A_90 = arith.constant 2 : i32
        %mul3A_91 = arith.muli %mul3A_90, %while3A_89 : i32
        %dma_start3A = arith.constant 0 : i32
        %dma_start3A_92 = tpu.memref_slice %arg6[%mul3A_91, %dma_start3A] : memref<40x128xi32, #tpu.memory_space<vmem>> -> memref<1x128xi32, #tpu.memory_space<vmem>>
        %dma_start3A_93 = tpu.memref_squeeze %dma_start3A_92 : memref<1x128xi32, #tpu.memory_space<vmem>> -> memref<128xi32, #tpu.memory_space<vmem>>
        %dma_start3A_94 = arith.constant 0 : i32
        %dma_start3A_95 = arith.constant 0 : i32
        %dma_start3A_96 = tpu.memref_slice %arg3[%add3A_16, %dma_start3A_94, %dma_start3A_95] : memref<2x10000x128xf32, #tpu.memory_space<hbm>> -> memref<1x10000x128xf32, #tpu.memory_space<hbm>>
        %dma_start3A_97 = tpu.memref_squeeze %dma_start3A_96 : memref<1x10000x128xf32, #tpu.memory_space<hbm>> -> memref<10000x128xf32, #tpu.memory_space<hbm>>
        %dma_start3A_98 = arith.constant 0 : i32
        %dma_start3A_99 = arith.constant 0 : i32
        %dma_start3A_100 = tpu.memref_slice %dma_start3A_97[%dma_start3A_98, %dma_start3A_99] : memref<10000x128xf32, #tpu.memory_space<hbm>> -> memref<10000x128xf32, #tpu.memory_space<hbm>>
        tpu.enqueue_indirect_dma source(%dma_start3A_100 : memref<10000x128xf32, #tpu.memory_space<hbm>>) target(%arg8 : memref<128x128xf32, #tpu.memory_space<vmem>>) offsets(%dma_start3A_93 : memref<128xi32, #tpu.memory_space<vmem>>) semaphore(%arg12 : memref<!tpu.dma_semaphore, #tpu.memory_space<semaphore_mem>>)
        %add3A_101 = arith.constant 1 : i32
        %add3A_102 = arith.addi %mul3A_91, %add3A_101 : i32
        %dma_start3A_103 = arith.constant 0 : i32
        %dma_start3A_104 = tpu.memref_slice %arg6[%add3A_102, %dma_start3A_103] : memref<40x128xi32, #tpu.memory_space<vmem>> -> memref<1x128xi32, #tpu.memory_space<vmem>>
        %dma_start3A_105 = tpu.memref_squeeze %dma_start3A_104 : memref<1x128xi32, #tpu.memory_space<vmem>> -> memref<128xi32, #tpu.memory_space<vmem>>
        %dma_start3A_106 = arith.constant 0 : i32
        %dma_start3A_107 = arith.constant 0 : i32
        %dma_start3A_108 = tpu.memref_slice %arg3[%add3A_16, %dma_start3A_106, %dma_start3A_107] : memref<2x10000x128xf32, #tpu.memory_space<hbm>> -> memref<1x10000x128xf32, #tpu.memory_space<hbm>>
        %dma_start3A_109 = tpu.memref_squeeze %dma_start3A_108 : memref<1x10000x128xf32, #tpu.memory_space<hbm>> -> memref<10000x128xf32, #tpu.memory_space<hbm>>
        %dma_start3A_110 = arith.constant 0 : i32
        %dma_start3A_111 = arith.constant 0 : i32
        %dma_start3A_112 = tpu.memref_slice %dma_start3A_109[%dma_start3A_110, %dma_start3A_111] : memref<10000x128xf32, #tpu.memory_space<hbm>> -> memref<10000x128xf32, #tpu.memory_space<hbm>>
        tpu.enqueue_indirect_dma source(%dma_start3A_112 : memref<10000x128xf32, #tpu.memory_space<hbm>>) target(%arg9 : memref<128x128xf32, #tpu.memory_space<vmem>>) offsets(%dma_start3A_105 : memref<128xi32, #tpu.memory_space<vmem>>) semaphore(%arg13 : memref<!tpu.dma_semaphore, #tpu.memory_space<semaphore_mem>>)
        %dma_wait3A = arith.constant 0 : i32
        %dma_wait3A_113 = tpu.memref_slice %arg6[%mul3A_91, %dma_wait3A] : memref<40x128xi32, #tpu.memory_space<vmem>> -> memref<1x128xi32, #tpu.memory_space<vmem>>
        %dma_wait3A_114 = tpu.memref_squeeze %dma_wait3A_113 : memref<1x128xi32, #tpu.memory_space<vmem>> -> memref<128xi32, #tpu.memory_space<vmem>>
        %dma_wait3A_115 = arith.constant 0 : i32
        %dma_wait3A_116 = arith.constant 0 : i32
        %dma_wait3A_117 = tpu.memref_slice %arg3[%add3A_16, %dma_wait3A_115, %dma_wait3A_116] : memref<2x10000x128xf32, #tpu.memory_space<hbm>> -> memref<1x10000x128xf32, #tpu.memory_space<hbm>>
        %dma_wait3A_118 = tpu.memref_squeeze %dma_wait3A_117 : memref<1x10000x128xf32, #tpu.memory_space<hbm>> -> memref<10000x128xf32, #tpu.memory_space<hbm>>
        %dma_wait3A_119 = arith.constant 0 : i32
        %dma_wait3A_120 = arith.constant 0 : i32
        %dma_wait3A_121 = tpu.memref_slice %dma_wait3A_118[%dma_wait3A_119, %dma_wait3A_120] : memref<10000x128xf32, #tpu.memory_space<hbm>> -> memref<10000x128xf32, #tpu.memory_space<hbm>>
        tpu.wait_indirect_dma semaphore(%arg12 : memref<!tpu.dma_semaphore, #tpu.memory_space<semaphore_mem>>) src(%dma_wait3A_121 : memref<10000x128xf32, #tpu.memory_space<hbm>>) dst(%arg8 : memref<128x128xf32, #tpu.memory_space<vmem>>)
        "tpu.region"() ({
          %run_scoped3A_134 = tpu.sem_alloc : memref<!tpu.dma_semaphore, #tpu.memory_space<semaphore_mem>>
          %dma_start3A_135 = arith.constant 0 : i32
          %dma_start3A_136 = tpu.memref_slice %arg7[%mul3A_91, %dma_start3A_135] : memref<40x128xi32, #tpu.memory_space<vmem>> -> memref<1x128xi32, #tpu.memory_space<vmem>>
          %dma_start3A_137 = tpu.memref_squeeze %dma_start3A_136 : memref<1x128xi32, #tpu.memory_space<vmem>> -> memref<128xi32, #tpu.memory_space<vmem>>
          %dma_start3A_138 = arith.constant 0 : i32
          %dma_start3A_139 = arith.constant 0 : i32
          %dma_start3A_140 = tpu.memref_slice %arg5[%dma_start3A_138, %dma_start3A_139] : memref<10008x128xf32, #tpu.memory_space<vmem_shared>> -> memref<10008x128xf32, #tpu.memory_space<vmem_shared>>
          tpu.enqueue_indirect_dma source(%arg8 : memref<128x128xf32, #tpu.memory_space<vmem>>) target(%dma_start3A_140 : memref<10008x128xf32, #tpu.memory_space<vmem_shared>>) offsets(%dma_start3A_137 : memref<128xi32, #tpu.memory_space<vmem>>) semaphore(%run_scoped3A_134 : memref<!tpu.dma_semaphore, #tpu.memory_space<semaphore_mem>>) {add = true}
          %dma_wait3A_141 = arith.constant 0 : i32
          %dma_wait3A_142 = tpu.memref_slice %arg7[%mul3A_91, %dma_wait3A_141] : memref<40x128xi32, #tpu.memory_space<vmem>> -> memref<1x128xi32, #tpu.memory_space<vmem>>
          %dma_wait3A_143 = tpu.memref_squeeze %dma_wait3A_142 : memref<1x128xi32, #tpu.memory_space<vmem>> -> memref<128xi32, #tpu.memory_space<vmem>>
          %dma_wait3A_144 = arith.constant 0 : i32
          %dma_wait3A_145 = arith.constant 0 : i32
          %dma_wait3A_146 = tpu.memref_slice %arg5[%dma_wait3A_144, %dma_wait3A_145] : memref<10008x128xf32, #tpu.memory_space<vmem_shared>> -> memref<10008x128xf32, #tpu.memory_space<vmem_shared>>
          tpu.wait_indirect_dma semaphore(%run_scoped3A_134 : memref<!tpu.dma_semaphore, #tpu.memory_space<semaphore_mem>>) src(%arg8 : memref<128x128xf32, #tpu.memory_space<vmem>>) dst(%dma_wait3A_146 : memref<10008x128xf32, #tpu.memory_space<vmem_shared>>)
          tpu.yield
        }) : () -> ()
        %dma_wait3A_122 = arith.constant 0 : i32
        %dma_wait3A_123 = tpu.memref_slice %arg6[%add3A_102, %dma_wait3A_122] : memref<40x128xi32, #tpu.memory_space<vmem>> -> memref<1x128xi32, #tpu.memory_space<vmem>>
        %dma_wait3A_124 = tpu.memref_squeeze %dma_wait3A_123 : memref<1x128xi32, #tpu.memory_space<vmem>> -> memref<128xi32, #tpu.memory_space<vmem>>
        %dma_wait3A_125 = arith.constant 0 : i32
        %dma_wait3A_126 = arith.constant 0 : i32
        %dma_wait3A_127 = tpu.memref_slice %arg3[%add3A_16, %dma_wait3A_125, %dma_wait3A_126] : memref<2x10000x128xf32, #tpu.memory_space<hbm>> -> memref<1x10000x128xf32, #tpu.memory_space<hbm>>
        %dma_wait3A_128 = tpu.memref_squeeze %dma_wait3A_127 : memref<1x10000x128xf32, #tpu.memory_space<hbm>> -> memref<10000x128xf32, #tpu.memory_space<hbm>>
        %dma_wait3A_129 = arith.constant 0 : i32
        %dma_wait3A_130 = arith.constant 0 : i32
        %dma_wait3A_131 = tpu.memref_slice %dma_wait3A_128[%dma_wait3A_129, %dma_wait3A_130] : memref<10000x128xf32, #tpu.memory_space<hbm>> -> memref<10000x128xf32, #tpu.memory_space<hbm>>
        tpu.wait_indirect_dma semaphore(%arg13 : memref<!tpu.dma_semaphore, #tpu.memory_space<semaphore_mem>>) src(%dma_wait3A_131 : memref<10000x128xf32, #tpu.memory_space<hbm>>) dst(%arg9 : memref<128x128xf32, #tpu.memory_space<vmem>>)
        %add3A_132 = arith.constant 1 : i32
        %add3A_133 = arith.addi %mul3A_91, %add3A_132 : i32
        "tpu.region"() ({
          %run_scoped3A_134 = tpu.sem_alloc : memref<!tpu.dma_semaphore, #tpu.memory_space<semaphore_mem>>
          %dma_start3A_135 = arith.constant 0 : i32
          %dma_start3A_136 = tpu.memref_slice %arg7[%add3A_133, %dma_start3A_135] : memref<40x128xi32, #tpu.memory_space<vmem>> -> memref<1x128xi32, #tpu.memory_space<vmem>>
          %dma_start3A_137 = tpu.memref_squeeze %dma_start3A_136 : memref<1x128xi32, #tpu.memory_space<vmem>> -> memref<128xi32, #tpu.memory_space<vmem>>
          %dma_start3A_138 = arith.constant 0 : i32
          %dma_start3A_139 = arith.constant 0 : i32
          %dma_start3A_140 = tpu.memref_slice %arg5[%dma_start3A_138, %dma_start3A_139] : memref<10008x128xf32, #tpu.memory_space<vmem_shared>> -> memref<10008x128xf32, #tpu.memory_space<vmem_shared>>
          tpu.enqueue_indirect_dma source(%arg9 : memref<128x128xf32, #tpu.memory_space<vmem>>) target(%dma_start3A_140 : memref<10008x128xf32, #tpu.memory_space<vmem_shared>>) offsets(%dma_start3A_137 : memref<128xi32, #tpu.memory_space<vmem>>) semaphore(%run_scoped3A_134 : memref<!tpu.dma_semaphore, #tpu.memory_space<semaphore_mem>>) {add = true}
          %dma_wait3A_141 = arith.constant 0 : i32
          %dma_wait3A_142 = tpu.memref_slice %arg7[%add3A_133, %dma_wait3A_141] : memref<40x128xi32, #tpu.memory_space<vmem>> -> memref<1x128xi32, #tpu.memory_space<vmem>>
          %dma_wait3A_143 = tpu.memref_squeeze %dma_wait3A_142 : memref<1x128xi32, #tpu.memory_space<vmem>> -> memref<128xi32, #tpu.memory_space<vmem>>
          %dma_wait3A_144 = arith.constant 0 : i32
          %dma_wait3A_145 = arith.constant 0 : i32
          %dma_wait3A_146 = tpu.memref_slice %arg5[%dma_wait3A_144, %dma_wait3A_145] : memref<10008x128xf32, #tpu.memory_space<vmem_shared>> -> memref<10008x128xf32, #tpu.memory_space<vmem_shared>>
          tpu.wait_indirect_dma semaphore(%run_scoped3A_134 : memref<!tpu.dma_semaphore, #tpu.memory_space<semaphore_mem>>) src(%arg9 : memref<128x128xf32, #tpu.memory_space<vmem>>) dst(%dma_wait3A_146 : memref<10008x128xf32, #tpu.memory_space<vmem_shared>>)
          tpu.yield
        }) : () -> ()
      }
    }
    %scan3A_31 = arith.constant 2 : i32
    %barrier3A_32 = arith.constant 0 : index
    tpu.barrier barrier_id(%barrier3A_32)
    %while3A_33 = arith.constant 0 : i32
    %while3A_34 = arith.constant 0 : i32
    %while3A_35 = arith.subi %select_n3A, %while3A_34 : i32
    %while3A_36 = arith.addi %while3A_34, %while3A_35 : i32
    %while3A_37 = arith.constant 1 : i32
    %while3A_38 = arith.divsi %while3A_35, %while3A_37 : i32
    %while3A_39 = arith.muli %while3A_38, %while3A_37 : i32
    %while3A_40 = arith.addi %while3A_34, %while3A_39 : i32
    %while3A_41 = arith.constant 1 : i32
    scf.for %while3A_45 = %while3A_34 to %while3A_40 step %while3A_41  : i32 {
      %mul3A_46 = arith.constant 16 : i32
      %mul3A_47 = arith.muli %mul3A_46, %while3A_45 : i32
      %add3A_48 = arith.addi %mul3A_11, %mul3A_47 : i32
      "tpu.region"() ({
        %run_scoped3A = tpu.sem_alloc : memref<!tpu.dma_semaphore, #tpu.memory_space<semaphore_mem>>
        %dma_start3A = arith.constant 0 : i32
        %dma_start3A_49 = tpu.memref_slice %arg5[%add3A_48, %dma_start3A] : memref<10008x128xf32, #tpu.memory_space<vmem_shared>> -> memref<16x128xf32, #tpu.memory_space<vmem_shared>>
        %dma_start3A_50 = arith.constant 0 : i32
        %dma_start3A_51 = tpu.memref_slice %arg5[%add3A_48, %dma_start3A_50] : memref<10008x128xf32, #tpu.memory_space<vmem_shared>> -> memref<16x128xf32, #tpu.memory_space<vmem_shared>>
        tpu.enqueue_dma source(%dma_start3A_51 : memref<16x128xf32, #tpu.memory_space<vmem_shared>>) target(%arg10 : memref<16x128xf32, #tpu.memory_space<vmem>>) target_semaphore(%run_scoped3A : memref<!tpu.dma_semaphore, #tpu.memory_space<semaphore_mem>>)
        %dma_wait3A = arith.constant 0 : i32
        %dma_wait3A_52 = tpu.memref_slice %arg5[%add3A_48, %dma_wait3A] : memref<10008x128xf32, #tpu.memory_space<vmem_shared>> -> memref<16x128xf32, #tpu.memory_space<vmem_shared>>
        %dma_wait3A_53 = arith.constant 0 : i32
        %dma_wait3A_54 = tpu.memref_slice %arg5[%add3A_48, %dma_wait3A_53] : memref<10008x128xf32, #tpu.memory_space<vmem_shared>> -> memref<16x128xf32, #tpu.memory_space<vmem_shared>>
        tpu.wait_dma2 semaphore(%run_scoped3A : memref<!tpu.dma_semaphore, #tpu.memory_space<semaphore_mem>>) src(%dma_wait3A_54 : memref<16x128xf32, #tpu.memory_space<vmem_shared>>) dst(%arg10 : memref<16x128xf32, #tpu.memory_space<vmem>>)
        tpu.yield
      }) : () -> ()
      "tpu.region"() ({
        %run_scoped3A = tpu.sem_alloc : memref<!tpu.dma_semaphore, #tpu.memory_space<semaphore_mem>>
        %dma_start3A = arith.constant 0 : i32
        %dma_start3A_49 = arith.constant 0 : i32
        %dma_start3A_50 = tpu.memref_slice %arg4[%add3A_16, %dma_start3A, %dma_start3A_49] : memref<2x10000x128xf32, #tpu.memory_space<hbm>> -> memref<1x10000x128xf32, #tpu.memory_space<hbm>>
        %dma_start3A_51 = tpu.memref_squeeze %dma_start3A_50 : memref<1x10000x128xf32, #tpu.memory_space<hbm>> -> memref<10000x128xf32, #tpu.memory_space<hbm>>
        %dma_start3A_52 = arith.constant 0 : i32
        %dma_start3A_53 = tpu.memref_slice %dma_start3A_51[%add3A_48, %dma_start3A_52] : memref<10000x128xf32, #tpu.memory_space<hbm>> -> memref<16x128xf32, #tpu.memory_space<hbm>>
        %dma_start3A_54 = arith.constant 0 : i32
        %dma_start3A_55 = arith.constant 0 : i32
        %dma_start3A_56 = tpu.memref_slice %arg4[%add3A_16, %dma_start3A_54, %dma_start3A_55] : memref<2x10000x128xf32, #tpu.memory_space<hbm>> -> memref<1x10000x128xf32, #tpu.memory_space<hbm>>
        %dma_start3A_57 = tpu.memref_squeeze %dma_start3A_56 : memref<1x10000x128xf32, #tpu.memory_space<hbm>> -> memref<10000x128xf32, #tpu.memory_space<hbm>>
        %dma_start3A_58 = arith.constant 0 : i32
        %dma_start3A_59 = tpu.memref_slice %dma_start3A_57[%add3A_48, %dma_start3A_58] : memref<10000x128xf32, #tpu.memory_space<hbm>> -> memref<16x128xf32, #tpu.memory_space<hbm>>
        tpu.enqueue_dma source(%arg10 : memref<16x128xf32, #tpu.memory_space<vmem>>) target(%dma_start3A_59 : memref<16x128xf32, #tpu.memory_space<hbm>>) target_semaphore(%run_scoped3A : memref<!tpu.dma_semaphore, #tpu.memory_space<semaphore_mem>>)
        %dma_wait3A = arith.constant 0 : i32
        %dma_wait3A_60 = arith.constant 0 : i32
        %dma_wait3A_61 = tpu.memref_slice %arg4[%add3A_16, %dma_wait3A, %dma_wait3A_60] : memref<2x10000x128xf32, #tpu.memory_space<hbm>> -> memref<1x10000x128xf32, #tpu.memory_space<hbm>>
        %dma_wait3A_62 = tpu.memref_squeeze %dma_wait3A_61 : memref<1x10000x128xf32, #tpu.memory_space<hbm>> -> memref<10000x128xf32, #tpu.memory_space<hbm>>
        %dma_wait3A_63 = arith.constant 0 : i32
        %dma_wait3A_64 = tpu.memref_slice %dma_wait3A_62[%add3A_48, %dma_wait3A_63] : memref<10000x128xf32, #tpu.memory_space<hbm>> -> memref<16x128xf32, #tpu.memory_space<hbm>>
        %dma_wait3A_65 = arith.constant 0 : i32
        %dma_wait3A_66 = arith.constant 0 : i32
        %dma_wait3A_67 = tpu.memref_slice %arg4[%add3A_16, %dma_wait3A_65, %dma_wait3A_66] : memref<2x10000x128xf32, #tpu.memory_space<hbm>> -> memref<1x10000x128xf32, #tpu.memory_space<hbm>>
        %dma_wait3A_68 = tpu.memref_squeeze %dma_wait3A_67 : memref<1x10000x128xf32, #tpu.memory_space<hbm>> -> memref<10000x128xf32, #tpu.memory_space<hbm>>
        %dma_wait3A_69 = arith.constant 0 : i32
        %dma_wait3A_70 = tpu.memref_slice %dma_wait3A_68[%add3A_48, %dma_wait3A_69] : memref<10000x128xf32, #tpu.memory_space<hbm>> -> memref<16x128xf32, #tpu.memory_space<hbm>>
        tpu.wait_dma2 semaphore(%run_scoped3A : memref<!tpu.dma_semaphore, #tpu.memory_space<semaphore_mem>>) src(%arg10 : memref<16x128xf32, #tpu.memory_space<vmem>>) dst(%dma_wait3A_70 : memref<16x128xf32, #tpu.memory_space<hbm>>)
        tpu.yield
      }) : () -> ()
    }
    %while3A_42 = arith.constant 1 : i32
    scf.for %while3A_45 = %while3A_40 to %while3A_36 step %while3A_42  : i32 {
      %mul3A_46 = arith.constant 16 : i32
      %mul3A_47 = arith.muli %mul3A_46, %while3A_45 : i32
      %add3A_48 = arith.addi %mul3A_11, %mul3A_47 : i32
      "tpu.region"() ({
        %run_scoped3A = tpu.sem_alloc : memref<!tpu.dma_semaphore, #tpu.memory_space<semaphore_mem>>
        %dma_start3A = arith.constant 0 : i32
        %dma_start3A_49 = tpu.memref_slice %arg5[%add3A_48, %dma_start3A] : memref<10008x128xf32, #tpu.memory_space<vmem_shared>> -> memref<16x128xf32, #tpu.memory_space<vmem_shared>>
        %dma_start3A_50 = arith.constant 0 : i32
        %dma_start3A_51 = tpu.memref_slice %arg5[%add3A_48, %dma_start3A_50] : memref<10008x128xf32, #tpu.memory_space<vmem_shared>> -> memref<16x128xf32, #tpu.memory_space<vmem_shared>>
        tpu.enqueue_dma source(%dma_start3A_51 : memref<16x128xf32, #tpu.memory_space<vmem_shared>>) target(%arg10 : memref<16x128xf32, #tpu.memory_space<vmem>>) target_semaphore(%run_scoped3A : memref<!tpu.dma_semaphore, #tpu.memory_space<semaphore_mem>>)
        %dma_wait3A = arith.constant 0 : i32
        %dma_wait3A_52 = tpu.memref_slice %arg5[%add3A_48, %dma_wait3A] : memref<10008x128xf32, #tpu.memory_space<vmem_shared>> -> memref<16x128xf32, #tpu.memory_space<vmem_shared>>
        %dma_wait3A_53 = arith.constant 0 : i32
        %dma_wait3A_54 = tpu.memref_slice %arg5[%add3A_48, %dma_wait3A_53] : memref<10008x128xf32, #tpu.memory_space<vmem_shared>> -> memref<16x128xf32, #tpu.memory_space<vmem_shared>>
        tpu.wait_dma2 semaphore(%run_scoped3A : memref<!tpu.dma_semaphore, #tpu.memory_space<semaphore_mem>>) src(%dma_wait3A_54 : memref<16x128xf32, #tpu.memory_space<vmem_shared>>) dst(%arg10 : memref<16x128xf32, #tpu.memory_space<vmem>>)
        tpu.yield
      }) : () -> ()
      "tpu.region"() ({
        %run_scoped3A = tpu.sem_alloc : memref<!tpu.dma_semaphore, #tpu.memory_space<semaphore_mem>>
        %dma_start3A = arith.constant 0 : i32
        %dma_start3A_49 = arith.constant 0 : i32
        %dma_start3A_50 = tpu.memref_slice %arg4[%add3A_16, %dma_start3A, %dma_start3A_49] : memref<2x10000x128xf32, #tpu.memory_space<hbm>> -> memref<1x10000x128xf32, #tpu.memory_space<hbm>>
        %dma_start3A_51 = tpu.memref_squeeze %dma_start3A_50 : memref<1x10000x128xf32, #tpu.memory_space<hbm>> -> memref<10000x128xf32, #tpu.memory_space<hbm>>
        %dma_start3A_52 = arith.constant 0 : i32
        %dma_start3A_53 = tpu.memref_slice %dma_start3A_51[%add3A_48, %dma_start3A_52] : memref<10000x128xf32, #tpu.memory_space<hbm>> -> memref<16x128xf32, #tpu.memory_space<hbm>>
        %dma_start3A_54 = arith.constant 0 : i32
        %dma_start3A_55 = arith.constant 0 : i32
        %dma_start3A_56 = tpu.memref_slice %arg4[%add3A_16, %dma_start3A_54, %dma_start3A_55] : memref<2x10000x128xf32, #tpu.memory_space<hbm>> -> memref<1x10000x128xf32, #tpu.memory_space<hbm>>
        %dma_start3A_57 = tpu.memref_squeeze %dma_start3A_56 : memref<1x10000x128xf32, #tpu.memory_space<hbm>> -> memref<10000x128xf32, #tpu.memory_space<hbm>>
        %dma_start3A_58 = arith.constant 0 : i32
        %dma_start3A_59 = tpu.memref_slice %dma_start3A_57[%add3A_48, %dma_start3A_58] : memref<10000x128xf32, #tpu.memory_space<hbm>> -> memref<16x128xf32, #tpu.memory_space<hbm>>
        tpu.enqueue_dma source(%arg10 : memref<16x128xf32, #tpu.memory_space<vmem>>) target(%dma_start3A_59 : memref<16x128xf32, #tpu.memory_space<hbm>>) target_semaphore(%run_scoped3A : memref<!tpu.dma_semaphore, #tpu.memory_space<semaphore_mem>>)
        %dma_wait3A = arith.constant 0 : i32
        %dma_wait3A_60 = arith.constant 0 : i32
        %dma_wait3A_61 = tpu.memref_slice %arg4[%add3A_16, %dma_wait3A, %dma_wait3A_60] : memref<2x10000x128xf32, #tpu.memory_space<hbm>> -> memref<1x10000x128xf32, #tpu.memory_space<hbm>>
        %dma_wait3A_62 = tpu.memref_squeeze %dma_wait3A_61 : memref<1x10000x128xf32, #tpu.memory_space<hbm>> -> memref<10000x128xf32, #tpu.memory_space<hbm>>
        %dma_wait3A_63 = arith.constant 0 : i32
        %dma_wait3A_64 = tpu.memref_slice %dma_wait3A_62[%add3A_48, %dma_wait3A_63] : memref<10000x128xf32, #tpu.memory_space<hbm>> -> memref<16x128xf32, #tpu.memory_space<hbm>>
        %dma_wait3A_65 = arith.constant 0 : i32
        %dma_wait3A_66 = arith.constant 0 : i32
        %dma_wait3A_67 = tpu.memref_slice %arg4[%add3A_16, %dma_wait3A_65, %dma_wait3A_66] : memref<2x10000x128xf32, #tpu.memory_space<hbm>> -> memref<1x10000x128xf32, #tpu.memory_space<hbm>>
        %dma_wait3A_68 = tpu.memref_squeeze %dma_wait3A_67 : memref<1x10000x128xf32, #tpu.memory_space<hbm>> -> memref<10000x128xf32, #tpu.memory_space<hbm>>
        %dma_wait3A_69 = arith.constant 0 : i32
        %dma_wait3A_70 = tpu.memref_slice %dma_wait3A_68[%add3A_48, %dma_wait3A_69] : memref<10000x128xf32, #tpu.memory_space<hbm>> -> memref<16x128xf32, #tpu.memory_space<hbm>>
        tpu.wait_dma2 semaphore(%run_scoped3A : memref<!tpu.dma_semaphore, #tpu.memory_space<semaphore_mem>>) src(%arg10 : memref<16x128xf32, #tpu.memory_space<vmem>>) dst(%dma_wait3A_70 : memref<16x128xf32, #tpu.memory_space<hbm>>)
        tpu.yield
      }) : () -> ()
    }
    %barrier3A_43 = arith.constant 0 : index
    tpu.barrier barrier_id(%barrier3A_43)
    %scan3A_44 = arith.constant 1 : i32
    return
  }
}

module attributes {stable_mosaic.version = 14 : i64} {
  func.func @body(%arg0: i32, %arg1: memref<1000x2xf32, #tpu.memory_space<vmem>>, %arg2: memref<1000x256xf32, #tpu.memory_space<vmem>>, %arg3: memref<256x512xf32, #tpu.memory_space<vmem>>, %arg4: memref<1000x1xf32, #tpu.memory_space<vmem>>, %arg5: memref<4x1000x128xf32, #tpu.memory_space<vmem>>) attributes {dimension_semantics = [#tpu.dimension_semantics<arbitrary>], iteration_bounds = array<i64: 10>, scalar_prefetch = 0 : i64, scratch_operands = 0 : i64, tpu.core_type = #tpu.core_type<tc>, window_params = [{transform_indices = @transform_0, window_bounds = array<i64: 1000, 2>}, {transform_indices = @transform_1, window_bounds = array<i64: 1000, 256>}, {pipeline_mode = #tpu.pipeline_mode<synchronous>, transform_indices = @transform_2, window_bounds = array<i64: 256, 512>}, {transform_indices = @transform_3, window_bounds = array<i64: 1000, 1>}, {transform_indices = @transform_4, window_bounds = array<i64: 4, 1000, 128>}]} {
    %get3A = arith.constant 0 : index
    %get3A_0 = arith.constant 0 : index
    %get3A_1 = vector.load %arg1[%get3A, %get3A_0] : memref<1000x2xf32, #tpu.memory_space<vmem>>, vector<1000x2xf32>
    %slice3A = vector.extract_strided_slice %get3A_1 {offsets = [0, 0], sizes = [1000, 1], strides = [1, 1]} : vector<1000x2xf32> to vector<1000x1xf32>
    %slice3A_2 = vector.extract_strided_slice %get3A_1 {offsets = [0, 1], sizes = [1000, 1], strides = [1, 1]} : vector<1000x2xf32> to vector<1000x1xf32>
    %add3A = arith.addf %slice3A, %slice3A_2 : vector<1000x1xf32>
    %add3A_3 = arith.constant 1.000000e+00 : f32
    %add3A_4 = vector.broadcast %add3A_3 : f32 to vector<1000x1xf32>
    %add3A_5 = arith.addf %add3A, %add3A_4 : vector<1000x1xf32>
    %rsqrt3A = math.rsqrt %add3A_5 : vector<1000x1xf32>
    %get3A_6 = arith.constant 0 : index
    %get3A_7 = arith.constant 0 : index
    %get3A_8 = vector.load %arg2[%get3A_6, %get3A_7] : memref<1000x256xf32, #tpu.memory_space<vmem>>, vector<1000x256xf32>
    %get3A_9 = arith.constant 0 : index
    %get3A_10 = arith.constant 0 : index
    %get3A_11 = vector.load %arg3[%get3A_9, %get3A_10] : memref<256x512xf32, #tpu.memory_space<vmem>>, vector<256x512xf32>
    %dot_general3A = arith.constant dense<0.000000e+00> : vector<1000x512xf32>
    %dot_general3A_12 = tpu.matmul %get3A_8, %get3A_11, %dot_general3A {dimension_numbers = #tpu.dot_dimension_numbers<[1], [0], [0], [1], [0, 0, 1, 1], [], []>, transpose_lhs_hint = false} : vector<1000x256xf32>, vector<256x512xf32>, vector<1000x512xf32> -> vector<1000x512xf32>
    %mul3A = vector.broadcast %rsqrt3A : vector<1000x1xf32> to vector<1000x512xf32>
    %mul3A_13 = arith.mulf %dot_general3A_12, %mul3A : vector<1000x512xf32>
    %swap3A = arith.constant 0 : index
    %swap3A_14 = arith.constant 0 : index
    %swap3A_15 = vector.load %arg4[%swap3A, %swap3A_14] : memref<1000x1xf32, #tpu.memory_space<vmem>>, vector<1000x1xf32>
    tpu.vector_store %arg4[%swap3A, %swap3A_14], %rsqrt3A {strides = array<i32>} : memref<1000x1xf32, #tpu.memory_space<vmem>>, vector<1000x1xf32>,
    %slice3A_16 = vector.extract_strided_slice %mul3A_13 {offsets = [0, 0], sizes = [1000, 128], strides = [1, 1]} : vector<1000x512xf32> to vector<1000x128xf32>
    %swap3A_17 = arith.constant 0 : index
    %swap3A_18 = arith.constant 0 : index
    %swap3A_19 = arith.constant 0 : index
    %swap3A_20 = vector.load %arg5[%swap3A_17, %swap3A_18, %swap3A_19] : memref<4x1000x128xf32, #tpu.memory_space<vmem>>, vector<1x1000x128xf32>
    %swap3A_21 = vector.shape_cast %swap3A_20 : vector<1x1000x128xf32> to vector<1000x128xf32>
    %swap3A_22 = vector.shape_cast %slice3A_16 : vector<1000x128xf32> to vector<1x1000x128xf32>
    tpu.vector_store %arg5[%swap3A_17, %swap3A_18, %swap3A_19], %swap3A_22 {strides = array<i32>} : memref<4x1000x128xf32, #tpu.memory_space<vmem>>, vector<1x1000x128xf32>,
    %slice3A_23 = vector.extract_strided_slice %mul3A_13 {offsets = [0, 128], sizes = [1000, 128], strides = [1, 1]} : vector<1000x512xf32> to vector<1000x128xf32>
    %swap3A_24 = arith.constant 1 : index
    %swap3A_25 = arith.constant 0 : index
    %swap3A_26 = arith.constant 0 : index
    %swap3A_27 = vector.load %arg5[%swap3A_24, %swap3A_25, %swap3A_26] : memref<4x1000x128xf32, #tpu.memory_space<vmem>>, vector<1x1000x128xf32>
    %swap3A_28 = vector.shape_cast %swap3A_27 : vector<1x1000x128xf32> to vector<1000x128xf32>
    %swap3A_29 = vector.shape_cast %slice3A_23 : vector<1000x128xf32> to vector<1x1000x128xf32>
    tpu.vector_store %arg5[%swap3A_24, %swap3A_25, %swap3A_26], %swap3A_29 {strides = array<i32>} : memref<4x1000x128xf32, #tpu.memory_space<vmem>>, vector<1x1000x128xf32>,
    %slice3A_30 = vector.extract_strided_slice %mul3A_13 {offsets = [0, 256], sizes = [1000, 128], strides = [1, 1]} : vector<1000x512xf32> to vector<1000x128xf32>
    %swap3A_31 = arith.constant 2 : index
    %swap3A_32 = arith.constant 0 : index
    %swap3A_33 = arith.constant 0 : index
    %swap3A_34 = vector.load %arg5[%swap3A_31, %swap3A_32, %swap3A_33] : memref<4x1000x128xf32, #tpu.memory_space<vmem>>, vector<1x1000x128xf32>
    %swap3A_35 = vector.shape_cast %swap3A_34 : vector<1x1000x128xf32> to vector<1000x128xf32>
    %swap3A_36 = vector.shape_cast %slice3A_30 : vector<1000x128xf32> to vector<1x1000x128xf32>
    tpu.vector_store %arg5[%swap3A_31, %swap3A_32, %swap3A_33], %swap3A_36 {strides = array<i32>} : memref<4x1000x128xf32, #tpu.memory_space<vmem>>, vector<1x1000x128xf32>,
    %slice3A_37 = vector.extract_strided_slice %mul3A_13 {offsets = [0, 384], sizes = [1000, 128], strides = [1, 1]} : vector<1000x512xf32> to vector<1000x128xf32>
    %swap3A_38 = arith.constant 3 : index
    %swap3A_39 = arith.constant 0 : index
    %swap3A_40 = arith.constant 0 : index
    %swap3A_41 = vector.load %arg5[%swap3A_38, %swap3A_39, %swap3A_40] : memref<4x1000x128xf32, #tpu.memory_space<vmem>>, vector<1x1000x128xf32>
    %swap3A_42 = vector.shape_cast %swap3A_41 : vector<1x1000x128xf32> to vector<1000x128xf32>
    %swap3A_43 = vector.shape_cast %slice3A_37 : vector<1000x128xf32> to vector<1x1000x128xf32>
    tpu.vector_store %arg5[%swap3A_38, %swap3A_39, %swap3A_40], %swap3A_43 {strides = array<i32>} : memref<4x1000x128xf32, #tpu.memory_space<vmem>>, vector<1x1000x128xf32>,
    return
  }
  func.func @transform_0(%arg0: i32) -> (i32, i32) {
    %c0_i32 = arith.constant 0 : i32
    %c0_i32_0 = arith.constant 0 : i32
    return %arg0, %c0_i32 : i32, i32
  }
  func.func @transform_1(%arg0: i32) -> (i32, i32) {
    %c0_i32 = arith.constant 0 : i32
    %c0_i32_0 = arith.constant 0 : i32
    return %arg0, %c0_i32 : i32, i32
  }
  func.func @transform_2(%arg0: i32) -> (i32, i32) {
    %c0_i32 = arith.constant 0 : i32
    %c0_i32_0 = arith.constant 0 : i32
    %c0_i32_1 = arith.constant 0 : i32
    return %c0_i32, %c0_i32_0 : i32, i32
  }
  func.func @transform_3(%arg0: i32) -> (i32, i32) {
    %c0_i32 = arith.constant 0 : i32
    %c0_i32_0 = arith.constant 0 : i32
    return %arg0, %c0_i32 : i32, i32
  }
  func.func @transform_4(%arg0: i32) -> (i32, i32, i32) {
    %c0_i32 = arith.constant 0 : i32
    %c0_i32_0 = arith.constant 0 : i32
    %c0_i32_1 = arith.constant 0 : i32
    return %c0_i32, %arg0, %c0_i32_0 : i32, i32, i32
  }
}

module attributes {stable_mosaic.version = 14 : i64} {
  func.func @body(%arg0: i32, %arg1: memref<4x1000x128xf32, #tpu.memory_space<vmem>>, %arg2: memref<4x1000x128xf32, #tpu.memory_space<vmem>>, %arg3: memref<1000x1xf32, #tpu.memory_space<vmem>>, %arg4: memref<4x128xf32, #tpu.memory_space<vmem>>, %arg5: memref<512x512xf32, #tpu.memory_space<vmem>>, %arg6: memref<4x1000x128xf32, #tpu.memory_space<vmem>>) attributes {dimension_semantics = [#tpu.dimension_semantics<arbitrary>], iteration_bounds = array<i64: 10>, scalar_prefetch = 0 : i64, scratch_operands = 0 : i64, tpu.core_type = #tpu.core_type<tc>, window_params = [{transform_indices = @transform_0, window_bounds = array<i64: 4, 1000, 128>}, {transform_indices = @transform_1, window_bounds = array<i64: 4, 1000, 128>}, {transform_indices = @transform_2, window_bounds = array<i64: 1000, 1>}, {pipeline_mode = #tpu.pipeline_mode<synchronous>, transform_indices = @transform_3, window_bounds = array<i64: 4, 128>}, {pipeline_mode = #tpu.pipeline_mode<synchronous>, transform_indices = @transform_4, window_bounds = array<i64: 512, 512>}, {transform_indices = @transform_5, window_bounds = array<i64: 4, 1000, 128>}]} {
    %get3A = arith.constant 0 : index
    %get3A_0 = arith.constant 0 : index
    %get3A_1 = vector.load %arg3[%get3A, %get3A_0] : memref<1000x1xf32, #tpu.memory_space<vmem>>, vector<1000x1xf32>
    %get3A_2 = arith.constant 0 : index
    %get3A_3 = arith.constant 0 : index
    %get3A_4 = arith.constant 0 : index
    %get3A_5 = vector.load %arg1[%get3A_2, %get3A_3, %get3A_4] : memref<4x1000x128xf32, #tpu.memory_space<vmem>>, vector<1x1000x128xf32>
    %get3A_6 = vector.shape_cast %get3A_5 : vector<1x1000x128xf32> to vector<1000x128xf32>
    %get3A_7 = arith.constant 0 : index
    %get3A_8 = arith.constant 0 : index
    %get3A_9 = arith.constant 0 : index
    %get3A_10 = vector.load %arg2[%get3A_7, %get3A_8, %get3A_9] : memref<4x1000x128xf32, #tpu.memory_space<vmem>>, vector<1x1000x128xf32>
    %get3A_11 = vector.shape_cast %get3A_10 : vector<1x1000x128xf32> to vector<1000x128xf32>
    %add3A = arith.addf %get3A_6, %get3A_11 : vector<1000x128xf32>
    %mul3A = vector.broadcast %get3A_1 : vector<1000x1xf32> to vector<1000x128xf32>
    %mul3A_12 = arith.mulf %add3A, %mul3A : vector<1000x128xf32>
    %get3A_13 = arith.constant 0 : index
    %get3A_14 = arith.constant 0 : index
    %get3A_15 = vector.load %arg4[%get3A_13, %get3A_14] : memref<4x128xf32, #tpu.memory_space<vmem>>, vector<1x128xf32>
    %get3A_16 = vector.shape_cast %get3A_15 : vector<1x128xf32> to vector<128xf32>
    %broadcast_in_dim3A = vector.shape_cast %get3A_16 : vector<128xf32> to vector<1x128xf32>
    %add3A_17 = vector.broadcast %broadcast_in_dim3A : vector<1x128xf32> to vector<1000x128xf32>
    %add3A_18 = arith.addf %mul3A_12, %add3A_17 : vector<1000x128xf32>
    %max3A = arith.constant 0.000000e+00 : f32
    %max3A_19 = vector.broadcast %max3A : f32 to vector<1000x128xf32>
    %max3A_20 = arith.maximumf %add3A_18, %max3A_19 : vector<1000x128xf32>
    %get3A_21 = arith.constant 1 : index
    %get3A_22 = arith.constant 0 : index
    %get3A_23 = arith.constant 0 : index
    %get3A_24 = vector.load %arg1[%get3A_21, %get3A_22, %get3A_23] : memref<4x1000x128xf32, #tpu.memory_space<vmem>>, vector<1x1000x128xf32>
    %get3A_25 = vector.shape_cast %get3A_24 : vector<1x1000x128xf32> to vector<1000x128xf32>
    %get3A_26 = arith.constant 1 : index
    %get3A_27 = arith.constant 0 : index
    %get3A_28 = arith.constant 0 : index
    %get3A_29 = vector.load %arg2[%get3A_26, %get3A_27, %get3A_28] : memref<4x1000x128xf32, #tpu.memory_space<vmem>>, vector<1x1000x128xf32>
    %get3A_30 = vector.shape_cast %get3A_29 : vector<1x1000x128xf32> to vector<1000x128xf32>
    %add3A_31 = arith.addf %get3A_25, %get3A_30 : vector<1000x128xf32>
    %mul3A_32 = vector.broadcast %get3A_1 : vector<1000x1xf32> to vector<1000x128xf32>
    %mul3A_33 = arith.mulf %add3A_31, %mul3A_32 : vector<1000x128xf32>
    %get3A_34 = arith.constant 1 : index
    %get3A_35 = arith.constant 0 : index
    %get3A_36 = vector.load %arg4[%get3A_34, %get3A_35] : memref<4x128xf32, #tpu.memory_space<vmem>>, vector<1x128xf32>
    %get3A_37 = vector.shape_cast %get3A_36 : vector<1x128xf32> to vector<128xf32>
    %broadcast_in_dim3A_38 = vector.shape_cast %get3A_37 : vector<128xf32> to vector<1x128xf32>
    %add3A_39 = vector.broadcast %broadcast_in_dim3A_38 : vector<1x128xf32> to vector<1000x128xf32>
    %add3A_40 = arith.addf %mul3A_33, %add3A_39 : vector<1000x128xf32>
    %max3A_41 = arith.constant 0.000000e+00 : f32
    %max3A_42 = vector.broadcast %max3A_41 : f32 to vector<1000x128xf32>
    %max3A_43 = arith.maximumf %add3A_40, %max3A_42 : vector<1000x128xf32>
    %get3A_44 = arith.constant 2 : index
    %get3A_45 = arith.constant 0 : index
    %get3A_46 = arith.constant 0 : index
    %get3A_47 = vector.load %arg1[%get3A_44, %get3A_45, %get3A_46] : memref<4x1000x128xf32, #tpu.memory_space<vmem>>, vector<1x1000x128xf32>
    %get3A_48 = vector.shape_cast %get3A_47 : vector<1x1000x128xf32> to vector<1000x128xf32>
    %get3A_49 = arith.constant 2 : index
    %get3A_50 = arith.constant 0 : index
    %get3A_51 = arith.constant 0 : index
    %get3A_52 = vector.load %arg2[%get3A_49, %get3A_50, %get3A_51] : memref<4x1000x128xf32, #tpu.memory_space<vmem>>, vector<1x1000x128xf32>
    %get3A_53 = vector.shape_cast %get3A_52 : vector<1x1000x128xf32> to vector<1000x128xf32>
    %add3A_54 = arith.addf %get3A_48, %get3A_53 : vector<1000x128xf32>
    %mul3A_55 = vector.broadcast %get3A_1 : vector<1000x1xf32> to vector<1000x128xf32>
    %mul3A_56 = arith.mulf %add3A_54, %mul3A_55 : vector<1000x128xf32>
    %get3A_57 = arith.constant 2 : index
    %get3A_58 = arith.constant 0 : index
    %get3A_59 = vector.load %arg4[%get3A_57, %get3A_58] : memref<4x128xf32, #tpu.memory_space<vmem>>, vector<1x128xf32>
    %get3A_60 = vector.shape_cast %get3A_59 : vector<1x128xf32> to vector<128xf32>
    %broadcast_in_dim3A_61 = vector.shape_cast %get3A_60 : vector<128xf32> to vector<1x128xf32>
    %add3A_62 = vector.broadcast %broadcast_in_dim3A_61 : vector<1x128xf32> to vector<1000x128xf32>
    %add3A_63 = arith.addf %mul3A_56, %add3A_62 : vector<1000x128xf32>
    %max3A_64 = arith.constant 0.000000e+00 : f32
    %max3A_65 = vector.broadcast %max3A_64 : f32 to vector<1000x128xf32>
    %max3A_66 = arith.maximumf %add3A_63, %max3A_65 : vector<1000x128xf32>
    %get3A_67 = arith.constant 3 : index
    %get3A_68 = arith.constant 0 : index
    %get3A_69 = arith.constant 0 : index
    %get3A_70 = vector.load %arg1[%get3A_67, %get3A_68, %get3A_69] : memref<4x1000x128xf32, #tpu.memory_space<vmem>>, vector<1x1000x128xf32>
    %get3A_71 = vector.shape_cast %get3A_70 : vector<1x1000x128xf32> to vector<1000x128xf32>
    %get3A_72 = arith.constant 3 : index
    %get3A_73 = arith.constant 0 : index
    %get3A_74 = arith.constant 0 : index
    %get3A_75 = vector.load %arg2[%get3A_72, %get3A_73, %get3A_74] : memref<4x1000x128xf32, #tpu.memory_space<vmem>>, vector<1x1000x128xf32>
    %get3A_76 = vector.shape_cast %get3A_75 : vector<1x1000x128xf32> to vector<1000x128xf32>
    %add3A_77 = arith.addf %get3A_71, %get3A_76 : vector<1000x128xf32>
    %mul3A_78 = vector.broadcast %get3A_1 : vector<1000x1xf32> to vector<1000x128xf32>
    %mul3A_79 = arith.mulf %add3A_77, %mul3A_78 : vector<1000x128xf32>
    %get3A_80 = arith.constant 3 : index
    %get3A_81 = arith.constant 0 : index
    %get3A_82 = vector.load %arg4[%get3A_80, %get3A_81] : memref<4x128xf32, #tpu.memory_space<vmem>>, vector<1x128xf32>
    %get3A_83 = vector.shape_cast %get3A_82 : vector<1x128xf32> to vector<128xf32>
    %broadcast_in_dim3A_84 = vector.shape_cast %get3A_83 : vector<128xf32> to vector<1x128xf32>
    %add3A_85 = vector.broadcast %broadcast_in_dim3A_84 : vector<1x128xf32> to vector<1000x128xf32>
    %add3A_86 = arith.addf %mul3A_79, %add3A_85 : vector<1000x128xf32>
    %max3A_87 = arith.constant 0.000000e+00 : f32
    %max3A_88 = vector.broadcast %max3A_87 : f32 to vector<1000x128xf32>
    %max3A_89 = arith.maximumf %add3A_86, %max3A_88 : vector<1000x128xf32>
    %concatenate3A = tpu.concatenate %max3A_20, %max3A_43, %max3A_66, %max3A_89 in 1 : vector<1000x128xf32>, vector<1000x128xf32>, vector<1000x128xf32>, vector<1000x128xf32> -> vector<1000x512xf32>
    %get3A_90 = arith.constant 0 : index
    %get3A_91 = arith.constant 0 : index
    %get3A_92 = vector.load %arg5[%get3A_90, %get3A_91] : memref<512x512xf32, #tpu.memory_space<vmem>>, vector<512x512xf32>
    %dot_general3A = arith.constant dense<0.000000e+00> : vector<1000x512xf32>
    %dot_general3A_93 = tpu.matmul %concatenate3A, %get3A_92, %dot_general3A {dimension_numbers = #tpu.dot_dimension_numbers<[1], [0], [0], [1], [0, 0, 1, 1], [], []>, transpose_lhs_hint = false} : vector<1000x512xf32>, vector<512x512xf32>, vector<1000x512xf32> -> vector<1000x512xf32>
    %mul3A_94 = vector.broadcast %get3A_1 : vector<1000x1xf32> to vector<1000x512xf32>
    %mul3A_95 = arith.mulf %dot_general3A_93, %mul3A_94 : vector<1000x512xf32>
    %slice3A = vector.extract_strided_slice %mul3A_95 {offsets = [0, 0], sizes = [1000, 128], strides = [1, 1]} : vector<1000x512xf32> to vector<1000x128xf32>
    %swap3A = arith.constant 0 : index
    %swap3A_96 = arith.constant 0 : index
    %swap3A_97 = arith.constant 0 : index
    %swap3A_98 = vector.load %arg6[%swap3A, %swap3A_96, %swap3A_97] : memref<4x1000x128xf32, #tpu.memory_space<vmem>>, vector<1x1000x128xf32>
    %swap3A_99 = vector.shape_cast %swap3A_98 : vector<1x1000x128xf32> to vector<1000x128xf32>
    %swap3A_100 = vector.shape_cast %slice3A : vector<1000x128xf32> to vector<1x1000x128xf32>
    tpu.vector_store %arg6[%swap3A, %swap3A_96, %swap3A_97], %swap3A_100 {strides = array<i32>} : memref<4x1000x128xf32, #tpu.memory_space<vmem>>, vector<1x1000x128xf32>,
    %slice3A_101 = vector.extract_strided_slice %mul3A_95 {offsets = [0, 128], sizes = [1000, 128], strides = [1, 1]} : vector<1000x512xf32> to vector<1000x128xf32>
    %swap3A_102 = arith.constant 1 : index
    %swap3A_103 = arith.constant 0 : index
    %swap3A_104 = arith.constant 0 : index
    %swap3A_105 = vector.load %arg6[%swap3A_102, %swap3A_103, %swap3A_104] : memref<4x1000x128xf32, #tpu.memory_space<vmem>>, vector<1x1000x128xf32>
    %swap3A_106 = vector.shape_cast %swap3A_105 : vector<1x1000x128xf32> to vector<1000x128xf32>
    %swap3A_107 = vector.shape_cast %slice3A_101 : vector<1000x128xf32> to vector<1x1000x128xf32>
    tpu.vector_store %arg6[%swap3A_102, %swap3A_103, %swap3A_104], %swap3A_107 {strides = array<i32>} : memref<4x1000x128xf32, #tpu.memory_space<vmem>>, vector<1x1000x128xf32>,
    %slice3A_108 = vector.extract_strided_slice %mul3A_95 {offsets = [0, 256], sizes = [1000, 128], strides = [1, 1]} : vector<1000x512xf32> to vector<1000x128xf32>
    %swap3A_109 = arith.constant 2 : index
    %swap3A_110 = arith.constant 0 : index
    %swap3A_111 = arith.constant 0 : index
    %swap3A_112 = vector.load %arg6[%swap3A_109, %swap3A_110, %swap3A_111] : memref<4x1000x128xf32, #tpu.memory_space<vmem>>, vector<1x1000x128xf32>
    %swap3A_113 = vector.shape_cast %swap3A_112 : vector<1x1000x128xf32> to vector<1000x128xf32>
    %swap3A_114 = vector.shape_cast %slice3A_108 : vector<1000x128xf32> to vector<1x1000x128xf32>
    tpu.vector_store %arg6[%swap3A_109, %swap3A_110, %swap3A_111], %swap3A_114 {strides = array<i32>} : memref<4x1000x128xf32, #tpu.memory_space<vmem>>, vector<1x1000x128xf32>,
    %slice3A_115 = vector.extract_strided_slice %mul3A_95 {offsets = [0, 384], sizes = [1000, 128], strides = [1, 1]} : vector<1000x512xf32> to vector<1000x128xf32>
    %swap3A_116 = arith.constant 3 : index
    %swap3A_117 = arith.constant 0 : index
    %swap3A_118 = arith.constant 0 : index
    %swap3A_119 = vector.load %arg6[%swap3A_116, %swap3A_117, %swap3A_118] : memref<4x1000x128xf32, #tpu.memory_space<vmem>>, vector<1x1000x128xf32>
    %swap3A_120 = vector.shape_cast %swap3A_119 : vector<1x1000x128xf32> to vector<1000x128xf32>
    %swap3A_121 = vector.shape_cast %slice3A_115 : vector<1000x128xf32> to vector<1x1000x128xf32>
    tpu.vector_store %arg6[%swap3A_116, %swap3A_117, %swap3A_118], %swap3A_121 {strides = array<i32>} : memref<4x1000x128xf32, #tpu.memory_space<vmem>>, vector<1x1000x128xf32>,
    return
  }
  func.func @transform_0(%arg0: i32) -> (i32, i32, i32) {
    %c0_i32 = arith.constant 0 : i32
    %c0_i32_0 = arith.constant 0 : i32
    %c0_i32_1 = arith.constant 0 : i32
    return %c0_i32, %arg0, %c0_i32_0 : i32, i32, i32
  }
  func.func @transform_1(%arg0: i32) -> (i32, i32, i32) {
    %c0_i32 = arith.constant 0 : i32
    %c0_i32_0 = arith.constant 0 : i32
    %c0_i32_1 = arith.constant 0 : i32
    return %c0_i32, %arg0, %c0_i32_0 : i32, i32, i32
  }
  func.func @transform_2(%arg0: i32) -> (i32, i32) {
    %c0_i32 = arith.constant 0 : i32
    %c0_i32_0 = arith.constant 0 : i32
    return %arg0, %c0_i32 : i32, i32
  }
  func.func @transform_3(%arg0: i32) -> (i32, i32) {
    %c0_i32 = arith.constant 0 : i32
    %c0_i32_0 = arith.constant 0 : i32
    %c0_i32_1 = arith.constant 0 : i32
    return %c0_i32, %c0_i32_0 : i32, i32
  }
  func.func @transform_4(%arg0: i32) -> (i32, i32) {
    %c0_i32 = arith.constant 0 : i32
    %c0_i32_0 = arith.constant 0 : i32
    %c0_i32_1 = arith.constant 0 : i32
    return %c0_i32, %c0_i32_0 : i32, i32
  }
  func.func @transform_5(%arg0: i32) -> (i32, i32, i32) {
    %c0_i32 = arith.constant 0 : i32
    %c0_i32_0 = arith.constant 0 : i32
    %c0_i32_1 = arith.constant 0 : i32
    return %c0_i32, %arg0, %c0_i32_0 : i32, i32, i32
  }
}

module attributes {stable_mosaic.version = 14 : i64} {
  func.func @body(%arg0: i32, %arg1: memref<4x1000x128xf32, #tpu.memory_space<vmem>>, %arg2: memref<4x1000x128xf32, #tpu.memory_space<vmem>>, %arg3: memref<1000x1xf32, #tpu.memory_space<vmem>>, %arg4: memref<4x128xf32, #tpu.memory_space<vmem>>, %arg5: memref<512x256xf32, #tpu.memory_space<vmem>>, %arg6: memref<2x1000x128xf32, #tpu.memory_space<vmem>>) attributes {dimension_semantics = [#tpu.dimension_semantics<arbitrary>], iteration_bounds = array<i64: 10>, scalar_prefetch = 0 : i64, scratch_operands = 0 : i64, tpu.core_type = #tpu.core_type<tc>, window_params = [{transform_indices = @transform_0, window_bounds = array<i64: 4, 1000, 128>}, {transform_indices = @transform_1, window_bounds = array<i64: 4, 1000, 128>}, {transform_indices = @transform_2, window_bounds = array<i64: 1000, 1>}, {pipeline_mode = #tpu.pipeline_mode<synchronous>, transform_indices = @transform_3, window_bounds = array<i64: 4, 128>}, {pipeline_mode = #tpu.pipeline_mode<synchronous>, transform_indices = @transform_4, window_bounds = array<i64: 512, 256>}, {transform_indices = @transform_5, window_bounds = array<i64: 2, 1000, 128>}]} {
    %get3A = arith.constant 0 : index
    %get3A_0 = arith.constant 0 : index
    %get3A_1 = vector.load %arg3[%get3A, %get3A_0] : memref<1000x1xf32, #tpu.memory_space<vmem>>, vector<1000x1xf32>
    %get3A_2 = arith.constant 0 : index
    %get3A_3 = arith.constant 0 : index
    %get3A_4 = arith.constant 0 : index
    %get3A_5 = vector.load %arg1[%get3A_2, %get3A_3, %get3A_4] : memref<4x1000x128xf32, #tpu.memory_space<vmem>>, vector<1x1000x128xf32>
    %get3A_6 = vector.shape_cast %get3A_5 : vector<1x1000x128xf32> to vector<1000x128xf32>
    %get3A_7 = arith.constant 0 : index
    %get3A_8 = arith.constant 0 : index
    %get3A_9 = arith.constant 0 : index
    %get3A_10 = vector.load %arg2[%get3A_7, %get3A_8, %get3A_9] : memref<4x1000x128xf32, #tpu.memory_space<vmem>>, vector<1x1000x128xf32>
    %get3A_11 = vector.shape_cast %get3A_10 : vector<1x1000x128xf32> to vector<1000x128xf32>
    %add3A = arith.addf %get3A_6, %get3A_11 : vector<1000x128xf32>
    %mul3A = vector.broadcast %get3A_1 : vector<1000x1xf32> to vector<1000x128xf32>
    %mul3A_12 = arith.mulf %add3A, %mul3A : vector<1000x128xf32>
    %get3A_13 = arith.constant 0 : index
    %get3A_14 = arith.constant 0 : index
    %get3A_15 = vector.load %arg4[%get3A_13, %get3A_14] : memref<4x128xf32, #tpu.memory_space<vmem>>, vector<1x128xf32>
    %get3A_16 = vector.shape_cast %get3A_15 : vector<1x128xf32> to vector<128xf32>
    %broadcast_in_dim3A = vector.shape_cast %get3A_16 : vector<128xf32> to vector<1x128xf32>
    %add3A_17 = vector.broadcast %broadcast_in_dim3A : vector<1x128xf32> to vector<1000x128xf32>
    %add3A_18 = arith.addf %mul3A_12, %add3A_17 : vector<1000x128xf32>
    %max3A = arith.constant 0.000000e+00 : f32
    %max3A_19 = vector.broadcast %max3A : f32 to vector<1000x128xf32>
    %max3A_20 = arith.maximumf %add3A_18, %max3A_19 : vector<1000x128xf32>
    %get3A_21 = arith.constant 1 : index
    %get3A_22 = arith.constant 0 : index
    %get3A_23 = arith.constant 0 : index
    %get3A_24 = vector.load %arg1[%get3A_21, %get3A_22, %get3A_23] : memref<4x1000x128xf32, #tpu.memory_space<vmem>>, vector<1x1000x128xf32>
    %get3A_25 = vector.shape_cast %get3A_24 : vector<1x1000x128xf32> to vector<1000x128xf32>
    %get3A_26 = arith.constant 1 : index
    %get3A_27 = arith.constant 0 : index
    %get3A_28 = arith.constant 0 : index
    %get3A_29 = vector.load %arg2[%get3A_26, %get3A_27, %get3A_28] : memref<4x1000x128xf32, #tpu.memory_space<vmem>>, vector<1x1000x128xf32>
    %get3A_30 = vector.shape_cast %get3A_29 : vector<1x1000x128xf32> to vector<1000x128xf32>
    %add3A_31 = arith.addf %get3A_25, %get3A_30 : vector<1000x128xf32>
    %mul3A_32 = vector.broadcast %get3A_1 : vector<1000x1xf32> to vector<1000x128xf32>
    %mul3A_33 = arith.mulf %add3A_31, %mul3A_32 : vector<1000x128xf32>
    %get3A_34 = arith.constant 1 : index
    %get3A_35 = arith.constant 0 : index
    %get3A_36 = vector.load %arg4[%get3A_34, %get3A_35] : memref<4x128xf32, #tpu.memory_space<vmem>>, vector<1x128xf32>
    %get3A_37 = vector.shape_cast %get3A_36 : vector<1x128xf32> to vector<128xf32>
    %broadcast_in_dim3A_38 = vector.shape_cast %get3A_37 : vector<128xf32> to vector<1x128xf32>
    %add3A_39 = vector.broadcast %broadcast_in_dim3A_38 : vector<1x128xf32> to vector<1000x128xf32>
    %add3A_40 = arith.addf %mul3A_33, %add3A_39 : vector<1000x128xf32>
    %max3A_41 = arith.constant 0.000000e+00 : f32
    %max3A_42 = vector.broadcast %max3A_41 : f32 to vector<1000x128xf32>
    %max3A_43 = arith.maximumf %add3A_40, %max3A_42 : vector<1000x128xf32>
    %get3A_44 = arith.constant 2 : index
    %get3A_45 = arith.constant 0 : index
    %get3A_46 = arith.constant 0 : index
    %get3A_47 = vector.load %arg1[%get3A_44, %get3A_45, %get3A_46] : memref<4x1000x128xf32, #tpu.memory_space<vmem>>, vector<1x1000x128xf32>
    %get3A_48 = vector.shape_cast %get3A_47 : vector<1x1000x128xf32> to vector<1000x128xf32>
    %get3A_49 = arith.constant 2 : index
    %get3A_50 = arith.constant 0 : index
    %get3A_51 = arith.constant 0 : index
    %get3A_52 = vector.load %arg2[%get3A_49, %get3A_50, %get3A_51] : memref<4x1000x128xf32, #tpu.memory_space<vmem>>, vector<1x1000x128xf32>
    %get3A_53 = vector.shape_cast %get3A_52 : vector<1x1000x128xf32> to vector<1000x128xf32>
    %add3A_54 = arith.addf %get3A_48, %get3A_53 : vector<1000x128xf32>
    %mul3A_55 = vector.broadcast %get3A_1 : vector<1000x1xf32> to vector<1000x128xf32>
    %mul3A_56 = arith.mulf %add3A_54, %mul3A_55 : vector<1000x128xf32>
    %get3A_57 = arith.constant 2 : index
    %get3A_58 = arith.constant 0 : index
    %get3A_59 = vector.load %arg4[%get3A_57, %get3A_58] : memref<4x128xf32, #tpu.memory_space<vmem>>, vector<1x128xf32>
    %get3A_60 = vector.shape_cast %get3A_59 : vector<1x128xf32> to vector<128xf32>
    %broadcast_in_dim3A_61 = vector.shape_cast %get3A_60 : vector<128xf32> to vector<1x128xf32>
    %add3A_62 = vector.broadcast %broadcast_in_dim3A_61 : vector<1x128xf32> to vector<1000x128xf32>
    %add3A_63 = arith.addf %mul3A_56, %add3A_62 : vector<1000x128xf32>
    %max3A_64 = arith.constant 0.000000e+00 : f32
    %max3A_65 = vector.broadcast %max3A_64 : f32 to vector<1000x128xf32>
    %max3A_66 = arith.maximumf %add3A_63, %max3A_65 : vector<1000x128xf32>
    %get3A_67 = arith.constant 3 : index
    %get3A_68 = arith.constant 0 : index
    %get3A_69 = arith.constant 0 : index
    %get3A_70 = vector.load %arg1[%get3A_67, %get3A_68, %get3A_69] : memref<4x1000x128xf32, #tpu.memory_space<vmem>>, vector<1x1000x128xf32>
    %get3A_71 = vector.shape_cast %get3A_70 : vector<1x1000x128xf32> to vector<1000x128xf32>
    %get3A_72 = arith.constant 3 : index
    %get3A_73 = arith.constant 0 : index
    %get3A_74 = arith.constant 0 : index
    %get3A_75 = vector.load %arg2[%get3A_72, %get3A_73, %get3A_74] : memref<4x1000x128xf32, #tpu.memory_space<vmem>>, vector<1x1000x128xf32>
    %get3A_76 = vector.shape_cast %get3A_75 : vector<1x1000x128xf32> to vector<1000x128xf32>
    %add3A_77 = arith.addf %get3A_71, %get3A_76 : vector<1000x128xf32>
    %mul3A_78 = vector.broadcast %get3A_1 : vector<1000x1xf32> to vector<1000x128xf32>
    %mul3A_79 = arith.mulf %add3A_77, %mul3A_78 : vector<1000x128xf32>
    %get3A_80 = arith.constant 3 : index
    %get3A_81 = arith.constant 0 : index
    %get3A_82 = vector.load %arg4[%get3A_80, %get3A_81] : memref<4x128xf32, #tpu.memory_space<vmem>>, vector<1x128xf32>
    %get3A_83 = vector.shape_cast %get3A_82 : vector<1x128xf32> to vector<128xf32>
    %broadcast_in_dim3A_84 = vector.shape_cast %get3A_83 : vector<128xf32> to vector<1x128xf32>
    %add3A_85 = vector.broadcast %broadcast_in_dim3A_84 : vector<1x128xf32> to vector<1000x128xf32>
    %add3A_86 = arith.addf %mul3A_79, %add3A_85 : vector<1000x128xf32>
    %max3A_87 = arith.constant 0.000000e+00 : f32
    %max3A_88 = vector.broadcast %max3A_87 : f32 to vector<1000x128xf32>
    %max3A_89 = arith.maximumf %add3A_86, %max3A_88 : vector<1000x128xf32>
    %concatenate3A = tpu.concatenate %max3A_20, %max3A_43, %max3A_66, %max3A_89 in 1 : vector<1000x128xf32>, vector<1000x128xf32>, vector<1000x128xf32>, vector<1000x128xf32> -> vector<1000x512xf32>
    %get3A_90 = arith.constant 0 : index
    %get3A_91 = arith.constant 0 : index
    %get3A_92 = vector.load %arg5[%get3A_90, %get3A_91] : memref<512x256xf32, #tpu.memory_space<vmem>>, vector<512x256xf32>
    %dot_general3A = arith.constant dense<0.000000e+00> : vector<1000x256xf32>
    %dot_general3A_93 = tpu.matmul %concatenate3A, %get3A_92, %dot_general3A {dimension_numbers = #tpu.dot_dimension_numbers<[1], [0], [0], [1], [0, 0, 1, 1], [], []>, transpose_lhs_hint = false} : vector<1000x512xf32>, vector<512x256xf32>, vector<1000x256xf32> -> vector<1000x256xf32>
    %mul3A_94 = vector.broadcast %get3A_1 : vector<1000x1xf32> to vector<1000x256xf32>
    %mul3A_95 = arith.mulf %dot_general3A_93, %mul3A_94 : vector<1000x256xf32>
    %slice3A = vector.extract_strided_slice %mul3A_95 {offsets = [0, 0], sizes = [1000, 128], strides = [1, 1]} : vector<1000x256xf32> to vector<1000x128xf32>
    %swap3A = arith.constant 0 : index
    %swap3A_96 = arith.constant 0 : index
    %swap3A_97 = arith.constant 0 : index
    %swap3A_98 = vector.load %arg6[%swap3A, %swap3A_96, %swap3A_97] : memref<2x1000x128xf32, #tpu.memory_space<vmem>>, vector<1x1000x128xf32>
    %swap3A_99 = vector.shape_cast %swap3A_98 : vector<1x1000x128xf32> to vector<1000x128xf32>
    %swap3A_100 = vector.shape_cast %slice3A : vector<1000x128xf32> to vector<1x1000x128xf32>
    tpu.vector_store %arg6[%swap3A, %swap3A_96, %swap3A_97], %swap3A_100 {strides = array<i32>} : memref<2x1000x128xf32, #tpu.memory_space<vmem>>, vector<1x1000x128xf32>,
    %slice3A_101 = vector.extract_strided_slice %mul3A_95 {offsets = [0, 128], sizes = [1000, 128], strides = [1, 1]} : vector<1000x256xf32> to vector<1000x128xf32>
    %swap3A_102 = arith.constant 1 : index
    %swap3A_103 = arith.constant 0 : index
    %swap3A_104 = arith.constant 0 : index
    %swap3A_105 = vector.load %arg6[%swap3A_102, %swap3A_103, %swap3A_104] : memref<2x1000x128xf32, #tpu.memory_space<vmem>>, vector<1x1000x128xf32>
    %swap3A_106 = vector.shape_cast %swap3A_105 : vector<1x1000x128xf32> to vector<1000x128xf32>
    %swap3A_107 = vector.shape_cast %slice3A_101 : vector<1000x128xf32> to vector<1x1000x128xf32>
    tpu.vector_store %arg6[%swap3A_102, %swap3A_103, %swap3A_104], %swap3A_107 {strides = array<i32>} : memref<2x1000x128xf32, #tpu.memory_space<vmem>>, vector<1x1000x128xf32>,
    return
  }
  func.func @transform_0(%arg0: i32) -> (i32, i32, i32) {
    %c0_i32 = arith.constant 0 : i32
    %c0_i32_0 = arith.constant 0 : i32
    %c0_i32_1 = arith.constant 0 : i32
    return %c0_i32, %arg0, %c0_i32_0 : i32, i32, i32
  }
  func.func @transform_1(%arg0: i32) -> (i32, i32, i32) {
    %c0_i32 = arith.constant 0 : i32
    %c0_i32_0 = arith.constant 0 : i32
    %c0_i32_1 = arith.constant 0 : i32
    return %c0_i32, %arg0, %c0_i32_0 : i32, i32, i32
  }
  func.func @transform_2(%arg0: i32) -> (i32, i32) {
    %c0_i32 = arith.constant 0 : i32
    %c0_i32_0 = arith.constant 0 : i32
    return %arg0, %c0_i32 : i32, i32
  }
  func.func @transform_3(%arg0: i32) -> (i32, i32) {
    %c0_i32 = arith.constant 0 : i32
    %c0_i32_0 = arith.constant 0 : i32
    %c0_i32_1 = arith.constant 0 : i32
    return %c0_i32, %c0_i32_0 : i32, i32
  }
  func.func @transform_4(%arg0: i32) -> (i32, i32) {
    %c0_i32 = arith.constant 0 : i32
    %c0_i32_0 = arith.constant 0 : i32
    %c0_i32_1 = arith.constant 0 : i32
    return %c0_i32, %c0_i32_0 : i32, i32
  }
  func.func @transform_5(%arg0: i32) -> (i32, i32, i32) {
    %c0_i32 = arith.constant 0 : i32
    %c0_i32_0 = arith.constant 0 : i32
    %c0_i32_1 = arith.constant 0 : i32
    return %c0_i32, %arg0, %c0_i32_0 : i32, i32, i32
  }
}

module attributes {stable_mosaic.version = 14 : i64} {
  func.func @body(%arg0: i32, %arg1: memref<2x1000x128xf32, #tpu.memory_space<vmem>>, %arg2: memref<2x1000x128xf32, #tpu.memory_space<vmem>>, %arg3: memref<1000x1xf32, #tpu.memory_space<vmem>>, %arg4: memref<2x128xf32, #tpu.memory_space<vmem>>, %arg5: memref<1000x256xf32, #tpu.memory_space<vmem>>) attributes {dimension_semantics = [#tpu.dimension_semantics<arbitrary>], iteration_bounds = array<i64: 10>, scalar_prefetch = 0 : i64, scratch_operands = 0 : i64, tpu.core_type = #tpu.core_type<tc>, window_params = [{transform_indices = @transform_0, window_bounds = array<i64: 2, 1000, 128>}, {transform_indices = @transform_1, window_bounds = array<i64: 2, 1000, 128>}, {transform_indices = @transform_2, window_bounds = array<i64: 1000, 1>}, {pipeline_mode = #tpu.pipeline_mode<synchronous>, transform_indices = @transform_3, window_bounds = array<i64: 2, 128>}, {transform_indices = @transform_4, window_bounds = array<i64: 1000, 256>}]} {
    %get3A = arith.constant 0 : index
    %get3A_0 = arith.constant 0 : index
    %get3A_1 = vector.load %arg3[%get3A, %get3A_0] : memref<1000x1xf32, #tpu.memory_space<vmem>>, vector<1000x1xf32>
    %get3A_2 = arith.constant 0 : index
    %get3A_3 = arith.constant 0 : index
    %get3A_4 = arith.constant 0 : index
    %get3A_5 = vector.load %arg1[%get3A_2, %get3A_3, %get3A_4] : memref<2x1000x128xf32, #tpu.memory_space<vmem>>, vector<1x1000x128xf32>
    %get3A_6 = vector.shape_cast %get3A_5 : vector<1x1000x128xf32> to vector<1000x128xf32>
    %get3A_7 = arith.constant 0 : index
    %get3A_8 = arith.constant 0 : index
    %get3A_9 = arith.constant 0 : index
    %get3A_10 = vector.load %arg2[%get3A_7, %get3A_8, %get3A_9] : memref<2x1000x128xf32, #tpu.memory_space<vmem>>, vector<1x1000x128xf32>
    %get3A_11 = vector.shape_cast %get3A_10 : vector<1x1000x128xf32> to vector<1000x128xf32>
    %add3A = arith.addf %get3A_6, %get3A_11 : vector<1000x128xf32>
    %mul3A = vector.broadcast %get3A_1 : vector<1000x1xf32> to vector<1000x128xf32>
    %mul3A_12 = arith.mulf %add3A, %mul3A : vector<1000x128xf32>
    %get3A_13 = arith.constant 0 : index
    %get3A_14 = arith.constant 0 : index
    %get3A_15 = vector.load %arg4[%get3A_13, %get3A_14] : memref<2x128xf32, #tpu.memory_space<vmem>>, vector<1x128xf32>
    %get3A_16 = vector.shape_cast %get3A_15 : vector<1x128xf32> to vector<128xf32>
    %broadcast_in_dim3A = vector.shape_cast %get3A_16 : vector<128xf32> to vector<1x128xf32>
    %add3A_17 = vector.broadcast %broadcast_in_dim3A : vector<1x128xf32> to vector<1000x128xf32>
    %add3A_18 = arith.addf %mul3A_12, %add3A_17 : vector<1000x128xf32>
    %get3A_19 = arith.constant 1 : index
    %get3A_20 = arith.constant 0 : index
    %get3A_21 = arith.constant 0 : index
    %get3A_22 = vector.load %arg1[%get3A_19, %get3A_20, %get3A_21] : memref<2x1000x128xf32, #tpu.memory_space<vmem>>, vector<1x1000x128xf32>
    %get3A_23 = vector.shape_cast %get3A_22 : vector<1x1000x128xf32> to vector<1000x128xf32>
    %get3A_24 = arith.constant 1 : index
    %get3A_25 = arith.constant 0 : index
    %get3A_26 = arith.constant 0 : index
    %get3A_27 = vector.load %arg2[%get3A_24, %get3A_25, %get3A_26] : memref<2x1000x128xf32, #tpu.memory_space<vmem>>, vector<1x1000x128xf32>
    %get3A_28 = vector.shape_cast %get3A_27 : vector<1x1000x128xf32> to vector<1000x128xf32>
    %add3A_29 = arith.addf %get3A_23, %get3A_28 : vector<1000x128xf32>
    %mul3A_30 = vector.broadcast %get3A_1 : vector<1000x1xf32> to vector<1000x128xf32>
    %mul3A_31 = arith.mulf %add3A_29, %mul3A_30 : vector<1000x128xf32>
    %get3A_32 = arith.constant 1 : index
    %get3A_33 = arith.constant 0 : index
    %get3A_34 = vector.load %arg4[%get3A_32, %get3A_33] : memref<2x128xf32, #tpu.memory_space<vmem>>, vector<1x128xf32>
    %get3A_35 = vector.shape_cast %get3A_34 : vector<1x128xf32> to vector<128xf32>
    %broadcast_in_dim3A_36 = vector.shape_cast %get3A_35 : vector<128xf32> to vector<1x128xf32>
    %add3A_37 = vector.broadcast %broadcast_in_dim3A_36 : vector<1x128xf32> to vector<1000x128xf32>
    %add3A_38 = arith.addf %mul3A_31, %add3A_37 : vector<1000x128xf32>
    %concatenate3A = tpu.concatenate %add3A_18, %add3A_38 in 1 : vector<1000x128xf32>, vector<1000x128xf32> -> vector<1000x256xf32>
    %swap3A = arith.constant 0 : index
    %swap3A_39 = arith.constant 0 : index
    %swap3A_40 = vector.load %arg5[%swap3A, %swap3A_39] : memref<1000x256xf32, #tpu.memory_space<vmem>>, vector<1000x256xf32>
    tpu.vector_store %arg5[%swap3A, %swap3A_39], %concatenate3A {strides = array<i32>} : memref<1000x256xf32, #tpu.memory_space<vmem>>, vector<1000x256xf32>,
    return
  }
  func.func @transform_0(%arg0: i32) -> (i32, i32, i32) {
    %c0_i32 = arith.constant 0 : i32
    %c0_i32_0 = arith.constant 0 : i32
    %c0_i32_1 = arith.constant 0 : i32
    return %c0_i32, %arg0, %c0_i32_0 : i32, i32, i32
  }
  func.func @transform_1(%arg0: i32) -> (i32, i32, i32) {
    %c0_i32 = arith.constant 0 : i32
    %c0_i32_0 = arith.constant 0 : i32
    %c0_i32_1 = arith.constant 0 : i32
    return %c0_i32, %arg0, %c0_i32_0 : i32, i32, i32
  }
  func.func @transform_2(%arg0: i32) -> (i32, i32) {
    %c0_i32 = arith.constant 0 : i32
    %c0_i32_0 = arith.constant 0 : i32
    return %arg0, %c0_i32 : i32, i32
  }
  func.func @transform_3(%arg0: i32) -> (i32, i32) {
    %c0_i32 = arith.constant 0 : i32
    %c0_i32_0 = arith.constant 0 : i32
    %c0_i32_1 = arith.constant 0 : i32
    return %c0_i32, %c0_i32_0 : i32, i32
  }
  func.func @transform_4(%arg0: i32) -> (i32, i32) {
    %c0_i32 = arith.constant 0 : i32
    %c0_i32_0 = arith.constant 0 : i32
    return %arg0, %c0_i32 : i32, i32
  }
}

</mosaic_0001>

<sc_bundles>
// kernel: kernel.12.cloned.1.call-start
scs
__scs_entry_jumppad:
0x0: {  	(pc) =	sbr.rel $0x88, $3  }
0x1: {  	(tag) =	ssettag $0x0;
	lr =	simm.s32 $0x1  }
0x2: {  	[smem:$0x3F97] =	sst lr;
	_ =	strace $0xD0000000  }
0x3: {  	_ = 	snop  }
0x4: {  	_ = 	snop  }
0x5: {  	_ = 	snop  }
0x6: {  	_ = 	snop  }
0x7: {  	_ = 	snop  }
__scs_overlays_trampoline_lowered:
0x8: {  	[smem:$0x3FA6] =	sst s0  }
0x9: {  	[smem:$0x3FA7] =	sst s1  }
0xa: {  	[smem:$0x3FA8] =	sst s2  }
0xb: {  	[smem:$0x3FA9] =	sst s3  }
0xc: {  	[smem:$0x3FAA] =	sst s4  }
0xd: {  	[smem:$0x3FAB] =	sst s5  }
0xe: {  	[smem:$0x3FAC] =	sst s6  }
0xf: {  	[smem:$0x3FAD] =	sst s7  }
0x10: {  	[smem:$0x3FAE] =	sst s8  }
0x11: {  	[smem:$0x3FAF] =	sst s9;
	s0 =	simm.s32 @!p0 $0x0  }
0x12: {  	s1 =	sld [smem:$0x3F95];
	s0 =	simm.s32 @p0 $0x1  }
0x13: {  	[smem:$0x3FB0] =	sst s0;
	s0 =	simm.s32 @!p1 $0x0  }
0x14: {  	s2 =	sld [smem:$0x3F94];
	s0 =	simm.s32 @p1 $0x1  }
0x15: {  	[smem:$0x3FB1] =	sst s0;
	s0 =	simm.s32 @!p2 $0x0  }
0x16: {  	s3 =	sld [smem:$0x3FDB];
	s0 =	simm.s32 @p2 $0x1  }
0x17: {  	s4 =	simm.s32 $0x1BF5;
	[smem:$0x3FB3] =	sst s0  }
0x18: {  	s0 =	sld [smem:$0x3F96];
	_ =	swait.ge [sflag:s4], $0x0  }
0x19: {  	s7 =	sld [smem:$0x3F97]  }
0x1a: {  	s8 =	sadd.s32 $0xFFFFE003, lr  }
0x1b: {  	s9 =	sadd.s32 $0xFFFFFEF7, lr;
	s5 =	simm.s32 $0xFFFFFFFF;
	p2 =	slt.u32 s8, $0xFFFFF086  }
0x1c: {  	p1 =	slt.u32 s9, $0xF7A;
	s5 =	simm.s32 @!p2 $0x0  }
0x1d: {  	s5 =	simm.s32 @p1 $0x1;
	p0 =	seq.s32 s7, s2  }
0x1e: {  	s7 =	smul.u32 @!p0 $0xF7A, s2;
	p2 =	seq.s32 @!p0 s5, $0x0  }
0x1f: {  	s9 =	smul.u32 $0xF7A, s1;
	s8 =	simm.s32 @!p0 $0x1BF5;
	p2 =	por !p2, p0  }
0x20: {  	[sflag:s8] =	ssyncset.s32 @!p0 $0xFFFFF086;
	s6 =	sadd.s32 @!p0 s3, s7;
	s7 =	simm.s32 @!p0 $0x108  }
0x21: {  	s3 =	sadd.s32 s3, s9;
	s6 =	sadd.s32 @!p0 $0x88, s6;
	s7 =	simm.s32 @p2 $0x1082  }
0x22: {  	[simem:s7], [sflag:s8] =	dma.local @!p0 [hbm:s6], $0xF7A  }
0x23: {  	s9 =	sor.u32 $0xD0000000, s2;
	s6 =	simm.s32 $0x108;
	_ =	swait.ge @!p0 [sflag:s8], $0x0  }
0x24: {  	s3 =	sadd.s32 $0x88, s3;
	s6 =	simm.s32 @!p1 $0x1082;
	[sflag:s4] =	ssyncset.s32 $0xFFFFF086  }
0x25: {  	[simem:s6], [sflag:s4] =	dma.local [hbm:s3], $0xF7A  }
0x26: {  	[smem:$0x3F97] =	sst s1;
	(tag) =	ssettag s2;
	_ =	strace s9  }
0x27: {  	s1 =	sld [smem:$0x3FA7]  }
0x28: {  	s2 =	sld [smem:$0x3FA8]  }
0x29: {  	s4 =	sld [smem:$0x3FAA]  }
0x2a: {  	p0 =	seq.s32 s5, $0x0;
	s5 =	sld [smem:$0x3FAB]  }
0x2b: {  	s6 =	sld [smem:$0x3FAC]  }
0x2c: {  	s7 =	sld [smem:$0x3FAD]  }
0x2d: {  	s3 =	simm.s32 $0x108;
	s8 =	sld [smem:$0x3FAE]  }
0x2e: {  	s3 =	simm.s32 @!p0 $0x1082;
	s9 =	sld [smem:$0x3FAF]  }
0x2f: {  	lr =	sadd.s32 s0, s3;
	s0 =	sld [smem:$0x3FA6]  }
0x30: {  	s3 =	sld [smem:$0x3FA9]  }
0x31: {  	[smem:$0x3FB2] =	sst s10  }
0x32: {  	s10 =	sld [smem:$0x3FB0];
	_ =	sdelay $0x3  }
0x33: {  	p0 =	seq.s32 s10, $0x1;
	s10 =	sld [smem:$0x3FB2];
	_ =	sdelay $0x3  }
0x34: {  	[smem:$0x3FB2] =	sst s10  }
0x35: {  	s10 =	sld [smem:$0x3FB1];
	_ =	sdelay $0x3  }
0x36: {  	p1 =	seq.s32 s10, $0x1;
	s10 =	sld [smem:$0x3FB2];
	_ =	sdelay $0x3  }
0x37: {  	[smem:$0x3FB2] =	sst s10  }
0x38: {  	s10 =	sld [smem:$0x3FB3]  }
0x39: {  	_ = 	snop;
	(pc) =	sbr.ind lr, $3  }
0x3a: {  	_ = 	snop  }
0x3b: {  	_ = 	snop  }
0x3c: {  	p2 =	seq.s32 s10, $0x1;
	s10 =	sld [smem:$0x3FB2]  }
0x3d: {  	_ =	shalt  }
0x3e: {  	_ =	shalt  }
0x3f: {  	_ =	shalt  }
0x40: {  	_ =	shalt  }
0x41: {  	_ =	shalt  }
0x42: {  	_ =	shalt  }
0x43: {  	_ =	shalt  }
0x44: {  	_ =	shalt  }
0x45: {  	_ =	shalt  }
0x46: {  	_ =	shalt  }
0x47: {  	_ =	shalt  }
0x48: {  	_ =	shalt  }
0x49: {  	_ =	shalt  }
0x4a: {  	_ =	shalt  }
0x4b: {  	_ =	shalt  }
0x4c: {  	_ =	shalt  }
0x4d: {  	_ =	shalt  }
0x4e: {  	_ =	shalt  }
0x4f: {  	_ =	shalt  }
0x50: {  	_ =	shalt  }
0x51: {  	_ =	shalt  }
0x52: {  	_ =	shalt  }
0x53: {  	_ =	shalt  }
0x54: {  	_ =	shalt  }
0x55: {  	_ =	shalt  }
0x56: {  	_ =	shalt  }
0x57: {  	_ =	shalt  }
0x58: {  	_ =	shalt  }
0x59: {  	_ =	shalt  }
0x5a: {  	_ =	shalt  }
0x5b: {  	_ =	shalt  }
0x5c: {  	_ =	shalt  }
0x5d: {  	_ =	shalt  }
0x5e: {  	_ =	shalt  }
0x5f: {  	_ =	shalt  }
0x60: {  	_ =	shalt  }
0x61: {  	_ =	shalt  }
0x62: {  	_ =	shalt  }
0x63: {  	_ =	shalt  }
0x64: {  	_ =	shalt  }
0x65: {  	_ =	shalt  }
0x66: {  	_ =	shalt  }
0x67: {  	_ =	shalt  }
0x68: {  	_ =	shalt  }
0x69: {  	_ =	shalt  }
0x6a: {  	_ =	shalt  }
0x6b: {  	_ =	shalt  }
0x6c: {  	_ =	shalt  }
0x6d: {  	_ =	shalt  }
0x6e: {  	_ =	shalt  }
0x6f: {  	_ =	shalt  }
0x70: {  	_ =	shalt  }
0x71: {  	_ =	shalt  }
0x72: {  	_ =	shalt  }
0x73: {  	_ =	shalt  }
0x74: {  	_ =	shalt  }
0x75: {  	_ =	shalt  }
0x76: {  	_ =	shalt  }
0x77: {  	_ =	shalt  }
0x78: {  	_ =	shalt  }
0x79: {  	_ =	shalt  }
0x7a: {  	_ =	shalt  }
0x7b: {  	_ =	shalt  }
0x7c: {  	_ =	shalt  }
0x7d: {  	_ =	shalt  }
0x7e: {  	_ =	shalt  }
0x7f: {  	_ =	shalt  }
0x80: {  	_ =	shalt  }
0x81: {  	_ =	shalt  }
0x82: {  	_ =	shalt  }
0x83: {  	_ =	shalt  }
0x84: {  	_ =	shalt  }
0x85: {  	_ =	shalt  }
0x86: {  	_ =	shalt  }
0x87: {  	_ =	shalt  }
.Lfunc_end0:
.L_simem_size_0:
called_computation_lowered:
.L_overlay_start_0:
0x88: {  	s2 =	sld [smem:$0x3FD9]  }
0x89: {  	s3 =	sld [smem:$0x3FFE];
	_ =	sdelay $0x1  }
0x8a: {  	s1 =	srdreg.scid  }
0x8b: {  	s0 =	sand.u32 $0x1, s1  }
0x8c: {  	s17 =	sshll.u32 s0, $0xA;
	s2 =	sadd.s32 s3, s2  }
0x8d: {  	s2 =	sadd.s32 s2, s17  }
0x8e: {  	[smem:$0x3FBE] =	sst s2  }
0x8f: {  	_ = 	snop  }
0x90: {  	s2 =	sld [smem:$0x3FD0];
	(tm) =	ssettm $0x1  }
0x91: {  	s18 =	sld [smem:$0x3FFB];
	_ =	sdelay $0x3  }
0x92: {  	_ =	strace s18  }
0x93: {  	s3 =	sld [smem:$0x3FFC];
	_ =	sdelay $0x3  }
0x94: {  	_ =	strace s3  }
0x95: {  	s3 =	sld [smem:$0x3FFD];
	_ =	sdelay $0x3  }
0x96: {  	_ =	strace s3  }
0x97: {  	_ =	strace $0x8FFFFFFF  }
0x98: {  	s19 =	sld [smem:$0x3FDB];
	_ =	sdelay $0x1  }
0x99: {  	s4 =	simm.s32 $_scs_section_size  }
0x9a: {  	s5 =	simm.s32 $_size__tile_overlayer_lowered;
	s6 =	simm.s32 $_tile_overlayer_lowered  }
0x9b: {  	s22 =	simm.s32 $0x1BFF;
	s21 =	sshll.u32 s6, $0x1;
	s3 =	sadd.s32 s4, s19  }
0x9c: {  	s7 =	simm.s32 $0x0;
	s20 =	sshll.u32 s5, $0x1;
	s5 =	sadd.s32 s21, s3  }
0x9d: {  	[timem:s7], [sflag:s22] =	dma.local [hbm:s5], s20  }
0x9e: {  	_ =	swait.ge [sflag:s22], s20  }
0x9f: {  	s4 =	ssub.s32 $0x0, s20;
	[sflag:s22] =	ssyncset.done $0x0  }
0xa0: {  	[sflag:s22] =	ssyncadd.s32 s4;
	_ =	sdelay $0x1  }
0xa1: {  	s23 =	simm.s32 $0x1B8B  }
0xa2: {  	_ =	swait.ge [sflag:s23], $0x1  }
0xa3: {  	[sflag:s23] =	ssyncset.done $0x0  }
0xa4: {  	s25 =	simm.s32 $0x1B8E;
	s24 =	sld [smem:$0x3FFE];
	[sflag:s23] =	ssyncadd.s32 $0xFFFFFFFF  }
0xa5: {  	s26 =	simm.s32 $execute0_lowered;
	[smem:$0x3FD2] =	sst s25  }
0xa6: {  	s5 =	sshll.u32 s26, $0x1;
	_ =	strace $0x80000046;
	[dreg:$0x1] =	wrdreg $0xFFFFFFFF  }
0xa7: {  	s28 =	simm.s32 $_size_execute0_lowered;
	s3 =	sadd.s32 s3, s5;
	[dreg:$0x0] =	wrdreg $0x0  }
0xa8: {  	s5 =	sshll.u32 s28, $0x1;
	[dreg:$0x2] =	wrdreg s3  }
0xa9: {  	[dreg:$0x3] =	wrdreg s5  }
0xaa: {  	[dreg:$0x4] =	wrdreg $0xC0  }
0xab: {  	_ =	task [dreg:s7], $0x5FFFF  }
0xac: {  	[dreg:$0x1] =	wrdreg $0xFFFFFFFF  }
0xad: {  	[dreg:$0x0] =	wrdreg $0x60  }
0xae: {  	[dreg:$0x2] =	wrdreg s24  }
0xaf: {  	[dreg:$0x3] =	wrdreg s2  }
0xb0: {  	[dreg:$0x4] =	wrdreg $0x0  }
0xb1: {  	[dreg:$0x5] =	wrdreg $0x9  }
0xb2: {  	_ =	task.clear_ibuf [dreg:s7], $0x6FFFF;
	_ =	strace $0x90000046  }
0xb3: {  	s29 =	simm.s32 $0x9;
	_ =	strace $0x80000048  }
0xb4: {  	_ =	swait.ge [sflag:s29], $0x1  }
0xb5: {  	[sflag:s29] =	ssyncadd.s32 $0xFFFFFFFF  }
0xb6: {  	_ =	strace $0x90000048  }
0xb7: {  	_ =	sfence  }
0xb8: {  	s30 =	sld [smem:$0x0];
	_ =	sdelay $0x2  }
0xb9: {  	s31 =	sshll.u32 s1, $0xD;
	s1 =	sshrl.u32 s1, $0x2  }
0xba: {  	s3 =	sand.u32 $0x4000, s31;
	s1 =	sadd.s32 s1, s30  }
0xbb: {  	s0 =	sor.u32 s3, s0;
	s1 =	sshll.u32 s1, $0x11  }
0xbc: {  	s0 =	sor.u32 s1, s0  }
0xbd: {  	s0 =	sadd.s32 $0x8F2B, s0  }
0xbe: {  	[sflag:s0] =	ssyncadd.remote.s32 $0x1  }
0xbf: {  	_ =	sfence.sel $0xFFFF  }
0xc0: {  	[dreg:$0x0] =	wrdreg $0xFFFFFFFF;
	(pc) =	sbr.abs _section_cstart, $3  }
0xc1: {  	[dreg:$0x1] =	wrdreg $0xFFFFFFFF  }
0xc2: {  	_ =	task.clear_ibuf [dreg:s7], $0x2FFFF;
	_ =	strace $0x9FFFFFFF  }
0xc3: {  	(tm) =	ssettm $0x7FFFFFFF  }
tec
execute0_lowered:
.L_overlay_start_1:
0x0: {  	(tag) =	ssettag $0x1  }
0x1: {  	s12 =	rddreg [dreg:$0x0]  }
0x2: {  	s10 =	rddreg [dreg:$0x1]  }
0x3: {  	s2 =	rddreg [dreg:$0x2]  }
0x4: {  	s0 =	rddreg [dreg:$0x3];
	s4 =	srdreg.scid  }
0x5: {  	s3 =	simm.s32 $0x0;
	s1 =	stileid.u32;
	s15 =	simm.s32 $0x80  }
0x6: {  	s16 =	simm.s32 $0x678;
	s17 =	simm.s32 $0x0;
	s8 =	smul.u32 $0x280, s1  }
0x7: {  	s7 =	sand.u32 $0x1, s4;
	[smem:$0x7FF] =	sst s3;
	s5 =	smul.u32 $0xFA0, s1  }
0x8: {  	s4 =	sshll.u32 s7, $0x4;
	_ =	strace $0x80000047;
	s30 =	ssub.s32 $0x2, s7  }
0x9: {  	p4 =	seq.s32 s7, $0x1;
	s6 =	sor.u32 s1, s4;
	s9 =	sshrl.u32 s8, $0x3  }
0xa: {  	s14 =	sshrl.u32 s30, $0x1;
	s5 =	sshrl.u32 s5, $0x2;
	s7 =	sadd.s32 s8, s2  }
0xb: {  	p2 =	seq.s32 @p4 s1, $0xF;
	p5 =	seq.s32 @!p4 s1, $0xF;
	s11 =	smul.u32 $0x1400, s6  }
0xc: {  	s13 =	sadd.s32 s9, s12;
	s14 =	ssub.s32 s30, s14;
	s4 =	sadd.s32 s5, s2  }
0xd: {  	p0 =	seq.s32 s6, $0x1F;
	s5 =	simm.s32 $0xA;
	s8 =	sadd.s32 s10, s9  }
0xe: {  	s9 =	sadd.s32 $0x2580, s2;
	s10 =	sadd.s32 $0x4B0, s10;
	p1 =	por !p2, !p4  }
0xf: {  	p2 =	por p2, !p4;
	p3 =	por !p5, p4;
	s31 =	sshrl.u32 s11, $0x3  }
0x10: {  	p4 =	por p5, p4;
	s5 =	simm.s32 @!p0 $0x28;
	s11 =	sadd.s32 s12, s31  }
0x11: {  	p0 =	sgt.u32 s1, $0x9;
	s12 =	sadd.s32 $0xD4B0, s12;
	s6 =	sadd.s32 $0x8000, s11  }
0x12: {  	v0 =	vimm.f32 $0.0e+00;
	v1 =	vimm.f32 $1.000000000e+00;
	s11 =	sadd.s32 $0xD000, s13;
	s13 =	smax.u32 s14, $0x1;
	s14 =	simm.s32 $0x1  }
.LBB2_1:
0x13: {  	[tilespmem:$0x278] =	vst v0  }
0x14: {  	[tilespmem:$0x288] =	vst v0  }
0x15: {  	[tilespmem:$0x298] =	vst v0  }
0x16: {  	[tilespmem:$0x2A8] =	vst v0  }
0x17: {  	[tilespmem:$0x2B8] =	vst v0  }
0x18: {  	[tilespmem:$0x2C8] =	vst v0  }
0x19: {  	[tilespmem:$0x2D8] =	vst v0  }
0x1a: {  	[tilespmem:$0x2E8] =	vst v0  }
0x1b: {  	[tilespmem:$0x2F8] =	vst v0  }
0x1c: {  	[tilespmem:$0x308] =	vst v0  }
0x1d: {  	[tilespmem:$0x318] =	vst v0  }
0x1e: {  	[tilespmem:$0x328] =	vst v0  }
0x1f: {  	[tilespmem:$0x338] =	vst v0  }
0x20: {  	[tilespmem:$0x348] =	vst v0  }
0x21: {  	[tilespmem:$0x358] =	vst v0  }
0x22: {  	[tilespmem:$0x368] =	vst v0  }
0x23: {  	[tilespmem:$0x378] =	vst v0  }
0x24: {  	[tilespmem:$0x388] =	vst v0  }
0x25: {  	[tilespmem:$0x398] =	vst v0  }
0x26: {  	[tilespmem:$0x3A8] =	vst v0  }
0x27: {  	[tilespmem:$0x3B8] =	vst v0  }
0x28: {  	[tilespmem:$0x3C8] =	vst v0  }
0x29: {  	[tilespmem:$0x3D8] =	vst v0  }
0x2a: {  	[tilespmem:$0x3E8] =	vst v0  }
0x2b: {  	[tilespmem:$0x3F8] =	vst v0  }
0x2c: {  	[tilespmem:$0x408] =	vst v0  }
0x2d: {  	[tilespmem:$0x418] =	vst v0  }
0x2e: {  	[tilespmem:$0x428] =	vst v0  }
0x2f: {  	[tilespmem:$0x438] =	vst v0  }
0x30: {  	[tilespmem:$0x448] =	vst v0  }
0x31: {  	[tilespmem:$0x458] =	vst v0  }
0x32: {  	[tilespmem:$0x468] =	vst v0  }
0x33: {  	[tilespmem:$0x478] =	vst v0  }
0x34: {  	[tilespmem:$0x488] =	vst v0  }
0x35: {  	[tilespmem:$0x498] =	vst v0  }
0x36: {  	[tilespmem:$0x4A8] =	vst v0  }
0x37: {  	[tilespmem:$0x4B8] =	vst v0  }
0x38: {  	[tilespmem:$0x4C8] =	vst v0  }
0x39: {  	[tilespmem:$0x4D8] =	vst v0  }
0x3a: {  	[tilespmem:$0x4E8] =	vst v0  }
0x3b: {  	[tilespmem:$0x4F8] =	vst v0  }
0x3c: {  	[tilespmem:$0x508] =	vst v0  }
0x3d: {  	[tilespmem:$0x518] =	vst v0  }
0x3e: {  	[tilespmem:$0x528] =	vst v0  }
0x3f: {  	[tilespmem:$0x538] =	vst v0  }
0x40: {  	[tilespmem:$0x548] =	vst v0  }
0x41: {  	[tilespmem:$0x558] =	vst v0  }
0x42: {  	[tilespmem:$0x568] =	vst v0  }
0x43: {  	[tilespmem:$0x578] =	vst v0  }
0x44: {  	[tilespmem:$0x588] =	vst v0  }
0x45: {  	[tilespmem:$0x598] =	vst v0  }
0x46: {  	[tilespmem:$0x5A8] =	vst v0  }
0x47: {  	[tilespmem:$0x5B8] =	vst v0  }
0x48: {  	[tilespmem:$0x5C8] =	vst v0  }
0x49: {  	[tilespmem:$0x5D8] =	vst v0  }
0x4a: {  	[tilespmem:$0x5E8] =	vst v0  }
0x4b: {  	[tilespmem:$0x5F8] =	vst v0  }
0x4c: {  	[tilespmem:$0x608] =	vst v0  }
0x4d: {  	[tilespmem:$0x618] =	vst v0  }
0x4e: {  	[tilespmem:$0x628] =	vst v0  }
0x4f: {  	[tilespmem:$0x638] =	vst v0  }
0x50: {  	[tilespmem:$0x648] =	vst v0  }
0x51: {  	[tilespmem:$0x658] =	vst v0  }
0x52: {  	[tilespmem:$0x668] =	vst v0  }
0x53: {  	[tilespmem:$0x678] =	vst v1  }
0x54: {  	[tilespmem:$0x688] =	vst v1  }
0x55: {  	[tilespmem:$0x698] =	vst v1  }
0x56: {  	[tilespmem:$0x6A8] =	vst v1  }
0x57: {  	[tilespmem:$0x6B8] =	vst v1  }
0x58: {  	[tilespmem:$0x6C8] =	vst v1  }
0x59: {  	[tilespmem:$0x6D8] =	vst v1  }
0x5a: {  	[tilespmem:$0x6E8] =	vst v1;
	s18 =	simm.s32 @!p0 $0x278  }
0x5b: {  	[spmem:s4] =	stream.linear.scatter @!p0 [tilespmem:s18], [sflag:$0x1], $0x3E8, $0x38;
	[tilespmem:$0x1D78] =	vst v63  }
0x5c: {  	s18 =	simm.s32 @!p0 $0x1  }
0x5d: {  	_ =	swait.ge @!p0 [sflag:s18], $0x3E8  }
0x5e: {  	[sflag:s18] =	ssyncset.done @!p0 $0x0  }
0x5f: {  	[sflag:s18] =	ssyncadd.s32 @!p0 $0xFFFFFC18  }
0x60: {  	s18 =	simm.s32 $0x6F8;
	[bflag:$0x0] =	sbarrier.arrive $0xFFFF  }
0x61: {  	[tilespmem:s18], [sflag:$0x1] =	stream.linear.gather [hbm4b:s6+s3], $0x1400, $0x38;
	[tilespmem:$0x1D78] =	vst v63  }
0x62: {  	p5 =	sne.s32 s5, $0x1;
	_ =	swait.ge [sflag:s14], $0x1400  }
.Ltmp0:
0x63: {  	[sflag:s14] =	ssyncset.done $0x0;
	(pc) =	sbr.rel @!p5 .LBB2_3-.Ltmp0, $4  }
0x64: {  	[sflag:s14] =	ssyncadd.s32 $0xFFFFEC00  }
0x65: {  	[spmem:s2] =	stream.indirect.scatter.add.f32 [tilespmem:s16], [sflag:$0x1], $0x1, s18, s15, $0xb8;
	[tilespmem:$0x1D78] =	vst v63  }
0x66: {  	_ =	swait.ge [sflag:s14], $0x80  }
0x67: {  	s19 =	sadd.s32 $0xFFFFFFFF, s5;
	[sflag:s14] =	ssyncset.done $0x0  }
.LBB2_2:
0x68: {  	p5 =	sne.s32 s19, $0x1;
	[sflag:s14] =	ssyncadd.s32 $0xFFFFFF80;
	s18 =	sadd.s32 $0x80, s18  }
.Ltmp1:
0x69: {  	s19 =	sadd.s32 $0xFFFFFFFF, s19;
	(pc) =	sbr.rel @p5 .LBB2_2-.Ltmp1, $4  }
0x6a: {  	_ = 	snop  }
0x6b: {  	[spmem:s2] =	stream.indirect.scatter.add.f32 [tilespmem:s16], [sflag:$0x1], $0x1, s18, s15, $0xb8;
	[tilespmem:$0x1D78] =	vst v63  }
0x6c: {  	_ =	swait.ge [sflag:s14], $0x80  }
0x6d: {  	[sflag:s14] =	ssyncset.done $0x0  }
.LBB2_3:
0x6e: {  	[sflag:s14] =	ssyncadd.s32 $0xFFFFFF80  }
0x6f: {  	s18 =	simm.s32 @!p1 $0x1AF8;
	s19 =	simm.s32 @!p1 $0x1;
	[bflag:$0x0] =	sbarrier.arrive $0xFFFF  }
0x70: {  	[tilespmem:s18], [sflag:$0x1] =	stream.linear.gather @!p1 [spmem:s9], $0x190, $0x38;
	[tilespmem:$0x1D78] =	vst v63  }
0x71: {  	_ =	swait.ge @!p1 [sflag:s19], $0x190  }
0x72: {  	[sflag:s19] =	ssyncset.done @!p1 $0x0  }
0x73: {  	s20 =	simm.s32 @!p1 $0x0;
	[sflag:s19] =	ssyncadd.s32 @!p1 $0xFFFFFE70  }
0x74: {  	[hbm4b:s12+s20] =	stream.linear.scatter @!p1 [tilespmem:s18], [sflag:$0x1], $0x190, $0x38;
	[tilespmem:$0x1D78] =	vst v63  }
0x75: {  	_ =	swait.ge @!p1 [sflag:s19], $0x190  }
0x76: {  	[sflag:s19] =	ssyncset.done @!p1 $0x0  }
0x77: {  	s18 =	simm.s32 @!p2 $0x1AF8;
	[sflag:s19] =	ssyncadd.s32 @!p1 $0xFFFFFE70;
	s19 =	simm.s32 @!p2 $0x1  }
0x78: {  	[tilespmem:s18], [sflag:$0x1] =	stream.linear.gather @!p2 [spmem:s7], $0x280, $0x38;
	[tilespmem:$0x1D78] =	vst v63  }
0x79: {  	_ =	swait.ge @!p2 [sflag:s19], $0x280  }
0x7a: {  	[sflag:s19] =	ssyncset.done @!p2 $0x0  }
0x7b: {  	s20 =	simm.s32 @!p2 $0x0;
	[sflag:s19] =	ssyncadd.s32 @!p2 $0xFFFFFD80  }
0x7c: {  	[hbm4b:s11+s20] =	stream.linear.scatter @!p2 [tilespmem:s18], [sflag:$0x1], $0x280, $0x38;
	[tilespmem:$0x1D78] =	vst v63  }
0x7d: {  	_ =	swait.ge @!p2 [sflag:s19], $0x280  }
0x7e: {  	[sflag:s19] =	ssyncset.done @!p2 $0x0  }
0x7f: {  	s18 =	simm.s32 @!p3 $0x1AF8;
	[sflag:s19] =	ssyncadd.s32 @!p2 $0xFFFFFD80;
	s19 =	simm.s32 @!p3 $0x1  }
0x80: {  	[tilespmem:s18], [sflag:$0x1] =	stream.linear.gather @!p3 [spmem:s9], $0x190, $0x38;
	[tilespmem:$0x1D78] =	vst v63  }
0x81: {  	_ =	swait.ge @!p3 [sflag:s19], $0x190  }
0x82: {  	[sflag:s19] =	ssyncset.done @!p3 $0x0  }
0x83: {  	s20 =	simm.s32 @!p3 $0x0;
	[sflag:s19] =	ssyncadd.s32 @!p3 $0xFFFFFE70  }
0x84: {  	[hbm4b:s10+s20] =	stream.linear.scatter @!p3 [tilespmem:s18], [sflag:$0x1], $0x190, $0x38;
	[tilespmem:$0x1D78] =	vst v63  }
0x85: {  	_ =	swait.ge @!p3 [sflag:s19], $0x190  }
0x86: {  	[sflag:s19] =	ssyncset.done @!p3 $0x0  }
0x87: {  	s18 =	simm.s32 @!p4 $0x1AF8;
	[sflag:s19] =	ssyncadd.s32 @!p3 $0xFFFFFE70;
	s19 =	simm.s32 @!p4 $0x1  }
0x88: {  	[tilespmem:s18], [sflag:$0x1] =	stream.linear.gather @!p4 [spmem:s7], $0x280, $0x38;
	[tilespmem:$0x1D78] =	vst v63  }
0x89: {  	s17 =	sadd.s32 $0x1, s17;
	_ =	swait.ge @!p4 [sflag:s19], $0x280  }
0x8a: {  	p5 =	sne.s32 s17, s13;
	[sflag:s19] =	ssyncset.done @!p4 $0x0  }
.Ltmp2:
0x8b: {  	s20 =	simm.s32 @!p4 $0x0;
	[sflag:s19] =	ssyncadd.s32 @!p4 $0xFFFFFD80;
	(pc) =	sbr.rel @p5 .LBB2_1-.Ltmp2, $4  }
0x8c: {  	[hbm4b:s8+s20] =	stream.linear.scatter @!p4 [tilespmem:s18], [sflag:$0x1], $0x280, $0x38;
	[tilespmem:$0x1D78] =	vst v63  }
0x8d: {  	_ =	swait.ge @!p4 [sflag:s19], $0x280  }
0x8e: {  	[sflag:s19] =	ssyncset.done @!p4 $0x0  }
0x8f: {  	[sflag:s19] =	ssyncadd.s32 @!p4 $0xFFFFFD80  }
0x90: {  	_ =	sfence.sel $0x180000  }
0x91: {  	[bflag:$0x0] =	sbarrier.arrive $0xFFFF  }
0x92: {  	p0 =	sne.s32 s1, $0x0;
	_ =	strace $0x90000047  }
0x93: {  	s0 =	sadd.s32 @!p0 $0x100000, s0;
	[bflag:$0x2] =	sbarrier.arrive $0xFFFF  }
0x94: {  	[sflag:s0] =	ssyncadd.tile.s32 @!p0 $0x1;
	_ =	shalt  }
.Lfunc_end2:
_tile_overlayer_lowered:
.L_overlay_start_2:
0x95: {  	(tag) =	ssettag $0x2  }
0x96: {  	s0 =	rddreg [dreg:$0x0];
	s2 =	stileid.u32  }
0x97: {  	s1 =	rddreg [dreg:$0x1];
	p0 =	sne.s32 s2, $0x0  }
0x98: {  	s3 =	rddreg [dreg:$0x2];
	[bflag:$0x3] =	sbarrier.arrive $0xFFFF;
	s2 =	simm.s32 @!p0 $0x1C01  }
0x99: {  	[timem:s3], [sflag:s2] =	dma.local @!p0 [hbm:s0], s1  }
0x9a: {  	s0 =	simm.s32 @!p0 $0x1  }
0x9b: {  	_ =	swait.ge @!p0 [sflag:s0], s1  }
0x9c: {  	s1 =	ssub.s32 @!p0 $0x0, s1;
	[sflag:s0] =	ssyncset.done @!p0 $0x0  }
0x9d: {  	[sflag:s0] =	ssyncadd.s32 @!p0 s1  }
0x9e: {  	[bflag:$0x3] =	sbarrier.arrive $0xFFFF  }
0x9f: {  	_ =	shalt  }

// kernel: kernel.15.cloned.1.call-start
scs
__scs_entry_jumppad:
0x0: {  	(pc) =	sbr.rel $0x88, $3  }
0x1: {  	(tag) =	ssettag $0x0;
	lr =	simm.s32 $0x1  }
0x2: {  	[smem:$0x3F97] =	sst lr;
	_ =	strace $0xD0000000  }
0x3: {  	_ = 	snop  }
0x4: {  	_ = 	snop  }
0x5: {  	_ = 	snop  }
0x6: {  	_ = 	snop  }
0x7: {  	_ = 	snop  }
__scs_overlays_trampoline_lowered:
0x8: {  	[smem:$0x3FA6] =	sst s0  }
0x9: {  	[smem:$0x3FA7] =	sst s1  }
0xa: {  	[smem:$0x3FA8] =	sst s2  }
0xb: {  	[smem:$0x3FA9] =	sst s3  }
0xc: {  	[smem:$0x3FAA] =	sst s4  }
0xd: {  	[smem:$0x3FAB] =	sst s5  }
0xe: {  	[smem:$0x3FAC] =	sst s6  }
0xf: {  	[smem:$0x3FAD] =	sst s7  }
0x10: {  	[smem:$0x3FAE] =	sst s8  }
0x11: {  	[smem:$0x3FAF] =	sst s9;
	s0 =	simm.s32 @!p0 $0x0  }
0x12: {  	s1 =	sld [smem:$0x3F95];
	s0 =	simm.s32 @p0 $0x1  }
0x13: {  	[smem:$0x3FB0] =	sst s0;
	s0 =	simm.s32 @!p1 $0x0  }
0x14: {  	s2 =	sld [smem:$0x3F94];
	s0 =	simm.s32 @p1 $0x1  }
0x15: {  	[smem:$0x3FB1] =	sst s0;
	s0 =	simm.s32 @!p2 $0x0  }
0x16: {  	s3 =	sld [smem:$0x3FDB];
	s0 =	simm.s32 @p2 $0x1  }
0x17: {  	s4 =	simm.s32 $0x1BF5;
	[smem:$0x3FB3] =	sst s0  }
0x18: {  	s0 =	sld [smem:$0x3F96];
	_ =	swait.ge [sflag:s4], $0x0  }
0x19: {  	s7 =	sld [smem:$0x3F97]  }
0x1a: {  	s8 =	sadd.s32 $0xFFFFE003, lr  }
0x1b: {  	s9 =	sadd.s32 $0xFFFFFEF7, lr;
	s5 =	simm.s32 $0xFFFFFFFF;
	p2 =	slt.u32 s8, $0xFFFFF086  }
0x1c: {  	p1 =	slt.u32 s9, $0xF7A;
	s5 =	simm.s32 @!p2 $0x0  }
0x1d: {  	s5 =	simm.s32 @p1 $0x1;
	p0 =	seq.s32 s7, s2  }
0x1e: {  	s7 =	smul.u32 @!p0 $0xF7A, s2;
	p2 =	seq.s32 @!p0 s5, $0x0  }
0x1f: {  	s9 =	smul.u32 $0xF7A, s1;
	s8 =	simm.s32 @!p0 $0x1BF5;
	p2 =	por !p2, p0  }
0x20: {  	[sflag:s8] =	ssyncset.s32 @!p0 $0xFFFFF086;
	s6 =	sadd.s32 @!p0 s3, s7;
	s7 =	simm.s32 @!p0 $0x108  }
0x21: {  	s3 =	sadd.s32 s3, s9;
	s6 =	sadd.s32 @!p0 $0x88, s6;
	s7 =	simm.s32 @p2 $0x1082  }
0x22: {  	[simem:s7], [sflag:s8] =	dma.local @!p0 [hbm:s6], $0xF7A  }
0x23: {  	s9 =	sor.u32 $0xD0000000, s2;
	s6 =	simm.s32 $0x108;
	_ =	swait.ge @!p0 [sflag:s8], $0x0  }
0x24: {  	s3 =	sadd.s32 $0x88, s3;
	s6 =	simm.s32 @!p1 $0x1082;
	[sflag:s4] =	ssyncset.s32 $0xFFFFF086  }
0x25: {  	[simem:s6], [sflag:s4] =	dma.local [hbm:s3], $0xF7A  }
0x26: {  	[smem:$0x3F97] =	sst s1;
	(tag) =	ssettag s2;
	_ =	strace s9  }
0x27: {  	s1 =	sld [smem:$0x3FA7]  }
0x28: {  	s2 =	sld [smem:$0x3FA8]  }
0x29: {  	s4 =	sld [smem:$0x3FAA]  }
0x2a: {  	p0 =	seq.s32 s5, $0x0;
	s5 =	sld [smem:$0x3FAB]  }
0x2b: {  	s6 =	sld [smem:$0x3FAC]  }
0x2c: {  	s7 =	sld [smem:$0x3FAD]  }
0x2d: {  	s3 =	simm.s32 $0x108;
	s8 =	sld [smem:$0x3FAE]  }
0x2e: {  	s3 =	simm.s32 @!p0 $0x1082;
	s9 =	sld [smem:$0x3FAF]  }
0x2f: {  	lr =	sadd.s32 s0, s3;
	s0 =	sld [smem:$0x3FA6]  }
0x30: {  	s3 =	sld [smem:$0x3FA9]  }
0x31: {  	[smem:$0x3FB2] =	sst s10  }
0x32: {  	s10 =	sld [smem:$0x3FB0];
	_ =	sdelay $0x3  }
0x33: {  	p0 =	seq.s32 s10, $0x1;
	s10 =	sld [smem:$0x3FB2];
	_ =	sdelay $0x3  }
0x34: {  	[smem:$0x3FB2] =	sst s10  }
0x35: {  	s10 =	sld [smem:$0x3FB1];
	_ =	sdelay $0x3  }
0x36: {  	p1 =	seq.s32 s10, $0x1;
	s10 =	sld [smem:$0x3FB2];
	_ =	sdelay $0x3  }
0x37: {  	[smem:$0x3FB2] =	sst s10  }
0x38: {  	s10 =	sld [smem:$0x3FB3]  }
0x39: {  	_ = 	snop;
	(pc) =	sbr.ind lr, $3  }
0x3a: {  	_ = 	snop  }
0x3b: {  	_ = 	snop  }
0x3c: {  	p2 =	seq.s32 s10, $0x1;
	s10 =	sld [smem:$0x3FB2]  }
0x3d: {  	_ =	shalt  }
0x3e: {  	_ =	shalt  }
0x3f: {  	_ =	shalt  }
0x40: {  	_ =	shalt  }
0x41: {  	_ =	shalt  }
0x42: {  	_ =	shalt  }
0x43: {  	_ =	shalt  }
0x44: {  	_ =	shalt  }
0x45: {  	_ =	shalt  }
0x46: {  	_ =	shalt  }
0x47: {  	_ =	shalt  }
0x48: {  	_ =	shalt  }
0x49: {  	_ =	shalt  }
0x4a: {  	_ =	shalt  }
0x4b: {  	_ =	shalt  }
0x4c: {  	_ =	shalt  }
0x4d: {  	_ =	shalt  }
0x4e: {  	_ =	shalt  }
0x4f: {  	_ =	shalt  }
0x50: {  	_ =	shalt  }
0x51: {  	_ =	shalt  }
0x52: {  	_ =	shalt  }
0x53: {  	_ =	shalt  }
0x54: {  	_ =	shalt  }
0x55: {  	_ =	shalt  }
0x56: {  	_ =	shalt  }
0x57: {  	_ =	shalt  }
0x58: {  	_ =	shalt  }
0x59: {  	_ =	shalt  }
0x5a: {  	_ =	shalt  }
0x5b: {  	_ =	shalt  }
0x5c: {  	_ =	shalt  }
0x5d: {  	_ =	shalt  }
0x5e: {  	_ =	shalt  }
0x5f: {  	_ =	shalt  }
0x60: {  	_ =	shalt  }
0x61: {  	_ =	shalt  }
0x62: {  	_ =	shalt  }
0x63: {  	_ =	shalt  }
0x64: {  	_ =	shalt  }
0x65: {  	_ =	shalt  }
0x66: {  	_ =	shalt  }
0x67: {  	_ =	shalt  }
0x68: {  	_ =	shalt  }
0x69: {  	_ =	shalt  }
0x6a: {  	_ =	shalt  }
0x6b: {  	_ =	shalt  }
0x6c: {  	_ =	shalt  }
0x6d: {  	_ =	shalt  }
0x6e: {  	_ =	shalt  }
0x6f: {  	_ =	shalt  }
0x70: {  	_ =	shalt  }
0x71: {  	_ =	shalt  }
0x72: {  	_ =	shalt  }
0x73: {  	_ =	shalt  }
0x74: {  	_ =	shalt  }
0x75: {  	_ =	shalt  }
0x76: {  	_ =	shalt  }
0x77: {  	_ =	shalt  }
0x78: {  	_ =	shalt  }
0x79: {  	_ =	shalt  }
0x7a: {  	_ =	shalt  }
0x7b: {  	_ =	shalt  }
0x7c: {  	_ =	shalt  }
0x7d: {  	_ =	shalt  }
0x7e: {  	_ =	shalt  }
0x7f: {  	_ =	shalt  }
0x80: {  	_ =	shalt  }
0x81: {  	_ =	shalt  }
0x82: {  	_ =	shalt  }
0x83: {  	_ =	shalt  }
0x84: {  	_ =	shalt  }
0x85: {  	_ =	shalt  }
0x86: {  	_ =	shalt  }
0x87: {  	_ =	shalt  }
.Lfunc_end0:
.L_simem_size_0:
called_computation.1_lowered:
.L_overlay_start_0:
0x88: {  	s2 =	sld [smem:$0x3FD9]  }
0x89: {  	s3 =	sld [smem:$0x3FFE];
	_ =	sdelay $0x1  }
0x8a: {  	s1 =	srdreg.scid  }
0x8b: {  	s0 =	sand.u32 $0x1, s1  }
0x8c: {  	s16 =	sshll.u32 s0, $0xA;
	s2 =	sadd.s32 s3, s2  }
0x8d: {  	s2 =	sadd.s32 s2, s16  }
0x8e: {  	[smem:$0x3FBE] =	sst s2  }
0x8f: {  	_ = 	snop  }
0x90: {  	(tm) =	ssettm $0x1  }
0x91: {  	s17 =	sld [smem:$0x3FFB];
	_ =	sdelay $0x3  }
0x92: {  	_ =	strace s17  }
0x93: {  	s2 =	sld [smem:$0x3FFC];
	_ =	sdelay $0x3  }
0x94: {  	_ =	strace s2  }
0x95: {  	s2 =	sld [smem:$0x3FFD];
	_ =	sdelay $0x3  }
0x96: {  	_ =	strace s2  }
0x97: {  	_ =	strace $0x8FFFFFFF  }
0x98: {  	s18 =	sld [smem:$0x3FDB];
	_ =	sdelay $0x1  }
0x99: {  	s19 =	simm.s32 $_scs_section_size  }
0x9a: {  	s4 =	simm.s32 $_size__tile_overlayer_lowered;
	s5 =	simm.s32 $_tile_overlayer_lowered  }
0x9b: {  	s22 =	simm.s32 $0x1BFF;
	s21 =	sshll.u32 s5, $0x1;
	s2 =	sadd.s32 s19, s18  }
0x9c: {  	s6 =	simm.s32 $0x0;
	s20 =	sshll.u32 s4, $0x1;
	s4 =	sadd.s32 s21, s2  }
0x9d: {  	[timem:s6], [sflag:s22] =	dma.local [hbm:s4], s20  }
0x9e: {  	_ =	swait.ge [sflag:s22], s20  }
0x9f: {  	s3 =	ssub.s32 $0x0, s20;
	[sflag:s22] =	ssyncset.done $0x0  }
0xa0: {  	[sflag:s22] =	ssyncadd.s32 s3;
	_ =	sdelay $0x1  }
0xa1: {  	s23 =	simm.s32 $0x1B8B  }
0xa2: {  	_ =	swait.ge [sflag:s23], $0x1  }
0xa3: {  	[sflag:s23] =	ssyncset.done $0x0  }
0xa4: {  	s25 =	simm.s32 $0x1B8E;
	s24 =	sld [smem:$0x3FFE];
	[sflag:s23] =	ssyncadd.s32 $0xFFFFFFFF  }
0xa5: {  	s26 =	simm.s32 $execute0_lowered;
	[smem:$0x3FD2] =	sst s25  }
0xa6: {  	s4 =	sshll.u32 s26, $0x1;
	_ =	strace $0x80000049;
	[dreg:$0x1] =	wrdreg $0xFFFFFFFF  }
0xa7: {  	s28 =	simm.s32 $_size_execute0_lowered;
	s2 =	sadd.s32 s2, s4;
	[dreg:$0x0] =	wrdreg $0x0  }
0xa8: {  	s4 =	sshll.u32 s28, $0x1;
	[dreg:$0x2] =	wrdreg s2  }
0xa9: {  	[dreg:$0x3] =	wrdreg s4  }
0xaa: {  	[dreg:$0x4] =	wrdreg $0xC0  }
0xab: {  	_ =	task [dreg:s6], $0x5FFFF  }
0xac: {  	[dreg:$0x1] =	wrdreg $0xFFFFFFFF  }
0xad: {  	[dreg:$0x0] =	wrdreg $0x60  }
0xae: {  	[dreg:$0x2] =	wrdreg s24  }
0xaf: {  	[dreg:$0x3] =	wrdreg $0x0  }
0xb0: {  	[dreg:$0x4] =	wrdreg $0x9  }
0xb1: {  	_ =	task.clear_ibuf [dreg:s6], $0x5FFFF;
	_ =	strace $0x90000049  }
0xb2: {  	s29 =	simm.s32 $0x9;
	_ =	strace $0x8000004B  }
0xb3: {  	_ =	swait.ge [sflag:s29], $0x1  }
0xb4: {  	[sflag:s29] =	ssyncadd.s32 $0xFFFFFFFF  }
0xb5: {  	_ =	strace $0x9000004B  }
0xb6: {  	_ =	sfence  }
0xb7: {  	s30 =	sld [smem:$0x0];
	_ =	sdelay $0x2  }
0xb8: {  	s31 =	sshll.u32 s1, $0xD;
	s1 =	sshrl.u32 s1, $0x2  }
0xb9: {  	s3 =	sand.u32 $0x4000, s31;
	s1 =	sadd.s32 s1, s30  }
0xba: {  	s0 =	sor.u32 s3, s0;
	s1 =	sshll.u32 s1, $0x11  }
0xbb: {  	s0 =	sor.u32 s1, s0  }
0xbc: {  	s0 =	sadd.s32 $0x8F2B, s0  }
0xbd: {  	[sflag:s0] =	ssyncadd.remote.s32 $0x1  }
0xbe: {  	_ =	sfence.sel $0xFFFF  }
0xbf: {  	[dreg:$0x0] =	wrdreg $0xFFFFFFFF;
	(pc) =	sbr.abs _section_cstart, $3  }
0xc0: {  	[dreg:$0x1] =	wrdreg $0xFFFFFFFF  }
0xc1: {  	_ =	task.clear_ibuf [dreg:s6], $0x2FFFF;
	_ =	strace $0x9FFFFFFF  }
0xc2: {  	(tm) =	ssettm $0x7FFFFFFF  }
0xc3: {  	_ =	shalt  }
tec
execute0_lowered:
.L_overlay_start_1:
0x0: {  	(tag) =	ssettag $0x1  }
0x1: {  	s0 =	rddreg [dreg:$0x0]  }
0x2: {  	s1 =	rddreg [dreg:$0x1]  }
0x3: {  	s2 =	simm.s32 $0x0;
	s4 =	srdreg.scid;
	s14 =	stileid.u32  }
0x4: {  	s5 =	simm.s32 $0x28;
	s15 =	simm.s32 $0x1;
	s13 =	simm.s32 $0x5  }
0x5: {  	s17 =	simm.s32 $0x3;
	s18 =	simm.s32 $0x138C0;
	s19 =	simm.s32 $0x14CC0  }
0x6: {  	s20 =	simm.s32 $0x80;
	s21 =	simm.s32 $0x160C0;
	s22 =	simm.s32 $0x1A0C0  }
0x7: {  	s23 =	simm.s32 $0x2;
	s24 =	simm.s32 $0x1E0C0;
	s25 =	simm.s32 $0x0  }
0x8: {  	[smem:$0x7FF] =	sst s2;
	s11 =	sadd.s32 $0x3000, s0;
	s3 =	sadd.s32 $0xD000, s0  }
0x9: {  	s7 =	sand.u32 $0x1, s4;
	s4 =	sadd.s32 $0xA9400, s0;
	s12 =	smul.u32 $0x500, s14  }
0xa: {  	p0 =	seq.s32 s14, $0x0;
	s0 =	sadd.s32 $0x8000, s0;
	s16 =	smul.u32 $0x4E000, s14  }
0xb: {  	p1 =	seq.s32 s14, $0xF;
	s31 =	smul.u32 $0x2700, s14;
	_ =	strace $0x8000004A  }
0xc: {  	s6 =	ssub.s32 $0x2, s7;
	s5 =	simm.s32 @!p0 $0x27;
	p0 =	sne.s32 s14, $0x0  }
0xd: {  	s7 =	sshll.u32 s7, $0x1;
	s13 =	simm.s32 @!p1 $0x14;
	s8 =	sshrl.u32 s6, $0x1  }
0xe: {  	s15 =	simm.s32 @!p0 $0x0;
	s9 =	sadd.s32 s11, s12;
	s10 =	sadd.s32 s12, s0  }
.Ltmp0:
0xf: {  	s12 =	sadd.s32 $0x280, s12;
	s8 =	ssub.s32 s6, s8;
	(pc) =	sbr.rel .LBB2_1-.Ltmp0, $4  }
0x10: {  	s6 =	simm.s32 $0x1;
	s11 =	sadd.s32 s11, s12;
	s30 =	sshll.u32 s15, $0xD  }
0x11: {  	s12 =	sadd.s32 s12, s0;
	s15 =	sshll.u32 s15, $0x8;
	s0 =	sadd.s32 s30, s16  }
0x12: {  	s8 =	smax.u32 s8, $0x1;
	s15 =	sadd.s32 s15, s31;
	s0 =	sshrl.u32 s0, $0x2  }
0x13: {  	v0 =	vimm.f32 $0.0e+00;
	s16 =	simm.s32 $0x1E8C0;
	[dreg:$0x3] =	wrdreg s8;
	s14 =	sadd.s32 s0, s1  }
.LBB2_16:
0x14: {  	s25 =	sadd.s32 $0x1, s25;
	s0 =	rddreg [dreg:$0x3]  }
0x15: {  	p1 =	sne.s32 s25, s0  }
.Ltmp1:
0x16: {  	_ = 	snop;
	(pc) =	sbr.rel @!p1 .LBB2_17-.Ltmp1, $1  }
0x17: {  	_ =	sdelay $0x3  }
.LBB2_1:
0x18: {  	s0 =	simm.s32 $0x0;
	s26 =	simm.s32 $0x200  }
.LBB2_2:
0x19: {  	p1 =	sne.s32 s26, $0x1E00;
	[tilespmem:s0+$0x1E930] =	vst v0  }
0x1a: {  	[tilespmem:s0+$0x1E8C0] =	vst v0  }
0x1b: {  	[tilespmem:s0+$0x1E8D0] =	vst v0  }
.Ltmp2:
0x1c: {  	[tilespmem:s0+$0x1E8E0] =	vst v0;
	(pc) =	sbr.rel @p1 .LBB2_2-.Ltmp2, $4  }
0x1d: {  	[tilespmem:s0+$0x1E8F0] =	vst v0  }
0x1e: {  	[tilespmem:s0+$0x1E900] =	vst v0  }
0x1f: {  	[tilespmem:s0+$0x1E910] =	vst v0  }
0x20: {  	[tilespmem:s0+$0x1E920] =	vst v0;
	s0 =	sshra.s32 s26, $0x2;
	s26 =	sadd.s32 $0x200, s26  }
0x21: {  	[tilespmem:s0+$0x1E930] =	vst v0  }
0x22: {  	[tilespmem:s0+$0x1E8C0] =	vst v0  }
0x23: {  	[tilespmem:s0+$0x1E8D0] =	vst v0  }
0x24: {  	[tilespmem:s0+$0x1E8E0] =	vst v0  }
0x25: {  	[tilespmem:s0+$0x1E8F0] =	vst v0  }
0x26: {  	[tilespmem:s0+$0x1E900] =	vst v0  }
0x27: {  	[tilespmem:s0+$0x1E910] =	vst v0  }
0x28: {  	[tilespmem:s0+$0x1E920] =	vst v0;
	s0 =	simm.s32 $0x0;
	p3 =	por $0x1, $0x1  }
.LBB2_4:
0x29: {  	p2 =	sne.s32 s5, $0x1  }
.Ltmp3:
0x2a: {  	_ = 	snop;
	(pc) =	sbr.rel @!p2 .LBB2_6-.Ltmp3, $4  }
0x2b: {  	_ = 	snop  }
0x2c: {  	[spmem:s14] =	stream.linear.scatter [tilespmem:s16], [sflag:$0x3], $0x800, $0x38;
	[tilespmem:$0x1F0C0] =	vst v63  }
0x2d: {  	p1 =	por p3, p3;
	_ =	swait.ge [sflag:s17], $0x800  }
0x2e: {  	s26 =	sadd.s32 $0xFFFFFFFF, s5;
	s28 =	smov.u32 s14;
	[sflag:s17] =	ssyncset.done $0x0  }
.LBB2_5:
0x2f: {  	p3 =	sne.s32 s26, $0x1;
	[sflag:s17] =	ssyncadd.s32 $0xFFFFF800;
	s28 =	sadd.s32 $0x800, s28  }
.Ltmp4:
0x30: {  	s26 =	sadd.s32 $0xFFFFFFFF, s26;
	(pc) =	sbr.rel @p3 .LBB2_5-.Ltmp4, $4  }
0x31: {  	_ = 	snop  }
0x32: {  	[spmem:s28] =	stream.linear.scatter [tilespmem:s16], [sflag:$0x3], $0x800, $0x38;
	[tilespmem:$0x1F0C0] =	vst v63  }
0x33: {  	_ =	swait.ge [sflag:s17], $0x800  }
0x34: {  	[sflag:s17] =	ssyncset.done $0x0  }
.LBB2_6:
0x35: {  	[sflag:s17] =	ssyncadd.s32 $0xFFFFF800  }
0x36: {  	s26 =	simm.s32 $0x0;
	[bflag:$0x0] =	sbarrier.arrive $0xFFFF  }
0x37: {  	[tilespmem:s18], [sflag:$0x3] =	stream.linear.gather [hbm4b:s9+s26], $0x1400, $0x38;
	[tilespmem:$0x1F0C0] =	vst v63  }
0x38: {  	_ =	swait.ge [sflag:s17], $0x1400  }
0x39: {  	[sflag:s17] =	ssyncset.done $0x0  }
0x3a: {  	s0 =	sor.u32 s7, s0;
	[sflag:s17] =	ssyncadd.s32 $0xFFFFEC00  }
0x3b: {  	[tilespmem:s19], [sflag:$0x3] =	stream.linear.gather [hbm4b:s10+s26], $0x1400, $0x38;
	[tilespmem:$0x1F0C0] =	vst v63  }
0x3c: {  	s26 =	smul.u32 $0x27100, s0;
	_ =	swait.ge [sflag:s17], $0x1400  }
0x3d: {  	[sflag:s17] =	ssyncset.done $0x0  }
0x3e: {  	s31 =	simm.s32 $0x138C0;
	s28 =	sadd.s32 s3, s26;
	[sflag:s17] =	ssyncadd.s32 $0xFFFFEC00  }
0x3f: {  	[tilespmem:s21], [sflag:$0x1] =	stream.indirect.gather [hbm4b:s28+s20], $0x80, s31, s20, $0xb8;
	[tilespmem:$0x1F0C0] =	vst v63  }
0x40: {  	s8 =	simm.s32 $0x13940  }
0x41: {  	[tilespmem:s22], [sflag:$0x2] =	stream.indirect.gather [hbm4b:s28+s20], $0x80, s8, s20, $0xb8;
	[tilespmem:$0x1F0C0] =	vst v63  }
0x42: {  	_ =	swait.ge [sflag:s6], $0x4000  }
0x43: {  	[sflag:s6] =	ssyncset.done $0x0  }
0x44: {  	s30 =	simm.s32 $0x14CC0;
	[sflag:s6] =	ssyncadd.s32 $0xFFFFC000  }
0x45: {  	[spmem:s1] =	stream.indirect.scatter.add.f32 [tilespmem:s21], [sflag:$0x3], $0x80, s30, s20, $0xb8;
	[tilespmem:$0x1F0C0] =	vst v63  }
0x46: {  	_ =	swait.ge [sflag:s17], $0x4000  }
0x47: {  	[sflag:s17] =	ssyncset.done $0x0  }
0x48: {  	[sflag:s17] =	ssyncadd.s32 $0xFFFFC000  }
0x49: {  	_ =	swait.ge [sflag:s23], $0x4000  }
0x4a: {  	[sflag:s23] =	ssyncset.done $0x0  }
0x4b: {  	s31 =	simm.s32 $0x14D40;
	[sflag:s23] =	ssyncadd.s32 $0xFFFFC000  }
0x4c: {  	[spmem:s1] =	stream.indirect.scatter.add.f32 [tilespmem:s22], [sflag:$0x3], $0x80, s31, s20, $0xb8;
	[tilespmem:$0x1F0C0] =	vst v63  }
0x4d: {  	_ =	swait.ge [sflag:s17], $0x4000  }
0x4e: {  	s29 =	simm.s32 $0x100;
	s0 =	simm.s32 $0x800;
	[sflag:s17] =	ssyncset.done $0x0  }
.LBB2_7:
0x4f: {  	s30 =	sadd.s32 $0x138C0, s29  }
0x50: {  	[sflag:s17] =	ssyncadd.s32 $0xFFFFC000;
	s31 =	smov.u32 s0;
	s8 =	sadd.s32 $0x400, s0  }
0x51: {  	[tilespmem:s21], [sflag:$0x1] =	stream.indirect.gather [hbm4b:s28+s20], $0x80, s30, s20, $0xb8;
	[tilespmem:$0x1F0C0] =	vst v63  }
0x52: {  	p3 =	sne.s32 s0, $0x4C00;
	s0 =	sadd.s32 $0x13940, s29  }
0x53: {  	[tilespmem:s22], [sflag:$0x2] =	stream.indirect.gather [hbm4b:s28+s20], $0x80, s0, s20, $0xb8;
	[tilespmem:$0x1F0C0] =	vst v63  }
0x54: {  	_ =	swait.ge [sflag:s6], $0x4000  }
0x55: {  	[sflag:s6] =	ssyncset.done $0x0  }
0x56: {  	s0 =	sadd.s32 $0x14CC0, s29;
	[sflag:s6] =	ssyncadd.s32 $0xFFFFC000  }
0x57: {  	[spmem:s1] =	stream.indirect.scatter.add.f32 [tilespmem:s21], [sflag:$0x3], $0x80, s0, s20, $0xb8;
	[tilespmem:$0x1F0C0] =	vst v63  }
0x58: {  	_ =	swait.ge [sflag:s17], $0x4000  }
0x59: {  	[sflag:s17] =	ssyncset.done $0x0  }
0x5a: {  	[sflag:s17] =	ssyncadd.s32 $0xFFFFC000  }
0x5b: {  	_ =	swait.ge [sflag:s23], $0x4000  }
.Ltmp5:
0x5c: {  	[sflag:s23] =	ssyncset.done $0x0;
	(pc) =	sbr.rel @p3 .LBB2_7-.Ltmp5, $4  }
0x5d: {  	s0 =	sadd.s32 $0x14D40, s29;
	[sflag:s23] =	ssyncadd.s32 $0xFFFFC000  }
0x5e: {  	[spmem:s1] =	stream.indirect.scatter.add.f32 [tilespmem:s22], [sflag:$0x3], $0x80, s0, s20, $0xb8;
	[tilespmem:$0x1F0C0] =	vst v63  }
0x5f: {  	_ =	swait.ge [sflag:s17], $0x4000  }
0x60: {  	s29 =	sshra.s32 s31, $0x2;
	s0 =	smov.u32 s8;
	[sflag:s17] =	ssyncset.done $0x0  }
0x61: {  	s0 =	sadd.s32 $0x138C0, s29;
	[sflag:s17] =	ssyncadd.s32 $0xFFFFC000  }
0x62: {  	[tilespmem:s21], [sflag:$0x1] =	stream.indirect.gather [hbm4b:s28+s20], $0x80, s0, s20, $0xb8;
	[tilespmem:$0x1F0C0] =	vst v63  }
0x63: {  	s31 =	sadd.s32 $0x13940, s29  }
0x64: {  	[tilespmem:s22], [sflag:$0x2] =	stream.indirect.gather [hbm4b:s28+s20], $0x80, s31, s20, $0xb8;
	[tilespmem:$0x1F0C0] =	vst v63  }
0x65: {  	_ =	swait.ge [sflag:s6], $0x4000  }
0x66: {  	[sflag:s6] =	ssyncset.done $0x0  }
0x67: {  	s8 =	sadd.s32 $0x14CC0, s29;
	[sflag:s6] =	ssyncadd.s32 $0xFFFFC000  }
0x68: {  	[spmem:s1] =	stream.indirect.scatter.add.f32 [tilespmem:s21], [sflag:$0x3], $0x80, s8, s20, $0xb8;
	[tilespmem:$0x1F0C0] =	vst v63  }
0x69: {  	_ =	swait.ge [sflag:s17], $0x4000  }
0x6a: {  	[sflag:s17] =	ssyncset.done $0x0  }
0x6b: {  	[sflag:s17] =	ssyncadd.s32 $0xFFFFC000  }
0x6c: {  	_ =	swait.ge [sflag:s23], $0x4000  }
0x6d: {  	[sflag:s23] =	ssyncset.done $0x0  }
0x6e: {  	s31 =	sadd.s32 $0x14D40, s29;
	[sflag:s23] =	ssyncadd.s32 $0xFFFFC000  }
0x6f: {  	[spmem:s1] =	stream.indirect.scatter.add.f32 [tilespmem:s22], [sflag:$0x3], $0x80, s31, s20, $0xb8;
	[tilespmem:$0x1F0C0] =	vst v63  }
0x70: {  	_ =	swait.ge [sflag:s17], $0x4000  }
0x71: {  	[sflag:s17] =	ssyncset.done $0x0  }
0x72: {  	[sflag:s17] =	ssyncadd.s32 $0xFFFFC000  }
0x73: {  	[tilespmem:s18], [sflag:$0x3] =	stream.linear.gather [hbm4b:s11+s2], $0x1400, $0x38;
	[tilespmem:$0x1F0C0] =	vst v63  }
0x74: {  	_ =	swait.ge [sflag:s17], $0x1400  }
0x75: {  	p4 =	sne.s32 s13, $0x1;
	[sflag:s17] =	ssyncset.done $0x0  }
.Ltmp6:
0x76: {  	s29 =	simm.s32 $0x14CC0;
	[sflag:s17] =	ssyncadd.s32 $0xFFFFEC00;
	(pc) =	sbr.rel @!p4 .LBB2_9-.Ltmp6, $4  }
0x77: {  	[tilespmem:s29], [sflag:$0x3] =	stream.linear.gather [hbm4b:s12+s2], $0x1400, $0x38;
	[tilespmem:$0x1F0C0] =	vst v63  }
0x78: {  	_ =	swait.ge [sflag:s17], $0x1400  }
0x79: {  	s30 =	simm.s32 $0x13940;
	[sflag:s17] =	ssyncset.done $0x0  }
0x7a: {  	p3 =	por $0x0, $0x0;
	s0 =	sadd.s32 $0xFFFFFFFF, s13;
	[sflag:s17] =	ssyncadd.s32 $0xFFFFEC00  }
0x7b: {  	s8 =	simm.s32 $0x138C0  }
0x7c: {  	[tilespmem:s21], [sflag:$0x1] =	stream.indirect.gather [hbm4b:s28+s20], $0x80, s8, s20, $0xb8;
	[tilespmem:$0x1F0C0] =	vst v63  }
0x7d: {  	_ = 	snop  }
0x7e: {  	[tilespmem:s22], [sflag:$0x2] =	stream.indirect.gather [hbm4b:s28+s20], $0x80, s30, s20, $0xb8;
	[tilespmem:$0x1F0C0] =	vst v63  }
0x7f: {  	_ =	swait.ge [sflag:s6], $0x4000  }
0x80: {  	[sflag:s6] =	ssyncset.done $0x0  }
0x81: {  	[sflag:s6] =	ssyncadd.s32 $0xFFFFC000  }
0x82: {  	[spmem:s1] =	stream.indirect.scatter.add.f32 [tilespmem:s21], [sflag:$0x3], $0x80, s29, s20, $0xb8;
	[tilespmem:$0x1F0C0] =	vst v63  }
0x83: {  	_ =	swait.ge [sflag:s17], $0x4000  }
0x84: {  	[sflag:s17] =	ssyncset.done $0x0  }
0x85: {  	[sflag:s17] =	ssyncadd.s32 $0xFFFFC000  }
0x86: {  	p4 =	sne.s32 s0, $0x1;
	_ =	swait.ge [sflag:s23], $0x4000  }
.Ltmp7:
0x87: {  	[sflag:s23] =	ssyncset.done $0x0;
	(pc) =	sbr.rel @!p4 .LBB2_11-.Ltmp7, $4  }
0x88: {  	s8 =	simm.s32 $0x14D40;
	[sflag:s23] =	ssyncadd.s32 $0xFFFFC000  }
0x89: {  	[spmem:s1] =	stream.indirect.scatter.add.f32 [tilespmem:s22], [sflag:$0x3], $0x80, s8, s20, $0xb8;
	[tilespmem:$0x1F0C0] =	vst v63  }
0x8a: {  	s0 =	sadd.s32 $0xFFFFFFFF, s0;
	p3 =	por $0x1, $0x1;
	_ =	swait.ge [sflag:s17], $0x4000  }
0x8b: {  	s31 =	simm.s32 $0x14CC0;
	s30 =	simm.s32 $0x13A40;
	[sflag:s17] =	ssyncset.done $0x0  }
.LBB2_12:
0x8c: {  	s8 =	sadd.s32 $0xFFFFFF80, s30;
	[sflag:s17] =	ssyncadd.s32 $0xFFFFC000;
	s31 =	sadd.s32 $0x100, s31  }
0x8d: {  	[tilespmem:s21], [sflag:$0x1] =	stream.indirect.gather [hbm4b:s28+s20], $0x80, s8, s20, $0xb8;
	[tilespmem:$0x1F0C0] =	vst v63  }
0x8e: {  	p4 =	sne.s32 s0, $0x1;
	s0 =	sadd.s32 $0xFFFFFFFF, s0  }
0x8f: {  	[tilespmem:s22], [sflag:$0x2] =	stream.indirect.gather [hbm4b:s28+s20], $0x80, s30, s20, $0xb8;
	[tilespmem:$0x1F0C0] =	vst v63  }
0x90: {  	_ =	swait.ge [sflag:s6], $0x4000  }
0x91: {  	[sflag:s6] =	ssyncset.done $0x0  }
0x92: {  	[sflag:s6] =	ssyncadd.s32 $0xFFFFC000  }
0x93: {  	[spmem:s1] =	stream.indirect.scatter.add.f32 [tilespmem:s21], [sflag:$0x3], $0x80, s31, s20, $0xb8;
	[tilespmem:$0x1F0C0] =	vst v63  }
0x94: {  	_ =	swait.ge [sflag:s17], $0x4000  }
0x95: {  	[sflag:s17] =	ssyncset.done $0x0  }
0x96: {  	[sflag:s17] =	ssyncadd.s32 $0xFFFFC000  }
0x97: {  	_ =	swait.ge [sflag:s23], $0x4000  }
.Ltmp8:
0x98: {  	[sflag:s23] =	ssyncset.done $0x0;
	(pc) =	sbr.rel @p4 .LBB2_12-.Ltmp8, $4  }
0x99: {  	s8 =	sadd.s32 $0x80, s31;
	[sflag:s23] =	ssyncadd.s32 $0xFFFFC000  }
0x9a: {  	[spmem:s1] =	stream.indirect.scatter.add.f32 [tilespmem:s22], [sflag:$0x3], $0x80, s8, s20, $0xb8;
	[tilespmem:$0x1F0C0] =	vst v63  }
0x9b: {  	_ =	swait.ge [sflag:s17], $0x4000  }
0x9c: {  	s30 =	sadd.s32 $0x100, s30;
	[sflag:s17] =	ssyncset.done $0x0  }
.LBB2_13:
0x9d: {  	s0 =	sadd.s32 $0xFFFFFF80, s30;
	[sflag:s17] =	ssyncadd.s32 @p3 $0xFFFFC000  }
0x9e: {  	[tilespmem:s21], [sflag:$0x1] =	stream.indirect.gather [hbm4b:s28+s20], $0x80, s0, s20, $0xb8;
	[tilespmem:$0x1F0C0] =	vst v63  }
0x9f: {  	_ = 	snop  }
0xa0: {  	[tilespmem:s22], [sflag:$0x2] =	stream.indirect.gather [hbm4b:s28+s20], $0x80, s30, s20, $0xb8;
	[tilespmem:$0x1F0C0] =	vst v63  }
0xa1: {  	_ =	swait.ge [sflag:s6], $0x4000  }
0xa2: {  	s0 =	sadd.s32 @p3 $0x100, s31;
	[sflag:s6] =	ssyncset.done $0x0  }
0xa3: {  	s29 =	smov.u32 @p3 s0;
	[sflag:s6] =	ssyncadd.s32 $0xFFFFC000  }
0xa4: {  	[spmem:s1] =	stream.indirect.scatter.add.f32 [tilespmem:s21], [sflag:$0x3], $0x80, s29, s20, $0xb8;
	[tilespmem:$0x1F0C0] =	vst v63  }
0xa5: {  	_ =	swait.ge [sflag:s17], $0x4000  }
0xa6: {  	[sflag:s17] =	ssyncset.done $0x0  }
0xa7: {  	[sflag:s17] =	ssyncadd.s32 $0xFFFFC000  }
0xa8: {  	_ =	swait.ge [sflag:s23], $0x4000  }
0xa9: {  	[sflag:s23] =	ssyncset.done $0x0  }
0xaa: {  	s0 =	sadd.s32 $0x80, s29;
	[sflag:s23] =	ssyncadd.s32 $0xFFFFC000  }
0xab: {  	[spmem:s1] =	stream.indirect.scatter.add.f32 [tilespmem:s22], [sflag:$0x3], $0x80, s0, s20, $0xb8;
	[tilespmem:$0x1F0C0] =	vst v63  }
0xac: {  	_ =	swait.ge [sflag:s17], $0x4000  }
0xad: {  	[sflag:s17] =	ssyncset.done $0x0  }
0xae: {  	[sflag:s17] =	ssyncadd.s32 $0xFFFFC000  }
0xaf: {  	[bflag:$0x0] =	sbarrier.arrive $0xFFFF  }
0xb0: {  	[tilespmem:s24], [sflag:$0x3] =	stream.linear.gather [spmem:s14], $0x800, $0x38;
	[tilespmem:$0x1F0C0] =	vst v63  }
0xb1: {  	_ =	swait.ge [sflag:s17], $0x800  }
.Ltmp9:
0xb2: {  	s0 =	sadd.s32 s4, s26;
	[sflag:s17] =	ssyncset.done $0x0;
	(pc) =	sbr.rel @!p2 .LBB2_15-.Ltmp9, $4  }
0xb3: {  	s8 =	sadd.s32 s15, s0;
	[sflag:s17] =	ssyncadd.s32 $0xFFFFF800  }
0xb4: {  	[hbm4b:s8+s2] =	stream.linear.scatter [tilespmem:s24], [sflag:$0x3], $0x800, $0x38;
	[tilespmem:$0x1F0C0] =	vst v63  }
0xb5: {  	s28 =	smov.u32 s15;
	_ =	swait.ge [sflag:s17], $0x800  }
0xb6: {  	s29 =	smov.u32 s14;
	s26 =	sadd.s32 $0xFFFFFFFF, s5;
	[sflag:s17] =	ssyncset.done $0x0  }
.LBB2_14:
0xb7: {  	[sflag:s17] =	ssyncadd.s32 $0xFFFFF800;
	s28 =	sadd.s32 $0x100, s28;
	s29 =	sadd.s32 $0x800, s29  }
0xb8: {  	[tilespmem:s24], [sflag:$0x3] =	stream.linear.gather [spmem:s29], $0x800, $0x38;
	[tilespmem:$0x1F0C0] =	vst v63  }
0xb9: {  	p2 =	sne.s32 s26, $0x1;
	s26 =	sadd.s32 $0xFFFFFFFF, s26;
	_ =	swait.ge [sflag:s17], $0x800  }
.Ltmp10:
0xba: {  	[sflag:s17] =	ssyncset.done $0x0;
	(pc) =	sbr.rel @p2 .LBB2_14-.Ltmp10, $4  }
0xbb: {  	s8 =	sadd.s32 s28, s0;
	[sflag:s17] =	ssyncadd.s32 $0xFFFFF800  }
0xbc: {  	[hbm4b:s8+s2] =	stream.linear.scatter [tilespmem:s24], [sflag:$0x3], $0x800, $0x38;
	[tilespmem:$0x1F0C0] =	vst v63  }
0xbd: {  	_ =	swait.ge [sflag:s17], $0x800  }
0xbe: {  	[sflag:s17] =	ssyncset.done $0x0  }
.LBB2_15:
.Ltmp11:
0xbf: {  	(pc) =	sbr.rel @p1 .LBB2_4-.Ltmp11, $4  }
.Ltmp12:
0xc0: {  	(pc) =	sbr.rel @!p1 .LBB2_16-.Ltmp12, $4  }
0xc1: {  	[sflag:s17] =	ssyncadd.s32 $0xFFFFF800  }
0xc2: {  	[bflag:$0x0] =	sbarrier.arrive $0xFFFF  }
0xc3: {  	s0 =	simm.s32 $0x1;
	p3 =	por $0x0, $0x0  }
0xc4: {  	_ = 	snop  }
.LBB2_9:
.Ltmp13:
0xc5: {  	(pc) =	sbr.rel .LBB2_13-.Ltmp13, $2  }
0xc6: {  	_ =	sdelay $0x2  }
0xc7: {  	s31 =	simm.s32 $0x14CC0  }
.LBB2_11:
.Ltmp14:
0xc8: {  	(pc) =	sbr.rel .LBB2_13-.Ltmp14, $2  }
0xc9: {  	_ =	sdelay $0x2  }
0xca: {  	s31 =	simm.s32 $0x14CC0  }
.LBB2_17:
0xcb: {  	_ =	sfence.sel $0x180000  }
0xcc: {  	[bflag:$0x0] =	sbarrier.arrive $0xFFFF  }
0xcd: {  	_ =	strace $0x9000004A  }
0xce: {  	[bflag:$0x2] =	sbarrier.arrive $0xFFFF  }
0xcf: {  	s0 =	rddreg [dreg:$0x2]  }
0xd0: {  	s0 =	sadd.s32 @!p0 $0x100000, s0  }
0xd1: {  	[sflag:s0] =	ssyncadd.tile.s32 @!p0 $0x1;
	_ =	shalt  }
.Lfunc_end2:
_tile_overlayer_lowered:
.L_overlay_start_2:
0xd2: {  	(tag) =	ssettag $0x2  }
0xd3: {  	s0 =	rddreg [dreg:$0x0];
	s2 =	stileid.u32  }
0xd4: {  	s1 =	rddreg [dreg:$0x1];
	p0 =	sne.s32 s2, $0x0  }
0xd5: {  	s3 =	rddreg [dreg:$0x2];
	[bflag:$0x3] =	sbarrier.arrive $0xFFFF;
	s2 =	simm.s32 @!p0 $0x1C03  }
0xd6: {  	[timem:s3], [sflag:s2] =	dma.local @!p0 [hbm:s0], s1  }
0xd7: {  	s0 =	simm.s32 @!p0 $0x3  }
0xd8: {  	_ =	swait.ge @!p0 [sflag:s0], s1  }
0xd9: {  	s1 =	ssub.s32 @!p0 $0x0, s1;
	[sflag:s0] =	ssyncset.done @!p0 $0x0  }
0xda: {  	[sflag:s0] =	ssyncadd.s32 @!p0 s1  }
0xdb: {  	[bflag:$0x3] =	sbarrier.arrive $0xFFFF  }
0xdc: {  	_ =	shalt  }

// kernel: kernel.18.cloned.1.call-start
scs
__scs_entry_jumppad:
0x0: {  	(pc) =	sbr.rel $0x88, $3  }
0x1: {  	(tag) =	ssettag $0x0;
	lr =	simm.s32 $0x1  }
0x2: {  	[smem:$0x3F97] =	sst lr;
	_ =	strace $0xD0000000  }
0x3: {  	_ = 	snop  }
0x4: {  	_ = 	snop  }
0x5: {  	_ = 	snop  }
0x6: {  	_ = 	snop  }
0x7: {  	_ = 	snop  }
__scs_overlays_trampoline_lowered:
0x8: {  	[smem:$0x3FA6] =	sst s0  }
0x9: {  	[smem:$0x3FA7] =	sst s1  }
0xa: {  	[smem:$0x3FA8] =	sst s2  }
0xb: {  	[smem:$0x3FA9] =	sst s3  }
0xc: {  	[smem:$0x3FAA] =	sst s4  }
0xd: {  	[smem:$0x3FAB] =	sst s5  }
0xe: {  	[smem:$0x3FAC] =	sst s6  }
0xf: {  	[smem:$0x3FAD] =	sst s7  }
0x10: {  	[smem:$0x3FAE] =	sst s8  }
0x11: {  	[smem:$0x3FAF] =	sst s9;
	s0 =	simm.s32 @!p0 $0x0  }
0x12: {  	s1 =	sld [smem:$0x3F95];
	s0 =	simm.s32 @p0 $0x1  }
0x13: {  	[smem:$0x3FB0] =	sst s0;
	s0 =	simm.s32 @!p1 $0x0  }
0x14: {  	s2 =	sld [smem:$0x3F94];
	s0 =	simm.s32 @p1 $0x1  }
0x15: {  	[smem:$0x3FB1] =	sst s0;
	s0 =	simm.s32 @!p2 $0x0  }
0x16: {  	s3 =	sld [smem:$0x3FDB];
	s0 =	simm.s32 @p2 $0x1  }
0x17: {  	s4 =	simm.s32 $0x1BF5;
	[smem:$0x3FB3] =	sst s0  }
0x18: {  	s0 =	sld [smem:$0x3F96];
	_ =	swait.ge [sflag:s4], $0x0  }
0x19: {  	s7 =	sld [smem:$0x3F97]  }
0x1a: {  	s8 =	sadd.s32 $0xFFFFE003, lr  }
0x1b: {  	s9 =	sadd.s32 $0xFFFFFEF7, lr;
	s5 =	simm.s32 $0xFFFFFFFF;
	p2 =	slt.u32 s8, $0xFFFFF086  }
0x1c: {  	p1 =	slt.u32 s9, $0xF7A;
	s5 =	simm.s32 @!p2 $0x0  }
0x1d: {  	s5 =	simm.s32 @p1 $0x1;
	p0 =	seq.s32 s7, s2  }
0x1e: {  	s7 =	smul.u32 @!p0 $0xF7A, s2;
	p2 =	seq.s32 @!p0 s5, $0x0  }
0x1f: {  	s9 =	smul.u32 $0xF7A, s1;
	s8 =	simm.s32 @!p0 $0x1BF5;
	p2 =	por !p2, p0  }
0x20: {  	[sflag:s8] =	ssyncset.s32 @!p0 $0xFFFFF086;
	s6 =	sadd.s32 @!p0 s3, s7;
	s7 =	simm.s32 @!p0 $0x108  }
0x21: {  	s3 =	sadd.s32 s3, s9;
	s6 =	sadd.s32 @!p0 $0x88, s6;
	s7 =	simm.s32 @p2 $0x1082  }
0x22: {  	[simem:s7], [sflag:s8] =	dma.local @!p0 [hbm:s6], $0xF7A  }
0x23: {  	s9 =	sor.u32 $0xD0000000, s2;
	s6 =	simm.s32 $0x108;
	_ =	swait.ge @!p0 [sflag:s8], $0x0  }
0x24: {  	s3 =	sadd.s32 $0x88, s3;
	s6 =	simm.s32 @!p1 $0x1082;
	[sflag:s4] =	ssyncset.s32 $0xFFFFF086  }
0x25: {  	[simem:s6], [sflag:s4] =	dma.local [hbm:s3], $0xF7A  }
0x26: {  	[smem:$0x3F97] =	sst s1;
	(tag) =	ssettag s2;
	_ =	strace s9  }
0x27: {  	s1 =	sld [smem:$0x3FA7]  }
0x28: {  	s2 =	sld [smem:$0x3FA8]  }
0x29: {  	s4 =	sld [smem:$0x3FAA]  }
0x2a: {  	p0 =	seq.s32 s5, $0x0;
	s5 =	sld [smem:$0x3FAB]  }
0x2b: {  	s6 =	sld [smem:$0x3FAC]  }
0x2c: {  	s7 =	sld [smem:$0x3FAD]  }
0x2d: {  	s3 =	simm.s32 $0x108;
	s8 =	sld [smem:$0x3FAE]  }
0x2e: {  	s3 =	simm.s32 @!p0 $0x1082;
	s9 =	sld [smem:$0x3FAF]  }
0x2f: {  	lr =	sadd.s32 s0, s3;
	s0 =	sld [smem:$0x3FA6]  }
0x30: {  	s3 =	sld [smem:$0x3FA9]  }
0x31: {  	[smem:$0x3FB2] =	sst s10  }
0x32: {  	s10 =	sld [smem:$0x3FB0];
	_ =	sdelay $0x3  }
0x33: {  	p0 =	seq.s32 s10, $0x1;
	s10 =	sld [smem:$0x3FB2];
	_ =	sdelay $0x3  }
0x34: {  	[smem:$0x3FB2] =	sst s10  }
0x35: {  	s10 =	sld [smem:$0x3FB1];
	_ =	sdelay $0x3  }
0x36: {  	p1 =	seq.s32 s10, $0x1;
	s10 =	sld [smem:$0x3FB2];
	_ =	sdelay $0x3  }
0x37: {  	[smem:$0x3FB2] =	sst s10  }
0x38: {  	s10 =	sld [smem:$0x3FB3]  }
0x39: {  	_ = 	snop;
	(pc) =	sbr.ind lr, $3  }
0x3a: {  	_ = 	snop  }
0x3b: {  	_ = 	snop  }
0x3c: {  	p2 =	seq.s32 s10, $0x1;
	s10 =	sld [smem:$0x3FB2]  }
0x3d: {  	_ =	shalt  }
0x3e: {  	_ =	shalt  }
0x3f: {  	_ =	shalt  }
0x40: {  	_ =	shalt  }
0x41: {  	_ =	shalt  }
0x42: {  	_ =	shalt  }
0x43: {  	_ =	shalt  }
0x44: {  	_ =	shalt  }
0x45: {  	_ =	shalt  }
0x46: {  	_ =	shalt  }
0x47: {  	_ =	shalt  }
0x48: {  	_ =	shalt  }
0x49: {  	_ =	shalt  }
0x4a: {  	_ =	shalt  }
0x4b: {  	_ =	shalt  }
0x4c: {  	_ =	shalt  }
0x4d: {  	_ =	shalt  }
0x4e: {  	_ =	shalt  }
0x4f: {  	_ =	shalt  }
0x50: {  	_ =	shalt  }
0x51: {  	_ =	shalt  }
0x52: {  	_ =	shalt  }
0x53: {  	_ =	shalt  }
0x54: {  	_ =	shalt  }
0x55: {  	_ =	shalt  }
0x56: {  	_ =	shalt  }
0x57: {  	_ =	shalt  }
0x58: {  	_ =	shalt  }
0x59: {  	_ =	shalt  }
0x5a: {  	_ =	shalt  }
0x5b: {  	_ =	shalt  }
0x5c: {  	_ =	shalt  }
0x5d: {  	_ =	shalt  }
0x5e: {  	_ =	shalt  }
0x5f: {  	_ =	shalt  }
0x60: {  	_ =	shalt  }
0x61: {  	_ =	shalt  }
0x62: {  	_ =	shalt  }
0x63: {  	_ =	shalt  }
0x64: {  	_ =	shalt  }
0x65: {  	_ =	shalt  }
0x66: {  	_ =	shalt  }
0x67: {  	_ =	shalt  }
0x68: {  	_ =	shalt  }
0x69: {  	_ =	shalt  }
0x6a: {  	_ =	shalt  }
0x6b: {  	_ =	shalt  }
0x6c: {  	_ =	shalt  }
0x6d: {  	_ =	shalt  }
0x6e: {  	_ =	shalt  }
0x6f: {  	_ =	shalt  }
0x70: {  	_ =	shalt  }
0x71: {  	_ =	shalt  }
0x72: {  	_ =	shalt  }
0x73: {  	_ =	shalt  }
0x74: {  	_ =	shalt  }
0x75: {  	_ =	shalt  }
0x76: {  	_ =	shalt  }
0x77: {  	_ =	shalt  }
0x78: {  	_ =	shalt  }
0x79: {  	_ =	shalt  }
0x7a: {  	_ =	shalt  }
0x7b: {  	_ =	shalt  }
0x7c: {  	_ =	shalt  }
0x7d: {  	_ =	shalt  }
0x7e: {  	_ =	shalt  }
0x7f: {  	_ =	shalt  }
0x80: {  	_ =	shalt  }
0x81: {  	_ =	shalt  }
0x82: {  	_ =	shalt  }
0x83: {  	_ =	shalt  }
0x84: {  	_ =	shalt  }
0x85: {  	_ =	shalt  }
0x86: {  	_ =	shalt  }
0x87: {  	_ =	shalt  }
.Lfunc_end0:
.L_simem_size_0:
called_computation.2_lowered:
.L_overlay_start_0:
0x88: {  	s2 =	sld [smem:$0x3FD9]  }
0x89: {  	s3 =	sld [smem:$0x3FFE];
	_ =	sdelay $0x1  }
0x8a: {  	s1 =	srdreg.scid  }
0x8b: {  	s0 =	sand.u32 $0x1, s1  }
0x8c: {  	s16 =	sshll.u32 s0, $0xA;
	s2 =	sadd.s32 s3, s2  }
0x8d: {  	s2 =	sadd.s32 s2, s16  }
0x8e: {  	[smem:$0x3FBE] =	sst s2  }
0x8f: {  	_ = 	snop  }
0x90: {  	(tm) =	ssettm $0x1  }
0x91: {  	s17 =	sld [smem:$0x3FFB];
	_ =	sdelay $0x3  }
0x92: {  	_ =	strace s17  }
0x93: {  	s2 =	sld [smem:$0x3FFC];
	_ =	sdelay $0x3  }
0x94: {  	_ =	strace s2  }
0x95: {  	s2 =	sld [smem:$0x3FFD];
	_ =	sdelay $0x3  }
0x96: {  	_ =	strace s2  }
0x97: {  	_ =	strace $0x8FFFFFFF  }
0x98: {  	s18 =	sld [smem:$0x3FDB];
	_ =	sdelay $0x1  }
0x99: {  	s19 =	simm.s32 $_scs_section_size  }
0x9a: {  	s4 =	simm.s32 $_size__tile_overlayer_lowered;
	s5 =	simm.s32 $_tile_overlayer_lowered  }
0x9b: {  	s22 =	simm.s32 $0x1BFF;
	s21 =	sshll.u32 s5, $0x1;
	s2 =	sadd.s32 s19, s18  }
0x9c: {  	s6 =	simm.s32 $0x0;
	s20 =	sshll.u32 s4, $0x1;
	s4 =	sadd.s32 s21, s2  }
0x9d: {  	[timem:s6], [sflag:s22] =	dma.local [hbm:s4], s20  }
0x9e: {  	_ =	swait.ge [sflag:s22], s20  }
0x9f: {  	s3 =	ssub.s32 $0x0, s20;
	[sflag:s22] =	ssyncset.done $0x0  }
0xa0: {  	[sflag:s22] =	ssyncadd.s32 s3;
	_ =	sdelay $0x1  }
0xa1: {  	s23 =	simm.s32 $0x1B8B  }
0xa2: {  	_ =	swait.ge [sflag:s23], $0x1  }
0xa3: {  	[sflag:s23] =	ssyncset.done $0x0  }
0xa4: {  	s25 =	simm.s32 $0x1B8E;
	s24 =	sld [smem:$0x3FFE];
	[sflag:s23] =	ssyncadd.s32 $0xFFFFFFFF  }
0xa5: {  	s26 =	simm.s32 $execute0_lowered;
	[smem:$0x3FD2] =	sst s25  }
0xa6: {  	s4 =	sshll.u32 s26, $0x1;
	_ =	strace $0x8000004C;
	[dreg:$0x1] =	wrdreg $0xFFFFFFFF  }
0xa7: {  	s28 =	simm.s32 $_size_execute0_lowered;
	s2 =	sadd.s32 s2, s4;
	[dreg:$0x0] =	wrdreg $0x0  }
0xa8: {  	s4 =	sshll.u32 s28, $0x1;
	[dreg:$0x2] =	wrdreg s2  }
0xa9: {  	[dreg:$0x3] =	wrdreg s4  }
0xaa: {  	[dreg:$0x4] =	wrdreg $0xC0  }
0xab: {  	_ =	task [dreg:s6], $0x5FFFF  }
0xac: {  	[dreg:$0x1] =	wrdreg $0xFFFFFFFF  }
0xad: {  	[dreg:$0x0] =	wrdreg $0x60  }
0xae: {  	[dreg:$0x2] =	wrdreg s24  }
0xaf: {  	[dreg:$0x3] =	wrdreg $0x0  }
0xb0: {  	[dreg:$0x4] =	wrdreg $0x9  }
0xb1: {  	_ =	task.clear_ibuf [dreg:s6], $0x5FFFF;
	_ =	strace $0x9000004C  }
0xb2: {  	s29 =	simm.s32 $0x9;
	_ =	strace $0x8000004E  }
0xb3: {  	_ =	swait.ge [sflag:s29], $0x1  }
0xb4: {  	[sflag:s29] =	ssyncadd.s32 $0xFFFFFFFF  }
0xb5: {  	_ =	strace $0x9000004E  }
0xb6: {  	_ =	sfence  }
0xb7: {  	s30 =	sld [smem:$0x0];
	_ =	sdelay $0x2  }
0xb8: {  	s31 =	sshll.u32 s1, $0xD;
	s1 =	sshrl.u32 s1, $0x2  }
0xb9: {  	s3 =	sand.u32 $0x4000, s31;
	s1 =	sadd.s32 s1, s30  }
0xba: {  	s0 =	sor.u32 s3, s0;
	s1 =	sshll.u32 s1, $0x11  }
0xbb: {  	s0 =	sor.u32 s1, s0  }
0xbc: {  	s0 =	sadd.s32 $0x8F2B, s0  }
0xbd: {  	[sflag:s0] =	ssyncadd.remote.s32 $0x1  }
0xbe: {  	_ =	sfence.sel $0xFFFF  }
0xbf: {  	[dreg:$0x0] =	wrdreg $0xFFFFFFFF;
	(pc) =	sbr.abs _section_cstart, $3  }
0xc0: {  	[dreg:$0x1] =	wrdreg $0xFFFFFFFF  }
0xc1: {  	_ =	task.clear_ibuf [dreg:s6], $0x2FFFF;
	_ =	strace $0x9FFFFFFF  }
0xc2: {  	(tm) =	ssettm $0x7FFFFFFF  }
0xc3: {  	_ =	shalt  }
tec
execute0_lowered:
.L_overlay_start_1:
0x0: {  	(tag) =	ssettag $0x1  }
0x1: {  	s0 =	rddreg [dreg:$0x0]  }
0x2: {  	s1 =	rddreg [dreg:$0x1]  }
0x3: {  	s2 =	simm.s32 $0x0;
	s4 =	srdreg.scid;
	s14 =	stileid.u32  }
0x4: {  	s5 =	simm.s32 $0x28;
	s15 =	simm.s32 $0x1;
	s13 =	simm.s32 $0x5  }
0x5: {  	s17 =	simm.s32 $0x3;
	s18 =	simm.s32 $0x138C0;
	s19 =	simm.s32 $0x14CC0  }
0x6: {  	s20 =	simm.s32 $0x80;
	s21 =	simm.s32 $0x160C0;
	s22 =	simm.s32 $0x1A0C0  }
0x7: {  	s23 =	simm.s32 $0x2;
	s24 =	simm.s32 $0x1E0C0;
	s25 =	simm.s32 $0x0  }
0x8: {  	[smem:$0x7FF] =	sst s2;
	s11 =	sadd.s32 $0x3000, s0;
	s3 =	sadd.s32 $0x145800, s0  }
0x9: {  	s7 =	sand.u32 $0x1, s4;
	s4 =	sadd.s32 $0xD000, s0;
	s12 =	smul.u32 $0x500, s14  }
0xa: {  	p0 =	seq.s32 s14, $0x0;
	s0 =	sadd.s32 $0x8000, s0;
	s16 =	smul.u32 $0x4E000, s14  }
0xb: {  	p1 =	seq.s32 s14, $0xF;
	s31 =	smul.u32 $0x2700, s14;
	_ =	strace $0x8000004D  }
0xc: {  	s6 =	ssub.s32 $0x2, s7;
	s5 =	simm.s32 @!p0 $0x27;
	p0 =	sne.s32 s14, $0x0  }
0xd: {  	s7 =	sshll.u32 s7, $0x1;
	s13 =	simm.s32 @!p1 $0x14;
	s8 =	sshrl.u32 s6, $0x1  }
0xe: {  	s15 =	simm.s32 @!p0 $0x0;
	s9 =	sadd.s32 s11, s12;
	s10 =	sadd.s32 s12, s0  }
.Ltmp0:
0xf: {  	s12 =	sadd.s32 $0x280, s12;
	s8 =	ssub.s32 s6, s8;
	(pc) =	sbr.rel .LBB2_1-.Ltmp0, $4  }
0x10: {  	s6 =	simm.s32 $0x1;
	s11 =	sadd.s32 s11, s12;
	s30 =	sshll.u32 s15, $0xD  }
0x11: {  	s12 =	sadd.s32 s12, s0;
	s15 =	sshll.u32 s15, $0x8;
	s0 =	sadd.s32 s30, s16  }
0x12: {  	s8 =	smax.u32 s8, $0x1;
	s15 =	sadd.s32 s15, s31;
	s0 =	sshrl.u32 s0, $0x2  }
0x13: {  	v0 =	vimm.f32 $0.0e+00;
	s16 =	simm.s32 $0x1E8C0;
	[dreg:$0x3] =	wrdreg s8;
	s14 =	sadd.s32 s0, s1  }
.LBB2_16:
0x14: {  	s25 =	sadd.s32 $0x1, s25;
	s0 =	rddreg [dreg:$0x3]  }
0x15: {  	p1 =	sne.s32 s25, s0  }
.Ltmp1:
0x16: {  	_ = 	snop;
	(pc) =	sbr.rel @!p1 .LBB2_17-.Ltmp1, $1  }
0x17: {  	_ =	sdelay $0x3  }
.LBB2_1:
0x18: {  	s0 =	simm.s32 $0x0;
	s26 =	simm.s32 $0x200  }
.LBB2_2:
0x19: {  	p1 =	sne.s32 s26, $0x1E00;
	[tilespmem:s0+$0x1E930] =	vst v0  }
0x1a: {  	[tilespmem:s0+$0x1E8C0] =	vst v0  }
0x1b: {  	[tilespmem:s0+$0x1E8D0] =	vst v0  }
.Ltmp2:
0x1c: {  	[tilespmem:s0+$0x1E8E0] =	vst v0;
	(pc) =	sbr.rel @p1 .LBB2_2-.Ltmp2, $4  }
0x1d: {  	[tilespmem:s0+$0x1E8F0] =	vst v0  }
0x1e: {  	[tilespmem:s0+$0x1E900] =	vst v0  }
0x1f: {  	[tilespmem:s0+$0x1E910] =	vst v0  }
0x20: {  	[tilespmem:s0+$0x1E920] =	vst v0;
	s0 =	sshra.s32 s26, $0x2;
	s26 =	sadd.s32 $0x200, s26  }
0x21: {  	[tilespmem:s0+$0x1E930] =	vst v0  }
0x22: {  	[tilespmem:s0+$0x1E8C0] =	vst v0  }
0x23: {  	[tilespmem:s0+$0x1E8D0] =	vst v0  }
0x24: {  	[tilespmem:s0+$0x1E8E0] =	vst v0  }
0x25: {  	[tilespmem:s0+$0x1E8F0] =	vst v0  }
0x26: {  	[tilespmem:s0+$0x1E900] =	vst v0  }
0x27: {  	[tilespmem:s0+$0x1E910] =	vst v0  }
0x28: {  	[tilespmem:s0+$0x1E920] =	vst v0;
	s0 =	simm.s32 $0x0;
	p3 =	por $0x1, $0x1  }
.LBB2_4:
0x29: {  	p2 =	sne.s32 s5, $0x1  }
.Ltmp3:
0x2a: {  	_ = 	snop;
	(pc) =	sbr.rel @!p2 .LBB2_6-.Ltmp3, $4  }
0x2b: {  	_ = 	snop  }
0x2c: {  	[spmem:s14] =	stream.linear.scatter [tilespmem:s16], [sflag:$0x3], $0x800, $0x38;
	[tilespmem:$0x1F0C0] =	vst v63  }
0x2d: {  	p1 =	por p3, p3;
	_ =	swait.ge [sflag:s17], $0x800  }
0x2e: {  	s26 =	sadd.s32 $0xFFFFFFFF, s5;
	s28 =	smov.u32 s14;
	[sflag:s17] =	ssyncset.done $0x0  }
.LBB2_5:
0x2f: {  	p3 =	sne.s32 s26, $0x1;
	[sflag:s17] =	ssyncadd.s32 $0xFFFFF800;
	s28 =	sadd.s32 $0x800, s28  }
.Ltmp4:
0x30: {  	s26 =	sadd.s32 $0xFFFFFFFF, s26;
	(pc) =	sbr.rel @p3 .LBB2_5-.Ltmp4, $4  }
0x31: {  	_ = 	snop  }
0x32: {  	[spmem:s28] =	stream.linear.scatter [tilespmem:s16], [sflag:$0x3], $0x800, $0x38;
	[tilespmem:$0x1F0C0] =	vst v63  }
0x33: {  	_ =	swait.ge [sflag:s17], $0x800  }
0x34: {  	[sflag:s17] =	ssyncset.done $0x0  }
.LBB2_6:
0x35: {  	[sflag:s17] =	ssyncadd.s32 $0xFFFFF800  }
0x36: {  	s26 =	simm.s32 $0x0;
	[bflag:$0x0] =	sbarrier.arrive $0xFFFF  }
0x37: {  	[tilespmem:s18], [sflag:$0x3] =	stream.linear.gather [hbm4b:s9+s26], $0x1400, $0x38;
	[tilespmem:$0x1F0C0] =	vst v63  }
0x38: {  	_ =	swait.ge [sflag:s17], $0x1400  }
0x39: {  	[sflag:s17] =	ssyncset.done $0x0  }
0x3a: {  	s0 =	sor.u32 s7, s0;
	[sflag:s17] =	ssyncadd.s32 $0xFFFFEC00  }
0x3b: {  	[tilespmem:s19], [sflag:$0x3] =	stream.linear.gather [hbm4b:s10+s26], $0x1400, $0x38;
	[tilespmem:$0x1F0C0] =	vst v63  }
0x3c: {  	s26 =	smul.u32 $0x27100, s0;
	_ =	swait.ge [sflag:s17], $0x1400  }
0x3d: {  	[sflag:s17] =	ssyncset.done $0x0  }
0x3e: {  	s31 =	simm.s32 $0x138C0;
	s28 =	sadd.s32 s3, s26;
	[sflag:s17] =	ssyncadd.s32 $0xFFFFEC00  }
0x3f: {  	[tilespmem:s21], [sflag:$0x1] =	stream.indirect.gather [hbm4b:s28+s20], $0x80, s31, s20, $0xb8;
	[tilespmem:$0x1F0C0] =	vst v63  }
0x40: {  	s8 =	simm.s32 $0x13940  }
0x41: {  	[tilespmem:s22], [sflag:$0x2] =	stream.indirect.gather [hbm4b:s28+s20], $0x80, s8, s20, $0xb8;
	[tilespmem:$0x1F0C0] =	vst v63  }
0x42: {  	_ =	swait.ge [sflag:s6], $0x4000  }
0x43: {  	[sflag:s6] =	ssyncset.done $0x0  }
0x44: {  	s30 =	simm.s32 $0x14CC0;
	[sflag:s6] =	ssyncadd.s32 $0xFFFFC000  }
0x45: {  	[spmem:s1] =	stream.indirect.scatter.add.f32 [tilespmem:s21], [sflag:$0x3], $0x80, s30, s20, $0xb8;
	[tilespmem:$0x1F0C0] =	vst v63  }
0x46: {  	_ =	swait.ge [sflag:s17], $0x4000  }
0x47: {  	[sflag:s17] =	ssyncset.done $0x0  }
0x48: {  	[sflag:s17] =	ssyncadd.s32 $0xFFFFC000  }
0x49: {  	_ =	swait.ge [sflag:s23], $0x4000  }
0x4a: {  	[sflag:s23] =	ssyncset.done $0x0  }
0x4b: {  	s31 =	simm.s32 $0x14D40;
	[sflag:s23] =	ssyncadd.s32 $0xFFFFC000  }
0x4c: {  	[spmem:s1] =	stream.indirect.scatter.add.f32 [tilespmem:s22], [sflag:$0x3], $0x80, s31, s20, $0xb8;
	[tilespmem:$0x1F0C0] =	vst v63  }
0x4d: {  	_ =	swait.ge [sflag:s17], $0x4000  }
0x4e: {  	s29 =	simm.s32 $0x100;
	s0 =	simm.s32 $0x800;
	[sflag:s17] =	ssyncset.done $0x0  }
.LBB2_7:
0x4f: {  	s30 =	sadd.s32 $0x138C0, s29  }
0x50: {  	[sflag:s17] =	ssyncadd.s32 $0xFFFFC000;
	s31 =	smov.u32 s0;
	s8 =	sadd.s32 $0x400, s0  }
0x51: {  	[tilespmem:s21], [sflag:$0x1] =	stream.indirect.gather [hbm4b:s28+s20], $0x80, s30, s20, $0xb8;
	[tilespmem:$0x1F0C0] =	vst v63  }
0x52: {  	p3 =	sne.s32 s0, $0x4C00;
	s0 =	sadd.s32 $0x13940, s29  }
0x53: {  	[tilespmem:s22], [sflag:$0x2] =	stream.indirect.gather [hbm4b:s28+s20], $0x80, s0, s20, $0xb8;
	[tilespmem:$0x1F0C0] =	vst v63  }
0x54: {  	_ =	swait.ge [sflag:s6], $0x4000  }
0x55: {  	[sflag:s6] =	ssyncset.done $0x0  }
0x56: {  	s0 =	sadd.s32 $0x14CC0, s29;
	[sflag:s6] =	ssyncadd.s32 $0xFFFFC000  }
0x57: {  	[spmem:s1] =	stream.indirect.scatter.add.f32 [tilespmem:s21], [sflag:$0x3], $0x80, s0, s20, $0xb8;
	[tilespmem:$0x1F0C0] =	vst v63  }
0x58: {  	_ =	swait.ge [sflag:s17], $0x4000  }
0x59: {  	[sflag:s17] =	ssyncset.done $0x0  }
0x5a: {  	[sflag:s17] =	ssyncadd.s32 $0xFFFFC000  }
0x5b: {  	_ =	swait.ge [sflag:s23], $0x4000  }
.Ltmp5:
0x5c: {  	[sflag:s23] =	ssyncset.done $0x0;
	(pc) =	sbr.rel @p3 .LBB2_7-.Ltmp5, $4  }
0x5d: {  	s0 =	sadd.s32 $0x14D40, s29;
	[sflag:s23] =	ssyncadd.s32 $0xFFFFC000  }
0x5e: {  	[spmem:s1] =	stream.indirect.scatter.add.f32 [tilespmem:s22], [sflag:$0x3], $0x80, s0, s20, $0xb8;
	[tilespmem:$0x1F0C0] =	vst v63  }
0x5f: {  	_ =	swait.ge [sflag:s17], $0x4000  }
0x60: {  	s29 =	sshra.s32 s31, $0x2;
	s0 =	smov.u32 s8;
	[sflag:s17] =	ssyncset.done $0x0  }
0x61: {  	s0 =	sadd.s32 $0x138C0, s29;
	[sflag:s17] =	ssyncadd.s32 $0xFFFFC000  }
0x62: {  	[tilespmem:s21], [sflag:$0x1] =	stream.indirect.gather [hbm4b:s28+s20], $0x80, s0, s20, $0xb8;
	[tilespmem:$0x1F0C0] =	vst v63  }
0x63: {  	s31 =	sadd.s32 $0x13940, s29  }
0x64: {  	[tilespmem:s22], [sflag:$0x2] =	stream.indirect.gather [hbm4b:s28+s20], $0x80, s31, s20, $0xb8;
	[tilespmem:$0x1F0C0] =	vst v63  }
0x65: {  	_ =	swait.ge [sflag:s6], $0x4000  }
0x66: {  	[sflag:s6] =	ssyncset.done $0x0  }
0x67: {  	s8 =	sadd.s32 $0x14CC0, s29;
	[sflag:s6] =	ssyncadd.s32 $0xFFFFC000  }
0x68: {  	[spmem:s1] =	stream.indirect.scatter.add.f32 [tilespmem:s21], [sflag:$0x3], $0x80, s8, s20, $0xb8;
	[tilespmem:$0x1F0C0] =	vst v63  }
0x69: {  	_ =	swait.ge [sflag:s17], $0x4000  }
0x6a: {  	[sflag:s17] =	ssyncset.done $0x0  }
0x6b: {  	[sflag:s17] =	ssyncadd.s32 $0xFFFFC000  }
0x6c: {  	_ =	swait.ge [sflag:s23], $0x4000  }
0x6d: {  	[sflag:s23] =	ssyncset.done $0x0  }
0x6e: {  	s31 =	sadd.s32 $0x14D40, s29;
	[sflag:s23] =	ssyncadd.s32 $0xFFFFC000  }
0x6f: {  	[spmem:s1] =	stream.indirect.scatter.add.f32 [tilespmem:s22], [sflag:$0x3], $0x80, s31, s20, $0xb8;
	[tilespmem:$0x1F0C0] =	vst v63  }
0x70: {  	_ =	swait.ge [sflag:s17], $0x4000  }
0x71: {  	[sflag:s17] =	ssyncset.done $0x0  }
0x72: {  	[sflag:s17] =	ssyncadd.s32 $0xFFFFC000  }
0x73: {  	[tilespmem:s18], [sflag:$0x3] =	stream.linear.gather [hbm4b:s11+s2], $0x1400, $0x38;
	[tilespmem:$0x1F0C0] =	vst v63  }
0x74: {  	_ =	swait.ge [sflag:s17], $0x1400  }
0x75: {  	p4 =	sne.s32 s13, $0x1;
	[sflag:s17] =	ssyncset.done $0x0  }
.Ltmp6:
0x76: {  	s29 =	simm.s32 $0x14CC0;
	[sflag:s17] =	ssyncadd.s32 $0xFFFFEC00;
	(pc) =	sbr.rel @!p4 .LBB2_9-.Ltmp6, $4  }
0x77: {  	[tilespmem:s29], [sflag:$0x3] =	stream.linear.gather [hbm4b:s12+s2], $0x1400, $0x38;
	[tilespmem:$0x1F0C0] =	vst v63  }
0x78: {  	_ =	swait.ge [sflag:s17], $0x1400  }
0x79: {  	s30 =	simm.s32 $0x13940;
	[sflag:s17] =	ssyncset.done $0x0  }
0x7a: {  	p3 =	por $0x0, $0x0;
	s0 =	sadd.s32 $0xFFFFFFFF, s13;
	[sflag:s17] =	ssyncadd.s32 $0xFFFFEC00  }
0x7b: {  	s8 =	simm.s32 $0x138C0  }
0x7c: {  	[tilespmem:s21], [sflag:$0x1] =	stream.indirect.gather [hbm4b:s28+s20], $0x80, s8, s20, $0xb8;
	[tilespmem:$0x1F0C0] =	vst v63  }
0x7d: {  	_ = 	snop  }
0x7e: {  	[tilespmem:s22], [sflag:$0x2] =	stream.indirect.gather [hbm4b:s28+s20], $0x80, s30, s20, $0xb8;
	[tilespmem:$0x1F0C0] =	vst v63  }
0x7f: {  	_ =	swait.ge [sflag:s6], $0x4000  }
0x80: {  	[sflag:s6] =	ssyncset.done $0x0  }
0x81: {  	[sflag:s6] =	ssyncadd.s32 $0xFFFFC000  }
0x82: {  	[spmem:s1] =	stream.indirect.scatter.add.f32 [tilespmem:s21], [sflag:$0x3], $0x80, s29, s20, $0xb8;
	[tilespmem:$0x1F0C0] =	vst v63  }
0x83: {  	_ =	swait.ge [sflag:s17], $0x4000  }
0x84: {  	[sflag:s17] =	ssyncset.done $0x0  }
0x85: {  	[sflag:s17] =	ssyncadd.s32 $0xFFFFC000  }
0x86: {  	p4 =	sne.s32 s0, $0x1;
	_ =	swait.ge [sflag:s23], $0x4000  }
.Ltmp7:
0x87: {  	[sflag:s23] =	ssyncset.done $0x0;
	(pc) =	sbr.rel @!p4 .LBB2_11-.Ltmp7, $4  }
0x88: {  	s8 =	simm.s32 $0x14D40;
	[sflag:s23] =	ssyncadd.s32 $0xFFFFC000  }
0x89: {  	[spmem:s1] =	stream.indirect.scatter.add.f32 [tilespmem:s22], [sflag:$0x3], $0x80, s8, s20, $0xb8;
	[tilespmem:$0x1F0C0] =	vst v63  }
0x8a: {  	s0 =	sadd.s32 $0xFFFFFFFF, s0;
	p3 =	por $0x1, $0x1;
	_ =	swait.ge [sflag:s17], $0x4000  }
0x8b: {  	s31 =	simm.s32 $0x14CC0;
	s30 =	simm.s32 $0x13A40;
	[sflag:s17] =	ssyncset.done $0x0  }
.LBB2_12:
0x8c: {  	s8 =	sadd.s32 $0xFFFFFF80, s30;
	[sflag:s17] =	ssyncadd.s32 $0xFFFFC000;
	s31 =	sadd.s32 $0x100, s31  }
0x8d: {  	[tilespmem:s21], [sflag:$0x1] =	stream.indirect.gather [hbm4b:s28+s20], $0x80, s8, s20, $0xb8;
	[tilespmem:$0x1F0C0] =	vst v63  }
0x8e: {  	p4 =	sne.s32 s0, $0x1;
	s0 =	sadd.s32 $0xFFFFFFFF, s0  }
0x8f: {  	[tilespmem:s22], [sflag:$0x2] =	stream.indirect.gather [hbm4b:s28+s20], $0x80, s30, s20, $0xb8;
	[tilespmem:$0x1F0C0] =	vst v63  }
0x90: {  	_ =	swait.ge [sflag:s6], $0x4000  }
0x91: {  	[sflag:s6] =	ssyncset.done $0x0  }
0x92: {  	[sflag:s6] =	ssyncadd.s32 $0xFFFFC000  }
0x93: {  	[spmem:s1] =	stream.indirect.scatter.add.f32 [tilespmem:s21], [sflag:$0x3], $0x80, s31, s20, $0xb8;
	[tilespmem:$0x1F0C0] =	vst v63  }
0x94: {  	_ =	swait.ge [sflag:s17], $0x4000  }
0x95: {  	[sflag:s17] =	ssyncset.done $0x0  }
0x96: {  	[sflag:s17] =	ssyncadd.s32 $0xFFFFC000  }
0x97: {  	_ =	swait.ge [sflag:s23], $0x4000  }
.Ltmp8:
0x98: {  	[sflag:s23] =	ssyncset.done $0x0;
	(pc) =	sbr.rel @p4 .LBB2_12-.Ltmp8, $4  }
0x99: {  	s8 =	sadd.s32 $0x80, s31;
	[sflag:s23] =	ssyncadd.s32 $0xFFFFC000  }
0x9a: {  	[spmem:s1] =	stream.indirect.scatter.add.f32 [tilespmem:s22], [sflag:$0x3], $0x80, s8, s20, $0xb8;
	[tilespmem:$0x1F0C0] =	vst v63  }
0x9b: {  	_ =	swait.ge [sflag:s17], $0x4000  }
0x9c: {  	s30 =	sadd.s32 $0x100, s30;
	[sflag:s17] =	ssyncset.done $0x0  }
.LBB2_13:
0x9d: {  	s0 =	sadd.s32 $0xFFFFFF80, s30;
	[sflag:s17] =	ssyncadd.s32 @p3 $0xFFFFC000  }
0x9e: {  	[tilespmem:s21], [sflag:$0x1] =	stream.indirect.gather [hbm4b:s28+s20], $0x80, s0, s20, $0xb8;
	[tilespmem:$0x1F0C0] =	vst v63  }
0x9f: {  	_ = 	snop  }
0xa0: {  	[tilespmem:s22], [sflag:$0x2] =	stream.indirect.gather [hbm4b:s28+s20], $0x80, s30, s20, $0xb8;
	[tilespmem:$0x1F0C0] =	vst v63  }
0xa1: {  	_ =	swait.ge [sflag:s6], $0x4000  }
0xa2: {  	s0 =	sadd.s32 @p3 $0x100, s31;
	[sflag:s6] =	ssyncset.done $0x0  }
0xa3: {  	s29 =	smov.u32 @p3 s0;
	[sflag:s6] =	ssyncadd.s32 $0xFFFFC000  }
0xa4: {  	[spmem:s1] =	stream.indirect.scatter.add.f32 [tilespmem:s21], [sflag:$0x3], $0x80, s29, s20, $0xb8;
	[tilespmem:$0x1F0C0] =	vst v63  }
0xa5: {  	_ =	swait.ge [sflag:s17], $0x4000  }
0xa6: {  	[sflag:s17] =	ssyncset.done $0x0  }
0xa7: {  	[sflag:s17] =	ssyncadd.s32 $0xFFFFC000  }
0xa8: {  	_ =	swait.ge [sflag:s23], $0x4000  }
0xa9: {  	[sflag:s23] =	ssyncset.done $0x0  }
0xaa: {  	s0 =	sadd.s32 $0x80, s29;
	[sflag:s23] =	ssyncadd.s32 $0xFFFFC000  }
0xab: {  	[spmem:s1] =	stream.indirect.scatter.add.f32 [tilespmem:s22], [sflag:$0x3], $0x80, s0, s20, $0xb8;
	[tilespmem:$0x1F0C0] =	vst v63  }
0xac: {  	_ =	swait.ge [sflag:s17], $0x4000  }
0xad: {  	[sflag:s17] =	ssyncset.done $0x0  }
0xae: {  	[sflag:s17] =	ssyncadd.s32 $0xFFFFC000  }
0xaf: {  	[bflag:$0x0] =	sbarrier.arrive $0xFFFF  }
0xb0: {  	[tilespmem:s24], [sflag:$0x3] =	stream.linear.gather [spmem:s14], $0x800, $0x38;
	[tilespmem:$0x1F0C0] =	vst v63  }
0xb1: {  	_ =	swait.ge [sflag:s17], $0x800  }
.Ltmp9:
0xb2: {  	s0 =	sadd.s32 s4, s26;
	[sflag:s17] =	ssyncset.done $0x0;
	(pc) =	sbr.rel @!p2 .LBB2_15-.Ltmp9, $4  }
0xb3: {  	s8 =	sadd.s32 s15, s0;
	[sflag:s17] =	ssyncadd.s32 $0xFFFFF800  }
0xb4: {  	[hbm4b:s8+s2] =	stream.linear.scatter [tilespmem:s24], [sflag:$0x3], $0x800, $0x38;
	[tilespmem:$0x1F0C0] =	vst v63  }
0xb5: {  	s28 =	smov.u32 s15;
	_ =	swait.ge [sflag:s17], $0x800  }
0xb6: {  	s29 =	smov.u32 s14;
	s26 =	sadd.s32 $0xFFFFFFFF, s5;
	[sflag:s17] =	ssyncset.done $0x0  }
.LBB2_14:
0xb7: {  	[sflag:s17] =	ssyncadd.s32 $0xFFFFF800;
	s28 =	sadd.s32 $0x100, s28;
	s29 =	sadd.s32 $0x800, s29  }
0xb8: {  	[tilespmem:s24], [sflag:$0x3] =	stream.linear.gather [spmem:s29], $0x800, $0x38;
	[tilespmem:$0x1F0C0] =	vst v63  }
0xb9: {  	p2 =	sne.s32 s26, $0x1;
	s26 =	sadd.s32 $0xFFFFFFFF, s26;
	_ =	swait.ge [sflag:s17], $0x800  }
.Ltmp10:
0xba: {  	[sflag:s17] =	ssyncset.done $0x0;
	(pc) =	sbr.rel @p2 .LBB2_14-.Ltmp10, $4  }
0xbb: {  	s8 =	sadd.s32 s28, s0;
	[sflag:s17] =	ssyncadd.s32 $0xFFFFF800  }
0xbc: {  	[hbm4b:s8+s2] =	stream.linear.scatter [tilespmem:s24], [sflag:$0x3], $0x800, $0x38;
	[tilespmem:$0x1F0C0] =	vst v63  }
0xbd: {  	_ =	swait.ge [sflag:s17], $0x800  }
0xbe: {  	[sflag:s17] =	ssyncset.done $0x0  }
.LBB2_15:
.Ltmp11:
0xbf: {  	(pc) =	sbr.rel @p1 .LBB2_4-.Ltmp11, $4  }
.Ltmp12:
0xc0: {  	(pc) =	sbr.rel @!p1 .LBB2_16-.Ltmp12, $4  }
0xc1: {  	[sflag:s17] =	ssyncadd.s32 $0xFFFFF800  }
0xc2: {  	[bflag:$0x0] =	sbarrier.arrive $0xFFFF  }
0xc3: {  	s0 =	simm.s32 $0x1;
	p3 =	por $0x0, $0x0  }
0xc4: {  	_ = 	snop  }
.LBB2_9:
.Ltmp13:
0xc5: {  	(pc) =	sbr.rel .LBB2_13-.Ltmp13, $2  }
0xc6: {  	_ =	sdelay $0x2  }
0xc7: {  	s31 =	simm.s32 $0x14CC0  }
.LBB2_11:
.Ltmp14:
0xc8: {  	(pc) =	sbr.rel .LBB2_13-.Ltmp14, $2  }
0xc9: {  	_ =	sdelay $0x2  }
0xca: {  	s31 =	simm.s32 $0x14CC0  }
.LBB2_17:
0xcb: {  	_ =	sfence.sel $0x180000  }
0xcc: {  	[bflag:$0x0] =	sbarrier.arrive $0xFFFF  }
0xcd: {  	_ =	strace $0x9000004D  }
0xce: {  	[bflag:$0x2] =	sbarrier.arrive $0xFFFF  }
0xcf: {  	s0 =	rddreg [dreg:$0x2]  }
0xd0: {  	s0 =	sadd.s32 @!p0 $0x100000, s0  }
0xd1: {  	[sflag:s0] =	ssyncadd.tile.s32 @!p0 $0x1;
	_ =	shalt  }
.Lfunc_end2:
_tile_overlayer_lowered:
.L_overlay_start_2:
0xd2: {  	(tag) =	ssettag $0x2  }
0xd3: {  	s0 =	rddreg [dreg:$0x0];
	s2 =	stileid.u32  }
0xd4: {  	s1 =	rddreg [dreg:$0x1];
	p0 =	sne.s32 s2, $0x0  }
0xd5: {  	s3 =	rddreg [dreg:$0x2];
	[bflag:$0x3] =	sbarrier.arrive $0xFFFF;
	s2 =	simm.s32 @!p0 $0x1C03  }
0xd6: {  	[timem:s3], [sflag:s2] =	dma.local @!p0 [hbm:s0], s1  }
0xd7: {  	s0 =	simm.s32 @!p0 $0x3  }
0xd8: {  	_ =	swait.ge @!p0 [sflag:s0], s1  }
0xd9: {  	s1 =	ssub.s32 @!p0 $0x0, s1;
	[sflag:s0] =	ssyncset.done @!p0 $0x0  }
0xda: {  	[sflag:s0] =	ssyncadd.s32 @!p0 s1  }
0xdb: {  	[bflag:$0x3] =	sbarrier.arrive $0xFFFF  }
0xdc: {  	_ =	shalt  }

// kernel: kernel.21.cloned.1.call-start
scs
__scs_entry_jumppad:
0x0: {  	(pc) =	sbr.rel $0x88, $3  }
0x1: {  	(tag) =	ssettag $0x0;
	lr =	simm.s32 $0x1  }
0x2: {  	[smem:$0x3F97] =	sst lr;
	_ =	strace $0xD0000000  }
0x3: {  	_ = 	snop  }
0x4: {  	_ = 	snop  }
0x5: {  	_ = 	snop  }
0x6: {  	_ = 	snop  }
0x7: {  	_ = 	snop  }
__scs_overlays_trampoline_lowered:
0x8: {  	[smem:$0x3FA6] =	sst s0  }
0x9: {  	[smem:$0x3FA7] =	sst s1  }
0xa: {  	[smem:$0x3FA8] =	sst s2  }
0xb: {  	[smem:$0x3FA9] =	sst s3  }
0xc: {  	[smem:$0x3FAA] =	sst s4  }
0xd: {  	[smem:$0x3FAB] =	sst s5  }
0xe: {  	[smem:$0x3FAC] =	sst s6  }
0xf: {  	[smem:$0x3FAD] =	sst s7  }
0x10: {  	[smem:$0x3FAE] =	sst s8  }
0x11: {  	[smem:$0x3FAF] =	sst s9;
	s0 =	simm.s32 @!p0 $0x0  }
0x12: {  	s1 =	sld [smem:$0x3F95];
	s0 =	simm.s32 @p0 $0x1  }
0x13: {  	[smem:$0x3FB0] =	sst s0;
	s0 =	simm.s32 @!p1 $0x0  }
0x14: {  	s2 =	sld [smem:$0x3F94];
	s0 =	simm.s32 @p1 $0x1  }
0x15: {  	[smem:$0x3FB1] =	sst s0;
	s0 =	simm.s32 @!p2 $0x0  }
0x16: {  	s3 =	sld [smem:$0x3FDB];
	s0 =	simm.s32 @p2 $0x1  }
0x17: {  	s4 =	simm.s32 $0x1BF5;
	[smem:$0x3FB3] =	sst s0  }
0x18: {  	s0 =	sld [smem:$0x3F96];
	_ =	swait.ge [sflag:s4], $0x0  }
0x19: {  	s7 =	sld [smem:$0x3F97]  }
0x1a: {  	s8 =	sadd.s32 $0xFFFFE003, lr  }
0x1b: {  	s9 =	sadd.s32 $0xFFFFFEF7, lr;
	s5 =	simm.s32 $0xFFFFFFFF;
	p2 =	slt.u32 s8, $0xFFFFF086  }
0x1c: {  	p1 =	slt.u32 s9, $0xF7A;
	s5 =	simm.s32 @!p2 $0x0  }
0x1d: {  	s5 =	simm.s32 @p1 $0x1;
	p0 =	seq.s32 s7, s2  }
0x1e: {  	s7 =	smul.u32 @!p0 $0xF7A, s2;
	p2 =	seq.s32 @!p0 s5, $0x0  }
0x1f: {  	s9 =	smul.u32 $0xF7A, s1;
	s8 =	simm.s32 @!p0 $0x1BF5;
	p2 =	por !p2, p0  }
0x20: {  	[sflag:s8] =	ssyncset.s32 @!p0 $0xFFFFF086;
	s6 =	sadd.s32 @!p0 s3, s7;
	s7 =	simm.s32 @!p0 $0x108  }
0x21: {  	s3 =	sadd.s32 s3, s9;
	s6 =	sadd.s32 @!p0 $0x88, s6;
	s7 =	simm.s32 @p2 $0x1082  }
0x22: {  	[simem:s7], [sflag:s8] =	dma.local @!p0 [hbm:s6], $0xF7A  }
0x23: {  	s9 =	sor.u32 $0xD0000000, s2;
	s6 =	simm.s32 $0x108;
	_ =	swait.ge @!p0 [sflag:s8], $0x0  }
0x24: {  	s3 =	sadd.s32 $0x88, s3;
	s6 =	simm.s32 @!p1 $0x1082;
	[sflag:s4] =	ssyncset.s32 $0xFFFFF086  }
0x25: {  	[simem:s6], [sflag:s4] =	dma.local [hbm:s3], $0xF7A  }
0x26: {  	[smem:$0x3F97] =	sst s1;
	(tag) =	ssettag s2;
	_ =	strace s9  }
0x27: {  	s1 =	sld [smem:$0x3FA7]  }
0x28: {  	s2 =	sld [smem:$0x3FA8]  }
0x29: {  	s4 =	sld [smem:$0x3FAA]  }
0x2a: {  	p0 =	seq.s32 s5, $0x0;
	s5 =	sld [smem:$0x3FAB]  }
0x2b: {  	s6 =	sld [smem:$0x3FAC]  }
0x2c: {  	s7 =	sld [smem:$0x3FAD]  }
0x2d: {  	s3 =	simm.s32 $0x108;
	s8 =	sld [smem:$0x3FAE]  }
0x2e: {  	s3 =	simm.s32 @!p0 $0x1082;
	s9 =	sld [smem:$0x3FAF]  }
0x2f: {  	lr =	sadd.s32 s0, s3;
	s0 =	sld [smem:$0x3FA6]  }
0x30: {  	s3 =	sld [smem:$0x3FA9]  }
0x31: {  	[smem:$0x3FB2] =	sst s10  }
0x32: {  	s10 =	sld [smem:$0x3FB0];
	_ =	sdelay $0x3  }
0x33: {  	p0 =	seq.s32 s10, $0x1;
	s10 =	sld [smem:$0x3FB2];
	_ =	sdelay $0x3  }
0x34: {  	[smem:$0x3FB2] =	sst s10  }
0x35: {  	s10 =	sld [smem:$0x3FB1];
	_ =	sdelay $0x3  }
0x36: {  	p1 =	seq.s32 s10, $0x1;
	s10 =	sld [smem:$0x3FB2];
	_ =	sdelay $0x3  }
0x37: {  	[smem:$0x3FB2] =	sst s10  }
0x38: {  	s10 =	sld [smem:$0x3FB3]  }
0x39: {  	_ = 	snop;
	(pc) =	sbr.ind lr, $3  }
0x3a: {  	_ = 	snop  }
0x3b: {  	_ = 	snop  }
0x3c: {  	p2 =	seq.s32 s10, $0x1;
	s10 =	sld [smem:$0x3FB2]  }
0x3d: {  	_ =	shalt  }
0x3e: {  	_ =	shalt  }
0x3f: {  	_ =	shalt  }
0x40: {  	_ =	shalt  }
0x41: {  	_ =	shalt  }
0x42: {  	_ =	shalt  }
0x43: {  	_ =	shalt  }
0x44: {  	_ =	shalt  }
0x45: {  	_ =	shalt  }
0x46: {  	_ =	shalt  }
0x47: {  	_ =	shalt  }
0x48: {  	_ =	shalt  }
0x49: {  	_ =	shalt  }
0x4a: {  	_ =	shalt  }
0x4b: {  	_ =	shalt  }
0x4c: {  	_ =	shalt  }
0x4d: {  	_ =	shalt  }
0x4e: {  	_ =	shalt  }
0x4f: {  	_ =	shalt  }
0x50: {  	_ =	shalt  }
0x51: {  	_ =	shalt  }
0x52: {  	_ =	shalt  }
0x53: {  	_ =	shalt  }
0x54: {  	_ =	shalt  }
0x55: {  	_ =	shalt  }
0x56: {  	_ =	shalt  }
0x57: {  	_ =	shalt  }
0x58: {  	_ =	shalt  }
0x59: {  	_ =	shalt  }
0x5a: {  	_ =	shalt  }
0x5b: {  	_ =	shalt  }
0x5c: {  	_ =	shalt  }
0x5d: {  	_ =	shalt  }
0x5e: {  	_ =	shalt  }
0x5f: {  	_ =	shalt  }
0x60: {  	_ =	shalt  }
0x61: {  	_ =	shalt  }
0x62: {  	_ =	shalt  }
0x63: {  	_ =	shalt  }
0x64: {  	_ =	shalt  }
0x65: {  	_ =	shalt  }
0x66: {  	_ =	shalt  }
0x67: {  	_ =	shalt  }
0x68: {  	_ =	shalt  }
0x69: {  	_ =	shalt  }
0x6a: {  	_ =	shalt  }
0x6b: {  	_ =	shalt  }
0x6c: {  	_ =	shalt  }
0x6d: {  	_ =	shalt  }
0x6e: {  	_ =	shalt  }
0x6f: {  	_ =	shalt  }
0x70: {  	_ =	shalt  }
0x71: {  	_ =	shalt  }
0x72: {  	_ =	shalt  }
0x73: {  	_ =	shalt  }
0x74: {  	_ =	shalt  }
0x75: {  	_ =	shalt  }
0x76: {  	_ =	shalt  }
0x77: {  	_ =	shalt  }
0x78: {  	_ =	shalt  }
0x79: {  	_ =	shalt  }
0x7a: {  	_ =	shalt  }
0x7b: {  	_ =	shalt  }
0x7c: {  	_ =	shalt  }
0x7d: {  	_ =	shalt  }
0x7e: {  	_ =	shalt  }
0x7f: {  	_ =	shalt  }
0x80: {  	_ =	shalt  }
0x81: {  	_ =	shalt  }
0x82: {  	_ =	shalt  }
0x83: {  	_ =	shalt  }
0x84: {  	_ =	shalt  }
0x85: {  	_ =	shalt  }
0x86: {  	_ =	shalt  }
0x87: {  	_ =	shalt  }
.Lfunc_end0:
.L_simem_size_0:
called_computation.3_lowered:
.L_overlay_start_0:
0x88: {  	s2 =	sld [smem:$0x3FD9]  }
0x89: {  	s3 =	sld [smem:$0x3FFE];
	_ =	sdelay $0x1  }
0x8a: {  	s1 =	srdreg.scid  }
0x8b: {  	s0 =	sand.u32 $0x1, s1  }
0x8c: {  	s16 =	sshll.u32 s0, $0xA;
	s2 =	sadd.s32 s3, s2  }
0x8d: {  	s2 =	sadd.s32 s2, s16  }
0x8e: {  	[smem:$0x3FBE] =	sst s2  }
0x8f: {  	_ = 	snop  }
0x90: {  	(tm) =	ssettm $0x1  }
0x91: {  	s17 =	sld [smem:$0x3FFB];
	_ =	sdelay $0x3  }
0x92: {  	_ =	strace s17  }
0x93: {  	s2 =	sld [smem:$0x3FFC];
	_ =	sdelay $0x3  }
0x94: {  	_ =	strace s2  }
0x95: {  	s2 =	sld [smem:$0x3FFD];
	_ =	sdelay $0x3  }
0x96: {  	_ =	strace s2  }
0x97: {  	_ =	strace $0x8FFFFFFF  }
0x98: {  	s18 =	sld [smem:$0x3FDB];
	_ =	sdelay $0x1  }
0x99: {  	s19 =	simm.s32 $_scs_section_size  }
0x9a: {  	s4 =	simm.s32 $_size__tile_overlayer_lowered;
	s5 =	simm.s32 $_tile_overlayer_lowered  }
0x9b: {  	s22 =	simm.s32 $0x1BFF;
	s21 =	sshll.u32 s5, $0x1;
	s2 =	sadd.s32 s19, s18  }
0x9c: {  	s6 =	simm.s32 $0x0;
	s20 =	sshll.u32 s4, $0x1;
	s4 =	sadd.s32 s21, s2  }
0x9d: {  	[timem:s6], [sflag:s22] =	dma.local [hbm:s4], s20  }
0x9e: {  	_ =	swait.ge [sflag:s22], s20  }
0x9f: {  	s3 =	ssub.s32 $0x0, s20;
	[sflag:s22] =	ssyncset.done $0x0  }
0xa0: {  	[sflag:s22] =	ssyncadd.s32 s3;
	_ =	sdelay $0x1  }
0xa1: {  	s23 =	simm.s32 $0x1B8B  }
0xa2: {  	_ =	swait.ge [sflag:s23], $0x1  }
0xa3: {  	[sflag:s23] =	ssyncset.done $0x0  }
0xa4: {  	s25 =	simm.s32 $0x1B8E;
	s24 =	sld [smem:$0x3FFE];
	[sflag:s23] =	ssyncadd.s32 $0xFFFFFFFF  }
0xa5: {  	s26 =	simm.s32 $execute0_lowered;
	[smem:$0x3FD2] =	sst s25  }
0xa6: {  	s4 =	sshll.u32 s26, $0x1;
	_ =	strace $0x8000004F;
	[dreg:$0x1] =	wrdreg $0xFFFFFFFF  }
0xa7: {  	s28 =	simm.s32 $_size_execute0_lowered;
	s2 =	sadd.s32 s2, s4;
	[dreg:$0x0] =	wrdreg $0x0  }
0xa8: {  	s4 =	sshll.u32 s28, $0x1;
	[dreg:$0x2] =	wrdreg s2  }
0xa9: {  	[dreg:$0x3] =	wrdreg s4  }
0xaa: {  	[dreg:$0x4] =	wrdreg $0xC0  }
0xab: {  	_ =	task [dreg:s6], $0x5FFFF  }
0xac: {  	[dreg:$0x1] =	wrdreg $0xFFFFFFFF  }
0xad: {  	[dreg:$0x0] =	wrdreg $0x60  }
0xae: {  	[dreg:$0x2] =	wrdreg s24  }
0xaf: {  	[dreg:$0x3] =	wrdreg $0x0  }
0xb0: {  	[dreg:$0x4] =	wrdreg $0x9  }
0xb1: {  	_ =	task.clear_ibuf [dreg:s6], $0x5FFFF;
	_ =	strace $0x9000004F  }
0xb2: {  	s29 =	simm.s32 $0x9;
	_ =	strace $0x80000051  }
0xb3: {  	_ =	swait.ge [sflag:s29], $0x1  }
0xb4: {  	[sflag:s29] =	ssyncadd.s32 $0xFFFFFFFF  }
0xb5: {  	_ =	strace $0x90000051  }
0xb6: {  	_ =	sfence  }
0xb7: {  	s30 =	sld [smem:$0x0];
	_ =	sdelay $0x2  }
0xb8: {  	s31 =	sshll.u32 s1, $0xD;
	s1 =	sshrl.u32 s1, $0x2  }
0xb9: {  	s3 =	sand.u32 $0x4000, s31;
	s1 =	sadd.s32 s1, s30  }
0xba: {  	s0 =	sor.u32 s3, s0;
	s1 =	sshll.u32 s1, $0x11  }
0xbb: {  	s0 =	sor.u32 s1, s0  }
0xbc: {  	s0 =	sadd.s32 $0x8F2B, s0  }
0xbd: {  	[sflag:s0] =	ssyncadd.remote.s32 $0x1  }
0xbe: {  	_ =	sfence.sel $0xFFFF  }
0xbf: {  	[dreg:$0x0] =	wrdreg $0xFFFFFFFF;
	(pc) =	sbr.abs _section_cstart, $3  }
0xc0: {  	[dreg:$0x1] =	wrdreg $0xFFFFFFFF  }
0xc1: {  	_ =	task.clear_ibuf [dreg:s6], $0x2FFFF;
	_ =	strace $0x9FFFFFFF  }
0xc2: {  	(tm) =	ssettm $0x7FFFFFFF  }
0xc3: {  	_ =	shalt  }
tec
execute0_lowered:
.L_overlay_start_1:
0x0: {  	(tag) =	ssettag $0x1  }
0x1: {  	s0 =	rddreg [dreg:$0x0]  }
0x2: {  	s1 =	rddreg [dreg:$0x1]  }
0x3: {  	s2 =	simm.s32 $0x0;
	s4 =	srdreg.scid;
	s14 =	stileid.u32  }
0x4: {  	s5 =	simm.s32 $0x28;
	s15 =	simm.s32 $0x1;
	s13 =	simm.s32 $0x5  }
0x5: {  	s17 =	simm.s32 $0x3;
	s18 =	simm.s32 $0x138C0;
	s19 =	simm.s32 $0x14CC0  }
0x6: {  	s20 =	simm.s32 $0x80;
	s21 =	simm.s32 $0x160C0;
	s22 =	simm.s32 $0x1A0C0  }
0x7: {  	s23 =	simm.s32 $0x2;
	s24 =	simm.s32 $0x1E0C0;
	s25 =	simm.s32 $0x0  }
0x8: {  	[smem:$0x7FF] =	sst s2;
	s11 =	sadd.s32 $0x3000, s0;
	s3 =	sadd.s32 $0xA9400, s0  }
0x9: {  	s7 =	sand.u32 $0x1, s4;
	s4 =	sadd.s32 $0xD000, s0;
	s12 =	smul.u32 $0x500, s14  }
0xa: {  	p0 =	seq.s32 s14, $0x0;
	s0 =	sadd.s32 $0x8000, s0;
	s16 =	smul.u32 $0x4E000, s14  }
0xb: {  	p1 =	seq.s32 s14, $0xF;
	s31 =	smul.u32 $0x2700, s14;
	_ =	strace $0x80000050  }
0xc: {  	s6 =	ssub.s32 $0x2, s7;
	s5 =	simm.s32 @!p0 $0x27;
	p0 =	sne.s32 s14, $0x0  }
0xd: {  	s7 =	sshll.u32 s7, $0x1;
	s13 =	simm.s32 @!p1 $0x14;
	s8 =	sshrl.u32 s6, $0x1  }
0xe: {  	s15 =	simm.s32 @!p0 $0x0;
	s9 =	sadd.s32 s11, s12;
	s10 =	sadd.s32 s12, s0  }
.Ltmp0:
0xf: {  	s12 =	sadd.s32 $0x280, s12;
	s8 =	ssub.s32 s6, s8;
	(pc) =	sbr.rel .LBB2_1-.Ltmp0, $4  }
0x10: {  	s6 =	simm.s32 $0x1;
	s11 =	sadd.s32 s11, s12;
	s30 =	sshll.u32 s15, $0xD  }
0x11: {  	s12 =	sadd.s32 s12, s0;
	s15 =	sshll.u32 s15, $0x8;
	s0 =	sadd.s32 s30, s16  }
0x12: {  	s8 =	smax.u32 s8, $0x1;
	s15 =	sadd.s32 s15, s31;
	s0 =	sshrl.u32 s0, $0x2  }
0x13: {  	v0 =	vimm.f32 $0.0e+00;
	s16 =	simm.s32 $0x1E8C0;
	[dreg:$0x3] =	wrdreg s8;
	s14 =	sadd.s32 s0, s1  }
.LBB2_16:
0x14: {  	s25 =	sadd.s32 $0x1, s25;
	s0 =	rddreg [dreg:$0x3]  }
0x15: {  	p1 =	sne.s32 s25, s0  }
.Ltmp1:
0x16: {  	_ = 	snop;
	(pc) =	sbr.rel @!p1 .LBB2_17-.Ltmp1, $1  }
0x17: {  	_ =	sdelay $0x3  }
.LBB2_1:
0x18: {  	s0 =	simm.s32 $0x0;
	s26 =	simm.s32 $0x200  }
.LBB2_2:
0x19: {  	p1 =	sne.s32 s26, $0x1E00;
	[tilespmem:s0+$0x1E930] =	vst v0  }
0x1a: {  	[tilespmem:s0+$0x1E8C0] =	vst v0  }
0x1b: {  	[tilespmem:s0+$0x1E8D0] =	vst v0  }
.Ltmp2:
0x1c: {  	[tilespmem:s0+$0x1E8E0] =	vst v0;
	(pc) =	sbr.rel @p1 .LBB2_2-.Ltmp2, $4  }
0x1d: {  	[tilespmem:s0+$0x1E8F0] =	vst v0  }
0x1e: {  	[tilespmem:s0+$0x1E900] =	vst v0  }
0x1f: {  	[tilespmem:s0+$0x1E910] =	vst v0  }
0x20: {  	[tilespmem:s0+$0x1E920] =	vst v0;
	s0 =	sshra.s32 s26, $0x2;
	s26 =	sadd.s32 $0x200, s26  }
0x21: {  	[tilespmem:s0+$0x1E930] =	vst v0  }
0x22: {  	[tilespmem:s0+$0x1E8C0] =	vst v0  }
0x23: {  	[tilespmem:s0+$0x1E8D0] =	vst v0  }
0x24: {  	[tilespmem:s0+$0x1E8E0] =	vst v0  }
0x25: {  	[tilespmem:s0+$0x1E8F0] =	vst v0  }
0x26: {  	[tilespmem:s0+$0x1E900] =	vst v0  }
0x27: {  	[tilespmem:s0+$0x1E910] =	vst v0  }
0x28: {  	[tilespmem:s0+$0x1E920] =	vst v0;
	s0 =	simm.s32 $0x0;
	p3 =	por $0x1, $0x1  }
.LBB2_4:
0x29: {  	p2 =	sne.s32 s5, $0x1  }
.Ltmp3:
0x2a: {  	_ = 	snop;
	(pc) =	sbr.rel @!p2 .LBB2_6-.Ltmp3, $4  }
0x2b: {  	_ = 	snop  }
0x2c: {  	[spmem:s14] =	stream.linear.scatter [tilespmem:s16], [sflag:$0x3], $0x800, $0x38;
	[tilespmem:$0x1F0C0] =	vst v63  }
0x2d: {  	p1 =	por p3, p3;
	_ =	swait.ge [sflag:s17], $0x800  }
0x2e: {  	s26 =	sadd.s32 $0xFFFFFFFF, s5;
	s28 =	smov.u32 s14;
	[sflag:s17] =	ssyncset.done $0x0  }
.LBB2_5:
0x2f: {  	p3 =	sne.s32 s26, $0x1;
	[sflag:s17] =	ssyncadd.s32 $0xFFFFF800;
	s28 =	sadd.s32 $0x800, s28  }
.Ltmp4:
0x30: {  	s26 =	sadd.s32 $0xFFFFFFFF, s26;
	(pc) =	sbr.rel @p3 .LBB2_5-.Ltmp4, $4  }
0x31: {  	_ = 	snop  }
0x32: {  	[spmem:s28] =	stream.linear.scatter [tilespmem:s16], [sflag:$0x3], $0x800, $0x38;
	[tilespmem:$0x1F0C0] =	vst v63  }
0x33: {  	_ =	swait.ge [sflag:s17], $0x800  }
0x34: {  	[sflag:s17] =	ssyncset.done $0x0  }
.LBB2_6:
0x35: {  	[sflag:s17] =	ssyncadd.s32 $0xFFFFF800  }
0x36: {  	s26 =	simm.s32 $0x0;
	[bflag:$0x0] =	sbarrier.arrive $0xFFFF  }
0x37: {  	[tilespmem:s18], [sflag:$0x3] =	stream.linear.gather [hbm4b:s9+s26], $0x1400, $0x38;
	[tilespmem:$0x1F0C0] =	vst v63  }
0x38: {  	_ =	swait.ge [sflag:s17], $0x1400  }
0x39: {  	[sflag:s17] =	ssyncset.done $0x0  }
0x3a: {  	s0 =	sor.u32 s7, s0;
	[sflag:s17] =	ssyncadd.s32 $0xFFFFEC00  }
0x3b: {  	[tilespmem:s19], [sflag:$0x3] =	stream.linear.gather [hbm4b:s10+s26], $0x1400, $0x38;
	[tilespmem:$0x1F0C0] =	vst v63  }
0x3c: {  	s26 =	smul.u32 $0x27100, s0;
	_ =	swait.ge [sflag:s17], $0x1400  }
0x3d: {  	[sflag:s17] =	ssyncset.done $0x0  }
0x3e: {  	s31 =	simm.s32 $0x138C0;
	s28 =	sadd.s32 s3, s26;
	[sflag:s17] =	ssyncadd.s32 $0xFFFFEC00  }
0x3f: {  	[tilespmem:s21], [sflag:$0x1] =	stream.indirect.gather [hbm4b:s28+s20], $0x80, s31, s20, $0xb8;
	[tilespmem:$0x1F0C0] =	vst v63  }
0x40: {  	s8 =	simm.s32 $0x13940  }
0x41: {  	[tilespmem:s22], [sflag:$0x2] =	stream.indirect.gather [hbm4b:s28+s20], $0x80, s8, s20, $0xb8;
	[tilespmem:$0x1F0C0] =	vst v63  }
0x42: {  	_ =	swait.ge [sflag:s6], $0x4000  }
0x43: {  	[sflag:s6] =	ssyncset.done $0x0  }
0x44: {  	s30 =	simm.s32 $0x14CC0;
	[sflag:s6] =	ssyncadd.s32 $0xFFFFC000  }
0x45: {  	[spmem:s1] =	stream.indirect.scatter.add.f32 [tilespmem:s21], [sflag:$0x3], $0x80, s30, s20, $0xb8;
	[tilespmem:$0x1F0C0] =	vst v63  }
0x46: {  	_ =	swait.ge [sflag:s17], $0x4000  }
0x47: {  	[sflag:s17] =	ssyncset.done $0x0  }
0x48: {  	[sflag:s17] =	ssyncadd.s32 $0xFFFFC000  }
0x49: {  	_ =	swait.ge [sflag:s23], $0x4000  }
0x4a: {  	[sflag:s23] =	ssyncset.done $0x0  }
0x4b: {  	s31 =	simm.s32 $0x14D40;
	[sflag:s23] =	ssyncadd.s32 $0xFFFFC000  }
0x4c: {  	[spmem:s1] =	stream.indirect.scatter.add.f32 [tilespmem:s22], [sflag:$0x3], $0x80, s31, s20, $0xb8;
	[tilespmem:$0x1F0C0] =	vst v63  }
0x4d: {  	_ =	swait.ge [sflag:s17], $0x4000  }
0x4e: {  	s29 =	simm.s32 $0x100;
	s0 =	simm.s32 $0x800;
	[sflag:s17] =	ssyncset.done $0x0  }
.LBB2_7:
0x4f: {  	s30 =	sadd.s32 $0x138C0, s29  }
0x50: {  	[sflag:s17] =	ssyncadd.s32 $0xFFFFC000;
	s31 =	smov.u32 s0;
	s8 =	sadd.s32 $0x400, s0  }
0x51: {  	[tilespmem:s21], [sflag:$0x1] =	stream.indirect.gather [hbm4b:s28+s20], $0x80, s30, s20, $0xb8;
	[tilespmem:$0x1F0C0] =	vst v63  }
0x52: {  	p3 =	sne.s32 s0, $0x4C00;
	s0 =	sadd.s32 $0x13940, s29  }
0x53: {  	[tilespmem:s22], [sflag:$0x2] =	stream.indirect.gather [hbm4b:s28+s20], $0x80, s0, s20, $0xb8;
	[tilespmem:$0x1F0C0] =	vst v63  }
0x54: {  	_ =	swait.ge [sflag:s6], $0x4000  }
0x55: {  	[sflag:s6] =	ssyncset.done $0x0  }
0x56: {  	s0 =	sadd.s32 $0x14CC0, s29;
	[sflag:s6] =	ssyncadd.s32 $0xFFFFC000  }
0x57: {  	[spmem:s1] =	stream.indirect.scatter.add.f32 [tilespmem:s21], [sflag:$0x3], $0x80, s0, s20, $0xb8;
	[tilespmem:$0x1F0C0] =	vst v63  }
0x58: {  	_ =	swait.ge [sflag:s17], $0x4000  }
0x59: {  	[sflag:s17] =	ssyncset.done $0x0  }
0x5a: {  	[sflag:s17] =	ssyncadd.s32 $0xFFFFC000  }
0x5b: {  	_ =	swait.ge [sflag:s23], $0x4000  }
.Ltmp5:
0x5c: {  	[sflag:s23] =	ssyncset.done $0x0;
	(pc) =	sbr.rel @p3 .LBB2_7-.Ltmp5, $4  }
0x5d: {  	s0 =	sadd.s32 $0x14D40, s29;
	[sflag:s23] =	ssyncadd.s32 $0xFFFFC000  }
0x5e: {  	[spmem:s1] =	stream.indirect.scatter.add.f32 [tilespmem:s22], [sflag:$0x3], $0x80, s0, s20, $0xb8;
	[tilespmem:$0x1F0C0] =	vst v63  }
0x5f: {  	_ =	swait.ge [sflag:s17], $0x4000  }
0x60: {  	s29 =	sshra.s32 s31, $0x2;
	s0 =	smov.u32 s8;
	[sflag:s17] =	ssyncset.done $0x0  }
0x61: {  	s0 =	sadd.s32 $0x138C0, s29;
	[sflag:s17] =	ssyncadd.s32 $0xFFFFC000  }
0x62: {  	[tilespmem:s21], [sflag:$0x1] =	stream.indirect.gather [hbm4b:s28+s20], $0x80, s0, s20, $0xb8;
	[tilespmem:$0x1F0C0] =	vst v63  }
0x63: {  	s31 =	sadd.s32 $0x13940, s29  }
0x64: {  	[tilespmem:s22], [sflag:$0x2] =	stream.indirect.gather [hbm4b:s28+s20], $0x80, s31, s20, $0xb8;
	[tilespmem:$0x1F0C0] =	vst v63  }
0x65: {  	_ =	swait.ge [sflag:s6], $0x4000  }
0x66: {  	[sflag:s6] =	ssyncset.done $0x0  }
0x67: {  	s8 =	sadd.s32 $0x14CC0, s29;
	[sflag:s6] =	ssyncadd.s32 $0xFFFFC000  }
0x68: {  	[spmem:s1] =	stream.indirect.scatter.add.f32 [tilespmem:s21], [sflag:$0x3], $0x80, s8, s20, $0xb8;
	[tilespmem:$0x1F0C0] =	vst v63  }
0x69: {  	_ =	swait.ge [sflag:s17], $0x4000  }
0x6a: {  	[sflag:s17] =	ssyncset.done $0x0  }
0x6b: {  	[sflag:s17] =	ssyncadd.s32 $0xFFFFC000  }
0x6c: {  	_ =	swait.ge [sflag:s23], $0x4000  }
0x6d: {  	[sflag:s23] =	ssyncset.done $0x0  }
0x6e: {  	s31 =	sadd.s32 $0x14D40, s29;
	[sflag:s23] =	ssyncadd.s32 $0xFFFFC000  }
0x6f: {  	[spmem:s1] =	stream.indirect.scatter.add.f32 [tilespmem:s22], [sflag:$0x3], $0x80, s31, s20, $0xb8;
	[tilespmem:$0x1F0C0] =	vst v63  }
0x70: {  	_ =	swait.ge [sflag:s17], $0x4000  }
0x71: {  	[sflag:s17] =	ssyncset.done $0x0  }
0x72: {  	[sflag:s17] =	ssyncadd.s32 $0xFFFFC000  }
0x73: {  	[tilespmem:s18], [sflag:$0x3] =	stream.linear.gather [hbm4b:s11+s2], $0x1400, $0x38;
	[tilespmem:$0x1F0C0] =	vst v63  }
0x74: {  	_ =	swait.ge [sflag:s17], $0x1400  }
0x75: {  	p4 =	sne.s32 s13, $0x1;
	[sflag:s17] =	ssyncset.done $0x0  }
.Ltmp6:
0x76: {  	s29 =	simm.s32 $0x14CC0;
	[sflag:s17] =	ssyncadd.s32 $0xFFFFEC00;
	(pc) =	sbr.rel @!p4 .LBB2_9-.Ltmp6, $4  }
0x77: {  	[tilespmem:s29], [sflag:$0x3] =	stream.linear.gather [hbm4b:s12+s2], $0x1400, $0x38;
	[tilespmem:$0x1F0C0] =	vst v63  }
0x78: {  	_ =	swait.ge [sflag:s17], $0x1400  }
0x79: {  	s30 =	simm.s32 $0x13940;
	[sflag:s17] =	ssyncset.done $0x0  }
0x7a: {  	p3 =	por $0x0, $0x0;
	s0 =	sadd.s32 $0xFFFFFFFF, s13;
	[sflag:s17] =	ssyncadd.s32 $0xFFFFEC00  }
0x7b: {  	s8 =	simm.s32 $0x138C0  }
0x7c: {  	[tilespmem:s21], [sflag:$0x1] =	stream.indirect.gather [hbm4b:s28+s20], $0x80, s8, s20, $0xb8;
	[tilespmem:$0x1F0C0] =	vst v63  }
0x7d: {  	_ = 	snop  }
0x7e: {  	[tilespmem:s22], [sflag:$0x2] =	stream.indirect.gather [hbm4b:s28+s20], $0x80, s30, s20, $0xb8;
	[tilespmem:$0x1F0C0] =	vst v63  }
0x7f: {  	_ =	swait.ge [sflag:s6], $0x4000  }
0x80: {  	[sflag:s6] =	ssyncset.done $0x0  }
0x81: {  	[sflag:s6] =	ssyncadd.s32 $0xFFFFC000  }
0x82: {  	[spmem:s1] =	stream.indirect.scatter.add.f32 [tilespmem:s21], [sflag:$0x3], $0x80, s29, s20, $0xb8;
	[tilespmem:$0x1F0C0] =	vst v63  }
0x83: {  	_ =	swait.ge [sflag:s17], $0x4000  }
0x84: {  	[sflag:s17] =	ssyncset.done $0x0  }
0x85: {  	[sflag:s17] =	ssyncadd.s32 $0xFFFFC000  }
0x86: {  	p4 =	sne.s32 s0, $0x1;
	_ =	swait.ge [sflag:s23], $0x4000  }
.Ltmp7:
0x87: {  	[sflag:s23] =	ssyncset.done $0x0;
	(pc) =	sbr.rel @!p4 .LBB2_11-.Ltmp7, $4  }
0x88: {  	s8 =	simm.s32 $0x14D40;
	[sflag:s23] =	ssyncadd.s32 $0xFFFFC000  }
0x89: {  	[spmem:s1] =	stream.indirect.scatter.add.f32 [tilespmem:s22], [sflag:$0x3], $0x80, s8, s20, $0xb8;
	[tilespmem:$0x1F0C0] =	vst v63  }
0x8a: {  	s0 =	sadd.s32 $0xFFFFFFFF, s0;
	p3 =	por $0x1, $0x1;
	_ =	swait.ge [sflag:s17], $0x4000  }
0x8b: {  	s31 =	simm.s32 $0x14CC0;
	s30 =	simm.s32 $0x13A40;
	[sflag:s17] =	ssyncset.done $0x0  }
.LBB2_12:
0x8c: {  	s8 =	sadd.s32 $0xFFFFFF80, s30;
	[sflag:s17] =	ssyncadd.s32 $0xFFFFC000;
	s31 =	sadd.s32 $0x100, s31  }
0x8d: {  	[tilespmem:s21], [sflag:$0x1] =	stream.indirect.gather [hbm4b:s28+s20], $0x80, s8, s20, $0xb8;
	[tilespmem:$0x1F0C0] =	vst v63  }
0x8e: {  	p4 =	sne.s32 s0, $0x1;
	s0 =	sadd.s32 $0xFFFFFFFF, s0  }
0x8f: {  	[tilespmem:s22], [sflag:$0x2] =	stream.indirect.gather [hbm4b:s28+s20], $0x80, s30, s20, $0xb8;
	[tilespmem:$0x1F0C0] =	vst v63  }
0x90: {  	_ =	swait.ge [sflag:s6], $0x4000  }
0x91: {  	[sflag:s6] =	ssyncset.done $0x0  }
0x92: {  	[sflag:s6] =	ssyncadd.s32 $0xFFFFC000  }
0x93: {  	[spmem:s1] =	stream.indirect.scatter.add.f32 [tilespmem:s21], [sflag:$0x3], $0x80, s31, s20, $0xb8;
	[tilespmem:$0x1F0C0] =	vst v63  }
0x94: {  	_ =	swait.ge [sflag:s17], $0x4000  }
0x95: {  	[sflag:s17] =	ssyncset.done $0x0  }
0x96: {  	[sflag:s17] =	ssyncadd.s32 $0xFFFFC000  }
0x97: {  	_ =	swait.ge [sflag:s23], $0x4000  }
.Ltmp8:
0x98: {  	[sflag:s23] =	ssyncset.done $0x0;
	(pc) =	sbr.rel @p4 .LBB2_12-.Ltmp8, $4  }
0x99: {  	s8 =	sadd.s32 $0x80, s31;
	[sflag:s23] =	ssyncadd.s32 $0xFFFFC000  }
0x9a: {  	[spmem:s1] =	stream.indirect.scatter.add.f32 [tilespmem:s22], [sflag:$0x3], $0x80, s8, s20, $0xb8;
	[tilespmem:$0x1F0C0] =	vst v63  }
0x9b: {  	_ =	swait.ge [sflag:s17], $0x4000  }
0x9c: {  	s30 =	sadd.s32 $0x100, s30;
	[sflag:s17] =	ssyncset.done $0x0  }
.LBB2_13:
0x9d: {  	s0 =	sadd.s32 $0xFFFFFF80, s30;
	[sflag:s17] =	ssyncadd.s32 @p3 $0xFFFFC000  }
0x9e: {  	[tilespmem:s21], [sflag:$0x1] =	stream.indirect.gather [hbm4b:s28+s20], $0x80, s0, s20, $0xb8;
	[tilespmem:$0x1F0C0] =	vst v63  }
0x9f: {  	_ = 	snop  }
0xa0: {  	[tilespmem:s22], [sflag:$0x2] =	stream.indirect.gather [hbm4b:s28+s20], $0x80, s30, s20, $0xb8;
	[tilespmem:$0x1F0C0] =	vst v63  }
0xa1: {  	_ =	swait.ge [sflag:s6], $0x4000  }
0xa2: {  	s0 =	sadd.s32 @p3 $0x100, s31;
	[sflag:s6] =	ssyncset.done $0x0  }
0xa3: {  	s29 =	smov.u32 @p3 s0;
	[sflag:s6] =	ssyncadd.s32 $0xFFFFC000  }
0xa4: {  	[spmem:s1] =	stream.indirect.scatter.add.f32 [tilespmem:s21], [sflag:$0x3], $0x80, s29, s20, $0xb8;
	[tilespmem:$0x1F0C0] =	vst v63  }
0xa5: {  	_ =	swait.ge [sflag:s17], $0x4000  }
0xa6: {  	[sflag:s17] =	ssyncset.done $0x0  }
0xa7: {  	[sflag:s17] =	ssyncadd.s32 $0xFFFFC000  }
0xa8: {  	_ =	swait.ge [sflag:s23], $0x4000  }
0xa9: {  	[sflag:s23] =	ssyncset.done $0x0  }
0xaa: {  	s0 =	sadd.s32 $0x80, s29;
	[sflag:s23] =	ssyncadd.s32 $0xFFFFC000  }
0xab: {  	[spmem:s1] =	stream.indirect.scatter.add.f32 [tilespmem:s22], [sflag:$0x3], $0x80, s0, s20, $0xb8;
	[tilespmem:$0x1F0C0] =	vst v63  }
0xac: {  	_ =	swait.ge [sflag:s17], $0x4000  }
0xad: {  	[sflag:s17] =	ssyncset.done $0x0  }
0xae: {  	[sflag:s17] =	ssyncadd.s32 $0xFFFFC000  }
0xaf: {  	[bflag:$0x0] =	sbarrier.arrive $0xFFFF  }
0xb0: {  	[tilespmem:s24], [sflag:$0x3] =	stream.linear.gather [spmem:s14], $0x800, $0x38;
	[tilespmem:$0x1F0C0] =	vst v63  }
0xb1: {  	_ =	swait.ge [sflag:s17], $0x800  }
.Ltmp9:
0xb2: {  	s0 =	sadd.s32 s4, s26;
	[sflag:s17] =	ssyncset.done $0x0;
	(pc) =	sbr.rel @!p2 .LBB2_15-.Ltmp9, $4  }
0xb3: {  	s8 =	sadd.s32 s15, s0;
	[sflag:s17] =	ssyncadd.s32 $0xFFFFF800  }
0xb4: {  	[hbm4b:s8+s2] =	stream.linear.scatter [tilespmem:s24], [sflag:$0x3], $0x800, $0x38;
	[tilespmem:$0x1F0C0] =	vst v63  }
0xb5: {  	s28 =	smov.u32 s15;
	_ =	swait.ge [sflag:s17], $0x800  }
0xb6: {  	s29 =	smov.u32 s14;
	s26 =	sadd.s32 $0xFFFFFFFF, s5;
	[sflag:s17] =	ssyncset.done $0x0  }
.LBB2_14:
0xb7: {  	[sflag:s17] =	ssyncadd.s32 $0xFFFFF800;
	s28 =	sadd.s32 $0x100, s28;
	s29 =	sadd.s32 $0x800, s29  }
0xb8: {  	[tilespmem:s24], [sflag:$0x3] =	stream.linear.gather [spmem:s29], $0x800, $0x38;
	[tilespmem:$0x1F0C0] =	vst v63  }
0xb9: {  	p2 =	sne.s32 s26, $0x1;
	s26 =	sadd.s32 $0xFFFFFFFF, s26;
	_ =	swait.ge [sflag:s17], $0x800  }
.Ltmp10:
0xba: {  	[sflag:s17] =	ssyncset.done $0x0;
	(pc) =	sbr.rel @p2 .LBB2_14-.Ltmp10, $4  }
0xbb: {  	s8 =	sadd.s32 s28, s0;
	[sflag:s17] =	ssyncadd.s32 $0xFFFFF800  }
0xbc: {  	[hbm4b:s8+s2] =	stream.linear.scatter [tilespmem:s24], [sflag:$0x3], $0x800, $0x38;
	[tilespmem:$0x1F0C0] =	vst v63  }
0xbd: {  	_ =	swait.ge [sflag:s17], $0x800  }
0xbe: {  	[sflag:s17] =	ssyncset.done $0x0  }
.LBB2_15:
.Ltmp11:
0xbf: {  	(pc) =	sbr.rel @p1 .LBB2_4-.Ltmp11, $4  }
.Ltmp12:
0xc0: {  	(pc) =	sbr.rel @!p1 .LBB2_16-.Ltmp12, $4  }
0xc1: {  	[sflag:s17] =	ssyncadd.s32 $0xFFFFF800  }
0xc2: {  	[bflag:$0x0] =	sbarrier.arrive $0xFFFF  }
0xc3: {  	s0 =	simm.s32 $0x1;
	p3 =	por $0x0, $0x0  }
0xc4: {  	_ = 	snop  }
.LBB2_9:
.Ltmp13:
0xc5: {  	(pc) =	sbr.rel .LBB2_13-.Ltmp13, $2  }
0xc6: {  	_ =	sdelay $0x2  }
0xc7: {  	s31 =	simm.s32 $0x14CC0  }
.LBB2_11:
.Ltmp14:
0xc8: {  	(pc) =	sbr.rel .LBB2_13-.Ltmp14, $2  }
0xc9: {  	_ =	sdelay $0x2  }
0xca: {  	s31 =	simm.s32 $0x14CC0  }
.LBB2_17:
0xcb: {  	_ =	sfence.sel $0x180000  }
0xcc: {  	[bflag:$0x0] =	sbarrier.arrive $0xFFFF  }
0xcd: {  	_ =	strace $0x90000050  }
0xce: {  	[bflag:$0x2] =	sbarrier.arrive $0xFFFF  }
0xcf: {  	s0 =	rddreg [dreg:$0x2]  }
0xd0: {  	s0 =	sadd.s32 @!p0 $0x100000, s0  }
0xd1: {  	[sflag:s0] =	ssyncadd.tile.s32 @!p0 $0x1;
	_ =	shalt  }
.Lfunc_end2:
_tile_overlayer_lowered:
.L_overlay_start_2:
0xd2: {  	(tag) =	ssettag $0x2  }
0xd3: {  	s0 =	rddreg [dreg:$0x0];
	s2 =	stileid.u32  }
0xd4: {  	s1 =	rddreg [dreg:$0x1];
	p0 =	sne.s32 s2, $0x0  }
0xd5: {  	s3 =	rddreg [dreg:$0x2];
	[bflag:$0x3] =	sbarrier.arrive $0xFFFF;
	s2 =	simm.s32 @!p0 $0x1C03  }
0xd6: {  	[timem:s3], [sflag:s2] =	dma.local @!p0 [hbm:s0], s1  }
0xd7: {  	s0 =	simm.s32 @!p0 $0x3  }
0xd8: {  	_ =	swait.ge @!p0 [sflag:s0], s1  }
0xd9: {  	s1 =	ssub.s32 @!p0 $0x0, s1;
	[sflag:s0] =	ssyncset.done @!p0 $0x0  }
0xda: {  	[sflag:s0] =	ssyncadd.s32 @!p0 s1  }
0xdb: {  	[bflag:$0x3] =	sbarrier.arrive $0xFFFF  }
0xdc: {  	_ =	shalt  }

// kernel: kernel.24.cloned.1.call-start
scs
__scs_entry_jumppad:
0x0: {  	(pc) =	sbr.rel $0x88, $3  }
0x1: {  	(tag) =	ssettag $0x0;
	lr =	simm.s32 $0x1  }
0x2: {  	[smem:$0x3F97] =	sst lr;
	_ =	strace $0xD0000000  }
0x3: {  	_ = 	snop  }
0x4: {  	_ = 	snop  }
0x5: {  	_ = 	snop  }
0x6: {  	_ = 	snop  }
0x7: {  	_ = 	snop  }
__scs_overlays_trampoline_lowered:
0x8: {  	[smem:$0x3FA6] =	sst s0  }
0x9: {  	[smem:$0x3FA7] =	sst s1  }
0xa: {  	[smem:$0x3FA8] =	sst s2  }
0xb: {  	[smem:$0x3FA9] =	sst s3  }
0xc: {  	[smem:$0x3FAA] =	sst s4  }
0xd: {  	[smem:$0x3FAB] =	sst s5  }
0xe: {  	[smem:$0x3FAC] =	sst s6  }
0xf: {  	[smem:$0x3FAD] =	sst s7  }
0x10: {  	[smem:$0x3FAE] =	sst s8  }
0x11: {  	[smem:$0x3FAF] =	sst s9;
	s0 =	simm.s32 @!p0 $0x0  }
0x12: {  	s1 =	sld [smem:$0x3F95];
	s0 =	simm.s32 @p0 $0x1  }
0x13: {  	[smem:$0x3FB0] =	sst s0;
	s0 =	simm.s32 @!p1 $0x0  }
0x14: {  	s2 =	sld [smem:$0x3F94];
	s0 =	simm.s32 @p1 $0x1  }
0x15: {  	[smem:$0x3FB1] =	sst s0;
	s0 =	simm.s32 @!p2 $0x0  }
0x16: {  	s3 =	sld [smem:$0x3FDB];
	s0 =	simm.s32 @p2 $0x1  }
0x17: {  	s4 =	simm.s32 $0x1BF5;
	[smem:$0x3FB3] =	sst s0  }
0x18: {  	s0 =	sld [smem:$0x3F96];
	_ =	swait.ge [sflag:s4], $0x0  }
0x19: {  	s7 =	sld [smem:$0x3F97]  }
0x1a: {  	s8 =	sadd.s32 $0xFFFFE003, lr  }
0x1b: {  	s9 =	sadd.s32 $0xFFFFFEF7, lr;
	s5 =	simm.s32 $0xFFFFFFFF;
	p2 =	slt.u32 s8, $0xFFFFF086  }
0x1c: {  	p1 =	slt.u32 s9, $0xF7A;
	s5 =	simm.s32 @!p2 $0x0  }
0x1d: {  	s5 =	simm.s32 @p1 $0x1;
	p0 =	seq.s32 s7, s2  }
0x1e: {  	s7 =	smul.u32 @!p0 $0xF7A, s2;
	p2 =	seq.s32 @!p0 s5, $0x0  }
0x1f: {  	s9 =	smul.u32 $0xF7A, s1;
	s8 =	simm.s32 @!p0 $0x1BF5;
	p2 =	por !p2, p0  }
0x20: {  	[sflag:s8] =	ssyncset.s32 @!p0 $0xFFFFF086;
	s6 =	sadd.s32 @!p0 s3, s7;
	s7 =	simm.s32 @!p0 $0x108  }
0x21: {  	s3 =	sadd.s32 s3, s9;
	s6 =	sadd.s32 @!p0 $0x88, s6;
	s7 =	simm.s32 @p2 $0x1082  }
0x22: {  	[simem:s7], [sflag:s8] =	dma.local @!p0 [hbm:s6], $0xF7A  }
0x23: {  	s9 =	sor.u32 $0xD0000000, s2;
	s6 =	simm.s32 $0x108;
	_ =	swait.ge @!p0 [sflag:s8], $0x0  }
0x24: {  	s3 =	sadd.s32 $0x88, s3;
	s6 =	simm.s32 @!p1 $0x1082;
	[sflag:s4] =	ssyncset.s32 $0xFFFFF086  }
0x25: {  	[simem:s6], [sflag:s4] =	dma.local [hbm:s3], $0xF7A  }
0x26: {  	[smem:$0x3F97] =	sst s1;
	(tag) =	ssettag s2;
	_ =	strace s9  }
0x27: {  	s1 =	sld [smem:$0x3FA7]  }
0x28: {  	s2 =	sld [smem:$0x3FA8]  }
0x29: {  	s4 =	sld [smem:$0x3FAA]  }
0x2a: {  	p0 =	seq.s32 s5, $0x0;
	s5 =	sld [smem:$0x3FAB]  }
0x2b: {  	s6 =	sld [smem:$0x3FAC]  }
0x2c: {  	s7 =	sld [smem:$0x3FAD]  }
0x2d: {  	s3 =	simm.s32 $0x108;
	s8 =	sld [smem:$0x3FAE]  }
0x2e: {  	s3 =	simm.s32 @!p0 $0x1082;
	s9 =	sld [smem:$0x3FAF]  }
0x2f: {  	lr =	sadd.s32 s0, s3;
	s0 =	sld [smem:$0x3FA6]  }
0x30: {  	s3 =	sld [smem:$0x3FA9]  }
0x31: {  	[smem:$0x3FB2] =	sst s10  }
0x32: {  	s10 =	sld [smem:$0x3FB0];
	_ =	sdelay $0x3  }
0x33: {  	p0 =	seq.s32 s10, $0x1;
	s10 =	sld [smem:$0x3FB2];
	_ =	sdelay $0x3  }
0x34: {  	[smem:$0x3FB2] =	sst s10  }
0x35: {  	s10 =	sld [smem:$0x3FB1];
	_ =	sdelay $0x3  }
0x36: {  	p1 =	seq.s32 s10, $0x1;
	s10 =	sld [smem:$0x3FB2];
	_ =	sdelay $0x3  }
0x37: {  	[smem:$0x3FB2] =	sst s10  }
0x38: {  	s10 =	sld [smem:$0x3FB3]  }
0x39: {  	_ = 	snop;
	(pc) =	sbr.ind lr, $3  }
0x3a: {  	_ = 	snop  }
0x3b: {  	_ = 	snop  }
0x3c: {  	p2 =	seq.s32 s10, $0x1;
	s10 =	sld [smem:$0x3FB2]  }
0x3d: {  	_ =	shalt  }
0x3e: {  	_ =	shalt  }
0x3f: {  	_ =	shalt  }
0x40: {  	_ =	shalt  }
0x41: {  	_ =	shalt  }
0x42: {  	_ =	shalt  }
0x43: {  	_ =	shalt  }
0x44: {  	_ =	shalt  }
0x45: {  	_ =	shalt  }
0x46: {  	_ =	shalt  }
0x47: {  	_ =	shalt  }
0x48: {  	_ =	shalt  }
0x49: {  	_ =	shalt  }
0x4a: {  	_ =	shalt  }
0x4b: {  	_ =	shalt  }
0x4c: {  	_ =	shalt  }
0x4d: {  	_ =	shalt  }
0x4e: {  	_ =	shalt  }
0x4f: {  	_ =	shalt  }
0x50: {  	_ =	shalt  }
0x51: {  	_ =	shalt  }
0x52: {  	_ =	shalt  }
0x53: {  	_ =	shalt  }
0x54: {  	_ =	shalt  }
0x55: {  	_ =	shalt  }
0x56: {  	_ =	shalt  }
0x57: {  	_ =	shalt  }
0x58: {  	_ =	shalt  }
0x59: {  	_ =	shalt  }
0x5a: {  	_ =	shalt  }
0x5b: {  	_ =	shalt  }
0x5c: {  	_ =	shalt  }
0x5d: {  	_ =	shalt  }
0x5e: {  	_ =	shalt  }
0x5f: {  	_ =	shalt  }
0x60: {  	_ =	shalt  }
0x61: {  	_ =	shalt  }
0x62: {  	_ =	shalt  }
0x63: {  	_ =	shalt  }
0x64: {  	_ =	shalt  }
0x65: {  	_ =	shalt  }
0x66: {  	_ =	shalt  }
0x67: {  	_ =	shalt  }
0x68: {  	_ =	shalt  }
0x69: {  	_ =	shalt  }
0x6a: {  	_ =	shalt  }
0x6b: {  	_ =	shalt  }
0x6c: {  	_ =	shalt  }
0x6d: {  	_ =	shalt  }
0x6e: {  	_ =	shalt  }
0x6f: {  	_ =	shalt  }
0x70: {  	_ =	shalt  }
0x71: {  	_ =	shalt  }
0x72: {  	_ =	shalt  }
0x73: {  	_ =	shalt  }
0x74: {  	_ =	shalt  }
0x75: {  	_ =	shalt  }
0x76: {  	_ =	shalt  }
0x77: {  	_ =	shalt  }
0x78: {  	_ =	shalt  }
0x79: {  	_ =	shalt  }
0x7a: {  	_ =	shalt  }
0x7b: {  	_ =	shalt  }
0x7c: {  	_ =	shalt  }
0x7d: {  	_ =	shalt  }
0x7e: {  	_ =	shalt  }
0x7f: {  	_ =	shalt  }
0x80: {  	_ =	shalt  }
0x81: {  	_ =	shalt  }
0x82: {  	_ =	shalt  }
0x83: {  	_ =	shalt  }
0x84: {  	_ =	shalt  }
0x85: {  	_ =	shalt  }
0x86: {  	_ =	shalt  }
0x87: {  	_ =	shalt  }
.Lfunc_end0:
.L_simem_size_0:
called_computation.4_lowered:
.L_overlay_start_0:
0x88: {  	s2 =	sld [smem:$0x3FD9]  }
0x89: {  	s3 =	sld [smem:$0x3FFE];
	_ =	sdelay $0x1  }
0x8a: {  	s1 =	srdreg.scid  }
0x8b: {  	s0 =	sand.u32 $0x1, s1  }
0x8c: {  	s17 =	sshll.u32 s0, $0xA;
	s2 =	sadd.s32 s3, s2  }
0x8d: {  	s2 =	sadd.s32 s2, s17  }
0x8e: {  	[smem:$0x3FBE] =	sst s2  }
0x8f: {  	_ = 	snop  }
0x90: {  	s2 =	sld [smem:$0x3FD0];
	(tm) =	ssettm $0x1  }
0x91: {  	s18 =	sld [smem:$0x3FFB];
	_ =	sdelay $0x3  }
0x92: {  	_ =	strace s18  }
0x93: {  	s3 =	sld [smem:$0x3FFC];
	_ =	sdelay $0x3  }
0x94: {  	_ =	strace s3  }
0x95: {  	s3 =	sld [smem:$0x3FFD];
	_ =	sdelay $0x3  }
0x96: {  	_ =	strace s3  }
0x97: {  	_ =	strace $0x8FFFFFFF  }
0x98: {  	s19 =	sld [smem:$0x3FDB];
	_ =	sdelay $0x1  }
0x99: {  	s4 =	simm.s32 $_scs_section_size  }
0x9a: {  	s5 =	simm.s32 $_size__tile_overlayer_lowered;
	s6 =	simm.s32 $_tile_overlayer_lowered  }
0x9b: {  	s22 =	simm.s32 $0x1BFF;
	s21 =	sshll.u32 s6, $0x1;
	s3 =	sadd.s32 s4, s19  }
0x9c: {  	s7 =	simm.s32 $0x0;
	s20 =	sshll.u32 s5, $0x1;
	s5 =	sadd.s32 s21, s3  }
0x9d: {  	[timem:s7], [sflag:s22] =	dma.local [hbm:s5], s20  }
0x9e: {  	_ =	swait.ge [sflag:s22], s20  }
0x9f: {  	s4 =	ssub.s32 $0x0, s20;
	[sflag:s22] =	ssyncset.done $0x0  }
0xa0: {  	[sflag:s22] =	ssyncadd.s32 s4;
	_ =	sdelay $0x1  }
0xa1: {  	s23 =	simm.s32 $0x1B8B  }
0xa2: {  	_ =	swait.ge [sflag:s23], $0x1  }
0xa3: {  	[sflag:s23] =	ssyncset.done $0x0  }
0xa4: {  	s25 =	simm.s32 $0x1B8E;
	s24 =	sld [smem:$0x3FFE];
	[sflag:s23] =	ssyncadd.s32 $0xFFFFFFFF  }
0xa5: {  	s26 =	simm.s32 $execute0_lowered;
	[smem:$0x3FD2] =	sst s25  }
0xa6: {  	s5 =	sshll.u32 s26, $0x1;
	_ =	strace $0x80000052;
	[dreg:$0x1] =	wrdreg $0xFFFFFFFF  }
0xa7: {  	s28 =	simm.s32 $_size_execute0_lowered;
	s3 =	sadd.s32 s3, s5;
	[dreg:$0x0] =	wrdreg $0x0  }
0xa8: {  	s5 =	sshll.u32 s28, $0x1;
	[dreg:$0x2] =	wrdreg s3  }
0xa9: {  	[dreg:$0x3] =	wrdreg s5  }
0xaa: {  	[dreg:$0x4] =	wrdreg $0xC0  }
0xab: {  	_ =	task [dreg:s7], $0x5FFFF  }
0xac: {  	[dreg:$0x1] =	wrdreg $0xFFFFFFFF  }
0xad: {  	[dreg:$0x0] =	wrdreg $0x60  }
0xae: {  	[dreg:$0x2] =	wrdreg s24  }
0xaf: {  	[dreg:$0x3] =	wrdreg s2  }
0xb0: {  	[dreg:$0x4] =	wrdreg $0x0  }
0xb1: {  	[dreg:$0x5] =	wrdreg $0x9  }
0xb2: {  	_ =	task.clear_ibuf [dreg:s7], $0x6FFFF;
	_ =	strace $0x90000052  }
0xb3: {  	s29 =	simm.s32 $0x9;
	_ =	strace $0x80000054  }
0xb4: {  	_ =	swait.ge [sflag:s29], $0x1  }
0xb5: {  	[sflag:s29] =	ssyncadd.s32 $0xFFFFFFFF  }
0xb6: {  	_ =	strace $0x90000054  }
0xb7: {  	_ =	sfence  }
0xb8: {  	s30 =	sld [smem:$0x0];
	_ =	sdelay $0x2  }
0xb9: {  	s31 =	sshll.u32 s1, $0xD;
	s1 =	sshrl.u32 s1, $0x2  }
0xba: {  	s3 =	sand.u32 $0x4000, s31;
	s1 =	sadd.s32 s1, s30  }
0xbb: {  	s0 =	sor.u32 s3, s0;
	s1 =	sshll.u32 s1, $0x11  }
0xbc: {  	s0 =	sor.u32 s1, s0  }
0xbd: {  	s0 =	sadd.s32 $0x8F2B, s0  }
0xbe: {  	[sflag:s0] =	ssyncadd.remote.s32 $0x1  }
0xbf: {  	_ =	sfence.sel $0xFFFF  }
0xc0: {  	[dreg:$0x0] =	wrdreg $0xFFFFFFFF;
	(pc) =	sbr.abs _section_cstart, $3  }
0xc1: {  	[dreg:$0x1] =	wrdreg $0xFFFFFFFF  }
0xc2: {  	_ =	task.clear_ibuf [dreg:s7], $0x2FFFF;
	_ =	strace $0x9FFFFFFF  }
0xc3: {  	(tm) =	ssettm $0x7FFFFFFF  }
tec
execute0_lowered:
.L_overlay_start_1:
0x0: {  	(tag) =	ssettag $0x1  }
0x1: {  	s5 =	rddreg [dreg:$0x0]  }
0x2: {  	s6 =	rddreg [dreg:$0x1]  }
0x3: {  	s1 =	rddreg [dreg:$0x2]  }
0x4: {  	s3 =	srdreg.scid;
	s0 =	rddreg [dreg:$0x3];
	s2 =	simm.s32 $0x0  }
0x5: {  	s13 =	stileid.u32;
	s14 =	simm.s32 $0x1;
	s17 =	simm.s32 $0x138C0  }
0x6: {  	s18 =	simm.s32 $0x14CC0;
	s19 =	simm.s32 $0x80;
	s20 =	simm.s32 $0x160C0  }
0x7: {  	s21 =	simm.s32 $0x1A0C0;
	s22 =	simm.s32 $0x2;
	s23 =	simm.s32 $0x1E0C0  }
0x8: {  	s24 =	simm.s32 $0x0;
	s3 =	sand.u32 $0x1, s3;
	s11 =	smul.u32 $0x500, s13  }
0x9: {  	[smem:$0x7FF] =	sst s2;
	s10 =	sadd.s32 $0x3000, s5;
	s15 =	smul.u32 $0x4E000, s13  }
0xa: {  	p0 =	seq.s32 s13, $0x0;
	s12 =	sadd.s32 $0x8000, s5;
	s7 =	smul.u32 $0x27100, s3  }
0xb: {  	p1 =	seq.s32 s13, $0xF;
	s30 =	smul.u32 $0x2700, s13;
	s3 =	ssub.s32 $0x2, s3  }
0xc: {  	_ =	strace $0x80000053;
	s4 =	sshrl.u32 s3, $0x1;
	s8 =	sadd.s32 s7, s5  }
0xd: {  	s9 =	ssub.s32 s3, s4;
	s3 =	simm.s32 $0x28;
	s4 =	simm.s32 $0x1  }
0xe: {  	s6 =	sadd.s32 s6, s7;
	s3 =	simm.s32 @!p0 $0x27;
	p0 =	sne.s32 s13, $0x0  }
0xf: {  	s5 =	sadd.s32 $0xD000, s8;
	s7 =	smax.u32 s9, $0x1;
	s8 =	sadd.s32 s10, s11  }
0x10: {  	s9 =	sadd.s32 s11, s12;
	s11 =	sadd.s32 $0x280, s11;
	s14 =	simm.s32 @!p0 $0x0  }
0x11: {  	s10 =	sadd.s32 s10, s11;
	s11 =	sadd.s32 s11, s12;
	s16 =	sshll.u32 s14, $0xD  }
0x12: {  	s12 =	simm.s32 $0x5;
	s14 =	sshll.u32 s14, $0x8;
	s15 =	sadd.s32 s16, s15  }
0x13: {  	s12 =	simm.s32 @!p1 $0x14;
	s14 =	sadd.s32 s14, s30;
	s31 =	sshrl.u32 s15, $0x2  }
0x14: {  	v0 =	vimm.f32 $0.0e+00;
	s16 =	simm.s32 $0x3;
	s15 =	simm.s32 $0x1E8C0;
	s13 =	sadd.s32 s31, s1  }
.LBB2_1:
0x15: {  	s25 =	simm.s32 $0x0;
	s26 =	simm.s32 $0x200  }
.LBB2_2:
0x16: {  	p1 =	sne.s32 s26, $0x1E00;
	[tilespmem:s25+$0x1E930] =	vst v0  }
0x17: {  	[tilespmem:s25+$0x1E8C0] =	vst v0  }
0x18: {  	[tilespmem:s25+$0x1E8D0] =	vst v0  }
.Ltmp0:
0x19: {  	[tilespmem:s25+$0x1E8E0] =	vst v0;
	(pc) =	sbr.rel @p1 .LBB2_2-.Ltmp0, $4  }
0x1a: {  	[tilespmem:s25+$0x1E8F0] =	vst v0  }
0x1b: {  	[tilespmem:s25+$0x1E900] =	vst v0  }
0x1c: {  	[tilespmem:s25+$0x1E910] =	vst v0  }
0x1d: {  	[tilespmem:s25+$0x1E920] =	vst v0;
	s25 =	sshra.s32 s26, $0x2;
	s26 =	sadd.s32 $0x200, s26  }
0x1e: {  	[tilespmem:s25+$0x1E930] =	vst v0  }
0x1f: {  	[tilespmem:s25+$0x1E8C0] =	vst v0  }
0x20: {  	[tilespmem:s25+$0x1E8D0] =	vst v0  }
0x21: {  	[tilespmem:s25+$0x1E8E0] =	vst v0  }
0x22: {  	[tilespmem:s25+$0x1E8F0] =	vst v0  }
0x23: {  	[tilespmem:s25+$0x1E900] =	vst v0;
	p1 =	sne.s32 s3, $0x1  }
.Ltmp1:
0x24: {  	[tilespmem:s25+$0x1E910] =	vst v0;
	(pc) =	sbr.rel @!p1 .LBB2_5-.Ltmp1, $4  }
0x25: {  	[tilespmem:s25+$0x1E920] =	vst v0  }
0x26: {  	[spmem:s13] =	stream.linear.scatter [tilespmem:s15], [sflag:$0x3], $0x800, $0x38;
	[tilespmem:$0x1F0C0] =	vst v63  }
0x27: {  	_ =	swait.ge [sflag:s16], $0x800  }
0x28: {  	s25 =	sadd.s32 $0xFFFFFFFF, s3;
	s26 =	smov.u32 s13;
	[sflag:s16] =	ssyncset.done $0x0  }
.LBB2_4:
0x29: {  	p2 =	sne.s32 s25, $0x1;
	[sflag:s16] =	ssyncadd.s32 $0xFFFFF800;
	s26 =	sadd.s32 $0x800, s26  }
.Ltmp2:
0x2a: {  	s25 =	sadd.s32 $0xFFFFFFFF, s25;
	(pc) =	sbr.rel @p2 .LBB2_4-.Ltmp2, $4  }
0x2b: {  	_ = 	snop  }
0x2c: {  	[spmem:s26] =	stream.linear.scatter [tilespmem:s15], [sflag:$0x3], $0x800, $0x38;
	[tilespmem:$0x1F0C0] =	vst v63  }
0x2d: {  	_ =	swait.ge [sflag:s16], $0x800  }
0x2e: {  	[sflag:s16] =	ssyncset.done $0x0  }
.LBB2_5:
0x2f: {  	[sflag:s16] =	ssyncadd.s32 $0xFFFFF800  }
0x30: {  	s25 =	simm.s32 $0x0;
	[bflag:$0x0] =	sbarrier.arrive $0xFFFF  }
0x31: {  	[tilespmem:s17], [sflag:$0x3] =	stream.linear.gather [hbm4b:s8+s25], $0x1400, $0x38;
	[tilespmem:$0x1F0C0] =	vst v63  }
0x32: {  	_ =	swait.ge [sflag:s16], $0x1400  }
0x33: {  	[sflag:s16] =	ssyncset.done $0x0  }
0x34: {  	[sflag:s16] =	ssyncadd.s32 $0xFFFFEC00  }
0x35: {  	[tilespmem:s18], [sflag:$0x3] =	stream.linear.gather [hbm4b:s9+s25], $0x1400, $0x38;
	[tilespmem:$0x1F0C0] =	vst v63  }
0x36: {  	_ =	swait.ge [sflag:s16], $0x1400  }
0x37: {  	[sflag:s16] =	ssyncset.done $0x0  }
0x38: {  	s28 =	simm.s32 $0x138C0;
	[sflag:s16] =	ssyncadd.s32 $0xFFFFEC00  }
0x39: {  	[tilespmem:s20], [sflag:$0x1] =	stream.indirect.gather [hbm4b:s5+s19], $0x80, s28, s19, $0xb8;
	[tilespmem:$0x1F0C0] =	vst v63  }
0x3a: {  	s29 =	simm.s32 $0x13940  }
0x3b: {  	[tilespmem:s21], [sflag:$0x2] =	stream.indirect.gather [hbm4b:s5+s19], $0x80, s29, s19, $0xb8;
	[tilespmem:$0x1F0C0] =	vst v63  }
0x3c: {  	_ =	swait.ge [sflag:s4], $0x4000  }
0x3d: {  	[sflag:s4] =	ssyncset.done $0x0  }
0x3e: {  	s30 =	simm.s32 $0x14CC0;
	[sflag:s4] =	ssyncadd.s32 $0xFFFFC000  }
0x3f: {  	[spmem:s1] =	stream.indirect.scatter.add.f32 [tilespmem:s20], [sflag:$0x3], $0x80, s30, s19, $0xb8;
	[tilespmem:$0x1F0C0] =	vst v63  }
0x40: {  	_ =	swait.ge [sflag:s16], $0x4000  }
0x41: {  	[sflag:s16] =	ssyncset.done $0x0  }
0x42: {  	[sflag:s16] =	ssyncadd.s32 $0xFFFFC000  }
0x43: {  	_ =	swait.ge [sflag:s22], $0x4000  }
0x44: {  	[sflag:s22] =	ssyncset.done $0x0  }
0x45: {  	s31 =	simm.s32 $0x14D40;
	[sflag:s22] =	ssyncadd.s32 $0xFFFFC000  }
0x46: {  	[spmem:s1] =	stream.indirect.scatter.add.f32 [tilespmem:s21], [sflag:$0x3], $0x80, s31, s19, $0xb8;
	[tilespmem:$0x1F0C0] =	vst v63  }
0x47: {  	_ =	swait.ge [sflag:s16], $0x4000  }
0x48: {  	s26 =	simm.s32 $0x800;
	s25 =	simm.s32 $0x100;
	[sflag:s16] =	ssyncset.done $0x0  }
.LBB2_6:
0x49: {  	s28 =	sadd.s32 $0x138C0, s25  }
0x4a: {  	[sflag:s16] =	ssyncadd.s32 $0xFFFFC000;
	s29 =	smov.u32 s26;
	s30 =	sadd.s32 $0x400, s26  }
0x4b: {  	[tilespmem:s20], [sflag:$0x1] =	stream.indirect.gather [hbm4b:s5+s19], $0x80, s28, s19, $0xb8;
	[tilespmem:$0x1F0C0] =	vst v63  }
0x4c: {  	p2 =	sne.s32 s26, $0x4C00;
	s26 =	sadd.s32 $0x13940, s25  }
0x4d: {  	[tilespmem:s21], [sflag:$0x2] =	stream.indirect.gather [hbm4b:s5+s19], $0x80, s26, s19, $0xb8;
	[tilespmem:$0x1F0C0] =	vst v63  }
0x4e: {  	_ =	swait.ge [sflag:s4], $0x4000  }
0x4f: {  	[sflag:s4] =	ssyncset.done $0x0  }
0x50: {  	s26 =	sadd.s32 $0x14CC0, s25;
	[sflag:s4] =	ssyncadd.s32 $0xFFFFC000  }
0x51: {  	[spmem:s1] =	stream.indirect.scatter.add.f32 [tilespmem:s20], [sflag:$0x3], $0x80, s26, s19, $0xb8;
	[tilespmem:$0x1F0C0] =	vst v63  }
0x52: {  	_ =	swait.ge [sflag:s16], $0x4000  }
0x53: {  	[sflag:s16] =	ssyncset.done $0x0  }
0x54: {  	[sflag:s16] =	ssyncadd.s32 $0xFFFFC000  }
0x55: {  	_ =	swait.ge [sflag:s22], $0x4000  }
.Ltmp3:
0x56: {  	[sflag:s22] =	ssyncset.done $0x0;
	(pc) =	sbr.rel @p2 .LBB2_6-.Ltmp3, $4  }
0x57: {  	s25 =	sadd.s32 $0x14D40, s25;
	[sflag:s22] =	ssyncadd.s32 $0xFFFFC000  }
0x58: {  	[spmem:s1] =	stream.indirect.scatter.add.f32 [tilespmem:s21], [sflag:$0x3], $0x80, s25, s19, $0xb8;
	[tilespmem:$0x1F0C0] =	vst v63  }
0x59: {  	_ =	swait.ge [sflag:s16], $0x4000  }
0x5a: {  	s26 =	smov.u32 s30;
	s25 =	sshra.s32 s29, $0x2;
	[sflag:s16] =	ssyncset.done $0x0  }
0x5b: {  	s26 =	sadd.s32 $0x138C0, s25;
	[sflag:s16] =	ssyncadd.s32 $0xFFFFC000  }
0x5c: {  	[tilespmem:s20], [sflag:$0x1] =	stream.indirect.gather [hbm4b:s5+s19], $0x80, s26, s19, $0xb8;
	[tilespmem:$0x1F0C0] =	vst v63  }
0x5d: {  	s29 =	sadd.s32 $0x13940, s25  }
0x5e: {  	[tilespmem:s21], [sflag:$0x2] =	stream.indirect.gather [hbm4b:s5+s19], $0x80, s29, s19, $0xb8;
	[tilespmem:$0x1F0C0] =	vst v63  }
0x5f: {  	_ =	swait.ge [sflag:s4], $0x4000  }
0x60: {  	[sflag:s4] =	ssyncset.done $0x0  }
0x61: {  	s30 =	sadd.s32 $0x14CC0, s25;
	[sflag:s4] =	ssyncadd.s32 $0xFFFFC000  }
0x62: {  	[spmem:s1] =	stream.indirect.scatter.add.f32 [tilespmem:s20], [sflag:$0x3], $0x80, s30, s19, $0xb8;
	[tilespmem:$0x1F0C0] =	vst v63  }
0x63: {  	_ =	swait.ge [sflag:s16], $0x4000  }
0x64: {  	[sflag:s16] =	ssyncset.done $0x0  }
0x65: {  	[sflag:s16] =	ssyncadd.s32 $0xFFFFC000  }
0x66: {  	_ =	swait.ge [sflag:s22], $0x4000  }
0x67: {  	[sflag:s22] =	ssyncset.done $0x0  }
0x68: {  	s31 =	sadd.s32 $0x14D40, s25;
	[sflag:s22] =	ssyncadd.s32 $0xFFFFC000  }
0x69: {  	[spmem:s1] =	stream.indirect.scatter.add.f32 [tilespmem:s21], [sflag:$0x3], $0x80, s31, s19, $0xb8;
	[tilespmem:$0x1F0C0] =	vst v63  }
0x6a: {  	_ =	swait.ge [sflag:s16], $0x4000  }
0x6b: {  	[sflag:s16] =	ssyncset.done $0x0  }
0x6c: {  	[sflag:s16] =	ssyncadd.s32 $0xFFFFC000  }
0x6d: {  	[tilespmem:s17], [sflag:$0x3] =	stream.linear.gather [hbm4b:s10+s2], $0x1400, $0x38;
	[tilespmem:$0x1F0C0] =	vst v63  }
0x6e: {  	_ =	swait.ge [sflag:s16], $0x1400  }
0x6f: {  	p3 =	sne.s32 s12, $0x1;
	[sflag:s16] =	ssyncset.done $0x0  }
.Ltmp4:
0x70: {  	s25 =	simm.s32 $0x14CC0;
	[sflag:s16] =	ssyncadd.s32 $0xFFFFEC00;
	(pc) =	sbr.rel @!p3 .LBB2_8-.Ltmp4, $4  }
0x71: {  	[tilespmem:s25], [sflag:$0x3] =	stream.linear.gather [hbm4b:s11+s2], $0x1400, $0x38;
	[tilespmem:$0x1F0C0] =	vst v63  }
0x72: {  	_ =	swait.ge [sflag:s16], $0x1400  }
0x73: {  	s28 =	sadd.s32 $0xFFFFFFFF, s12;
	[sflag:s16] =	ssyncset.done $0x0  }
0x74: {  	p2 =	por $0x0, $0x0;
	s26 =	simm.s32 $0x13940;
	[sflag:s16] =	ssyncadd.s32 $0xFFFFEC00  }
0x75: {  	s29 =	simm.s32 $0x138C0  }
0x76: {  	[tilespmem:s20], [sflag:$0x1] =	stream.indirect.gather [hbm4b:s5+s19], $0x80, s29, s19, $0xb8;
	[tilespmem:$0x1F0C0] =	vst v63  }
0x77: {  	_ = 	snop  }
0x78: {  	[tilespmem:s21], [sflag:$0x2] =	stream.indirect.gather [hbm4b:s5+s19], $0x80, s26, s19, $0xb8;
	[tilespmem:$0x1F0C0] =	vst v63  }
0x79: {  	_ =	swait.ge [sflag:s4], $0x4000  }
0x7a: {  	[sflag:s4] =	ssyncset.done $0x0  }
0x7b: {  	[sflag:s4] =	ssyncadd.s32 $0xFFFFC000  }
0x7c: {  	[spmem:s1] =	stream.indirect.scatter.add.f32 [tilespmem:s20], [sflag:$0x3], $0x80, s25, s19, $0xb8;
	[tilespmem:$0x1F0C0] =	vst v63  }
0x7d: {  	_ =	swait.ge [sflag:s16], $0x4000  }
0x7e: {  	[sflag:s16] =	ssyncset.done $0x0  }
0x7f: {  	[sflag:s16] =	ssyncadd.s32 $0xFFFFC000  }
0x80: {  	p3 =	sne.s32 s28, $0x1;
	_ =	swait.ge [sflag:s22], $0x4000  }
.Ltmp5:
0x81: {  	[sflag:s22] =	ssyncset.done $0x0;
	(pc) =	sbr.rel @!p3 .LBB2_10-.Ltmp5, $4  }
0x82: {  	s31 =	simm.s32 $0x14D40;
	[sflag:s22] =	ssyncadd.s32 $0xFFFFC000  }
0x83: {  	[spmem:s1] =	stream.indirect.scatter.add.f32 [tilespmem:s21], [sflag:$0x3], $0x80, s31, s19, $0xb8;
	[tilespmem:$0x1F0C0] =	vst v63  }
0x84: {  	p2 =	por $0x1, $0x1;
	s29 =	sadd.s32 $0xFFFFFFFF, s28;
	_ =	swait.ge [sflag:s16], $0x4000  }
0x85: {  	s28 =	simm.s32 $0x14CC0;
	s26 =	simm.s32 $0x13A40;
	[sflag:s16] =	ssyncset.done $0x0  }
.LBB2_11:
0x86: {  	s30 =	sadd.s32 $0xFFFFFF80, s26;
	[sflag:s16] =	ssyncadd.s32 $0xFFFFC000;
	s28 =	sadd.s32 $0x100, s28  }
0x87: {  	[tilespmem:s20], [sflag:$0x1] =	stream.indirect.gather [hbm4b:s5+s19], $0x80, s30, s19, $0xb8;
	[tilespmem:$0x1F0C0] =	vst v63  }
0x88: {  	p3 =	sne.s32 s29, $0x1;
	s29 =	sadd.s32 $0xFFFFFFFF, s29  }
0x89: {  	[tilespmem:s21], [sflag:$0x2] =	stream.indirect.gather [hbm4b:s5+s19], $0x80, s26, s19, $0xb8;
	[tilespmem:$0x1F0C0] =	vst v63  }
0x8a: {  	_ =	swait.ge [sflag:s4], $0x4000  }
0x8b: {  	[sflag:s4] =	ssyncset.done $0x0  }
0x8c: {  	[sflag:s4] =	ssyncadd.s32 $0xFFFFC000  }
0x8d: {  	[spmem:s1] =	stream.indirect.scatter.add.f32 [tilespmem:s20], [sflag:$0x3], $0x80, s28, s19, $0xb8;
	[tilespmem:$0x1F0C0] =	vst v63  }
0x8e: {  	_ =	swait.ge [sflag:s16], $0x4000  }
0x8f: {  	[sflag:s16] =	ssyncset.done $0x0  }
0x90: {  	[sflag:s16] =	ssyncadd.s32 $0xFFFFC000  }
0x91: {  	_ =	swait.ge [sflag:s22], $0x4000  }
.Ltmp6:
0x92: {  	[sflag:s22] =	ssyncset.done $0x0;
	(pc) =	sbr.rel @p3 .LBB2_11-.Ltmp6, $4  }
0x93: {  	s30 =	sadd.s32 $0x80, s28;
	[sflag:s22] =	ssyncadd.s32 $0xFFFFC000  }
0x94: {  	[spmem:s1] =	stream.indirect.scatter.add.f32 [tilespmem:s21], [sflag:$0x3], $0x80, s30, s19, $0xb8;
	[tilespmem:$0x1F0C0] =	vst v63  }
0x95: {  	_ =	swait.ge [sflag:s16], $0x4000  }
0x96: {  	s26 =	sadd.s32 $0x100, s26;
	[sflag:s16] =	ssyncset.done $0x0  }
.LBB2_12:
0x97: {  	s29 =	sadd.s32 $0xFFFFFF80, s26;
	[sflag:s16] =	ssyncadd.s32 @p2 $0xFFFFC000  }
0x98: {  	[tilespmem:s20], [sflag:$0x1] =	stream.indirect.gather [hbm4b:s5+s19], $0x80, s29, s19, $0xb8;
	[tilespmem:$0x1F0C0] =	vst v63  }
0x99: {  	_ = 	snop  }
0x9a: {  	[tilespmem:s21], [sflag:$0x2] =	stream.indirect.gather [hbm4b:s5+s19], $0x80, s26, s19, $0xb8;
	[tilespmem:$0x1F0C0] =	vst v63  }
0x9b: {  	_ =	swait.ge [sflag:s4], $0x4000  }
0x9c: {  	s26 =	sadd.s32 @p2 $0x100, s28;
	[sflag:s4] =	ssyncset.done $0x0  }
0x9d: {  	s25 =	smov.u32 @p2 s26;
	[sflag:s4] =	ssyncadd.s32 $0xFFFFC000  }
0x9e: {  	[spmem:s1] =	stream.indirect.scatter.add.f32 [tilespmem:s20], [sflag:$0x3], $0x80, s25, s19, $0xb8;
	[tilespmem:$0x1F0C0] =	vst v63  }
0x9f: {  	_ =	swait.ge [sflag:s16], $0x4000  }
0xa0: {  	[sflag:s16] =	ssyncset.done $0x0  }
0xa1: {  	[sflag:s16] =	ssyncadd.s32 $0xFFFFC000  }
0xa2: {  	_ =	swait.ge [sflag:s22], $0x4000  }
0xa3: {  	[sflag:s22] =	ssyncset.done $0x0  }
0xa4: {  	s25 =	sadd.s32 $0x80, s25;
	[sflag:s22] =	ssyncadd.s32 $0xFFFFC000  }
0xa5: {  	[spmem:s1] =	stream.indirect.scatter.add.f32 [tilespmem:s21], [sflag:$0x3], $0x80, s25, s19, $0xb8;
	[tilespmem:$0x1F0C0] =	vst v63  }
0xa6: {  	_ =	swait.ge [sflag:s16], $0x4000  }
0xa7: {  	[sflag:s16] =	ssyncset.done $0x0  }
0xa8: {  	[sflag:s16] =	ssyncadd.s32 $0xFFFFC000  }
0xa9: {  	[bflag:$0x0] =	sbarrier.arrive $0xFFFF  }
0xaa: {  	[tilespmem:s23], [sflag:$0x3] =	stream.linear.gather [spmem:s13], $0x800, $0x38;
	[tilespmem:$0x1F0C0] =	vst v63  }
0xab: {  	_ =	swait.ge [sflag:s16], $0x800  }
.Ltmp7:
0xac: {  	[sflag:s16] =	ssyncset.done $0x0;
	(pc) =	sbr.rel @!p1 .LBB2_14-.Ltmp7, $4  }
0xad: {  	s31 =	sadd.s32 s14, s6;
	[sflag:s16] =	ssyncadd.s32 $0xFFFFF800  }
0xae: {  	[hbm4b:s31+s2] =	stream.linear.scatter [tilespmem:s23], [sflag:$0x3], $0x800, $0x38;
	[tilespmem:$0x1F0C0] =	vst v63  }
0xaf: {  	s28 =	smov.u32 s13;
	_ =	swait.ge [sflag:s16], $0x800  }
0xb0: {  	s26 =	smov.u32 s14;
	s25 =	sadd.s32 $0xFFFFFFFF, s3;
	[sflag:s16] =	ssyncset.done $0x0  }
.LBB2_13:
0xb1: {  	[sflag:s16] =	ssyncadd.s32 $0xFFFFF800;
	s26 =	sadd.s32 $0x100, s26;
	s28 =	sadd.s32 $0x800, s28  }
0xb2: {  	[tilespmem:s23], [sflag:$0x3] =	stream.linear.gather [spmem:s28], $0x800, $0x38;
	[tilespmem:$0x1F0C0] =	vst v63  }
0xb3: {  	p1 =	sne.s32 s25, $0x1;
	s25 =	sadd.s32 $0xFFFFFFFF, s25;
	_ =	swait.ge [sflag:s16], $0x800  }
.Ltmp8:
0xb4: {  	[sflag:s16] =	ssyncset.done $0x0;
	(pc) =	sbr.rel @p1 .LBB2_13-.Ltmp8, $4  }
0xb5: {  	s29 =	sadd.s32 s26, s6;
	[sflag:s16] =	ssyncadd.s32 $0xFFFFF800  }
0xb6: {  	[hbm4b:s29+s2] =	stream.linear.scatter [tilespmem:s23], [sflag:$0x3], $0x800, $0x38;
	[tilespmem:$0x1F0C0] =	vst v63  }
0xb7: {  	_ =	swait.ge [sflag:s16], $0x800  }
0xb8: {  	[sflag:s16] =	ssyncset.done $0x0  }
.LBB2_14:
0xb9: {  	s24 =	sadd.s32 $0x1, s24  }
0xba: {  	p1 =	sne.s32 s24, s7  }
.Ltmp9:
0xbb: {  	_ = 	snop;
	(pc) =	sbr.rel @p1 .LBB2_1-.Ltmp9, $4  }
.Ltmp10:
0xbc: {  	_ = 	snop;
	(pc) =	sbr.rel @!p1 .LBB2_15-.Ltmp10, $4  }
0xbd: {  	[sflag:s16] =	ssyncadd.s32 $0xFFFFF800  }
0xbe: {  	[bflag:$0x0] =	sbarrier.arrive $0xFFFF  }
0xbf: {  	_ = 	snop  }
0xc0: {  	_ = 	snop  }
.LBB2_8:
.Ltmp11:
0xc1: {  	(pc) =	sbr.rel .LBB2_12-.Ltmp11, $2  }
0xc2: {  	_ =	sdelay $0x2  }
0xc3: {  	s28 =	simm.s32 $0x14CC0  }
.LBB2_10:
.Ltmp12:
0xc4: {  	(pc) =	sbr.rel .LBB2_12-.Ltmp12, $2  }
0xc5: {  	_ =	sdelay $0x2  }
0xc6: {  	s28 =	simm.s32 $0x14CC0  }
.LBB2_15:
0xc7: {  	_ =	sfence.sel $0x180000  }
0xc8: {  	[bflag:$0x0] =	sbarrier.arrive $0xFFFF  }
0xc9: {  	_ =	strace $0x90000053  }
0xca: {  	s0 =	sadd.s32 @!p0 $0x100000, s0;
	[bflag:$0x2] =	sbarrier.arrive $0xFFFF  }
0xcb: {  	[sflag:s0] =	ssyncadd.tile.s32 @!p0 $0x1;
	_ =	shalt  }
.Lfunc_end2:
_tile_overlayer_lowered:
.L_overlay_start_2:
0xcc: {  	(tag) =	ssettag $0x2  }
0xcd: {  	s0 =	rddreg [dreg:$0x0];
	s2 =	stileid.u32  }
0xce: {  	s1 =	rddreg [dreg:$0x1];
	p0 =	sne.s32 s2, $0x0  }
0xcf: {  	s3 =	rddreg [dreg:$0x2];
	[bflag:$0x3] =	sbarrier.arrive $0xFFFF;
	s2 =	simm.s32 @!p0 $0x1C03  }
0xd0: {  	[timem:s3], [sflag:s2] =	dma.local @!p0 [hbm:s0], s1  }
0xd1: {  	s0 =	simm.s32 @!p0 $0x3  }
0xd2: {  	_ =	swait.ge @!p0 [sflag:s0], s1  }
0xd3: {  	s1 =	ssub.s32 @!p0 $0x0, s1;
	[sflag:s0] =	ssyncset.done @!p0 $0x0  }
0xd4: {  	[sflag:s0] =	ssyncadd.s32 @!p0 s1  }
0xd5: {  	[bflag:$0x3] =	sbarrier.arrive $0xFFFF  }
0xd6: {  	_ =	shalt  }

</sc_bundles>
